<compile_context>
chip_gen: v7x
topology: tpu7x:2x2x1
jax: 0.10.2.dev20260603
libtpu: 0.0.44.dev20260713+nightly
codegen_flags: <defaults>
</compile_context>

<pallas_src>
import functools
import math

import jax
import jax.numpy as jnp
from jax import lax
from jax.experimental import pallas as pl
from jax.experimental.pallas import tpu as pltpu
from jax.experimental.pallas import tpu_sc as plsc

_EMBED = 128
_D = 2 * _EMBED
_NC, _NS, _L = 2, 16, 16
_NW = _NC * _NS
_C = 80
_NBUF = 2

_N_NODES_PAD = 10240
_N_EDGES = 320000
_NODE_PER_W = _N_NODES_PAD // _NW
_EDGE_PER_W = _N_EDGES // _NW
_NODE_CHUNKS = _NODE_PER_W // _C
_EDGE_CHUNKS = _EDGE_PER_W // _C
_EDGE_GROUPS = (_EDGE_CHUNKS - 1) // _NBUF

_ETAB_WORDS = 20 * _D
_ATAB_WORDS = 100 * _EMBED
_CTAB_WORDS = 13 * _EMBED


def _sc_body(edge_tab, atab, ctab, na, nb, ea, eb, node_out, edge_out,
             et_v, at_v, ct_v, idx_e, tmp, idx_n, r0, r1, w0, w1):
  rows = (r0, r1)
  wsem = (w0, w1)
  wid = lax.axis_index("s") * _NC + lax.axis_index("c")
  ebase = wid * _EDGE_PER_W
  nbase = wid * _NODE_PER_W

  pltpu.sync_copy(edge_tab, et_v)
  pltpu.sync_copy(atab, at_v)
  pltpu.sync_copy(ctab, ct_v)

  pltpu.sync_copy(ea.at[pl.ds(ebase, _EDGE_PER_W)],
                  idx_e.at[pl.ds(0, _EDGE_PER_W)])
  pltpu.sync_copy(eb.at[pl.ds(ebase, _EDGE_PER_W)],
                  tmp.at[pl.ds(0, _EDGE_PER_W)])

  @plsc.parallel_loop(0, _EDGE_PER_W // _L, unroll=4)
  def _e_idx(i):
    sl = pl.ds(i * _L, _L)
    idx_e[sl] = (idx_e[sl] * 2 + tmp[sl]) * _D

  pltpu.sync_copy(na.at[pl.ds(nbase, _NODE_PER_W)],
                  idx_n.at[pl.ds(0, _NODE_PER_W)])
  pltpu.sync_copy(nb.at[pl.ds(nbase, _NODE_PER_W)],
                  tmp.at[pl.ds(0, _NODE_PER_W)])

  @plsc.parallel_loop(0, _NODE_PER_W // _L, unroll=4)
  def _n_idx(i):
    sl = pl.ds(i * _L, _L)
    idx_n[sl] = idx_n[sl] * _EMBED
    tmp[sl] = (tmp[sl] + 7) * _EMBED

  def e_write(j, b):
    pltpu.async_copy(rows[b], edge_out.at[pl.ds(ebase + j * _C, _C)], wsem[b])

  def e_write_wait(b):
    pltpu.make_async_copy(rows[b], edge_out.at[pl.ds(ebase, _C)],
                          wsem[b]).wait()

  def e_assemble(j, b):
    buf = rows[b]
    @plsc.parallel_loop(0, _C, unroll=2)
    def _row(r):
      base = idx_e[pl.ds(j * _C + r, _L)][0]
      for k in range(_D // _L):
        buf[r, pl.ds(k * _L, _L)] = et_v[pl.ds(base + k * _L, _L)]

  def e_group(g, _):
    for b in range(_NBUF):
      @pl.when(g > 0)
      def _():
        e_write_wait(b)
      e_assemble(g * _NBUF + b, b)
      e_write(g * _NBUF + b, b)
    return 0
  lax.fori_loop(0, _EDGE_GROUPS, e_group, 0)
  e_write_wait(0)
  e_assemble(_EDGE_CHUNKS - 1, 0)
  e_write(_EDGE_CHUNKS - 1, 0)
  e_write_wait(0)
  e_write_wait(1)

  def n_write(j, b):
    pltpu.async_copy(rows[b], node_out.at[pl.ds(nbase + j * _C, _C)], wsem[b])

  def n_write_wait(b):
    pltpu.make_async_copy(rows[b], node_out.at[pl.ds(nbase, _C)],
                          wsem[b]).wait()

  def n_assemble(j, b):
    buf = rows[b]
    @plsc.parallel_loop(0, _C, unroll=2)
    def _row(r):
      base_a = idx_n[pl.ds(j * _C + r, _L)][0]
      base_c = tmp[pl.ds(j * _C + r, _L)][0]
      for k in range(_EMBED // _L):
        buf[r, pl.ds(k * _L, _L)] = at_v[pl.ds(base_a + k * _L, _L)]
      for k in range(_EMBED // _L):
        buf[r, pl.ds(_EMBED + k * _L, _L)] = ct_v[pl.ds(base_c + k * _L, _L)]

  for j in range(_NODE_CHUNKS):
    b = j % _NBUF
    if j >= _NBUF:
      n_write_wait(b)
    n_assemble(j, b)
    n_write(j, b)
  n_write_wait(0)
  n_write_wait(1)


@functools.partial(
    pl.kernel,
    out_type=(
        jax.ShapeDtypeStruct((_N_NODES_PAD, _D), jnp.float32),
        jax.ShapeDtypeStruct((_N_EDGES, _D), jnp.float32),
    ),
    mesh=plsc.VectorSubcoreMesh(core_axis_name="c", subcore_axis_name="s"),
    scratch_types=[
        pltpu.VMEM((_ETAB_WORDS,), jnp.float32),
        pltpu.VMEM((_ATAB_WORDS,), jnp.float32),
        pltpu.VMEM((_CTAB_WORDS,), jnp.float32),
        pltpu.VMEM((_EDGE_PER_W + _L,), jnp.int32),
        pltpu.VMEM((_EDGE_PER_W + _L,), jnp.int32),
        pltpu.VMEM((_NODE_PER_W + _L,), jnp.int32),
        pltpu.VMEM((_C, _D), jnp.float32),
        pltpu.VMEM((_C, _D), jnp.float32),
        pltpu.SemaphoreType.DMA,
        pltpu.SemaphoreType.DMA,
    ],
)
def _sc_embed(edge_tab, atab, ctab, na, nb, ea, eb, node_out, edge_out,
              et_v, at_v, ct_v, idx_e, tmp, idx_n, r0, r1, w0, w1):
  _sc_body(edge_tab, atab, ctab, na, nb, ea, eb, node_out, edge_out,
           et_v, at_v, ct_v, idx_e, tmp, idx_n, r0, r1, w0, w1)


def kernel(graph_x, graph_edge_attr, atomic_table, charge_table, bond_table,
           arom_table):
  num_bonds = bond_table.shape[0]
  num_arom = arom_table.shape[0]

  edge_tab = jnp.concatenate(
      (jnp.repeat(bond_table, num_arom, axis=0),
       jnp.tile(arom_table, (num_bonds, 1))), axis=1)

  n_nodes = graph_x.shape[0]
  na = jnp.pad(graph_x[:, 0].astype(jnp.int32), (0, _N_NODES_PAD - n_nodes))
  nb = jnp.pad(graph_x[:, 1].astype(jnp.int32), (0, _N_NODES_PAD - n_nodes))
  ea = graph_edge_attr[:, 0].astype(jnp.int32)
  eb = graph_edge_attr[:, 1].astype(jnp.int32)

  node_out, edge_out = _sc_embed(
      edge_tab.reshape(-1), atomic_table.reshape(-1),
      charge_table.reshape(-1), na, nb, ea, eb)
  return node_out[:n_nodes], edge_out

# --- scband reference (transcript-rebuilt; emitter-appended) ---
"""Pipeline reference for scband-feature-embedding-3435973836928 (READ-ONLY COPY).

The authoritative reference and input builder live on the scoring server;
editing this copy changes nothing except your own understanding.
"""

import math
import jax, jax.numpy as jnp
import numpy as np

EMBED_DIM = 128
NUM_ATOMS = 100
NUM_CHARGES = 13
NUM_BONDS = 10
N_NODES = 10000
N_EDGES = 320000


def setup_inputs(seed: int = 0) -> dict:
    key = jax.random.key(seed)
    k1, k2, k3, k4, k5, k6 = jax.random.split(key, 6)
    graph_x = jax.random.randint(k1, (N_NODES, 2), 0, 6, dtype=jnp.int64 if jax.config.jax_enable_x64 else jnp.int32)
    graph_edge_attr = jax.random.randint(k2, (N_EDGES, 2), 0, 2, dtype=jnp.int64 if jax.config.jax_enable_x64 else jnp.int32)
    atomic_table = jax.random.normal(k3, (NUM_ATOMS, EMBED_DIM), dtype=jnp.float32)
    charge_table = jax.random.normal(k4, (NUM_CHARGES, EMBED_DIM), dtype=jnp.float32)
    bond_table = jax.random.normal(k5, (NUM_BONDS, EMBED_DIM), dtype=jnp.float32)
    arom_table = jax.random.normal(k6, (2, EMBED_DIM), dtype=jnp.float32)
    return {
        "graph_x": graph_x,
        "graph_edge_attr": graph_edge_attr,
        "atomic_table": atomic_table,
        "charge_table": charge_table,
        "bond_table": bond_table,
        "arom_table": arom_table,
    }


def reference(graph_x, graph_edge_attr, atomic_table, charge_table, bond_table, arom_table):
    offset = math.ceil(NUM_CHARGES / 2)  # 7
    atomic_nums = graph_x[:, 0]
    formal_charges = graph_x[:, 1] + offset
    atomic_emb = jnp.take(atomic_table, atomic_nums, axis=0)
    charge_emb = jnp.take(charge_table, formal_charges, axis=0)
    atom_features = jnp.concatenate((atomic_emb, charge_emb), axis=1)
    bond_nums = graph_edge_attr[:, 0]
    aromaticity = graph_edge_attr[:, 1]
    bond_emb = jnp.take(bond_table, bond_nums, axis=0)
    arom_emb = jnp.take(arom_table, aromaticity, axis=0)
    edge_features = jnp.concatenate((bond_emb, arom_emb), axis=1)
    return (atom_features, edge_features)

if __name__ == "__main__":
    import jax
    _d = setup_inputs()
    print(jax.jit(kernel)(*tuple(_d.values())))

</pallas_src>

<mosaic_0001>
#map = affine_map<(d0, d1) -> (0)>
#map1 = affine_map<(d0, d1) -> (0, 0)>
module attributes {stable_mosaic.version = 14 : i64} {
  func.func @_sc_embed(%arg0: i32, %arg1: i32, %arg2: memref<5120xf32, #tpu.memory_space<hbm>>, %arg3: memref<12800xf32, #tpu.memory_space<hbm>>, %arg4: memref<1664xf32, #tpu.memory_space<hbm>>, %arg5: memref<10240xi32, #tpu.memory_space<hbm>>, %arg6: memref<10240xi32, #tpu.memory_space<hbm>>, %arg7: memref<320000xi32, #tpu.memory_space<hbm>>, %arg8: memref<320000xi32, #tpu.memory_space<hbm>>, %arg9: memref<10240x256xf32, #tpu.memory_space<hbm>>, %arg10: memref<320000x256xf32, #tpu.memory_space<hbm>>, %arg11: memref<5120xf32, #tpu.memory_space<vmem>>, %arg12: memref<12800xf32, #tpu.memory_space<vmem>>, %arg13: memref<1664xf32, #tpu.memory_space<vmem>>, %arg14: memref<10016xi32, #tpu.memory_space<vmem>>, %arg15: memref<10016xi32, #tpu.memory_space<vmem>>, %arg16: memref<336xi32, #tpu.memory_space<vmem>>, %arg17: memref<80x256xf32, #tpu.memory_space<vmem>>, %arg18: memref<80x256xf32, #tpu.memory_space<vmem>>, %arg19: memref<!tpu.dma_semaphore, #tpu.memory_space<semaphore_mem>>, %arg20: memref<!tpu.dma_semaphore, #tpu.memory_space<semaphore_mem>>) attributes {dimension_semantics = [#tpu.dimension_semantics<core_parallel>, #tpu.dimension_semantics<subcore_parallel>], iteration_bounds = array<i64: 2, 16>, scalar_prefetch = 0 : i64, scratch_operands = 10 : i64, tpu.core_type = #tpu.core_type<sc_vector_subcore>, window_params = [{transform_indices = #map}, {transform_indices = #map}, {transform_indices = #map}, {transform_indices = #map}, {transform_indices = #map}, {transform_indices = #map}, {transform_indices = #map}, {transform_indices = #map1}, {transform_indices = #map1}]} {
    %mul3A = arith.constant 2 : i32
    %mul3A_0 = arith.muli %arg1, %mul3A : i32
    %add3A = arith.addi %mul3A_0, %arg0 : i32
    %mul3A_1 = arith.constant 10000 : i32
    %mul3A_2 = arith.muli %add3A, %mul3A_1 : i32
    %mul3A_3 = arith.constant 320 : i32
    %mul3A_4 = arith.muli %add3A, %mul3A_3 : i32
    "tpu.region"() ({
      %run_scoped3A = tpu.sem_alloc : memref<!tpu.dma_semaphore, #tpu.memory_space<semaphore_mem>>
      tpu.enqueue_dma source(%arg2 : memref<5120xf32, #tpu.memory_space<hbm>>) target(%arg11 : memref<5120xf32, #tpu.memory_space<vmem>>) target_semaphore(%run_scoped3A : memref<!tpu.dma_semaphore, #tpu.memory_space<semaphore_mem>>)
      tpu.wait_dma2 semaphore(%run_scoped3A : memref<!tpu.dma_semaphore, #tpu.memory_space<semaphore_mem>>) src(%arg2 : memref<5120xf32, #tpu.memory_space<hbm>>) dst(%arg11 : memref<5120xf32, #tpu.memory_space<vmem>>)
      tpu.yield
    }) : () -> ()
    "tpu.region"() ({
      %run_scoped3A = tpu.sem_alloc : memref<!tpu.dma_semaphore, #tpu.memory_space<semaphore_mem>>
      tpu.enqueue_dma source(%arg3 : memref<12800xf32, #tpu.memory_space<hbm>>) target(%arg12 : memref<12800xf32, #tpu.memory_space<vmem>>) target_semaphore(%run_scoped3A : memref<!tpu.dma_semaphore, #tpu.memory_space<semaphore_mem>>)
      tpu.wait_dma2 semaphore(%run_scoped3A : memref<!tpu.dma_semaphore, #tpu.memory_space<semaphore_mem>>) src(%arg3 : memref<12800xf32, #tpu.memory_space<hbm>>) dst(%arg12 : memref<12800xf32, #tpu.memory_space<vmem>>)
      tpu.yield
    }) : () -> ()
    "tpu.region"() ({
      %run_scoped3A = tpu.sem_alloc : memref<!tpu.dma_semaphore, #tpu.memory_space<semaphore_mem>>
      tpu.enqueue_dma source(%arg4 : memref<1664xf32, #tpu.memory_space<hbm>>) target(%arg13 : memref<1664xf32, #tpu.memory_space<vmem>>) target_semaphore(%run_scoped3A : memref<!tpu.dma_semaphore, #tpu.memory_space<semaphore_mem>>)
      tpu.wait_dma2 semaphore(%run_scoped3A : memref<!tpu.dma_semaphore, #tpu.memory_space<semaphore_mem>>) src(%arg4 : memref<1664xf32, #tpu.memory_space<hbm>>) dst(%arg13 : memref<1664xf32, #tpu.memory_space<vmem>>)
      tpu.yield
    }) : () -> ()
    "tpu.region"() ({
      %run_scoped3A = tpu.sem_alloc : memref<!tpu.dma_semaphore, #tpu.memory_space<semaphore_mem>>
      %dma_start3A_87 = arith.constant 0 : i32
      %dma_start3A_88 = tpu.memref_slice %arg14[%dma_start3A_87] : memref<10016xi32, #tpu.memory_space<vmem>> -> memref<10000xi32, #tpu.memory_space<vmem>>
      %dma_start3A_89 = tpu.memref_slice %arg7[%mul3A_2] : memref<320000xi32, #tpu.memory_space<hbm>> -> memref<10000xi32, #tpu.memory_space<hbm>>
      %dma_start3A_90 = arith.constant 0 : i32
      %dma_start3A_91 = tpu.memref_slice %arg14[%dma_start3A_90] : memref<10016xi32, #tpu.memory_space<vmem>> -> memref<10000xi32, #tpu.memory_space<vmem>>
      %dma_start3A_92 = tpu.memref_slice %arg7[%mul3A_2] : memref<320000xi32, #tpu.memory_space<hbm>> -> memref<10000xi32, #tpu.memory_space<hbm>>
      tpu.enqueue_dma source(%dma_start3A_92 : memref<10000xi32, #tpu.memory_space<hbm>>) target(%dma_start3A_91 : memref<10000xi32, #tpu.memory_space<vmem>>) target_semaphore(%run_scoped3A : memref<!tpu.dma_semaphore, #tpu.memory_space<semaphore_mem>>)
      %dma_wait3A_93 = arith.constant 0 : i32
      %dma_wait3A_94 = tpu.memref_slice %arg14[%dma_wait3A_93] : memref<10016xi32, #tpu.memory_space<vmem>> -> memref<10000xi32, #tpu.memory_space<vmem>>
      %dma_wait3A_95 = tpu.memref_slice %arg7[%mul3A_2] : memref<320000xi32, #tpu.memory_space<hbm>> -> memref<10000xi32, #tpu.memory_space<hbm>>
      %dma_wait3A_96 = arith.constant 0 : i32
      %dma_wait3A_97 = tpu.memref_slice %arg14[%dma_wait3A_96] : memref<10016xi32, #tpu.memory_space<vmem>> -> memref<10000xi32, #tpu.memory_space<vmem>>
      %dma_wait3A_98 = tpu.memref_slice %arg7[%mul3A_2] : memref<320000xi32, #tpu.memory_space<hbm>> -> memref<10000xi32, #tpu.memory_space<hbm>>
      tpu.wait_dma2 semaphore(%run_scoped3A : memref<!tpu.dma_semaphore, #tpu.memory_space<semaphore_mem>>) src(%dma_wait3A_98 : memref<10000xi32, #tpu.memory_space<hbm>>) dst(%dma_wait3A_97 : memref<10000xi32, #tpu.memory_space<vmem>>)
      tpu.yield
    }) : () -> ()
    "tpu.region"() ({
      %run_scoped3A = tpu.sem_alloc : memref<!tpu.dma_semaphore, #tpu.memory_space<semaphore_mem>>
      %dma_start3A_87 = arith.constant 0 : i32
      %dma_start3A_88 = tpu.memref_slice %arg15[%dma_start3A_87] : memref<10016xi32, #tpu.memory_space<vmem>> -> memref<10000xi32, #tpu.memory_space<vmem>>
      %dma_start3A_89 = tpu.memref_slice %arg8[%mul3A_2] : memref<320000xi32, #tpu.memory_space<hbm>> -> memref<10000xi32, #tpu.memory_space<hbm>>
      %dma_start3A_90 = arith.constant 0 : i32
      %dma_start3A_91 = tpu.memref_slice %arg15[%dma_start3A_90] : memref<10016xi32, #tpu.memory_space<vmem>> -> memref<10000xi32, #tpu.memory_space<vmem>>
      %dma_start3A_92 = tpu.memref_slice %arg8[%mul3A_2] : memref<320000xi32, #tpu.memory_space<hbm>> -> memref<10000xi32, #tpu.memory_space<hbm>>
      tpu.enqueue_dma source(%dma_start3A_92 : memref<10000xi32, #tpu.memory_space<hbm>>) target(%dma_start3A_91 : memref<10000xi32, #tpu.memory_space<vmem>>) target_semaphore(%run_scoped3A : memref<!tpu.dma_semaphore, #tpu.memory_space<semaphore_mem>>)
      %dma_wait3A_93 = arith.constant 0 : i32
      %dma_wait3A_94 = tpu.memref_slice %arg15[%dma_wait3A_93] : memref<10016xi32, #tpu.memory_space<vmem>> -> memref<10000xi32, #tpu.memory_space<vmem>>
      %dma_wait3A_95 = tpu.memref_slice %arg8[%mul3A_2] : memref<320000xi32, #tpu.memory_space<hbm>> -> memref<10000xi32, #tpu.memory_space<hbm>>
      %dma_wait3A_96 = arith.constant 0 : i32
      %dma_wait3A_97 = tpu.memref_slice %arg15[%dma_wait3A_96] : memref<10016xi32, #tpu.memory_space<vmem>> -> memref<10000xi32, #tpu.memory_space<vmem>>
      %dma_wait3A_98 = tpu.memref_slice %arg8[%mul3A_2] : memref<320000xi32, #tpu.memory_space<hbm>> -> memref<10000xi32, #tpu.memory_space<hbm>>
      tpu.wait_dma2 semaphore(%run_scoped3A : memref<!tpu.dma_semaphore, #tpu.memory_space<semaphore_mem>>) src(%dma_wait3A_98 : memref<10000xi32, #tpu.memory_space<hbm>>) dst(%dma_wait3A_97 : memref<10000xi32, #tpu.memory_space<vmem>>)
      tpu.yield
    }) : () -> ()
    %parallel_loop3A = arith.constant 0 : i32
    %parallel_loop3A_5 = arith.constant 625 : i32
    %parallel_loop3A_6 = arith.constant 1 : i32
    scf.for %parallel_loop3A_87 = %parallel_loop3A to %parallel_loop3A_5 step %parallel_loop3A_6  : i32 {
      %parallel_loop3A_88 = arith.constant 16 : i32
      %parallel_loop3A_89 = arith.muli %parallel_loop3A_87, %parallel_loop3A_88 : i32
      %parallel_loop3A_90 = arith.index_cast %parallel_loop3A_89 : i32 to index
      %parallel_loop3A_91 = tpu.vector_load %arg14[%parallel_loop3A_90] {strides = array<i32>} : memref<10016xi32, #tpu.memory_space<vmem>>, vector<16xi32>,
      %parallel_loop3A_92 = vector.shape_cast %parallel_loop3A_91 : vector<16xi32> to vector<16xi32>
      %parallel_loop3A_93 = arith.constant 2 : i32
      %parallel_loop3A_94 = vector.broadcast %parallel_loop3A_93 : i32 to vector<16xi32>
      %parallel_loop3A_95 = arith.muli %parallel_loop3A_92, %parallel_loop3A_94 : vector<16xi32>
      %parallel_loop3A_96 = arith.index_cast %parallel_loop3A_89 : i32 to index
      %parallel_loop3A_97 = tpu.vector_load %arg15[%parallel_loop3A_96] {strides = array<i32>} : memref<10016xi32, #tpu.memory_space<vmem>>, vector<16xi32>,
      %parallel_loop3A_98 = vector.shape_cast %parallel_loop3A_97 : vector<16xi32> to vector<16xi32>
      %parallel_loop3A_99 = arith.addi %parallel_loop3A_95, %parallel_loop3A_98 : vector<16xi32>
      %parallel_loop3A_100 = arith.constant 256 : i32
      %parallel_loop3A_101 = vector.broadcast %parallel_loop3A_100 : i32 to vector<16xi32>
      %parallel_loop3A_102 = arith.muli %parallel_loop3A_99, %parallel_loop3A_101 : vector<16xi32>
      %parallel_loop3A_103 = arith.index_cast %parallel_loop3A_89 : i32 to index
      %parallel_loop3A_104 = tpu.vector_load %arg14[%parallel_loop3A_103] {strides = array<i32>} : memref<10016xi32, #tpu.memory_space<vmem>>, vector<16xi32>,
      %parallel_loop3A_105 = vector.shape_cast %parallel_loop3A_104 : vector<16xi32> to vector<16xi32>
      %parallel_loop3A_106 = vector.shape_cast %parallel_loop3A_102 : vector<16xi32> to vector<16xi32>
      tpu.vector_store %arg14[%parallel_loop3A_103], %parallel_loop3A_106 {strides = array<i32>} : memref<10016xi32, #tpu.memory_space<vmem>>, vector<16xi32>,
    } {sc.loop_unroll_factor = 4 : i64, sc.parallel_access}
    "tpu.region"() ({
      %run_scoped3A = tpu.sem_alloc : memref<!tpu.dma_semaphore, #tpu.memory_space<semaphore_mem>>
      %dma_start3A_87 = arith.constant 0 : i32
      %dma_start3A_88 = tpu.memref_slice %arg16[%dma_start3A_87] : memref<336xi32, #tpu.memory_space<vmem>> -> memref<320xi32, #tpu.memory_space<vmem>>
      %dma_start3A_89 = tpu.memref_slice %arg5[%mul3A_4] : memref<10240xi32, #tpu.memory_space<hbm>> -> memref<320xi32, #tpu.memory_space<hbm>>
      %dma_start3A_90 = arith.constant 0 : i32
      %dma_start3A_91 = tpu.memref_slice %arg16[%dma_start3A_90] : memref<336xi32, #tpu.memory_space<vmem>> -> memref<320xi32, #tpu.memory_space<vmem>>
      %dma_start3A_92 = tpu.memref_slice %arg5[%mul3A_4] : memref<10240xi32, #tpu.memory_space<hbm>> -> memref<320xi32, #tpu.memory_space<hbm>>
      tpu.enqueue_dma source(%dma_start3A_92 : memref<320xi32, #tpu.memory_space<hbm>>) target(%dma_start3A_91 : memref<320xi32, #tpu.memory_space<vmem>>) target_semaphore(%run_scoped3A : memref<!tpu.dma_semaphore, #tpu.memory_space<semaphore_mem>>)
      %dma_wait3A_93 = arith.constant 0 : i32
      %dma_wait3A_94 = tpu.memref_slice %arg16[%dma_wait3A_93] : memref<336xi32, #tpu.memory_space<vmem>> -> memref<320xi32, #tpu.memory_space<vmem>>
      %dma_wait3A_95 = tpu.memref_slice %arg5[%mul3A_4] : memref<10240xi32, #tpu.memory_space<hbm>> -> memref<320xi32, #tpu.memory_space<hbm>>
      %dma_wait3A_96 = arith.constant 0 : i32
      %dma_wait3A_97 = tpu.memref_slice %arg16[%dma_wait3A_96] : memref<336xi32, #tpu.memory_space<vmem>> -> memref<320xi32, #tpu.memory_space<vmem>>
      %dma_wait3A_98 = tpu.memref_slice %arg5[%mul3A_4] : memref<10240xi32, #tpu.memory_space<hbm>> -> memref<320xi32, #tpu.memory_space<hbm>>
      tpu.wait_dma2 semaphore(%run_scoped3A : memref<!tpu.dma_semaphore, #tpu.memory_space<semaphore_mem>>) src(%dma_wait3A_98 : memref<320xi32, #tpu.memory_space<hbm>>) dst(%dma_wait3A_97 : memref<320xi32, #tpu.memory_space<vmem>>)
      tpu.yield
    }) : () -> ()
    "tpu.region"() ({
      %run_scoped3A = tpu.sem_alloc : memref<!tpu.dma_semaphore, #tpu.memory_space<semaphore_mem>>
      %dma_start3A_87 = arith.constant 0 : i32
      %dma_start3A_88 = tpu.memref_slice %arg15[%dma_start3A_87] : memref<10016xi32, #tpu.memory_space<vmem>> -> memref<320xi32, #tpu.memory_space<vmem>>
      %dma_start3A_89 = tpu.memref_slice %arg6[%mul3A_4] : memref<10240xi32, #tpu.memory_space<hbm>> -> memref<320xi32, #tpu.memory_space<hbm>>
      %dma_start3A_90 = arith.constant 0 : i32
      %dma_start3A_91 = tpu.memref_slice %arg15[%dma_start3A_90] : memref<10016xi32, #tpu.memory_space<vmem>> -> memref<320xi32, #tpu.memory_space<vmem>>
      %dma_start3A_92 = tpu.memref_slice %arg6[%mul3A_4] : memref<10240xi32, #tpu.memory_space<hbm>> -> memref<320xi32, #tpu.memory_space<hbm>>
      tpu.enqueue_dma source(%dma_start3A_92 : memref<320xi32, #tpu.memory_space<hbm>>) target(%dma_start3A_91 : memref<320xi32, #tpu.memory_space<vmem>>) target_semaphore(%run_scoped3A : memref<!tpu.dma_semaphore, #tpu.memory_space<semaphore_mem>>)
      %dma_wait3A_93 = arith.constant 0 : i32
      %dma_wait3A_94 = tpu.memref_slice %arg15[%dma_wait3A_93] : memref<10016xi32, #tpu.memory_space<vmem>> -> memref<320xi32, #tpu.memory_space<vmem>>
      %dma_wait3A_95 = tpu.memref_slice %arg6[%mul3A_4] : memref<10240xi32, #tpu.memory_space<hbm>> -> memref<320xi32, #tpu.memory_space<hbm>>
      %dma_wait3A_96 = arith.constant 0 : i32
      %dma_wait3A_97 = tpu.memref_slice %arg15[%dma_wait3A_96] : memref<10016xi32, #tpu.memory_space<vmem>> -> memref<320xi32, #tpu.memory_space<vmem>>
      %dma_wait3A_98 = tpu.memref_slice %arg6[%mul3A_4] : memref<10240xi32, #tpu.memory_space<hbm>> -> memref<320xi32, #tpu.memory_space<hbm>>
      tpu.wait_dma2 semaphore(%run_scoped3A : memref<!tpu.dma_semaphore, #tpu.memory_space<semaphore_mem>>) src(%dma_wait3A_98 : memref<320xi32, #tpu.memory_space<hbm>>) dst(%dma_wait3A_97 : memref<320xi32, #tpu.memory_space<vmem>>)
      tpu.yield
    }) : () -> ()
    %parallel_loop3A_7 = arith.constant 0 : i32
    %parallel_loop3A_8 = arith.constant 20 : i32
    %parallel_loop3A_9 = arith.constant 1 : i32
    scf.for %parallel_loop3A_87 = %parallel_loop3A_7 to %parallel_loop3A_8 step %parallel_loop3A_9  : i32 {
      %parallel_loop3A_88 = arith.constant 16 : i32
      %parallel_loop3A_89 = arith.muli %parallel_loop3A_87, %parallel_loop3A_88 : i32
      %parallel_loop3A_90 = arith.index_cast %parallel_loop3A_89 : i32 to index
      %parallel_loop3A_91 = tpu.vector_load %arg16[%parallel_loop3A_90] {strides = array<i32>} : memref<336xi32, #tpu.memory_space<vmem>>, vector<16xi32>,
      %parallel_loop3A_92 = vector.shape_cast %parallel_loop3A_91 : vector<16xi32> to vector<16xi32>
      %parallel_loop3A_93 = arith.constant 128 : i32
      %parallel_loop3A_94 = vector.broadcast %parallel_loop3A_93 : i32 to vector<16xi32>
      %parallel_loop3A_95 = arith.muli %parallel_loop3A_92, %parallel_loop3A_94 : vector<16xi32>
      %parallel_loop3A_96 = arith.index_cast %parallel_loop3A_89 : i32 to index
      %parallel_loop3A_97 = tpu.vector_load %arg16[%parallel_loop3A_96] {strides = array<i32>} : memref<336xi32, #tpu.memory_space<vmem>>, vector<16xi32>,
      %parallel_loop3A_98 = vector.shape_cast %parallel_loop3A_97 : vector<16xi32> to vector<16xi32>
      %parallel_loop3A_99 = vector.shape_cast %parallel_loop3A_95 : vector<16xi32> to vector<16xi32>
      tpu.vector_store %arg16[%parallel_loop3A_96], %parallel_loop3A_99 {strides = array<i32>} : memref<336xi32, #tpu.memory_space<vmem>>, vector<16xi32>,
      %parallel_loop3A_100 = arith.index_cast %parallel_loop3A_89 : i32 to index
      %parallel_loop3A_101 = tpu.vector_load %arg15[%parallel_loop3A_100] {strides = array<i32>} : memref<10016xi32, #tpu.memory_space<vmem>>, vector<16xi32>,
      %parallel_loop3A_102 = vector.shape_cast %parallel_loop3A_101 : vector<16xi32> to vector<16xi32>
      %parallel_loop3A_103 = arith.constant 7 : i32
      %parallel_loop3A_104 = vector.broadcast %parallel_loop3A_103 : i32 to vector<16xi32>
      %parallel_loop3A_105 = arith.addi %parallel_loop3A_102, %parallel_loop3A_104 : vector<16xi32>
      %parallel_loop3A_106 = arith.constant 128 : i32
      %parallel_loop3A_107 = vector.broadcast %parallel_loop3A_106 : i32 to vector<16xi32>
      %parallel_loop3A_108 = arith.muli %parallel_loop3A_105, %parallel_loop3A_107 : vector<16xi32>
      %parallel_loop3A_109 = arith.index_cast %parallel_loop3A_89 : i32 to index
      %parallel_loop3A_110 = tpu.vector_load %arg15[%parallel_loop3A_109] {strides = array<i32>} : memref<10016xi32, #tpu.memory_space<vmem>>, vector<16xi32>,
      %parallel_loop3A_111 = vector.shape_cast %parallel_loop3A_110 : vector<16xi32> to vector<16xi32>
      %parallel_loop3A_112 = vector.shape_cast %parallel_loop3A_108 : vector<16xi32> to vector<16xi32>
      tpu.vector_store %arg15[%parallel_loop3A_109], %parallel_loop3A_112 {strides = array<i32>} : memref<10016xi32, #tpu.memory_space<vmem>>, vector<16xi32>,
    } {sc.loop_unroll_factor = 4 : i64, sc.parallel_access}
    %scan3A = arith.constant 0 : i32
    %scan3A_10 = arith.constant 0 : i32
    %scan3A_11 = arith.constant 62 : i32
    %scan3A_12 = arith.addi %scan3A_10, %scan3A_11 : i32
    %scan3A_13 = arith.constant 1 : i32
    %scan3A_14 = scf.for %scan3A_87 = %scan3A_10 to %scan3A_12 step %scan3A_13 iter_args(%scan3A_88 = %scan3A) -> (i32)  : i32 {
      %gt3A = arith.constant 0 : i32
      %gt3A_89 = arith.cmpi sgt, %scan3A_87, %gt3A : i32
      %convert_element_type3A = arith.extui %gt3A_89 : i1 to i32
      %cond3A = arith.constant 0 : i32
      %cond3A_90 = arith.cmpi ne, %convert_element_type3A, %cond3A : i32
      scf.if %cond3A_90 {
        %dma_wait3A_133 = arith.constant 0 : i32
        %dma_wait3A_134 = tpu.memref_slice %arg10[%mul3A_2, %dma_wait3A_133] : memref<320000x256xf32, #tpu.memory_space<hbm>> -> memref<80x256xf32, #tpu.memory_space<hbm>>
        %dma_wait3A_135 = arith.constant 0 : i32
        %dma_wait3A_136 = tpu.memref_slice %arg10[%mul3A_2, %dma_wait3A_135] : memref<320000x256xf32, #tpu.memory_space<hbm>> -> memref<80x256xf32, #tpu.memory_space<hbm>>
        tpu.wait_dma2 semaphore(%arg19 : memref<!tpu.dma_semaphore, #tpu.memory_space<semaphore_mem>>) src(%arg17 : memref<80x256xf32, #tpu.memory_space<vmem>>) dst(%dma_wait3A_136 : memref<80x256xf32, #tpu.memory_space<hbm>>)
      } else {
      }
      %mul3A_91 = arith.constant 2 : i32
      %mul3A_92 = arith.muli %scan3A_87, %mul3A_91 : i32
      %add3A_93 = arith.constant 0 : i32
      %add3A_94 = arith.addi %mul3A_92, %add3A_93 : i32
      %parallel_loop3A_95 = arith.constant 0 : i32
      %parallel_loop3A_96 = arith.constant 80 : i32
      %parallel_loop3A_97 = arith.constant 1 : i32
      scf.for %parallel_loop3A_133 = %parallel_loop3A_95 to %parallel_loop3A_96 step %parallel_loop3A_97  : i32 {
        %parallel_loop3A_134 = arith.constant 80 : i32
        %parallel_loop3A_135 = arith.muli %add3A_94, %parallel_loop3A_134 : i32
        %parallel_loop3A_136 = arith.addi %parallel_loop3A_135, %parallel_loop3A_133 : i32
        %parallel_loop3A_137 = arith.index_cast %parallel_loop3A_136 : i32 to index
        %parallel_loop3A_138 = tpu.vector_load %arg14[%parallel_loop3A_137] {strides = array<i32>} : memref<10016xi32, #tpu.memory_space<vmem>>, vector<16xi32>,
        %parallel_loop3A_139 = vector.shape_cast %parallel_loop3A_138 : vector<16xi32> to vector<16xi32>
        %parallel_loop3A_140 = vector.extract_strided_slice %parallel_loop3A_139 {offsets = [0], sizes = [1], strides = [1]} : vector<16xi32> to vector<1xi32>
        %parallel_loop3A_141 = vector.extract %parallel_loop3A_140[0] : i32 from vector<1xi32>
        %parallel_loop3A_142 = arith.constant 0 : i32
        %parallel_loop3A_143 = arith.addi %parallel_loop3A_141, %parallel_loop3A_142 : i32
        %parallel_loop3A_144 = arith.index_cast %parallel_loop3A_143 : i32 to index
        %parallel_loop3A_145 = tpu.vector_load %arg11[%parallel_loop3A_144] {strides = array<i32>} : memref<5120xf32, #tpu.memory_space<vmem>>, vector<16xf32>,
        %parallel_loop3A_146 = vector.shape_cast %parallel_loop3A_145 : vector<16xf32> to vector<16xf32>
        %parallel_loop3A_147 = arith.index_cast %parallel_loop3A_133 : i32 to index
        %parallel_loop3A_148 = arith.constant 0 : index
        %parallel_loop3A_149 = tpu.vector_load %arg17[%parallel_loop3A_147, %parallel_loop3A_148] {strides = array<i32>} : memref<80x256xf32, #tpu.memory_space<vmem>>, vector<1x16xf32>,
        %parallel_loop3A_150 = vector.shape_cast %parallel_loop3A_149 : vector<1x16xf32> to vector<16xf32>
        %parallel_loop3A_151 = vector.shape_cast %parallel_loop3A_146 : vector<16xf32> to vector<1x16xf32>
        tpu.vector_store %arg17[%parallel_loop3A_147, %parallel_loop3A_148], %parallel_loop3A_151 {strides = array<i32>} : memref<80x256xf32, #tpu.memory_space<vmem>>, vector<1x16xf32>,
        %parallel_loop3A_152 = arith.constant 16 : i32
        %parallel_loop3A_153 = arith.addi %parallel_loop3A_141, %parallel_loop3A_152 : i32
        %parallel_loop3A_154 = arith.index_cast %parallel_loop3A_153 : i32 to index
        %parallel_loop3A_155 = tpu.vector_load %arg11[%parallel_loop3A_154] {strides = array<i32>} : memref<5120xf32, #tpu.memory_space<vmem>>, vector<16xf32>,
        %parallel_loop3A_156 = vector.shape_cast %parallel_loop3A_155 : vector<16xf32> to vector<16xf32>
        %parallel_loop3A_157 = arith.index_cast %parallel_loop3A_133 : i32 to index
        %parallel_loop3A_158 = arith.constant 16 : index
        %parallel_loop3A_159 = tpu.vector_load %arg17[%parallel_loop3A_157, %parallel_loop3A_158] {strides = array<i32>} : memref<80x256xf32, #tpu.memory_space<vmem>>, vector<1x16xf32>,
        %parallel_loop3A_160 = vector.shape_cast %parallel_loop3A_159 : vector<1x16xf32> to vector<16xf32>
        %parallel_loop3A_161 = vector.shape_cast %parallel_loop3A_156 : vector<16xf32> to vector<1x16xf32>
        tpu.vector_store %arg17[%parallel_loop3A_157, %parallel_loop3A_158], %parallel_loop3A_161 {strides = array<i32>} : memref<80x256xf32, #tpu.memory_space<vmem>>, vector<1x16xf32>,
        %parallel_loop3A_162 = arith.constant 32 : i32
        %parallel_loop3A_163 = arith.addi %parallel_loop3A_141, %parallel_loop3A_162 : i32
        %parallel_loop3A_164 = arith.index_cast %parallel_loop3A_163 : i32 to index
        %parallel_loop3A_165 = tpu.vector_load %arg11[%parallel_loop3A_164] {strides = array<i32>} : memref<5120xf32, #tpu.memory_space<vmem>>, vector<16xf32>,
        %parallel_loop3A_166 = vector.shape_cast %parallel_loop3A_165 : vector<16xf32> to vector<16xf32>
        %parallel_loop3A_167 = arith.index_cast %parallel_loop3A_133 : i32 to index
        %parallel_loop3A_168 = arith.constant 32 : index
        %parallel_loop3A_169 = tpu.vector_load %arg17[%parallel_loop3A_167, %parallel_loop3A_168] {strides = array<i32>} : memref<80x256xf32, #tpu.memory_space<vmem>>, vector<1x16xf32>,
        %parallel_loop3A_170 = vector.shape_cast %parallel_loop3A_169 : vector<1x16xf32> to vector<16xf32>
        %parallel_loop3A_171 = vector.shape_cast %parallel_loop3A_166 : vector<16xf32> to vector<1x16xf32>
        tpu.vector_store %arg17[%parallel_loop3A_167, %parallel_loop3A_168], %parallel_loop3A_171 {strides = array<i32>} : memref<80x256xf32, #tpu.memory_space<vmem>>, vector<1x16xf32>,
        %parallel_loop3A_172 = arith.constant 48 : i32
        %parallel_loop3A_173 = arith.addi %parallel_loop3A_141, %parallel_loop3A_172 : i32
        %parallel_loop3A_174 = arith.index_cast %parallel_loop3A_173 : i32 to index
        %parallel_loop3A_175 = tpu.vector_load %arg11[%parallel_loop3A_174] {strides = array<i32>} : memref<5120xf32, #tpu.memory_space<vmem>>, vector<16xf32>,
        %parallel_loop3A_176 = vector.shape_cast %parallel_loop3A_175 : vector<16xf32> to vector<16xf32>
        %parallel_loop3A_177 = arith.index_cast %parallel_loop3A_133 : i32 to index
        %parallel_loop3A_178 = arith.constant 48 : index
        %parallel_loop3A_179 = tpu.vector_load %arg17[%parallel_loop3A_177, %parallel_loop3A_178] {strides = array<i32>} : memref<80x256xf32, #tpu.memory_space<vmem>>, vector<1x16xf32>,
        %parallel_loop3A_180 = vector.shape_cast %parallel_loop3A_179 : vector<1x16xf32> to vector<16xf32>
        %parallel_loop3A_181 = vector.shape_cast %parallel_loop3A_176 : vector<16xf32> to vector<1x16xf32>
        tpu.vector_store %arg17[%parallel_loop3A_177, %parallel_loop3A_178], %parallel_loop3A_181 {strides = array<i32>} : memref<80x256xf32, #tpu.memory_space<vmem>>, vector<1x16xf32>,
        %parallel_loop3A_182 = arith.constant 64 : i32
        %parallel_loop3A_183 = arith.addi %parallel_loop3A_141, %parallel_loop3A_182 : i32
        %parallel_loop3A_184 = arith.index_cast %parallel_loop3A_183 : i32 to index
        %parallel_loop3A_185 = tpu.vector_load %arg11[%parallel_loop3A_184] {strides = array<i32>} : memref<5120xf32, #tpu.memory_space<vmem>>, vector<16xf32>,
        %parallel_loop3A_186 = vector.shape_cast %parallel_loop3A_185 : vector<16xf32> to vector<16xf32>
        %parallel_loop3A_187 = arith.index_cast %parallel_loop3A_133 : i32 to index
        %parallel_loop3A_188 = arith.constant 64 : index
        %parallel_loop3A_189 = tpu.vector_load %arg17[%parallel_loop3A_187, %parallel_loop3A_188] {strides = array<i32>} : memref<80x256xf32, #tpu.memory_space<vmem>>, vector<1x16xf32>,
        %parallel_loop3A_190 = vector.shape_cast %parallel_loop3A_189 : vector<1x16xf32> to vector<16xf32>
        %parallel_loop3A_191 = vector.shape_cast %parallel_loop3A_186 : vector<16xf32> to vector<1x16xf32>
        tpu.vector_store %arg17[%parallel_loop3A_187, %parallel_loop3A_188], %parallel_loop3A_191 {strides = array<i32>} : memref<80x256xf32, #tpu.memory_space<vmem>>, vector<1x16xf32>,
        %parallel_loop3A_192 = arith.constant 80 : i32
        %parallel_loop3A_193 = arith.addi %parallel_loop3A_141, %parallel_loop3A_192 : i32
        %parallel_loop3A_194 = arith.index_cast %parallel_loop3A_193 : i32 to index
        %parallel_loop3A_195 = tpu.vector_load %arg11[%parallel_loop3A_194] {strides = array<i32>} : memref<5120xf32, #tpu.memory_space<vmem>>, vector<16xf32>,
        %parallel_loop3A_196 = vector.shape_cast %parallel_loop3A_195 : vector<16xf32> to vector<16xf32>
        %parallel_loop3A_197 = arith.index_cast %parallel_loop3A_133 : i32 to index
        %parallel_loop3A_198 = arith.constant 80 : index
        %parallel_loop3A_199 = tpu.vector_load %arg17[%parallel_loop3A_197, %parallel_loop3A_198] {strides = array<i32>} : memref<80x256xf32, #tpu.memory_space<vmem>>, vector<1x16xf32>,
        %parallel_loop3A_200 = vector.shape_cast %parallel_loop3A_199 : vector<1x16xf32> to vector<16xf32>
        %parallel_loop3A_201 = vector.shape_cast %parallel_loop3A_196 : vector<16xf32> to vector<1x16xf32>
        tpu.vector_store %arg17[%parallel_loop3A_197, %parallel_loop3A_198], %parallel_loop3A_201 {strides = array<i32>} : memref<80x256xf32, #tpu.memory_space<vmem>>, vector<1x16xf32>,
        %parallel_loop3A_202 = arith.constant 96 : i32
        %parallel_loop3A_203 = arith.addi %parallel_loop3A_141, %parallel_loop3A_202 : i32
        %parallel_loop3A_204 = arith.index_cast %parallel_loop3A_203 : i32 to index
        %parallel_loop3A_205 = tpu.vector_load %arg11[%parallel_loop3A_204] {strides = array<i32>} : memref<5120xf32, #tpu.memory_space<vmem>>, vector<16xf32>,
        %parallel_loop3A_206 = vector.shape_cast %parallel_loop3A_205 : vector<16xf32> to vector<16xf32>
        %parallel_loop3A_207 = arith.index_cast %parallel_loop3A_133 : i32 to index
        %parallel_loop3A_208 = arith.constant 96 : index
        %parallel_loop3A_209 = tpu.vector_load %arg17[%parallel_loop3A_207, %parallel_loop3A_208] {strides = array<i32>} : memref<80x256xf32, #tpu.memory_space<vmem>>, vector<1x16xf32>,
        %parallel_loop3A_210 = vector.shape_cast %parallel_loop3A_209 : vector<1x16xf32> to vector<16xf32>
        %parallel_loop3A_211 = vector.shape_cast %parallel_loop3A_206 : vector<16xf32> to vector<1x16xf32>
        tpu.vector_store %arg17[%parallel_loop3A_207, %parallel_loop3A_208], %parallel_loop3A_211 {strides = array<i32>} : memref<80x256xf32, #tpu.memory_space<vmem>>, vector<1x16xf32>,
        %parallel_loop3A_212 = arith.constant 112 : i32
        %parallel_loop3A_213 = arith.addi %parallel_loop3A_141, %parallel_loop3A_212 : i32
        %parallel_loop3A_214 = arith.index_cast %parallel_loop3A_213 : i32 to index
        %parallel_loop3A_215 = tpu.vector_load %arg11[%parallel_loop3A_214] {strides = array<i32>} : memref<5120xf32, #tpu.memory_space<vmem>>, vector<16xf32>,
        %parallel_loop3A_216 = vector.shape_cast %parallel_loop3A_215 : vector<16xf32> to vector<16xf32>
        %parallel_loop3A_217 = arith.index_cast %parallel_loop3A_133 : i32 to index
        %parallel_loop3A_218 = arith.constant 112 : index
        %parallel_loop3A_219 = tpu.vector_load %arg17[%parallel_loop3A_217, %parallel_loop3A_218] {strides = array<i32>} : memref<80x256xf32, #tpu.memory_space<vmem>>, vector<1x16xf32>,
        %parallel_loop3A_220 = vector.shape_cast %parallel_loop3A_219 : vector<1x16xf32> to vector<16xf32>
        %parallel_loop3A_221 = vector.shape_cast %parallel_loop3A_216 : vector<16xf32> to vector<1x16xf32>
        tpu.vector_store %arg17[%parallel_loop3A_217, %parallel_loop3A_218], %parallel_loop3A_221 {strides = array<i32>} : memref<80x256xf32, #tpu.memory_space<vmem>>, vector<1x16xf32>,
        %parallel_loop3A_222 = arith.constant 128 : i32
        %parallel_loop3A_223 = arith.addi %parallel_loop3A_141, %parallel_loop3A_222 : i32
        %parallel_loop3A_224 = arith.index_cast %parallel_loop3A_223 : i32 to index
        %parallel_loop3A_225 = tpu.vector_load %arg11[%parallel_loop3A_224] {strides = array<i32>} : memref<5120xf32, #tpu.memory_space<vmem>>, vector<16xf32>,
        %parallel_loop3A_226 = vector.shape_cast %parallel_loop3A_225 : vector<16xf32> to vector<16xf32>
        %parallel_loop3A_227 = arith.index_cast %parallel_loop3A_133 : i32 to index
        %parallel_loop3A_228 = arith.constant 128 : index
        %parallel_loop3A_229 = tpu.vector_load %arg17[%parallel_loop3A_227, %parallel_loop3A_228] {strides = array<i32>} : memref<80x256xf32, #tpu.memory_space<vmem>>, vector<1x16xf32>,
        %parallel_loop3A_230 = vector.shape_cast %parallel_loop3A_229 : vector<1x16xf32> to vector<16xf32>
        %parallel_loop3A_231 = vector.shape_cast %parallel_loop3A_226 : vector<16xf32> to vector<1x16xf32>
        tpu.vector_store %arg17[%parallel_loop3A_227, %parallel_loop3A_228], %parallel_loop3A_231 {strides = array<i32>} : memref<80x256xf32, #tpu.memory_space<vmem>>, vector<1x16xf32>,
        %parallel_loop3A_232 = arith.constant 144 : i32
        %parallel_loop3A_233 = arith.addi %parallel_loop3A_141, %parallel_loop3A_232 : i32
        %parallel_loop3A_234 = arith.index_cast %parallel_loop3A_233 : i32 to index
        %parallel_loop3A_235 = tpu.vector_load %arg11[%parallel_loop3A_234] {strides = array<i32>} : memref<5120xf32, #tpu.memory_space<vmem>>, vector<16xf32>,
        %parallel_loop3A_236 = vector.shape_cast %parallel_loop3A_235 : vector<16xf32> to vector<16xf32>
        %parallel_loop3A_237 = arith.index_cast %parallel_loop3A_133 : i32 to index
        %parallel_loop3A_238 = arith.constant 144 : index
        %parallel_loop3A_239 = tpu.vector_load %arg17[%parallel_loop3A_237, %parallel_loop3A_238] {strides = array<i32>} : memref<80x256xf32, #tpu.memory_space<vmem>>, vector<1x16xf32>,
        %parallel_loop3A_240 = vector.shape_cast %parallel_loop3A_239 : vector<1x16xf32> to vector<16xf32>
        %parallel_loop3A_241 = vector.shape_cast %parallel_loop3A_236 : vector<16xf32> to vector<1x16xf32>
        tpu.vector_store %arg17[%parallel_loop3A_237, %parallel_loop3A_238], %parallel_loop3A_241 {strides = array<i32>} : memref<80x256xf32, #tpu.memory_space<vmem>>, vector<1x16xf32>,
        %parallel_loop3A_242 = arith.constant 160 : i32
        %parallel_loop3A_243 = arith.addi %parallel_loop3A_141, %parallel_loop3A_242 : i32
        %parallel_loop3A_244 = arith.index_cast %parallel_loop3A_243 : i32 to index
        %parallel_loop3A_245 = tpu.vector_load %arg11[%parallel_loop3A_244] {strides = array<i32>} : memref<5120xf32, #tpu.memory_space<vmem>>, vector<16xf32>,
        %parallel_loop3A_246 = vector.shape_cast %parallel_loop3A_245 : vector<16xf32> to vector<16xf32>
        %parallel_loop3A_247 = arith.index_cast %parallel_loop3A_133 : i32 to index
        %parallel_loop3A_248 = arith.constant 160 : index
        %parallel_loop3A_249 = tpu.vector_load %arg17[%parallel_loop3A_247, %parallel_loop3A_248] {strides = array<i32>} : memref<80x256xf32, #tpu.memory_space<vmem>>, vector<1x16xf32>,
        %parallel_loop3A_250 = vector.shape_cast %parallel_loop3A_249 : vector<1x16xf32> to vector<16xf32>
        %parallel_loop3A_251 = vector.shape_cast %parallel_loop3A_246 : vector<16xf32> to vector<1x16xf32>
        tpu.vector_store %arg17[%parallel_loop3A_247, %parallel_loop3A_248], %parallel_loop3A_251 {strides = array<i32>} : memref<80x256xf32, #tpu.memory_space<vmem>>, vector<1x16xf32>,
        %parallel_loop3A_252 = arith.constant 176 : i32
        %parallel_loop3A_253 = arith.addi %parallel_loop3A_141, %parallel_loop3A_252 : i32
        %parallel_loop3A_254 = arith.index_cast %parallel_loop3A_253 : i32 to index
        %parallel_loop3A_255 = tpu.vector_load %arg11[%parallel_loop3A_254] {strides = array<i32>} : memref<5120xf32, #tpu.memory_space<vmem>>, vector<16xf32>,
        %parallel_loop3A_256 = vector.shape_cast %parallel_loop3A_255 : vector<16xf32> to vector<16xf32>
        %parallel_loop3A_257 = arith.index_cast %parallel_loop3A_133 : i32 to index
        %parallel_loop3A_258 = arith.constant 176 : index
        %parallel_loop3A_259 = tpu.vector_load %arg17[%parallel_loop3A_257, %parallel_loop3A_258] {strides = array<i32>} : memref<80x256xf32, #tpu.memory_space<vmem>>, vector<1x16xf32>,
        %parallel_loop3A_260 = vector.shape_cast %parallel_loop3A_259 : vector<1x16xf32> to vector<16xf32>
        %parallel_loop3A_261 = vector.shape_cast %parallel_loop3A_256 : vector<16xf32> to vector<1x16xf32>
        tpu.vector_store %arg17[%parallel_loop3A_257, %parallel_loop3A_258], %parallel_loop3A_261 {strides = array<i32>} : memref<80x256xf32, #tpu.memory_space<vmem>>, vector<1x16xf32>,
        %parallel_loop3A_262 = arith.constant 192 : i32
        %parallel_loop3A_263 = arith.addi %parallel_loop3A_141, %parallel_loop3A_262 : i32
        %parallel_loop3A_264 = arith.index_cast %parallel_loop3A_263 : i32 to index
        %parallel_loop3A_265 = tpu.vector_load %arg11[%parallel_loop3A_264] {strides = array<i32>} : memref<5120xf32, #tpu.memory_space<vmem>>, vector<16xf32>,
        %parallel_loop3A_266 = vector.shape_cast %parallel_loop3A_265 : vector<16xf32> to vector<16xf32>
        %parallel_loop3A_267 = arith.index_cast %parallel_loop3A_133 : i32 to index
        %parallel_loop3A_268 = arith.constant 192 : index
        %parallel_loop3A_269 = tpu.vector_load %arg17[%parallel_loop3A_267, %parallel_loop3A_268] {strides = array<i32>} : memref<80x256xf32, #tpu.memory_space<vmem>>, vector<1x16xf32>,
        %parallel_loop3A_270 = vector.shape_cast %parallel_loop3A_269 : vector<1x16xf32> to vector<16xf32>
        %parallel_loop3A_271 = vector.shape_cast %parallel_loop3A_266 : vector<16xf32> to vector<1x16xf32>
        tpu.vector_store %arg17[%parallel_loop3A_267, %parallel_loop3A_268], %parallel_loop3A_271 {strides = array<i32>} : memref<80x256xf32, #tpu.memory_space<vmem>>, vector<1x16xf32>,
        %parallel_loop3A_272 = arith.constant 208 : i32
        %parallel_loop3A_273 = arith.addi %parallel_loop3A_141, %parallel_loop3A_272 : i32
        %parallel_loop3A_274 = arith.index_cast %parallel_loop3A_273 : i32 to index
        %parallel_loop3A_275 = tpu.vector_load %arg11[%parallel_loop3A_274] {strides = array<i32>} : memref<5120xf32, #tpu.memory_space<vmem>>, vector<16xf32>,
        %parallel_loop3A_276 = vector.shape_cast %parallel_loop3A_275 : vector<16xf32> to vector<16xf32>
        %parallel_loop3A_277 = arith.index_cast %parallel_loop3A_133 : i32 to index
        %parallel_loop3A_278 = arith.constant 208 : index
        %parallel_loop3A_279 = tpu.vector_load %arg17[%parallel_loop3A_277, %parallel_loop3A_278] {strides = array<i32>} : memref<80x256xf32, #tpu.memory_space<vmem>>, vector<1x16xf32>,
        %parallel_loop3A_280 = vector.shape_cast %parallel_loop3A_279 : vector<1x16xf32> to vector<16xf32>
        %parallel_loop3A_281 = vector.shape_cast %parallel_loop3A_276 : vector<16xf32> to vector<1x16xf32>
        tpu.vector_store %arg17[%parallel_loop3A_277, %parallel_loop3A_278], %parallel_loop3A_281 {strides = array<i32>} : memref<80x256xf32, #tpu.memory_space<vmem>>, vector<1x16xf32>,
        %parallel_loop3A_282 = arith.constant 224 : i32
        %parallel_loop3A_283 = arith.addi %parallel_loop3A_141, %parallel_loop3A_282 : i32
        %parallel_loop3A_284 = arith.index_cast %parallel_loop3A_283 : i32 to index
        %parallel_loop3A_285 = tpu.vector_load %arg11[%parallel_loop3A_284] {strides = array<i32>} : memref<5120xf32, #tpu.memory_space<vmem>>, vector<16xf32>,
        %parallel_loop3A_286 = vector.shape_cast %parallel_loop3A_285 : vector<16xf32> to vector<16xf32>
        %parallel_loop3A_287 = arith.index_cast %parallel_loop3A_133 : i32 to index
        %parallel_loop3A_288 = arith.constant 224 : index
        %parallel_loop3A_289 = tpu.vector_load %arg17[%parallel_loop3A_287, %parallel_loop3A_288] {strides = array<i32>} : memref<80x256xf32, #tpu.memory_space<vmem>>, vector<1x16xf32>,
        %parallel_loop3A_290 = vector.shape_cast %parallel_loop3A_289 : vector<1x16xf32> to vector<16xf32>
        %parallel_loop3A_291 = vector.shape_cast %parallel_loop3A_286 : vector<16xf32> to vector<1x16xf32>
        tpu.vector_store %arg17[%parallel_loop3A_287, %parallel_loop3A_288], %parallel_loop3A_291 {strides = array<i32>} : memref<80x256xf32, #tpu.memory_space<vmem>>, vector<1x16xf32>,
        %parallel_loop3A_292 = arith.constant 240 : i32
        %parallel_loop3A_293 = arith.addi %parallel_loop3A_141, %parallel_loop3A_292 : i32
        %parallel_loop3A_294 = arith.index_cast %parallel_loop3A_293 : i32 to index
        %parallel_loop3A_295 = tpu.vector_load %arg11[%parallel_loop3A_294] {strides = array<i32>} : memref<5120xf32, #tpu.memory_space<vmem>>, vector<16xf32>,
        %parallel_loop3A_296 = vector.shape_cast %parallel_loop3A_295 : vector<16xf32> to vector<16xf32>
        %parallel_loop3A_297 = arith.index_cast %parallel_loop3A_133 : i32 to index
        %parallel_loop3A_298 = arith.constant 240 : index
        %parallel_loop3A_299 = tpu.vector_load %arg17[%parallel_loop3A_297, %parallel_loop3A_298] {strides = array<i32>} : memref<80x256xf32, #tpu.memory_space<vmem>>, vector<1x16xf32>,
        %parallel_loop3A_300 = vector.shape_cast %parallel_loop3A_299 : vector<1x16xf32> to vector<16xf32>
        %parallel_loop3A_301 = vector.shape_cast %parallel_loop3A_296 : vector<16xf32> to vector<1x16xf32>
        tpu.vector_store %arg17[%parallel_loop3A_297, %parallel_loop3A_298], %parallel_loop3A_301 {strides = array<i32>} : memref<80x256xf32, #tpu.memory_space<vmem>>, vector<1x16xf32>,
      } {sc.loop_unroll_factor = 2 : i64, sc.parallel_access}
      %mul3A_98 = arith.constant 2 : i32
      %mul3A_99 = arith.muli %scan3A_87, %mul3A_98 : i32
      %add3A_100 = arith.constant 0 : i32
      %add3A_101 = arith.addi %mul3A_99, %add3A_100 : i32
      %mul3A_102 = arith.constant 80 : i32
      %mul3A_103 = arith.muli %add3A_101, %mul3A_102 : i32
      %add3A_104 = arith.addi %mul3A_2, %mul3A_103 : i32
      %dma_start3A_105 = arith.constant 0 : i32
      %dma_start3A_106 = tpu.memref_slice %arg10[%add3A_104, %dma_start3A_105] : memref<320000x256xf32, #tpu.memory_space<hbm>> -> memref<80x256xf32, #tpu.memory_space<hbm>>
      %dma_start3A_107 = arith.constant 0 : i32
      %dma_start3A_108 = tpu.memref_slice %arg10[%add3A_104, %dma_start3A_107] : memref<320000x256xf32, #tpu.memory_space<hbm>> -> memref<80x256xf32, #tpu.memory_space<hbm>>
      tpu.enqueue_dma source(%arg17 : memref<80x256xf32, #tpu.memory_space<vmem>>) target(%dma_start3A_108 : memref<80x256xf32, #tpu.memory_space<hbm>>) target_semaphore(%arg19 : memref<!tpu.dma_semaphore, #tpu.memory_space<semaphore_mem>>)
      %gt3A_109 = arith.constant 0 : i32
      %gt3A_110 = arith.cmpi sgt, %scan3A_87, %gt3A_109 : i32
      %convert_element_type3A_111 = arith.extui %gt3A_110 : i1 to i32
      %cond3A_112 = arith.constant 0 : i32
      %cond3A_113 = arith.cmpi ne, %convert_element_type3A_111, %cond3A_112 : i32
      scf.if %cond3A_113 {
        %dma_wait3A_133 = arith.constant 0 : i32
        %dma_wait3A_134 = tpu.memref_slice %arg10[%mul3A_2, %dma_wait3A_133] : memref<320000x256xf32, #tpu.memory_space<hbm>> -> memref<80x256xf32, #tpu.memory_space<hbm>>
        %dma_wait3A_135 = arith.constant 0 : i32
        %dma_wait3A_136 = tpu.memref_slice %arg10[%mul3A_2, %dma_wait3A_135] : memref<320000x256xf32, #tpu.memory_space<hbm>> -> memref<80x256xf32, #tpu.memory_space<hbm>>
        tpu.wait_dma2 semaphore(%arg20 : memref<!tpu.dma_semaphore, #tpu.memory_space<semaphore_mem>>) src(%arg18 : memref<80x256xf32, #tpu.memory_space<vmem>>) dst(%dma_wait3A_136 : memref<80x256xf32, #tpu.memory_space<hbm>>)
      } else {
      }
      %mul3A_114 = arith.constant 2 : i32
      %mul3A_115 = arith.muli %scan3A_87, %mul3A_114 : i32
      %add3A_116 = arith.constant 1 : i32
      %add3A_117 = arith.addi %mul3A_115, %add3A_116 : i32
      %parallel_loop3A_118 = arith.constant 0 : i32
      %parallel_loop3A_119 = arith.constant 80 : i32
      %parallel_loop3A_120 = arith.constant 1 : i32
      scf.for %parallel_loop3A_133 = %parallel_loop3A_118 to %parallel_loop3A_119 step %parallel_loop3A_120  : i32 {
        %parallel_loop3A_134 = arith.constant 80 : i32
        %parallel_loop3A_135 = arith.muli %add3A_117, %parallel_loop3A_134 : i32
        %parallel_loop3A_136 = arith.addi %parallel_loop3A_135, %parallel_loop3A_133 : i32
        %parallel_loop3A_137 = arith.index_cast %parallel_loop3A_136 : i32 to index
        %parallel_loop3A_138 = tpu.vector_load %arg14[%parallel_loop3A_137] {strides = array<i32>} : memref<10016xi32, #tpu.memory_space<vmem>>, vector<16xi32>,
        %parallel_loop3A_139 = vector.shape_cast %parallel_loop3A_138 : vector<16xi32> to vector<16xi32>
        %parallel_loop3A_140 = vector.extract_strided_slice %parallel_loop3A_139 {offsets = [0], sizes = [1], strides = [1]} : vector<16xi32> to vector<1xi32>
        %parallel_loop3A_141 = vector.extract %parallel_loop3A_140[0] : i32 from vector<1xi32>
        %parallel_loop3A_142 = arith.constant 0 : i32
        %parallel_loop3A_143 = arith.addi %parallel_loop3A_141, %parallel_loop3A_142 : i32
        %parallel_loop3A_144 = arith.index_cast %parallel_loop3A_143 : i32 to index
        %parallel_loop3A_145 = tpu.vector_load %arg11[%parallel_loop3A_144] {strides = array<i32>} : memref<5120xf32, #tpu.memory_space<vmem>>, vector<16xf32>,
        %parallel_loop3A_146 = vector.shape_cast %parallel_loop3A_145 : vector<16xf32> to vector<16xf32>
        %parallel_loop3A_147 = arith.index_cast %parallel_loop3A_133 : i32 to index
        %parallel_loop3A_148 = arith.constant 0 : index
        %parallel_loop3A_149 = tpu.vector_load %arg18[%parallel_loop3A_147, %parallel_loop3A_148] {strides = array<i32>} : memref<80x256xf32, #tpu.memory_space<vmem>>, vector<1x16xf32>,
        %parallel_loop3A_150 = vector.shape_cast %parallel_loop3A_149 : vector<1x16xf32> to vector<16xf32>
        %parallel_loop3A_151 = vector.shape_cast %parallel_loop3A_146 : vector<16xf32> to vector<1x16xf32>
        tpu.vector_store %arg18[%parallel_loop3A_147, %parallel_loop3A_148], %parallel_loop3A_151 {strides = array<i32>} : memref<80x256xf32, #tpu.memory_space<vmem>>, vector<1x16xf32>,
        %parallel_loop3A_152 = arith.constant 16 : i32
        %parallel_loop3A_153 = arith.addi %parallel_loop3A_141, %parallel_loop3A_152 : i32
        %parallel_loop3A_154 = arith.index_cast %parallel_loop3A_153 : i32 to index
        %parallel_loop3A_155 = tpu.vector_load %arg11[%parallel_loop3A_154] {strides = array<i32>} : memref<5120xf32, #tpu.memory_space<vmem>>, vector<16xf32>,
        %parallel_loop3A_156 = vector.shape_cast %parallel_loop3A_155 : vector<16xf32> to vector<16xf32>
        %parallel_loop3A_157 = arith.index_cast %parallel_loop3A_133 : i32 to index
        %parallel_loop3A_158 = arith.constant 16 : index
        %parallel_loop3A_159 = tpu.vector_load %arg18[%parallel_loop3A_157, %parallel_loop3A_158] {strides = array<i32>} : memref<80x256xf32, #tpu.memory_space<vmem>>, vector<1x16xf32>,
        %parallel_loop3A_160 = vector.shape_cast %parallel_loop3A_159 : vector<1x16xf32> to vector<16xf32>
        %parallel_loop3A_161 = vector.shape_cast %parallel_loop3A_156 : vector<16xf32> to vector<1x16xf32>
        tpu.vector_store %arg18[%parallel_loop3A_157, %parallel_loop3A_158], %parallel_loop3A_161 {strides = array<i32>} : memref<80x256xf32, #tpu.memory_space<vmem>>, vector<1x16xf32>,
        %parallel_loop3A_162 = arith.constant 32 : i32
        %parallel_loop3A_163 = arith.addi %parallel_loop3A_141, %parallel_loop3A_162 : i32
        %parallel_loop3A_164 = arith.index_cast %parallel_loop3A_163 : i32 to index
        %parallel_loop3A_165 = tpu.vector_load %arg11[%parallel_loop3A_164] {strides = array<i32>} : memref<5120xf32, #tpu.memory_space<vmem>>, vector<16xf32>,
        %parallel_loop3A_166 = vector.shape_cast %parallel_loop3A_165 : vector<16xf32> to vector<16xf32>
        %parallel_loop3A_167 = arith.index_cast %parallel_loop3A_133 : i32 to index
        %parallel_loop3A_168 = arith.constant 32 : index
        %parallel_loop3A_169 = tpu.vector_load %arg18[%parallel_loop3A_167, %parallel_loop3A_168] {strides = array<i32>} : memref<80x256xf32, #tpu.memory_space<vmem>>, vector<1x16xf32>,
        %parallel_loop3A_170 = vector.shape_cast %parallel_loop3A_169 : vector<1x16xf32> to vector<16xf32>
        %parallel_loop3A_171 = vector.shape_cast %parallel_loop3A_166 : vector<16xf32> to vector<1x16xf32>
        tpu.vector_store %arg18[%parallel_loop3A_167, %parallel_loop3A_168], %parallel_loop3A_171 {strides = array<i32>} : memref<80x256xf32, #tpu.memory_space<vmem>>, vector<1x16xf32>,
        %parallel_loop3A_172 = arith.constant 48 : i32
        %parallel_loop3A_173 = arith.addi %parallel_loop3A_141, %parallel_loop3A_172 : i32
        %parallel_loop3A_174 = arith.index_cast %parallel_loop3A_173 : i32 to index
        %parallel_loop3A_175 = tpu.vector_load %arg11[%parallel_loop3A_174] {strides = array<i32>} : memref<5120xf32, #tpu.memory_space<vmem>>, vector<16xf32>,
        %parallel_loop3A_176 = vector.shape_cast %parallel_loop3A_175 : vector<16xf32> to vector<16xf32>
        %parallel_loop3A_177 = arith.index_cast %parallel_loop3A_133 : i32 to index
        %parallel_loop3A_178 = arith.constant 48 : index
        %parallel_loop3A_179 = tpu.vector_load %arg18[%parallel_loop3A_177, %parallel_loop3A_178] {strides = array<i32>} : memref<80x256xf32, #tpu.memory_space<vmem>>, vector<1x16xf32>,
        %parallel_loop3A_180 = vector.shape_cast %parallel_loop3A_179 : vector<1x16xf32> to vector<16xf32>
        %parallel_loop3A_181 = vector.shape_cast %parallel_loop3A_176 : vector<16xf32> to vector<1x16xf32>
        tpu.vector_store %arg18[%parallel_loop3A_177, %parallel_loop3A_178], %parallel_loop3A_181 {strides = array<i32>} : memref<80x256xf32, #tpu.memory_space<vmem>>, vector<1x16xf32>,
        %parallel_loop3A_182 = arith.constant 64 : i32
        %parallel_loop3A_183 = arith.addi %parallel_loop3A_141, %parallel_loop3A_182 : i32
        %parallel_loop3A_184 = arith.index_cast %parallel_loop3A_183 : i32 to index
        %parallel_loop3A_185 = tpu.vector_load %arg11[%parallel_loop3A_184] {strides = array<i32>} : memref<5120xf32, #tpu.memory_space<vmem>>, vector<16xf32>,
        %parallel_loop3A_186 = vector.shape_cast %parallel_loop3A_185 : vector<16xf32> to vector<16xf32>
        %parallel_loop3A_187 = arith.index_cast %parallel_loop3A_133 : i32 to index
        %parallel_loop3A_188 = arith.constant 64 : index
        %parallel_loop3A_189 = tpu.vector_load %arg18[%parallel_loop3A_187, %parallel_loop3A_188] {strides = array<i32>} : memref<80x256xf32, #tpu.memory_space<vmem>>, vector<1x16xf32>,
        %parallel_loop3A_190 = vector.shape_cast %parallel_loop3A_189 : vector<1x16xf32> to vector<16xf32>
        %parallel_loop3A_191 = vector.shape_cast %parallel_loop3A_186 : vector<16xf32> to vector<1x16xf32>
        tpu.vector_store %arg18[%parallel_loop3A_187, %parallel_loop3A_188], %parallel_loop3A_191 {strides = array<i32>} : memref<80x256xf32, #tpu.memory_space<vmem>>, vector<1x16xf32>,
        %parallel_loop3A_192 = arith.constant 80 : i32
        %parallel_loop3A_193 = arith.addi %parallel_loop3A_141, %parallel_loop3A_192 : i32
        %parallel_loop3A_194 = arith.index_cast %parallel_loop3A_193 : i32 to index
        %parallel_loop3A_195 = tpu.vector_load %arg11[%parallel_loop3A_194] {strides = array<i32>} : memref<5120xf32, #tpu.memory_space<vmem>>, vector<16xf32>,
        %parallel_loop3A_196 = vector.shape_cast %parallel_loop3A_195 : vector<16xf32> to vector<16xf32>
        %parallel_loop3A_197 = arith.index_cast %parallel_loop3A_133 : i32 to index
        %parallel_loop3A_198 = arith.constant 80 : index
        %parallel_loop3A_199 = tpu.vector_load %arg18[%parallel_loop3A_197, %parallel_loop3A_198] {strides = array<i32>} : memref<80x256xf32, #tpu.memory_space<vmem>>, vector<1x16xf32>,
        %parallel_loop3A_200 = vector.shape_cast %parallel_loop3A_199 : vector<1x16xf32> to vector<16xf32>
        %parallel_loop3A_201 = vector.shape_cast %parallel_loop3A_196 : vector<16xf32> to vector<1x16xf32>
        tpu.vector_store %arg18[%parallel_loop3A_197, %parallel_loop3A_198], %parallel_loop3A_201 {strides = array<i32>} : memref<80x256xf32, #tpu.memory_space<vmem>>, vector<1x16xf32>,
        %parallel_loop3A_202 = arith.constant 96 : i32
        %parallel_loop3A_203 = arith.addi %parallel_loop3A_141, %parallel_loop3A_202 : i32
        %parallel_loop3A_204 = arith.index_cast %parallel_loop3A_203 : i32 to index
        %parallel_loop3A_205 = tpu.vector_load %arg11[%parallel_loop3A_204] {strides = array<i32>} : memref<5120xf32, #tpu.memory_space<vmem>>, vector<16xf32>,
        %parallel_loop3A_206 = vector.shape_cast %parallel_loop3A_205 : vector<16xf32> to vector<16xf32>
        %parallel_loop3A_207 = arith.index_cast %parallel_loop3A_133 : i32 to index
        %parallel_loop3A_208 = arith.constant 96 : index
        %parallel_loop3A_209 = tpu.vector_load %arg18[%parallel_loop3A_207, %parallel_loop3A_208] {strides = array<i32>} : memref<80x256xf32, #tpu.memory_space<vmem>>, vector<1x16xf32>,
        %parallel_loop3A_210 = vector.shape_cast %parallel_loop3A_209 : vector<1x16xf32> to vector<16xf32>
        %parallel_loop3A_211 = vector.shape_cast %parallel_loop3A_206 : vector<16xf32> to vector<1x16xf32>
        tpu.vector_store %arg18[%parallel_loop3A_207, %parallel_loop3A_208], %parallel_loop3A_211 {strides = array<i32>} : memref<80x256xf32, #tpu.memory_space<vmem>>, vector<1x16xf32>,
        %parallel_loop3A_212 = arith.constant 112 : i32
        %parallel_loop3A_213 = arith.addi %parallel_loop3A_141, %parallel_loop3A_212 : i32
        %parallel_loop3A_214 = arith.index_cast %parallel_loop3A_213 : i32 to index
        %parallel_loop3A_215 = tpu.vector_load %arg11[%parallel_loop3A_214] {strides = array<i32>} : memref<5120xf32, #tpu.memory_space<vmem>>, vector<16xf32>,
        %parallel_loop3A_216 = vector.shape_cast %parallel_loop3A_215 : vector<16xf32> to vector<16xf32>
        %parallel_loop3A_217 = arith.index_cast %parallel_loop3A_133 : i32 to index
        %parallel_loop3A_218 = arith.constant 112 : index
        %parallel_loop3A_219 = tpu.vector_load %arg18[%parallel_loop3A_217, %parallel_loop3A_218] {strides = array<i32>} : memref<80x256xf32, #tpu.memory_space<vmem>>, vector<1x16xf32>,
        %parallel_loop3A_220 = vector.shape_cast %parallel_loop3A_219 : vector<1x16xf32> to vector<16xf32>
        %parallel_loop3A_221 = vector.shape_cast %parallel_loop3A_216 : vector<16xf32> to vector<1x16xf32>
        tpu.vector_store %arg18[%parallel_loop3A_217, %parallel_loop3A_218], %parallel_loop3A_221 {strides = array<i32>} : memref<80x256xf32, #tpu.memory_space<vmem>>, vector<1x16xf32>,
        %parallel_loop3A_222 = arith.constant 128 : i32
        %parallel_loop3A_223 = arith.addi %parallel_loop3A_141, %parallel_loop3A_222 : i32
        %parallel_loop3A_224 = arith.index_cast %parallel_loop3A_223 : i32 to index
        %parallel_loop3A_225 = tpu.vector_load %arg11[%parallel_loop3A_224] {strides = array<i32>} : memref<5120xf32, #tpu.memory_space<vmem>>, vector<16xf32>,
        %parallel_loop3A_226 = vector.shape_cast %parallel_loop3A_225 : vector<16xf32> to vector<16xf32>
        %parallel_loop3A_227 = arith.index_cast %parallel_loop3A_133 : i32 to index
        %parallel_loop3A_228 = arith.constant 128 : index
        %parallel_loop3A_229 = tpu.vector_load %arg18[%parallel_loop3A_227, %parallel_loop3A_228] {strides = array<i32>} : memref<80x256xf32, #tpu.memory_space<vmem>>, vector<1x16xf32>,
        %parallel_loop3A_230 = vector.shape_cast %parallel_loop3A_229 : vector<1x16xf32> to vector<16xf32>
        %parallel_loop3A_231 = vector.shape_cast %parallel_loop3A_226 : vector<16xf32> to vector<1x16xf32>
        tpu.vector_store %arg18[%parallel_loop3A_227, %parallel_loop3A_228], %parallel_loop3A_231 {strides = array<i32>} : memref<80x256xf32, #tpu.memory_space<vmem>>, vector<1x16xf32>,
        %parallel_loop3A_232 = arith.constant 144 : i32
        %parallel_loop3A_233 = arith.addi %parallel_loop3A_141, %parallel_loop3A_232 : i32
        %parallel_loop3A_234 = arith.index_cast %parallel_loop3A_233 : i32 to index
        %parallel_loop3A_235 = tpu.vector_load %arg11[%parallel_loop3A_234] {strides = array<i32>} : memref<5120xf32, #tpu.memory_space<vmem>>, vector<16xf32>,
        %parallel_loop3A_236 = vector.shape_cast %parallel_loop3A_235 : vector<16xf32> to vector<16xf32>
        %parallel_loop3A_237 = arith.index_cast %parallel_loop3A_133 : i32 to index
        %parallel_loop3A_238 = arith.constant 144 : index
        %parallel_loop3A_239 = tpu.vector_load %arg18[%parallel_loop3A_237, %parallel_loop3A_238] {strides = array<i32>} : memref<80x256xf32, #tpu.memory_space<vmem>>, vector<1x16xf32>,
        %parallel_loop3A_240 = vector.shape_cast %parallel_loop3A_239 : vector<1x16xf32> to vector<16xf32>
        %parallel_loop3A_241 = vector.shape_cast %parallel_loop3A_236 : vector<16xf32> to vector<1x16xf32>
        tpu.vector_store %arg18[%parallel_loop3A_237, %parallel_loop3A_238], %parallel_loop3A_241 {strides = array<i32>} : memref<80x256xf32, #tpu.memory_space<vmem>>, vector<1x16xf32>,
        %parallel_loop3A_242 = arith.constant 160 : i32
        %parallel_loop3A_243 = arith.addi %parallel_loop3A_141, %parallel_loop3A_242 : i32
        %parallel_loop3A_244 = arith.index_cast %parallel_loop3A_243 : i32 to index
        %parallel_loop3A_245 = tpu.vector_load %arg11[%parallel_loop3A_244] {strides = array<i32>} : memref<5120xf32, #tpu.memory_space<vmem>>, vector<16xf32>,
        %parallel_loop3A_246 = vector.shape_cast %parallel_loop3A_245 : vector<16xf32> to vector<16xf32>
        %parallel_loop3A_247 = arith.index_cast %parallel_loop3A_133 : i32 to index
        %parallel_loop3A_248 = arith.constant 160 : index
        %parallel_loop3A_249 = tpu.vector_load %arg18[%parallel_loop3A_247, %parallel_loop3A_248] {strides = array<i32>} : memref<80x256xf32, #tpu.memory_space<vmem>>, vector<1x16xf32>,
        %parallel_loop3A_250 = vector.shape_cast %parallel_loop3A_249 : vector<1x16xf32> to vector<16xf32>
        %parallel_loop3A_251 = vector.shape_cast %parallel_loop3A_246 : vector<16xf32> to vector<1x16xf32>
        tpu.vector_store %arg18[%parallel_loop3A_247, %parallel_loop3A_248], %parallel_loop3A_251 {strides = array<i32>} : memref<80x256xf32, #tpu.memory_space<vmem>>, vector<1x16xf32>,
        %parallel_loop3A_252 = arith.constant 176 : i32
        %parallel_loop3A_253 = arith.addi %parallel_loop3A_141, %parallel_loop3A_252 : i32
        %parallel_loop3A_254 = arith.index_cast %parallel_loop3A_253 : i32 to index
        %parallel_loop3A_255 = tpu.vector_load %arg11[%parallel_loop3A_254] {strides = array<i32>} : memref<5120xf32, #tpu.memory_space<vmem>>, vector<16xf32>,
        %parallel_loop3A_256 = vector.shape_cast %parallel_loop3A_255 : vector<16xf32> to vector<16xf32>
        %parallel_loop3A_257 = arith.index_cast %parallel_loop3A_133 : i32 to index
        %parallel_loop3A_258 = arith.constant 176 : index
        %parallel_loop3A_259 = tpu.vector_load %arg18[%parallel_loop3A_257, %parallel_loop3A_258] {strides = array<i32>} : memref<80x256xf32, #tpu.memory_space<vmem>>, vector<1x16xf32>,
        %parallel_loop3A_260 = vector.shape_cast %parallel_loop3A_259 : vector<1x16xf32> to vector<16xf32>
        %parallel_loop3A_261 = vector.shape_cast %parallel_loop3A_256 : vector<16xf32> to vector<1x16xf32>
        tpu.vector_store %arg18[%parallel_loop3A_257, %parallel_loop3A_258], %parallel_loop3A_261 {strides = array<i32>} : memref<80x256xf32, #tpu.memory_space<vmem>>, vector<1x16xf32>,
        %parallel_loop3A_262 = arith.constant 192 : i32
        %parallel_loop3A_263 = arith.addi %parallel_loop3A_141, %parallel_loop3A_262 : i32
        %parallel_loop3A_264 = arith.index_cast %parallel_loop3A_263 : i32 to index
        %parallel_loop3A_265 = tpu.vector_load %arg11[%parallel_loop3A_264] {strides = array<i32>} : memref<5120xf32, #tpu.memory_space<vmem>>, vector<16xf32>,
        %parallel_loop3A_266 = vector.shape_cast %parallel_loop3A_265 : vector<16xf32> to vector<16xf32>
        %parallel_loop3A_267 = arith.index_cast %parallel_loop3A_133 : i32 to index
        %parallel_loop3A_268 = arith.constant 192 : index
        %parallel_loop3A_269 = tpu.vector_load %arg18[%parallel_loop3A_267, %parallel_loop3A_268] {strides = array<i32>} : memref<80x256xf32, #tpu.memory_space<vmem>>, vector<1x16xf32>,
        %parallel_loop3A_270 = vector.shape_cast %parallel_loop3A_269 : vector<1x16xf32> to vector<16xf32>
        %parallel_loop3A_271 = vector.shape_cast %parallel_loop3A_266 : vector<16xf32> to vector<1x16xf32>
        tpu.vector_store %arg18[%parallel_loop3A_267, %parallel_loop3A_268], %parallel_loop3A_271 {strides = array<i32>} : memref<80x256xf32, #tpu.memory_space<vmem>>, vector<1x16xf32>,
        %parallel_loop3A_272 = arith.constant 208 : i32
        %parallel_loop3A_273 = arith.addi %parallel_loop3A_141, %parallel_loop3A_272 : i32
        %parallel_loop3A_274 = arith.index_cast %parallel_loop3A_273 : i32 to index
        %parallel_loop3A_275 = tpu.vector_load %arg11[%parallel_loop3A_274] {strides = array<i32>} : memref<5120xf32, #tpu.memory_space<vmem>>, vector<16xf32>,
        %parallel_loop3A_276 = vector.shape_cast %parallel_loop3A_275 : vector<16xf32> to vector<16xf32>
        %parallel_loop3A_277 = arith.index_cast %parallel_loop3A_133 : i32 to index
        %parallel_loop3A_278 = arith.constant 208 : index
        %parallel_loop3A_279 = tpu.vector_load %arg18[%parallel_loop3A_277, %parallel_loop3A_278] {strides = array<i32>} : memref<80x256xf32, #tpu.memory_space<vmem>>, vector<1x16xf32>,
        %parallel_loop3A_280 = vector.shape_cast %parallel_loop3A_279 : vector<1x16xf32> to vector<16xf32>
        %parallel_loop3A_281 = vector.shape_cast %parallel_loop3A_276 : vector<16xf32> to vector<1x16xf32>
        tpu.vector_store %arg18[%parallel_loop3A_277, %parallel_loop3A_278], %parallel_loop3A_281 {strides = array<i32>} : memref<80x256xf32, #tpu.memory_space<vmem>>, vector<1x16xf32>,
        %parallel_loop3A_282 = arith.constant 224 : i32
        %parallel_loop3A_283 = arith.addi %parallel_loop3A_141, %parallel_loop3A_282 : i32
        %parallel_loop3A_284 = arith.index_cast %parallel_loop3A_283 : i32 to index
        %parallel_loop3A_285 = tpu.vector_load %arg11[%parallel_loop3A_284] {strides = array<i32>} : memref<5120xf32, #tpu.memory_space<vmem>>, vector<16xf32>,
        %parallel_loop3A_286 = vector.shape_cast %parallel_loop3A_285 : vector<16xf32> to vector<16xf32>
        %parallel_loop3A_287 = arith.index_cast %parallel_loop3A_133 : i32 to index
        %parallel_loop3A_288 = arith.constant 224 : index
        %parallel_loop3A_289 = tpu.vector_load %arg18[%parallel_loop3A_287, %parallel_loop3A_288] {strides = array<i32>} : memref<80x256xf32, #tpu.memory_space<vmem>>, vector<1x16xf32>,
        %parallel_loop3A_290 = vector.shape_cast %parallel_loop3A_289 : vector<1x16xf32> to vector<16xf32>
        %parallel_loop3A_291 = vector.shape_cast %parallel_loop3A_286 : vector<16xf32> to vector<1x16xf32>
        tpu.vector_store %arg18[%parallel_loop3A_287, %parallel_loop3A_288], %parallel_loop3A_291 {strides = array<i32>} : memref<80x256xf32, #tpu.memory_space<vmem>>, vector<1x16xf32>,
        %parallel_loop3A_292 = arith.constant 240 : i32
        %parallel_loop3A_293 = arith.addi %parallel_loop3A_141, %parallel_loop3A_292 : i32
        %parallel_loop3A_294 = arith.index_cast %parallel_loop3A_293 : i32 to index
        %parallel_loop3A_295 = tpu.vector_load %arg11[%parallel_loop3A_294] {strides = array<i32>} : memref<5120xf32, #tpu.memory_space<vmem>>, vector<16xf32>,
        %parallel_loop3A_296 = vector.shape_cast %parallel_loop3A_295 : vector<16xf32> to vector<16xf32>
        %parallel_loop3A_297 = arith.index_cast %parallel_loop3A_133 : i32 to index
        %parallel_loop3A_298 = arith.constant 240 : index
        %parallel_loop3A_299 = tpu.vector_load %arg18[%parallel_loop3A_297, %parallel_loop3A_298] {strides = array<i32>} : memref<80x256xf32, #tpu.memory_space<vmem>>, vector<1x16xf32>,
        %parallel_loop3A_300 = vector.shape_cast %parallel_loop3A_299 : vector<1x16xf32> to vector<16xf32>
        %parallel_loop3A_301 = vector.shape_cast %parallel_loop3A_296 : vector<16xf32> to vector<1x16xf32>
        tpu.vector_store %arg18[%parallel_loop3A_297, %parallel_loop3A_298], %parallel_loop3A_301 {strides = array<i32>} : memref<80x256xf32, #tpu.memory_space<vmem>>, vector<1x16xf32>,
      } {sc.loop_unroll_factor = 2 : i64, sc.parallel_access}
      %mul3A_121 = arith.constant 2 : i32
      %mul3A_122 = arith.muli %scan3A_87, %mul3A_121 : i32
      %add3A_123 = arith.constant 1 : i32
      %add3A_124 = arith.addi %mul3A_122, %add3A_123 : i32
      %mul3A_125 = arith.constant 80 : i32
      %mul3A_126 = arith.muli %add3A_124, %mul3A_125 : i32
      %add3A_127 = arith.addi %mul3A_2, %mul3A_126 : i32
      %dma_start3A_128 = arith.constant 0 : i32
      %dma_start3A_129 = tpu.memref_slice %arg10[%add3A_127, %dma_start3A_128] : memref<320000x256xf32, #tpu.memory_space<hbm>> -> memref<80x256xf32, #tpu.memory_space<hbm>>
      %dma_start3A_130 = arith.constant 0 : i32
      %dma_start3A_131 = tpu.memref_slice %arg10[%add3A_127, %dma_start3A_130] : memref<320000x256xf32, #tpu.memory_space<hbm>> -> memref<80x256xf32, #tpu.memory_space<hbm>>
      tpu.enqueue_dma source(%arg18 : memref<80x256xf32, #tpu.memory_space<vmem>>) target(%dma_start3A_131 : memref<80x256xf32, #tpu.memory_space<hbm>>) target_semaphore(%arg20 : memref<!tpu.dma_semaphore, #tpu.memory_space<semaphore_mem>>)
      %scan3A_132 = arith.constant 0 : i32
      scf.yield %scan3A_132 : i32
    }
    %scan3A_15 = arith.constant 62 : i32
    %dma_wait3A = arith.constant 0 : i32
    %dma_wait3A_16 = tpu.memref_slice %arg10[%mul3A_2, %dma_wait3A] : memref<320000x256xf32, #tpu.memory_space<hbm>> -> memref<80x256xf32, #tpu.memory_space<hbm>>
    %dma_wait3A_17 = arith.constant 0 : i32
    %dma_wait3A_18 = tpu.memref_slice %arg10[%mul3A_2, %dma_wait3A_17] : memref<320000x256xf32, #tpu.memory_space<hbm>> -> memref<80x256xf32, #tpu.memory_space<hbm>>
    tpu.wait_dma2 semaphore(%arg19 : memref<!tpu.dma_semaphore, #tpu.memory_space<semaphore_mem>>) src(%arg17 : memref<80x256xf32, #tpu.memory_space<vmem>>) dst(%dma_wait3A_18 : memref<80x256xf32, #tpu.memory_space<hbm>>)
    %parallel_loop3A_19 = arith.constant 0 : i32
    %parallel_loop3A_20 = arith.constant 80 : i32
    %parallel_loop3A_21 = arith.constant 1 : i32
    scf.for %parallel_loop3A_87 = %parallel_loop3A_19 to %parallel_loop3A_20 step %parallel_loop3A_21  : i32 {
      %parallel_loop3A_88 = arith.constant 9920 : i32
      %parallel_loop3A_89 = arith.addi %parallel_loop3A_88, %parallel_loop3A_87 : i32
      %parallel_loop3A_90 = arith.index_cast %parallel_loop3A_89 : i32 to index
      %parallel_loop3A_91 = tpu.vector_load %arg14[%parallel_loop3A_90] {strides = array<i32>} : memref<10016xi32, #tpu.memory_space<vmem>>, vector<16xi32>,
      %parallel_loop3A_92 = vector.shape_cast %parallel_loop3A_91 : vector<16xi32> to vector<16xi32>
      %parallel_loop3A_93 = vector.extract_strided_slice %parallel_loop3A_92 {offsets = [0], sizes = [1], strides = [1]} : vector<16xi32> to vector<1xi32>
      %parallel_loop3A_94 = vector.extract %parallel_loop3A_93[0] : i32 from vector<1xi32>
      %parallel_loop3A_95 = arith.constant 0 : i32
      %parallel_loop3A_96 = arith.addi %parallel_loop3A_94, %parallel_loop3A_95 : i32
      %parallel_loop3A_97 = arith.index_cast %parallel_loop3A_96 : i32 to index
      %parallel_loop3A_98 = tpu.vector_load %arg11[%parallel_loop3A_97] {strides = array<i32>} : memref<5120xf32, #tpu.memory_space<vmem>>, vector<16xf32>,
      %parallel_loop3A_99 = vector.shape_cast %parallel_loop3A_98 : vector<16xf32> to vector<16xf32>
      %parallel_loop3A_100 = arith.index_cast %parallel_loop3A_87 : i32 to index
      %parallel_loop3A_101 = arith.constant 0 : index
      %parallel_loop3A_102 = tpu.vector_load %arg17[%parallel_loop3A_100, %parallel_loop3A_101] {strides = array<i32>} : memref<80x256xf32, #tpu.memory_space<vmem>>, vector<1x16xf32>,
      %parallel_loop3A_103 = vector.shape_cast %parallel_loop3A_102 : vector<1x16xf32> to vector<16xf32>
      %parallel_loop3A_104 = vector.shape_cast %parallel_loop3A_99 : vector<16xf32> to vector<1x16xf32>
      tpu.vector_store %arg17[%parallel_loop3A_100, %parallel_loop3A_101], %parallel_loop3A_104 {strides = array<i32>} : memref<80x256xf32, #tpu.memory_space<vmem>>, vector<1x16xf32>,
      %parallel_loop3A_105 = arith.constant 16 : i32
      %parallel_loop3A_106 = arith.addi %parallel_loop3A_94, %parallel_loop3A_105 : i32
      %parallel_loop3A_107 = arith.index_cast %parallel_loop3A_106 : i32 to index
      %parallel_loop3A_108 = tpu.vector_load %arg11[%parallel_loop3A_107] {strides = array<i32>} : memref<5120xf32, #tpu.memory_space<vmem>>, vector<16xf32>,
      %parallel_loop3A_109 = vector.shape_cast %parallel_loop3A_108 : vector<16xf32> to vector<16xf32>
      %parallel_loop3A_110 = arith.index_cast %parallel_loop3A_87 : i32 to index
      %parallel_loop3A_111 = arith.constant 16 : index
      %parallel_loop3A_112 = tpu.vector_load %arg17[%parallel_loop3A_110, %parallel_loop3A_111] {strides = array<i32>} : memref<80x256xf32, #tpu.memory_space<vmem>>, vector<1x16xf32>,
      %parallel_loop3A_113 = vector.shape_cast %parallel_loop3A_112 : vector<1x16xf32> to vector<16xf32>
      %parallel_loop3A_114 = vector.shape_cast %parallel_loop3A_109 : vector<16xf32> to vector<1x16xf32>
      tpu.vector_store %arg17[%parallel_loop3A_110, %parallel_loop3A_111], %parallel_loop3A_114 {strides = array<i32>} : memref<80x256xf32, #tpu.memory_space<vmem>>, vector<1x16xf32>,
      %parallel_loop3A_115 = arith.constant 32 : i32
      %parallel_loop3A_116 = arith.addi %parallel_loop3A_94, %parallel_loop3A_115 : i32
      %parallel_loop3A_117 = arith.index_cast %parallel_loop3A_116 : i32 to index
      %parallel_loop3A_118 = tpu.vector_load %arg11[%parallel_loop3A_117] {strides = array<i32>} : memref<5120xf32, #tpu.memory_space<vmem>>, vector<16xf32>,
      %parallel_loop3A_119 = vector.shape_cast %parallel_loop3A_118 : vector<16xf32> to vector<16xf32>
      %parallel_loop3A_120 = arith.index_cast %parallel_loop3A_87 : i32 to index
      %parallel_loop3A_121 = arith.constant 32 : index
      %parallel_loop3A_122 = tpu.vector_load %arg17[%parallel_loop3A_120, %parallel_loop3A_121] {strides = array<i32>} : memref<80x256xf32, #tpu.memory_space<vmem>>, vector<1x16xf32>,
      %parallel_loop3A_123 = vector.shape_cast %parallel_loop3A_122 : vector<1x16xf32> to vector<16xf32>
      %parallel_loop3A_124 = vector.shape_cast %parallel_loop3A_119 : vector<16xf32> to vector<1x16xf32>
      tpu.vector_store %arg17[%parallel_loop3A_120, %parallel_loop3A_121], %parallel_loop3A_124 {strides = array<i32>} : memref<80x256xf32, #tpu.memory_space<vmem>>, vector<1x16xf32>,
      %parallel_loop3A_125 = arith.constant 48 : i32
      %parallel_loop3A_126 = arith.addi %parallel_loop3A_94, %parallel_loop3A_125 : i32
      %parallel_loop3A_127 = arith.index_cast %parallel_loop3A_126 : i32 to index
      %parallel_loop3A_128 = tpu.vector_load %arg11[%parallel_loop3A_127] {strides = array<i32>} : memref<5120xf32, #tpu.memory_space<vmem>>, vector<16xf32>,
      %parallel_loop3A_129 = vector.shape_cast %parallel_loop3A_128 : vector<16xf32> to vector<16xf32>
      %parallel_loop3A_130 = arith.index_cast %parallel_loop3A_87 : i32 to index
      %parallel_loop3A_131 = arith.constant 48 : index
      %parallel_loop3A_132 = tpu.vector_load %arg17[%parallel_loop3A_130, %parallel_loop3A_131] {strides = array<i32>} : memref<80x256xf32, #tpu.memory_space<vmem>>, vector<1x16xf32>,
      %parallel_loop3A_133 = vector.shape_cast %parallel_loop3A_132 : vector<1x16xf32> to vector<16xf32>
      %parallel_loop3A_134 = vector.shape_cast %parallel_loop3A_129 : vector<16xf32> to vector<1x16xf32>
      tpu.vector_store %arg17[%parallel_loop3A_130, %parallel_loop3A_131], %parallel_loop3A_134 {strides = array<i32>} : memref<80x256xf32, #tpu.memory_space<vmem>>, vector<1x16xf32>,
      %parallel_loop3A_135 = arith.constant 64 : i32
      %parallel_loop3A_136 = arith.addi %parallel_loop3A_94, %parallel_loop3A_135 : i32
      %parallel_loop3A_137 = arith.index_cast %parallel_loop3A_136 : i32 to index
      %parallel_loop3A_138 = tpu.vector_load %arg11[%parallel_loop3A_137] {strides = array<i32>} : memref<5120xf32, #tpu.memory_space<vmem>>, vector<16xf32>,
      %parallel_loop3A_139 = vector.shape_cast %parallel_loop3A_138 : vector<16xf32> to vector<16xf32>
      %parallel_loop3A_140 = arith.index_cast %parallel_loop3A_87 : i32 to index
      %parallel_loop3A_141 = arith.constant 64 : index
      %parallel_loop3A_142 = tpu.vector_load %arg17[%parallel_loop3A_140, %parallel_loop3A_141] {strides = array<i32>} : memref<80x256xf32, #tpu.memory_space<vmem>>, vector<1x16xf32>,
      %parallel_loop3A_143 = vector.shape_cast %parallel_loop3A_142 : vector<1x16xf32> to vector<16xf32>
      %parallel_loop3A_144 = vector.shape_cast %parallel_loop3A_139 : vector<16xf32> to vector<1x16xf32>
      tpu.vector_store %arg17[%parallel_loop3A_140, %parallel_loop3A_141], %parallel_loop3A_144 {strides = array<i32>} : memref<80x256xf32, #tpu.memory_space<vmem>>, vector<1x16xf32>,
      %parallel_loop3A_145 = arith.constant 80 : i32
      %parallel_loop3A_146 = arith.addi %parallel_loop3A_94, %parallel_loop3A_145 : i32
      %parallel_loop3A_147 = arith.index_cast %parallel_loop3A_146 : i32 to index
      %parallel_loop3A_148 = tpu.vector_load %arg11[%parallel_loop3A_147] {strides = array<i32>} : memref<5120xf32, #tpu.memory_space<vmem>>, vector<16xf32>,
      %parallel_loop3A_149 = vector.shape_cast %parallel_loop3A_148 : vector<16xf32> to vector<16xf32>
      %parallel_loop3A_150 = arith.index_cast %parallel_loop3A_87 : i32 to index
      %parallel_loop3A_151 = arith.constant 80 : index
      %parallel_loop3A_152 = tpu.vector_load %arg17[%parallel_loop3A_150, %parallel_loop3A_151] {strides = array<i32>} : memref<80x256xf32, #tpu.memory_space<vmem>>, vector<1x16xf32>,
      %parallel_loop3A_153 = vector.shape_cast %parallel_loop3A_152 : vector<1x16xf32> to vector<16xf32>
      %parallel_loop3A_154 = vector.shape_cast %parallel_loop3A_149 : vector<16xf32> to vector<1x16xf32>
      tpu.vector_store %arg17[%parallel_loop3A_150, %parallel_loop3A_151], %parallel_loop3A_154 {strides = array<i32>} : memref<80x256xf32, #tpu.memory_space<vmem>>, vector<1x16xf32>,
      %parallel_loop3A_155 = arith.constant 96 : i32
      %parallel_loop3A_156 = arith.addi %parallel_loop3A_94, %parallel_loop3A_155 : i32
      %parallel_loop3A_157 = arith.index_cast %parallel_loop3A_156 : i32 to index
      %parallel_loop3A_158 = tpu.vector_load %arg11[%parallel_loop3A_157] {strides = array<i32>} : memref<5120xf32, #tpu.memory_space<vmem>>, vector<16xf32>,
      %parallel_loop3A_159 = vector.shape_cast %parallel_loop3A_158 : vector<16xf32> to vector<16xf32>
      %parallel_loop3A_160 = arith.index_cast %parallel_loop3A_87 : i32 to index
      %parallel_loop3A_161 = arith.constant 96 : index
      %parallel_loop3A_162 = tpu.vector_load %arg17[%parallel_loop3A_160, %parallel_loop3A_161] {strides = array<i32>} : memref<80x256xf32, #tpu.memory_space<vmem>>, vector<1x16xf32>,
      %parallel_loop3A_163 = vector.shape_cast %parallel_loop3A_162 : vector<1x16xf32> to vector<16xf32>
      %parallel_loop3A_164 = vector.shape_cast %parallel_loop3A_159 : vector<16xf32> to vector<1x16xf32>
      tpu.vector_store %arg17[%parallel_loop3A_160, %parallel_loop3A_161], %parallel_loop3A_164 {strides = array<i32>} : memref<80x256xf32, #tpu.memory_space<vmem>>, vector<1x16xf32>,
      %parallel_loop3A_165 = arith.constant 112 : i32
      %parallel_loop3A_166 = arith.addi %parallel_loop3A_94, %parallel_loop3A_165 : i32
      %parallel_loop3A_167 = arith.index_cast %parallel_loop3A_166 : i32 to index
      %parallel_loop3A_168 = tpu.vector_load %arg11[%parallel_loop3A_167] {strides = array<i32>} : memref<5120xf32, #tpu.memory_space<vmem>>, vector<16xf32>,
      %parallel_loop3A_169 = vector.shape_cast %parallel_loop3A_168 : vector<16xf32> to vector<16xf32>
      %parallel_loop3A_170 = arith.index_cast %parallel_loop3A_87 : i32 to index
      %parallel_loop3A_171 = arith.constant 112 : index
      %parallel_loop3A_172 = tpu.vector_load %arg17[%parallel_loop3A_170, %parallel_loop3A_171] {strides = array<i32>} : memref<80x256xf32, #tpu.memory_space<vmem>>, vector<1x16xf32>,
      %parallel_loop3A_173 = vector.shape_cast %parallel_loop3A_172 : vector<1x16xf32> to vector<16xf32>
      %parallel_loop3A_174 = vector.shape_cast %parallel_loop3A_169 : vector<16xf32> to vector<1x16xf32>
      tpu.vector_store %arg17[%parallel_loop3A_170, %parallel_loop3A_171], %parallel_loop3A_174 {strides = array<i32>} : memref<80x256xf32, #tpu.memory_space<vmem>>, vector<1x16xf32>,
      %parallel_loop3A_175 = arith.constant 128 : i32
      %parallel_loop3A_176 = arith.addi %parallel_loop3A_94, %parallel_loop3A_175 : i32
      %parallel_loop3A_177 = arith.index_cast %parallel_loop3A_176 : i32 to index
      %parallel_loop3A_178 = tpu.vector_load %arg11[%parallel_loop3A_177] {strides = array<i32>} : memref<5120xf32, #tpu.memory_space<vmem>>, vector<16xf32>,
      %parallel_loop3A_179 = vector.shape_cast %parallel_loop3A_178 : vector<16xf32> to vector<16xf32>
      %parallel_loop3A_180 = arith.index_cast %parallel_loop3A_87 : i32 to index
      %parallel_loop3A_181 = arith.constant 128 : index
      %parallel_loop3A_182 = tpu.vector_load %arg17[%parallel_loop3A_180, %parallel_loop3A_181] {strides = array<i32>} : memref<80x256xf32, #tpu.memory_space<vmem>>, vector<1x16xf32>,
      %parallel_loop3A_183 = vector.shape_cast %parallel_loop3A_182 : vector<1x16xf32> to vector<16xf32>
      %parallel_loop3A_184 = vector.shape_cast %parallel_loop3A_179 : vector<16xf32> to vector<1x16xf32>
      tpu.vector_store %arg17[%parallel_loop3A_180, %parallel_loop3A_181], %parallel_loop3A_184 {strides = array<i32>} : memref<80x256xf32, #tpu.memory_space<vmem>>, vector<1x16xf32>,
      %parallel_loop3A_185 = arith.constant 144 : i32
      %parallel_loop3A_186 = arith.addi %parallel_loop3A_94, %parallel_loop3A_185 : i32
      %parallel_loop3A_187 = arith.index_cast %parallel_loop3A_186 : i32 to index
      %parallel_loop3A_188 = tpu.vector_load %arg11[%parallel_loop3A_187] {strides = array<i32>} : memref<5120xf32, #tpu.memory_space<vmem>>, vector<16xf32>,
      %parallel_loop3A_189 = vector.shape_cast %parallel_loop3A_188 : vector<16xf32> to vector<16xf32>
      %parallel_loop3A_190 = arith.index_cast %parallel_loop3A_87 : i32 to index
      %parallel_loop3A_191 = arith.constant 144 : index
      %parallel_loop3A_192 = tpu.vector_load %arg17[%parallel_loop3A_190, %parallel_loop3A_191] {strides = array<i32>} : memref<80x256xf32, #tpu.memory_space<vmem>>, vector<1x16xf32>,
      %parallel_loop3A_193 = vector.shape_cast %parallel_loop3A_192 : vector<1x16xf32> to vector<16xf32>
      %parallel_loop3A_194 = vector.shape_cast %parallel_loop3A_189 : vector<16xf32> to vector<1x16xf32>
      tpu.vector_store %arg17[%parallel_loop3A_190, %parallel_loop3A_191], %parallel_loop3A_194 {strides = array<i32>} : memref<80x256xf32, #tpu.memory_space<vmem>>, vector<1x16xf32>,
      %parallel_loop3A_195 = arith.constant 160 : i32
      %parallel_loop3A_196 = arith.addi %parallel_loop3A_94, %parallel_loop3A_195 : i32
      %parallel_loop3A_197 = arith.index_cast %parallel_loop3A_196 : i32 to index
      %parallel_loop3A_198 = tpu.vector_load %arg11[%parallel_loop3A_197] {strides = array<i32>} : memref<5120xf32, #tpu.memory_space<vmem>>, vector<16xf32>,
      %parallel_loop3A_199 = vector.shape_cast %parallel_loop3A_198 : vector<16xf32> to vector<16xf32>
      %parallel_loop3A_200 = arith.index_cast %parallel_loop3A_87 : i32 to index
      %parallel_loop3A_201 = arith.constant 160 : index
      %parallel_loop3A_202 = tpu.vector_load %arg17[%parallel_loop3A_200, %parallel_loop3A_201] {strides = array<i32>} : memref<80x256xf32, #tpu.memory_space<vmem>>, vector<1x16xf32>,
      %parallel_loop3A_203 = vector.shape_cast %parallel_loop3A_202 : vector<1x16xf32> to vector<16xf32>
      %parallel_loop3A_204 = vector.shape_cast %parallel_loop3A_199 : vector<16xf32> to vector<1x16xf32>
      tpu.vector_store %arg17[%parallel_loop3A_200, %parallel_loop3A_201], %parallel_loop3A_204 {strides = array<i32>} : memref<80x256xf32, #tpu.memory_space<vmem>>, vector<1x16xf32>,
      %parallel_loop3A_205 = arith.constant 176 : i32
      %parallel_loop3A_206 = arith.addi %parallel_loop3A_94, %parallel_loop3A_205 : i32
      %parallel_loop3A_207 = arith.index_cast %parallel_loop3A_206 : i32 to index
      %parallel_loop3A_208 = tpu.vector_load %arg11[%parallel_loop3A_207] {strides = array<i32>} : memref<5120xf32, #tpu.memory_space<vmem>>, vector<16xf32>,
      %parallel_loop3A_209 = vector.shape_cast %parallel_loop3A_208 : vector<16xf32> to vector<16xf32>
      %parallel_loop3A_210 = arith.index_cast %parallel_loop3A_87 : i32 to index
      %parallel_loop3A_211 = arith.constant 176 : index
      %parallel_loop3A_212 = tpu.vector_load %arg17[%parallel_loop3A_210, %parallel_loop3A_211] {strides = array<i32>} : memref<80x256xf32, #tpu.memory_space<vmem>>, vector<1x16xf32>,
      %parallel_loop3A_213 = vector.shape_cast %parallel_loop3A_212 : vector<1x16xf32> to vector<16xf32>
      %parallel_loop3A_214 = vector.shape_cast %parallel_loop3A_209 : vector<16xf32> to vector<1x16xf32>
      tpu.vector_store %arg17[%parallel_loop3A_210, %parallel_loop3A_211], %parallel_loop3A_214 {strides = array<i32>} : memref<80x256xf32, #tpu.memory_space<vmem>>, vector<1x16xf32>,
      %parallel_loop3A_215 = arith.constant 192 : i32
      %parallel_loop3A_216 = arith.addi %parallel_loop3A_94, %parallel_loop3A_215 : i32
      %parallel_loop3A_217 = arith.index_cast %parallel_loop3A_216 : i32 to index
      %parallel_loop3A_218 = tpu.vector_load %arg11[%parallel_loop3A_217] {strides = array<i32>} : memref<5120xf32, #tpu.memory_space<vmem>>, vector<16xf32>,
      %parallel_loop3A_219 = vector.shape_cast %parallel_loop3A_218 : vector<16xf32> to vector<16xf32>
      %parallel_loop3A_220 = arith.index_cast %parallel_loop3A_87 : i32 to index
      %parallel_loop3A_221 = arith.constant 192 : index
      %parallel_loop3A_222 = tpu.vector_load %arg17[%parallel_loop3A_220, %parallel_loop3A_221] {strides = array<i32>} : memref<80x256xf32, #tpu.memory_space<vmem>>, vector<1x16xf32>,
      %parallel_loop3A_223 = vector.shape_cast %parallel_loop3A_222 : vector<1x16xf32> to vector<16xf32>
      %parallel_loop3A_224 = vector.shape_cast %parallel_loop3A_219 : vector<16xf32> to vector<1x16xf32>
      tpu.vector_store %arg17[%parallel_loop3A_220, %parallel_loop3A_221], %parallel_loop3A_224 {strides = array<i32>} : memref<80x256xf32, #tpu.memory_space<vmem>>, vector<1x16xf32>,
      %parallel_loop3A_225 = arith.constant 208 : i32
      %parallel_loop3A_226 = arith.addi %parallel_loop3A_94, %parallel_loop3A_225 : i32
      %parallel_loop3A_227 = arith.index_cast %parallel_loop3A_226 : i32 to index
      %parallel_loop3A_228 = tpu.vector_load %arg11[%parallel_loop3A_227] {strides = array<i32>} : memref<5120xf32, #tpu.memory_space<vmem>>, vector<16xf32>,
      %parallel_loop3A_229 = vector.shape_cast %parallel_loop3A_228 : vector<16xf32> to vector<16xf32>
      %parallel_loop3A_230 = arith.index_cast %parallel_loop3A_87 : i32 to index
      %parallel_loop3A_231 = arith.constant 208 : index
      %parallel_loop3A_232 = tpu.vector_load %arg17[%parallel_loop3A_230, %parallel_loop3A_231] {strides = array<i32>} : memref<80x256xf32, #tpu.memory_space<vmem>>, vector<1x16xf32>,
      %parallel_loop3A_233 = vector.shape_cast %parallel_loop3A_232 : vector<1x16xf32> to vector<16xf32>
      %parallel_loop3A_234 = vector.shape_cast %parallel_loop3A_229 : vector<16xf32> to vector<1x16xf32>
      tpu.vector_store %arg17[%parallel_loop3A_230, %parallel_loop3A_231], %parallel_loop3A_234 {strides = array<i32>} : memref<80x256xf32, #tpu.memory_space<vmem>>, vector<1x16xf32>,
      %parallel_loop3A_235 = arith.constant 224 : i32
      %parallel_loop3A_236 = arith.addi %parallel_loop3A_94, %parallel_loop3A_235 : i32
      %parallel_loop3A_237 = arith.index_cast %parallel_loop3A_236 : i32 to index
      %parallel_loop3A_238 = tpu.vector_load %arg11[%parallel_loop3A_237] {strides = array<i32>} : memref<5120xf32, #tpu.memory_space<vmem>>, vector<16xf32>,
      %parallel_loop3A_239 = vector.shape_cast %parallel_loop3A_238 : vector<16xf32> to vector<16xf32>
      %parallel_loop3A_240 = arith.index_cast %parallel_loop3A_87 : i32 to index
      %parallel_loop3A_241 = arith.constant 224 : index
      %parallel_loop3A_242 = tpu.vector_load %arg17[%parallel_loop3A_240, %parallel_loop3A_241] {strides = array<i32>} : memref<80x256xf32, #tpu.memory_space<vmem>>, vector<1x16xf32>,
      %parallel_loop3A_243 = vector.shape_cast %parallel_loop3A_242 : vector<1x16xf32> to vector<16xf32>
      %parallel_loop3A_244 = vector.shape_cast %parallel_loop3A_239 : vector<16xf32> to vector<1x16xf32>
      tpu.vector_store %arg17[%parallel_loop3A_240, %parallel_loop3A_241], %parallel_loop3A_244 {strides = array<i32>} : memref<80x256xf32, #tpu.memory_space<vmem>>, vector<1x16xf32>,
      %parallel_loop3A_245 = arith.constant 240 : i32
      %parallel_loop3A_246 = arith.addi %parallel_loop3A_94, %parallel_loop3A_245 : i32
      %parallel_loop3A_247 = arith.index_cast %parallel_loop3A_246 : i32 to index
      %parallel_loop3A_248 = tpu.vector_load %arg11[%parallel_loop3A_247] {strides = array<i32>} : memref<5120xf32, #tpu.memory_space<vmem>>, vector<16xf32>,
      %parallel_loop3A_249 = vector.shape_cast %parallel_loop3A_248 : vector<16xf32> to vector<16xf32>
      %parallel_loop3A_250 = arith.index_cast %parallel_loop3A_87 : i32 to index
      %parallel_loop3A_251 = arith.constant 240 : index
      %parallel_loop3A_252 = tpu.vector_load %arg17[%parallel_loop3A_250, %parallel_loop3A_251] {strides = array<i32>} : memref<80x256xf32, #tpu.memory_space<vmem>>, vector<1x16xf32>,
      %parallel_loop3A_253 = vector.shape_cast %parallel_loop3A_252 : vector<1x16xf32> to vector<16xf32>
      %parallel_loop3A_254 = vector.shape_cast %parallel_loop3A_249 : vector<16xf32> to vector<1x16xf32>
      tpu.vector_store %arg17[%parallel_loop3A_250, %parallel_loop3A_251], %parallel_loop3A_254 {strides = array<i32>} : memref<80x256xf32, #tpu.memory_space<vmem>>, vector<1x16xf32>,
    } {sc.loop_unroll_factor = 2 : i64, sc.parallel_access}
    %add3A_22 = arith.constant 9920 : i32
    %add3A_23 = arith.addi %mul3A_2, %add3A_22 : i32
    %dma_start3A = arith.constant 0 : i32
    %dma_start3A_24 = tpu.memref_slice %arg10[%add3A_23, %dma_start3A] : memref<320000x256xf32, #tpu.memory_space<hbm>> -> memref<80x256xf32, #tpu.memory_space<hbm>>
    %dma_start3A_25 = arith.constant 0 : i32
    %dma_start3A_26 = tpu.memref_slice %arg10[%add3A_23, %dma_start3A_25] : memref<320000x256xf32, #tpu.memory_space<hbm>> -> memref<80x256xf32, #tpu.memory_space<hbm>>
    tpu.enqueue_dma source(%arg17 : memref<80x256xf32, #tpu.memory_space<vmem>>) target(%dma_start3A_26 : memref<80x256xf32, #tpu.memory_space<hbm>>) target_semaphore(%arg19 : memref<!tpu.dma_semaphore, #tpu.memory_space<semaphore_mem>>)
    %dma_wait3A_27 = arith.constant 0 : i32
    %dma_wait3A_28 = tpu.memref_slice %arg10[%mul3A_2, %dma_wait3A_27] : memref<320000x256xf32, #tpu.memory_space<hbm>> -> memref<80x256xf32, #tpu.memory_space<hbm>>
    %dma_wait3A_29 = arith.constant 0 : i32
    %dma_wait3A_30 = tpu.memref_slice %arg10[%mul3A_2, %dma_wait3A_29] : memref<320000x256xf32, #tpu.memory_space<hbm>> -> memref<80x256xf32, #tpu.memory_space<hbm>>
    tpu.wait_dma2 semaphore(%arg19 : memref<!tpu.dma_semaphore, #tpu.memory_space<semaphore_mem>>) src(%arg17 : memref<80x256xf32, #tpu.memory_space<vmem>>) dst(%dma_wait3A_30 : memref<80x256xf32, #tpu.memory_space<hbm>>)
    %dma_wait3A_31 = arith.constant 0 : i32
    %dma_wait3A_32 = tpu.memref_slice %arg10[%mul3A_2, %dma_wait3A_31] : memref<320000x256xf32, #tpu.memory_space<hbm>> -> memref<80x256xf32, #tpu.memory_space<hbm>>
    %dma_wait3A_33 = arith.constant 0 : i32
    %dma_wait3A_34 = tpu.memref_slice %arg10[%mul3A_2, %dma_wait3A_33] : memref<320000x256xf32, #tpu.memory_space<hbm>> -> memref<80x256xf32, #tpu.memory_space<hbm>>
    tpu.wait_dma2 semaphore(%arg20 : memref<!tpu.dma_semaphore, #tpu.memory_space<semaphore_mem>>) src(%arg18 : memref<80x256xf32, #tpu.memory_space<vmem>>) dst(%dma_wait3A_34 : memref<80x256xf32, #tpu.memory_space<hbm>>)
    %parallel_loop3A_35 = arith.constant 0 : i32
    %parallel_loop3A_36 = arith.constant 80 : i32
    %parallel_loop3A_37 = arith.constant 1 : i32
    scf.for %parallel_loop3A_87 = %parallel_loop3A_35 to %parallel_loop3A_36 step %parallel_loop3A_37  : i32 {
      %parallel_loop3A_88 = arith.constant 0 : i32
      %parallel_loop3A_89 = arith.addi %parallel_loop3A_88, %parallel_loop3A_87 : i32
      %parallel_loop3A_90 = arith.index_cast %parallel_loop3A_89 : i32 to index
      %parallel_loop3A_91 = tpu.vector_load %arg16[%parallel_loop3A_90] {strides = array<i32>} : memref<336xi32, #tpu.memory_space<vmem>>, vector<16xi32>,
      %parallel_loop3A_92 = vector.shape_cast %parallel_loop3A_91 : vector<16xi32> to vector<16xi32>
      %parallel_loop3A_93 = vector.extract_strided_slice %parallel_loop3A_92 {offsets = [0], sizes = [1], strides = [1]} : vector<16xi32> to vector<1xi32>
      %parallel_loop3A_94 = vector.extract %parallel_loop3A_93[0] : i32 from vector<1xi32>
      %parallel_loop3A_95 = arith.constant 0 : i32
      %parallel_loop3A_96 = arith.addi %parallel_loop3A_95, %parallel_loop3A_87 : i32
      %parallel_loop3A_97 = arith.index_cast %parallel_loop3A_96 : i32 to index
      %parallel_loop3A_98 = tpu.vector_load %arg15[%parallel_loop3A_97] {strides = array<i32>} : memref<10016xi32, #tpu.memory_space<vmem>>, vector<16xi32>,
      %parallel_loop3A_99 = vector.shape_cast %parallel_loop3A_98 : vector<16xi32> to vector<16xi32>
      %parallel_loop3A_100 = vector.extract_strided_slice %parallel_loop3A_99 {offsets = [0], sizes = [1], strides = [1]} : vector<16xi32> to vector<1xi32>
      %parallel_loop3A_101 = vector.extract %parallel_loop3A_100[0] : i32 from vector<1xi32>
      %parallel_loop3A_102 = arith.constant 0 : i32
      %parallel_loop3A_103 = arith.addi %parallel_loop3A_94, %parallel_loop3A_102 : i32
      %parallel_loop3A_104 = arith.index_cast %parallel_loop3A_103 : i32 to index
      %parallel_loop3A_105 = tpu.vector_load %arg12[%parallel_loop3A_104] {strides = array<i32>} : memref<12800xf32, #tpu.memory_space<vmem>>, vector<16xf32>,
      %parallel_loop3A_106 = vector.shape_cast %parallel_loop3A_105 : vector<16xf32> to vector<16xf32>
      %parallel_loop3A_107 = arith.index_cast %parallel_loop3A_87 : i32 to index
      %parallel_loop3A_108 = arith.constant 0 : index
      %parallel_loop3A_109 = tpu.vector_load %arg17[%parallel_loop3A_107, %parallel_loop3A_108] {strides = array<i32>} : memref<80x256xf32, #tpu.memory_space<vmem>>, vector<1x16xf32>,
      %parallel_loop3A_110 = vector.shape_cast %parallel_loop3A_109 : vector<1x16xf32> to vector<16xf32>
      %parallel_loop3A_111 = vector.shape_cast %parallel_loop3A_106 : vector<16xf32> to vector<1x16xf32>
      tpu.vector_store %arg17[%parallel_loop3A_107, %parallel_loop3A_108], %parallel_loop3A_111 {strides = array<i32>} : memref<80x256xf32, #tpu.memory_space<vmem>>, vector<1x16xf32>,
      %parallel_loop3A_112 = arith.constant 16 : i32
      %parallel_loop3A_113 = arith.addi %parallel_loop3A_94, %parallel_loop3A_112 : i32
      %parallel_loop3A_114 = arith.index_cast %parallel_loop3A_113 : i32 to index
      %parallel_loop3A_115 = tpu.vector_load %arg12[%parallel_loop3A_114] {strides = array<i32>} : memref<12800xf32, #tpu.memory_space<vmem>>, vector<16xf32>,
      %parallel_loop3A_116 = vector.shape_cast %parallel_loop3A_115 : vector<16xf32> to vector<16xf32>
      %parallel_loop3A_117 = arith.index_cast %parallel_loop3A_87 : i32 to index
      %parallel_loop3A_118 = arith.constant 16 : index
      %parallel_loop3A_119 = tpu.vector_load %arg17[%parallel_loop3A_117, %parallel_loop3A_118] {strides = array<i32>} : memref<80x256xf32, #tpu.memory_space<vmem>>, vector<1x16xf32>,
      %parallel_loop3A_120 = vector.shape_cast %parallel_loop3A_119 : vector<1x16xf32> to vector<16xf32>
      %parallel_loop3A_121 = vector.shape_cast %parallel_loop3A_116 : vector<16xf32> to vector<1x16xf32>
      tpu.vector_store %arg17[%parallel_loop3A_117, %parallel_loop3A_118], %parallel_loop3A_121 {strides = array<i32>} : memref<80x256xf32, #tpu.memory_space<vmem>>, vector<1x16xf32>,
      %parallel_loop3A_122 = arith.constant 32 : i32
      %parallel_loop3A_123 = arith.addi %parallel_loop3A_94, %parallel_loop3A_122 : i32
      %parallel_loop3A_124 = arith.index_cast %parallel_loop3A_123 : i32 to index
      %parallel_loop3A_125 = tpu.vector_load %arg12[%parallel_loop3A_124] {strides = array<i32>} : memref<12800xf32, #tpu.memory_space<vmem>>, vector<16xf32>,
      %parallel_loop3A_126 = vector.shape_cast %parallel_loop3A_125 : vector<16xf32> to vector<16xf32>
      %parallel_loop3A_127 = arith.index_cast %parallel_loop3A_87 : i32 to index
      %parallel_loop3A_128 = arith.constant 32 : index
      %parallel_loop3A_129 = tpu.vector_load %arg17[%parallel_loop3A_127, %parallel_loop3A_128] {strides = array<i32>} : memref<80x256xf32, #tpu.memory_space<vmem>>, vector<1x16xf32>,
      %parallel_loop3A_130 = vector.shape_cast %parallel_loop3A_129 : vector<1x16xf32> to vector<16xf32>
      %parallel_loop3A_131 = vector.shape_cast %parallel_loop3A_126 : vector<16xf32> to vector<1x16xf32>
      tpu.vector_store %arg17[%parallel_loop3A_127, %parallel_loop3A_128], %parallel_loop3A_131 {strides = array<i32>} : memref<80x256xf32, #tpu.memory_space<vmem>>, vector<1x16xf32>,
      %parallel_loop3A_132 = arith.constant 48 : i32
      %parallel_loop3A_133 = arith.addi %parallel_loop3A_94, %parallel_loop3A_132 : i32
      %parallel_loop3A_134 = arith.index_cast %parallel_loop3A_133 : i32 to index
      %parallel_loop3A_135 = tpu.vector_load %arg12[%parallel_loop3A_134] {strides = array<i32>} : memref<12800xf32, #tpu.memory_space<vmem>>, vector<16xf32>,
      %parallel_loop3A_136 = vector.shape_cast %parallel_loop3A_135 : vector<16xf32> to vector<16xf32>
      %parallel_loop3A_137 = arith.index_cast %parallel_loop3A_87 : i32 to index
      %parallel_loop3A_138 = arith.constant 48 : index
      %parallel_loop3A_139 = tpu.vector_load %arg17[%parallel_loop3A_137, %parallel_loop3A_138] {strides = array<i32>} : memref<80x256xf32, #tpu.memory_space<vmem>>, vector<1x16xf32>,
      %parallel_loop3A_140 = vector.shape_cast %parallel_loop3A_139 : vector<1x16xf32> to vector<16xf32>
      %parallel_loop3A_141 = vector.shape_cast %parallel_loop3A_136 : vector<16xf32> to vector<1x16xf32>
      tpu.vector_store %arg17[%parallel_loop3A_137, %parallel_loop3A_138], %parallel_loop3A_141 {strides = array<i32>} : memref<80x256xf32, #tpu.memory_space<vmem>>, vector<1x16xf32>,
      %parallel_loop3A_142 = arith.constant 64 : i32
      %parallel_loop3A_143 = arith.addi %parallel_loop3A_94, %parallel_loop3A_142 : i32
      %parallel_loop3A_144 = arith.index_cast %parallel_loop3A_143 : i32 to index
      %parallel_loop3A_145 = tpu.vector_load %arg12[%parallel_loop3A_144] {strides = array<i32>} : memref<12800xf32, #tpu.memory_space<vmem>>, vector<16xf32>,
      %parallel_loop3A_146 = vector.shape_cast %parallel_loop3A_145 : vector<16xf32> to vector<16xf32>
      %parallel_loop3A_147 = arith.index_cast %parallel_loop3A_87 : i32 to index
      %parallel_loop3A_148 = arith.constant 64 : index
      %parallel_loop3A_149 = tpu.vector_load %arg17[%parallel_loop3A_147, %parallel_loop3A_148] {strides = array<i32>} : memref<80x256xf32, #tpu.memory_space<vmem>>, vector<1x16xf32>,
      %parallel_loop3A_150 = vector.shape_cast %parallel_loop3A_149 : vector<1x16xf32> to vector<16xf32>
      %parallel_loop3A_151 = vector.shape_cast %parallel_loop3A_146 : vector<16xf32> to vector<1x16xf32>
      tpu.vector_store %arg17[%parallel_loop3A_147, %parallel_loop3A_148], %parallel_loop3A_151 {strides = array<i32>} : memref<80x256xf32, #tpu.memory_space<vmem>>, vector<1x16xf32>,
      %parallel_loop3A_152 = arith.constant 80 : i32
      %parallel_loop3A_153 = arith.addi %parallel_loop3A_94, %parallel_loop3A_152 : i32
      %parallel_loop3A_154 = arith.index_cast %parallel_loop3A_153 : i32 to index
      %parallel_loop3A_155 = tpu.vector_load %arg12[%parallel_loop3A_154] {strides = array<i32>} : memref<12800xf32, #tpu.memory_space<vmem>>, vector<16xf32>,
      %parallel_loop3A_156 = vector.shape_cast %parallel_loop3A_155 : vector<16xf32> to vector<16xf32>
      %parallel_loop3A_157 = arith.index_cast %parallel_loop3A_87 : i32 to index
      %parallel_loop3A_158 = arith.constant 80 : index
      %parallel_loop3A_159 = tpu.vector_load %arg17[%parallel_loop3A_157, %parallel_loop3A_158] {strides = array<i32>} : memref<80x256xf32, #tpu.memory_space<vmem>>, vector<1x16xf32>,
      %parallel_loop3A_160 = vector.shape_cast %parallel_loop3A_159 : vector<1x16xf32> to vector<16xf32>
      %parallel_loop3A_161 = vector.shape_cast %parallel_loop3A_156 : vector<16xf32> to vector<1x16xf32>
      tpu.vector_store %arg17[%parallel_loop3A_157, %parallel_loop3A_158], %parallel_loop3A_161 {strides = array<i32>} : memref<80x256xf32, #tpu.memory_space<vmem>>, vector<1x16xf32>,
      %parallel_loop3A_162 = arith.constant 96 : i32
      %parallel_loop3A_163 = arith.addi %parallel_loop3A_94, %parallel_loop3A_162 : i32
      %parallel_loop3A_164 = arith.index_cast %parallel_loop3A_163 : i32 to index
      %parallel_loop3A_165 = tpu.vector_load %arg12[%parallel_loop3A_164] {strides = array<i32>} : memref<12800xf32, #tpu.memory_space<vmem>>, vector<16xf32>,
      %parallel_loop3A_166 = vector.shape_cast %parallel_loop3A_165 : vector<16xf32> to vector<16xf32>
      %parallel_loop3A_167 = arith.index_cast %parallel_loop3A_87 : i32 to index
      %parallel_loop3A_168 = arith.constant 96 : index
      %parallel_loop3A_169 = tpu.vector_load %arg17[%parallel_loop3A_167, %parallel_loop3A_168] {strides = array<i32>} : memref<80x256xf32, #tpu.memory_space<vmem>>, vector<1x16xf32>,
      %parallel_loop3A_170 = vector.shape_cast %parallel_loop3A_169 : vector<1x16xf32> to vector<16xf32>
      %parallel_loop3A_171 = vector.shape_cast %parallel_loop3A_166 : vector<16xf32> to vector<1x16xf32>
      tpu.vector_store %arg17[%parallel_loop3A_167, %parallel_loop3A_168], %parallel_loop3A_171 {strides = array<i32>} : memref<80x256xf32, #tpu.memory_space<vmem>>, vector<1x16xf32>,
      %parallel_loop3A_172 = arith.constant 112 : i32
      %parallel_loop3A_173 = arith.addi %parallel_loop3A_94, %parallel_loop3A_172 : i32
      %parallel_loop3A_174 = arith.index_cast %parallel_loop3A_173 : i32 to index
      %parallel_loop3A_175 = tpu.vector_load %arg12[%parallel_loop3A_174] {strides = array<i32>} : memref<12800xf32, #tpu.memory_space<vmem>>, vector<16xf32>,
      %parallel_loop3A_176 = vector.shape_cast %parallel_loop3A_175 : vector<16xf32> to vector<16xf32>
      %parallel_loop3A_177 = arith.index_cast %parallel_loop3A_87 : i32 to index
      %parallel_loop3A_178 = arith.constant 112 : index
      %parallel_loop3A_179 = tpu.vector_load %arg17[%parallel_loop3A_177, %parallel_loop3A_178] {strides = array<i32>} : memref<80x256xf32, #tpu.memory_space<vmem>>, vector<1x16xf32>,
      %parallel_loop3A_180 = vector.shape_cast %parallel_loop3A_179 : vector<1x16xf32> to vector<16xf32>
      %parallel_loop3A_181 = vector.shape_cast %parallel_loop3A_176 : vector<16xf32> to vector<1x16xf32>
      tpu.vector_store %arg17[%parallel_loop3A_177, %parallel_loop3A_178], %parallel_loop3A_181 {strides = array<i32>} : memref<80x256xf32, #tpu.memory_space<vmem>>, vector<1x16xf32>,
      %parallel_loop3A_182 = arith.constant 0 : i32
      %parallel_loop3A_183 = arith.addi %parallel_loop3A_101, %parallel_loop3A_182 : i32
      %parallel_loop3A_184 = arith.index_cast %parallel_loop3A_183 : i32 to index
      %parallel_loop3A_185 = tpu.vector_load %arg13[%parallel_loop3A_184] {strides = array<i32>} : memref<1664xf32, #tpu.memory_space<vmem>>, vector<16xf32>,
      %parallel_loop3A_186 = vector.shape_cast %parallel_loop3A_185 : vector<16xf32> to vector<16xf32>
      %parallel_loop3A_187 = arith.index_cast %parallel_loop3A_87 : i32 to index
      %parallel_loop3A_188 = arith.constant 128 : index
      %parallel_loop3A_189 = tpu.vector_load %arg17[%parallel_loop3A_187, %parallel_loop3A_188] {strides = array<i32>} : memref<80x256xf32, #tpu.memory_space<vmem>>, vector<1x16xf32>,
      %parallel_loop3A_190 = vector.shape_cast %parallel_loop3A_189 : vector<1x16xf32> to vector<16xf32>
      %parallel_loop3A_191 = vector.shape_cast %parallel_loop3A_186 : vector<16xf32> to vector<1x16xf32>
      tpu.vector_store %arg17[%parallel_loop3A_187, %parallel_loop3A_188], %parallel_loop3A_191 {strides = array<i32>} : memref<80x256xf32, #tpu.memory_space<vmem>>, vector<1x16xf32>,
      %parallel_loop3A_192 = arith.constant 16 : i32
      %parallel_loop3A_193 = arith.addi %parallel_loop3A_101, %parallel_loop3A_192 : i32
      %parallel_loop3A_194 = arith.index_cast %parallel_loop3A_193 : i32 to index
      %parallel_loop3A_195 = tpu.vector_load %arg13[%parallel_loop3A_194] {strides = array<i32>} : memref<1664xf32, #tpu.memory_space<vmem>>, vector<16xf32>,
      %parallel_loop3A_196 = vector.shape_cast %parallel_loop3A_195 : vector<16xf32> to vector<16xf32>
      %parallel_loop3A_197 = arith.index_cast %parallel_loop3A_87 : i32 to index
      %parallel_loop3A_198 = arith.constant 144 : index
      %parallel_loop3A_199 = tpu.vector_load %arg17[%parallel_loop3A_197, %parallel_loop3A_198] {strides = array<i32>} : memref<80x256xf32, #tpu.memory_space<vmem>>, vector<1x16xf32>,
      %parallel_loop3A_200 = vector.shape_cast %parallel_loop3A_199 : vector<1x16xf32> to vector<16xf32>
      %parallel_loop3A_201 = vector.shape_cast %parallel_loop3A_196 : vector<16xf32> to vector<1x16xf32>
      tpu.vector_store %arg17[%parallel_loop3A_197, %parallel_loop3A_198], %parallel_loop3A_201 {strides = array<i32>} : memref<80x256xf32, #tpu.memory_space<vmem>>, vector<1x16xf32>,
      %parallel_loop3A_202 = arith.constant 32 : i32
      %parallel_loop3A_203 = arith.addi %parallel_loop3A_101, %parallel_loop3A_202 : i32
      %parallel_loop3A_204 = arith.index_cast %parallel_loop3A_203 : i32 to index
      %parallel_loop3A_205 = tpu.vector_load %arg13[%parallel_loop3A_204] {strides = array<i32>} : memref<1664xf32, #tpu.memory_space<vmem>>, vector<16xf32>,
      %parallel_loop3A_206 = vector.shape_cast %parallel_loop3A_205 : vector<16xf32> to vector<16xf32>
      %parallel_loop3A_207 = arith.index_cast %parallel_loop3A_87 : i32 to index
      %parallel_loop3A_208 = arith.constant 160 : index
      %parallel_loop3A_209 = tpu.vector_load %arg17[%parallel_loop3A_207, %parallel_loop3A_208] {strides = array<i32>} : memref<80x256xf32, #tpu.memory_space<vmem>>, vector<1x16xf32>,
      %parallel_loop3A_210 = vector.shape_cast %parallel_loop3A_209 : vector<1x16xf32> to vector<16xf32>
      %parallel_loop3A_211 = vector.shape_cast %parallel_loop3A_206 : vector<16xf32> to vector<1x16xf32>
      tpu.vector_store %arg17[%parallel_loop3A_207, %parallel_loop3A_208], %parallel_loop3A_211 {strides = array<i32>} : memref<80x256xf32, #tpu.memory_space<vmem>>, vector<1x16xf32>,
      %parallel_loop3A_212 = arith.constant 48 : i32
      %parallel_loop3A_213 = arith.addi %parallel_loop3A_101, %parallel_loop3A_212 : i32
      %parallel_loop3A_214 = arith.index_cast %parallel_loop3A_213 : i32 to index
      %parallel_loop3A_215 = tpu.vector_load %arg13[%parallel_loop3A_214] {strides = array<i32>} : memref<1664xf32, #tpu.memory_space<vmem>>, vector<16xf32>,
      %parallel_loop3A_216 = vector.shape_cast %parallel_loop3A_215 : vector<16xf32> to vector<16xf32>
      %parallel_loop3A_217 = arith.index_cast %parallel_loop3A_87 : i32 to index
      %parallel_loop3A_218 = arith.constant 176 : index
      %parallel_loop3A_219 = tpu.vector_load %arg17[%parallel_loop3A_217, %parallel_loop3A_218] {strides = array<i32>} : memref<80x256xf32, #tpu.memory_space<vmem>>, vector<1x16xf32>,
      %parallel_loop3A_220 = vector.shape_cast %parallel_loop3A_219 : vector<1x16xf32> to vector<16xf32>
      %parallel_loop3A_221 = vector.shape_cast %parallel_loop3A_216 : vector<16xf32> to vector<1x16xf32>
      tpu.vector_store %arg17[%parallel_loop3A_217, %parallel_loop3A_218], %parallel_loop3A_221 {strides = array<i32>} : memref<80x256xf32, #tpu.memory_space<vmem>>, vector<1x16xf32>,
      %parallel_loop3A_222 = arith.constant 64 : i32
      %parallel_loop3A_223 = arith.addi %parallel_loop3A_101, %parallel_loop3A_222 : i32
      %parallel_loop3A_224 = arith.index_cast %parallel_loop3A_223 : i32 to index
      %parallel_loop3A_225 = tpu.vector_load %arg13[%parallel_loop3A_224] {strides = array<i32>} : memref<1664xf32, #tpu.memory_space<vmem>>, vector<16xf32>,
      %parallel_loop3A_226 = vector.shape_cast %parallel_loop3A_225 : vector<16xf32> to vector<16xf32>
      %parallel_loop3A_227 = arith.index_cast %parallel_loop3A_87 : i32 to index
      %parallel_loop3A_228 = arith.constant 192 : index
      %parallel_loop3A_229 = tpu.vector_load %arg17[%parallel_loop3A_227, %parallel_loop3A_228] {strides = array<i32>} : memref<80x256xf32, #tpu.memory_space<vmem>>, vector<1x16xf32>,
      %parallel_loop3A_230 = vector.shape_cast %parallel_loop3A_229 : vector<1x16xf32> to vector<16xf32>
      %parallel_loop3A_231 = vector.shape_cast %parallel_loop3A_226 : vector<16xf32> to vector<1x16xf32>
      tpu.vector_store %arg17[%parallel_loop3A_227, %parallel_loop3A_228], %parallel_loop3A_231 {strides = array<i32>} : memref<80x256xf32, #tpu.memory_space<vmem>>, vector<1x16xf32>,
      %parallel_loop3A_232 = arith.constant 80 : i32
      %parallel_loop3A_233 = arith.addi %parallel_loop3A_101, %parallel_loop3A_232 : i32
      %parallel_loop3A_234 = arith.index_cast %parallel_loop3A_233 : i32 to index
      %parallel_loop3A_235 = tpu.vector_load %arg13[%parallel_loop3A_234] {strides = array<i32>} : memref<1664xf32, #tpu.memory_space<vmem>>, vector<16xf32>,
      %parallel_loop3A_236 = vector.shape_cast %parallel_loop3A_235 : vector<16xf32> to vector<16xf32>
      %parallel_loop3A_237 = arith.index_cast %parallel_loop3A_87 : i32 to index
      %parallel_loop3A_238 = arith.constant 208 : index
      %parallel_loop3A_239 = tpu.vector_load %arg17[%parallel_loop3A_237, %parallel_loop3A_238] {strides = array<i32>} : memref<80x256xf32, #tpu.memory_space<vmem>>, vector<1x16xf32>,
      %parallel_loop3A_240 = vector.shape_cast %parallel_loop3A_239 : vector<1x16xf32> to vector<16xf32>
      %parallel_loop3A_241 = vector.shape_cast %parallel_loop3A_236 : vector<16xf32> to vector<1x16xf32>
      tpu.vector_store %arg17[%parallel_loop3A_237, %parallel_loop3A_238], %parallel_loop3A_241 {strides = array<i32>} : memref<80x256xf32, #tpu.memory_space<vmem>>, vector<1x16xf32>,
      %parallel_loop3A_242 = arith.constant 96 : i32
      %parallel_loop3A_243 = arith.addi %parallel_loop3A_101, %parallel_loop3A_242 : i32
      %parallel_loop3A_244 = arith.index_cast %parallel_loop3A_243 : i32 to index
      %parallel_loop3A_245 = tpu.vector_load %arg13[%parallel_loop3A_244] {strides = array<i32>} : memref<1664xf32, #tpu.memory_space<vmem>>, vector<16xf32>,
      %parallel_loop3A_246 = vector.shape_cast %parallel_loop3A_245 : vector<16xf32> to vector<16xf32>
      %parallel_loop3A_247 = arith.index_cast %parallel_loop3A_87 : i32 to index
      %parallel_loop3A_248 = arith.constant 224 : index
      %parallel_loop3A_249 = tpu.vector_load %arg17[%parallel_loop3A_247, %parallel_loop3A_248] {strides = array<i32>} : memref<80x256xf32, #tpu.memory_space<vmem>>, vector<1x16xf32>,
      %parallel_loop3A_250 = vector.shape_cast %parallel_loop3A_249 : vector<1x16xf32> to vector<16xf32>
      %parallel_loop3A_251 = vector.shape_cast %parallel_loop3A_246 : vector<16xf32> to vector<1x16xf32>
      tpu.vector_store %arg17[%parallel_loop3A_247, %parallel_loop3A_248], %parallel_loop3A_251 {strides = array<i32>} : memref<80x256xf32, #tpu.memory_space<vmem>>, vector<1x16xf32>,
      %parallel_loop3A_252 = arith.constant 112 : i32
      %parallel_loop3A_253 = arith.addi %parallel_loop3A_101, %parallel_loop3A_252 : i32
      %parallel_loop3A_254 = arith.index_cast %parallel_loop3A_253 : i32 to index
      %parallel_loop3A_255 = tpu.vector_load %arg13[%parallel_loop3A_254] {strides = array<i32>} : memref<1664xf32, #tpu.memory_space<vmem>>, vector<16xf32>,
      %parallel_loop3A_256 = vector.shape_cast %parallel_loop3A_255 : vector<16xf32> to vector<16xf32>
      %parallel_loop3A_257 = arith.index_cast %parallel_loop3A_87 : i32 to index
      %parallel_loop3A_258 = arith.constant 240 : index
      %parallel_loop3A_259 = tpu.vector_load %arg17[%parallel_loop3A_257, %parallel_loop3A_258] {strides = array<i32>} : memref<80x256xf32, #tpu.memory_space<vmem>>, vector<1x16xf32>,
      %parallel_loop3A_260 = vector.shape_cast %parallel_loop3A_259 : vector<1x16xf32> to vector<16xf32>
      %parallel_loop3A_261 = vector.shape_cast %parallel_loop3A_256 : vector<16xf32> to vector<1x16xf32>
      tpu.vector_store %arg17[%parallel_loop3A_257, %parallel_loop3A_258], %parallel_loop3A_261 {strides = array<i32>} : memref<80x256xf32, #tpu.memory_space<vmem>>, vector<1x16xf32>,
    } {sc.loop_unroll_factor = 2 : i64, sc.parallel_access}
    %add3A_38 = arith.constant 0 : i32
    %add3A_39 = arith.addi %mul3A_4, %add3A_38 : i32
    %dma_start3A_40 = arith.constant 0 : i32
    %dma_start3A_41 = tpu.memref_slice %arg9[%add3A_39, %dma_start3A_40] : memref<10240x256xf32, #tpu.memory_space<hbm>> -> memref<80x256xf32, #tpu.memory_space<hbm>>
    %dma_start3A_42 = arith.constant 0 : i32
    %dma_start3A_43 = tpu.memref_slice %arg9[%add3A_39, %dma_start3A_42] : memref<10240x256xf32, #tpu.memory_space<hbm>> -> memref<80x256xf32, #tpu.memory_space<hbm>>
    tpu.enqueue_dma source(%arg17 : memref<80x256xf32, #tpu.memory_space<vmem>>) target(%dma_start3A_43 : memref<80x256xf32, #tpu.memory_space<hbm>>) target_semaphore(%arg19 : memref<!tpu.dma_semaphore, #tpu.memory_space<semaphore_mem>>)
    %parallel_loop3A_44 = arith.constant 0 : i32
    %parallel_loop3A_45 = arith.constant 80 : i32
    %parallel_loop3A_46 = arith.constant 1 : i32
    scf.for %parallel_loop3A_87 = %parallel_loop3A_44 to %parallel_loop3A_45 step %parallel_loop3A_46  : i32 {
      %parallel_loop3A_88 = arith.constant 80 : i32
      %parallel_loop3A_89 = arith.addi %parallel_loop3A_88, %parallel_loop3A_87 : i32
      %parallel_loop3A_90 = arith.index_cast %parallel_loop3A_89 : i32 to index
      %parallel_loop3A_91 = tpu.vector_load %arg16[%parallel_loop3A_90] {strides = array<i32>} : memref<336xi32, #tpu.memory_space<vmem>>, vector<16xi32>,
      %parallel_loop3A_92 = vector.shape_cast %parallel_loop3A_91 : vector<16xi32> to vector<16xi32>
      %parallel_loop3A_93 = vector.extract_strided_slice %parallel_loop3A_92 {offsets = [0], sizes = [1], strides = [1]} : vector<16xi32> to vector<1xi32>
      %parallel_loop3A_94 = vector.extract %parallel_loop3A_93[0] : i32 from vector<1xi32>
      %parallel_loop3A_95 = arith.constant 80 : i32
      %parallel_loop3A_96 = arith.addi %parallel_loop3A_95, %parallel_loop3A_87 : i32
      %parallel_loop3A_97 = arith.index_cast %parallel_loop3A_96 : i32 to index
      %parallel_loop3A_98 = tpu.vector_load %arg15[%parallel_loop3A_97] {strides = array<i32>} : memref<10016xi32, #tpu.memory_space<vmem>>, vector<16xi32>,
      %parallel_loop3A_99 = vector.shape_cast %parallel_loop3A_98 : vector<16xi32> to vector<16xi32>
      %parallel_loop3A_100 = vector.extract_strided_slice %parallel_loop3A_99 {offsets = [0], sizes = [1], strides = [1]} : vector<16xi32> to vector<1xi32>
      %parallel_loop3A_101 = vector.extract %parallel_loop3A_100[0] : i32 from vector<1xi32>
      %parallel_loop3A_102 = arith.constant 0 : i32
      %parallel_loop3A_103 = arith.addi %parallel_loop3A_94, %parallel_loop3A_102 : i32
      %parallel_loop3A_104 = arith.index_cast %parallel_loop3A_103 : i32 to index
      %parallel_loop3A_105 = tpu.vector_load %arg12[%parallel_loop3A_104] {strides = array<i32>} : memref<12800xf32, #tpu.memory_space<vmem>>, vector<16xf32>,
      %parallel_loop3A_106 = vector.shape_cast %parallel_loop3A_105 : vector<16xf32> to vector<16xf32>
      %parallel_loop3A_107 = arith.index_cast %parallel_loop3A_87 : i32 to index
      %parallel_loop3A_108 = arith.constant 0 : index
      %parallel_loop3A_109 = tpu.vector_load %arg18[%parallel_loop3A_107, %parallel_loop3A_108] {strides = array<i32>} : memref<80x256xf32, #tpu.memory_space<vmem>>, vector<1x16xf32>,
      %parallel_loop3A_110 = vector.shape_cast %parallel_loop3A_109 : vector<1x16xf32> to vector<16xf32>
      %parallel_loop3A_111 = vector.shape_cast %parallel_loop3A_106 : vector<16xf32> to vector<1x16xf32>
      tpu.vector_store %arg18[%parallel_loop3A_107, %parallel_loop3A_108], %parallel_loop3A_111 {strides = array<i32>} : memref<80x256xf32, #tpu.memory_space<vmem>>, vector<1x16xf32>,
      %parallel_loop3A_112 = arith.constant 16 : i32
      %parallel_loop3A_113 = arith.addi %parallel_loop3A_94, %parallel_loop3A_112 : i32
      %parallel_loop3A_114 = arith.index_cast %parallel_loop3A_113 : i32 to index
      %parallel_loop3A_115 = tpu.vector_load %arg12[%parallel_loop3A_114] {strides = array<i32>} : memref<12800xf32, #tpu.memory_space<vmem>>, vector<16xf32>,
      %parallel_loop3A_116 = vector.shape_cast %parallel_loop3A_115 : vector<16xf32> to vector<16xf32>
      %parallel_loop3A_117 = arith.index_cast %parallel_loop3A_87 : i32 to index
      %parallel_loop3A_118 = arith.constant 16 : index
      %parallel_loop3A_119 = tpu.vector_load %arg18[%parallel_loop3A_117, %parallel_loop3A_118] {strides = array<i32>} : memref<80x256xf32, #tpu.memory_space<vmem>>, vector<1x16xf32>,
      %parallel_loop3A_120 = vector.shape_cast %parallel_loop3A_119 : vector<1x16xf32> to vector<16xf32>
      %parallel_loop3A_121 = vector.shape_cast %parallel_loop3A_116 : vector<16xf32> to vector<1x16xf32>
      tpu.vector_store %arg18[%parallel_loop3A_117, %parallel_loop3A_118], %parallel_loop3A_121 {strides = array<i32>} : memref<80x256xf32, #tpu.memory_space<vmem>>, vector<1x16xf32>,
      %parallel_loop3A_122 = arith.constant 32 : i32
      %parallel_loop3A_123 = arith.addi %parallel_loop3A_94, %parallel_loop3A_122 : i32
      %parallel_loop3A_124 = arith.index_cast %parallel_loop3A_123 : i32 to index
      %parallel_loop3A_125 = tpu.vector_load %arg12[%parallel_loop3A_124] {strides = array<i32>} : memref<12800xf32, #tpu.memory_space<vmem>>, vector<16xf32>,
      %parallel_loop3A_126 = vector.shape_cast %parallel_loop3A_125 : vector<16xf32> to vector<16xf32>
      %parallel_loop3A_127 = arith.index_cast %parallel_loop3A_87 : i32 to index
      %parallel_loop3A_128 = arith.constant 32 : index
      %parallel_loop3A_129 = tpu.vector_load %arg18[%parallel_loop3A_127, %parallel_loop3A_128] {strides = array<i32>} : memref<80x256xf32, #tpu.memory_space<vmem>>, vector<1x16xf32>,
      %parallel_loop3A_130 = vector.shape_cast %parallel_loop3A_129 : vector<1x16xf32> to vector<16xf32>
      %parallel_loop3A_131 = vector.shape_cast %parallel_loop3A_126 : vector<16xf32> to vector<1x16xf32>
      tpu.vector_store %arg18[%parallel_loop3A_127, %parallel_loop3A_128], %parallel_loop3A_131 {strides = array<i32>} : memref<80x256xf32, #tpu.memory_space<vmem>>, vector<1x16xf32>,
      %parallel_loop3A_132 = arith.constant 48 : i32
      %parallel_loop3A_133 = arith.addi %parallel_loop3A_94, %parallel_loop3A_132 : i32
      %parallel_loop3A_134 = arith.index_cast %parallel_loop3A_133 : i32 to index
      %parallel_loop3A_135 = tpu.vector_load %arg12[%parallel_loop3A_134] {strides = array<i32>} : memref<12800xf32, #tpu.memory_space<vmem>>, vector<16xf32>,
      %parallel_loop3A_136 = vector.shape_cast %parallel_loop3A_135 : vector<16xf32> to vector<16xf32>
      %parallel_loop3A_137 = arith.index_cast %parallel_loop3A_87 : i32 to index
      %parallel_loop3A_138 = arith.constant 48 : index
      %parallel_loop3A_139 = tpu.vector_load %arg18[%parallel_loop3A_137, %parallel_loop3A_138] {strides = array<i32>} : memref<80x256xf32, #tpu.memory_space<vmem>>, vector<1x16xf32>,
      %parallel_loop3A_140 = vector.shape_cast %parallel_loop3A_139 : vector<1x16xf32> to vector<16xf32>
      %parallel_loop3A_141 = vector.shape_cast %parallel_loop3A_136 : vector<16xf32> to vector<1x16xf32>
      tpu.vector_store %arg18[%parallel_loop3A_137, %parallel_loop3A_138], %parallel_loop3A_141 {strides = array<i32>} : memref<80x256xf32, #tpu.memory_space<vmem>>, vector<1x16xf32>,
      %parallel_loop3A_142 = arith.constant 64 : i32
      %parallel_loop3A_143 = arith.addi %parallel_loop3A_94, %parallel_loop3A_142 : i32
      %parallel_loop3A_144 = arith.index_cast %parallel_loop3A_143 : i32 to index
      %parallel_loop3A_145 = tpu.vector_load %arg12[%parallel_loop3A_144] {strides = array<i32>} : memref<12800xf32, #tpu.memory_space<vmem>>, vector<16xf32>,
      %parallel_loop3A_146 = vector.shape_cast %parallel_loop3A_145 : vector<16xf32> to vector<16xf32>
      %parallel_loop3A_147 = arith.index_cast %parallel_loop3A_87 : i32 to index
      %parallel_loop3A_148 = arith.constant 64 : index
      %parallel_loop3A_149 = tpu.vector_load %arg18[%parallel_loop3A_147, %parallel_loop3A_148] {strides = array<i32>} : memref<80x256xf32, #tpu.memory_space<vmem>>, vector<1x16xf32>,
      %parallel_loop3A_150 = vector.shape_cast %parallel_loop3A_149 : vector<1x16xf32> to vector<16xf32>
      %parallel_loop3A_151 = vector.shape_cast %parallel_loop3A_146 : vector<16xf32> to vector<1x16xf32>
      tpu.vector_store %arg18[%parallel_loop3A_147, %parallel_loop3A_148], %parallel_loop3A_151 {strides = array<i32>} : memref<80x256xf32, #tpu.memory_space<vmem>>, vector<1x16xf32>,
      %parallel_loop3A_152 = arith.constant 80 : i32
      %parallel_loop3A_153 = arith.addi %parallel_loop3A_94, %parallel_loop3A_152 : i32
      %parallel_loop3A_154 = arith.index_cast %parallel_loop3A_153 : i32 to index
      %parallel_loop3A_155 = tpu.vector_load %arg12[%parallel_loop3A_154] {strides = array<i32>} : memref<12800xf32, #tpu.memory_space<vmem>>, vector<16xf32>,
      %parallel_loop3A_156 = vector.shape_cast %parallel_loop3A_155 : vector<16xf32> to vector<16xf32>
      %parallel_loop3A_157 = arith.index_cast %parallel_loop3A_87 : i32 to index
      %parallel_loop3A_158 = arith.constant 80 : index
      %parallel_loop3A_159 = tpu.vector_load %arg18[%parallel_loop3A_157, %parallel_loop3A_158] {strides = array<i32>} : memref<80x256xf32, #tpu.memory_space<vmem>>, vector<1x16xf32>,
      %parallel_loop3A_160 = vector.shape_cast %parallel_loop3A_159 : vector<1x16xf32> to vector<16xf32>
      %parallel_loop3A_161 = vector.shape_cast %parallel_loop3A_156 : vector<16xf32> to vector<1x16xf32>
      tpu.vector_store %arg18[%parallel_loop3A_157, %parallel_loop3A_158], %parallel_loop3A_161 {strides = array<i32>} : memref<80x256xf32, #tpu.memory_space<vmem>>, vector<1x16xf32>,
      %parallel_loop3A_162 = arith.constant 96 : i32
      %parallel_loop3A_163 = arith.addi %parallel_loop3A_94, %parallel_loop3A_162 : i32
      %parallel_loop3A_164 = arith.index_cast %parallel_loop3A_163 : i32 to index
      %parallel_loop3A_165 = tpu.vector_load %arg12[%parallel_loop3A_164] {strides = array<i32>} : memref<12800xf32, #tpu.memory_space<vmem>>, vector<16xf32>,
      %parallel_loop3A_166 = vector.shape_cast %parallel_loop3A_165 : vector<16xf32> to vector<16xf32>
      %parallel_loop3A_167 = arith.index_cast %parallel_loop3A_87 : i32 to index
      %parallel_loop3A_168 = arith.constant 96 : index
      %parallel_loop3A_169 = tpu.vector_load %arg18[%parallel_loop3A_167, %parallel_loop3A_168] {strides = array<i32>} : memref<80x256xf32, #tpu.memory_space<vmem>>, vector<1x16xf32>,
      %parallel_loop3A_170 = vector.shape_cast %parallel_loop3A_169 : vector<1x16xf32> to vector<16xf32>
      %parallel_loop3A_171 = vector.shape_cast %parallel_loop3A_166 : vector<16xf32> to vector<1x16xf32>
      tpu.vector_store %arg18[%parallel_loop3A_167, %parallel_loop3A_168], %parallel_loop3A_171 {strides = array<i32>} : memref<80x256xf32, #tpu.memory_space<vmem>>, vector<1x16xf32>,
      %parallel_loop3A_172 = arith.constant 112 : i32
      %parallel_loop3A_173 = arith.addi %parallel_loop3A_94, %parallel_loop3A_172 : i32
      %parallel_loop3A_174 = arith.index_cast %parallel_loop3A_173 : i32 to index
      %parallel_loop3A_175 = tpu.vector_load %arg12[%parallel_loop3A_174] {strides = array<i32>} : memref<12800xf32, #tpu.memory_space<vmem>>, vector<16xf32>,
      %parallel_loop3A_176 = vector.shape_cast %parallel_loop3A_175 : vector<16xf32> to vector<16xf32>
      %parallel_loop3A_177 = arith.index_cast %parallel_loop3A_87 : i32 to index
      %parallel_loop3A_178 = arith.constant 112 : index
      %parallel_loop3A_179 = tpu.vector_load %arg18[%parallel_loop3A_177, %parallel_loop3A_178] {strides = array<i32>} : memref<80x256xf32, #tpu.memory_space<vmem>>, vector<1x16xf32>,
      %parallel_loop3A_180 = vector.shape_cast %parallel_loop3A_179 : vector<1x16xf32> to vector<16xf32>
      %parallel_loop3A_181 = vector.shape_cast %parallel_loop3A_176 : vector<16xf32> to vector<1x16xf32>
      tpu.vector_store %arg18[%parallel_loop3A_177, %parallel_loop3A_178], %parallel_loop3A_181 {strides = array<i32>} : memref<80x256xf32, #tpu.memory_space<vmem>>, vector<1x16xf32>,
      %parallel_loop3A_182 = arith.constant 0 : i32
      %parallel_loop3A_183 = arith.addi %parallel_loop3A_101, %parallel_loop3A_182 : i32
      %parallel_loop3A_184 = arith.index_cast %parallel_loop3A_183 : i32 to index
      %parallel_loop3A_185 = tpu.vector_load %arg13[%parallel_loop3A_184] {strides = array<i32>} : memref<1664xf32, #tpu.memory_space<vmem>>, vector<16xf32>,
      %parallel_loop3A_186 = vector.shape_cast %parallel_loop3A_185 : vector<16xf32> to vector<16xf32>
      %parallel_loop3A_187 = arith.index_cast %parallel_loop3A_87 : i32 to index
      %parallel_loop3A_188 = arith.constant 128 : index
      %parallel_loop3A_189 = tpu.vector_load %arg18[%parallel_loop3A_187, %parallel_loop3A_188] {strides = array<i32>} : memref<80x256xf32, #tpu.memory_space<vmem>>, vector<1x16xf32>,
      %parallel_loop3A_190 = vector.shape_cast %parallel_loop3A_189 : vector<1x16xf32> to vector<16xf32>
      %parallel_loop3A_191 = vector.shape_cast %parallel_loop3A_186 : vector<16xf32> to vector<1x16xf32>
      tpu.vector_store %arg18[%parallel_loop3A_187, %parallel_loop3A_188], %parallel_loop3A_191 {strides = array<i32>} : memref<80x256xf32, #tpu.memory_space<vmem>>, vector<1x16xf32>,
      %parallel_loop3A_192 = arith.constant 16 : i32
      %parallel_loop3A_193 = arith.addi %parallel_loop3A_101, %parallel_loop3A_192 : i32
      %parallel_loop3A_194 = arith.index_cast %parallel_loop3A_193 : i32 to index
      %parallel_loop3A_195 = tpu.vector_load %arg13[%parallel_loop3A_194] {strides = array<i32>} : memref<1664xf32, #tpu.memory_space<vmem>>, vector<16xf32>,
      %parallel_loop3A_196 = vector.shape_cast %parallel_loop3A_195 : vector<16xf32> to vector<16xf32>
      %parallel_loop3A_197 = arith.index_cast %parallel_loop3A_87 : i32 to index
      %parallel_loop3A_198 = arith.constant 144 : index
      %parallel_loop3A_199 = tpu.vector_load %arg18[%parallel_loop3A_197, %parallel_loop3A_198] {strides = array<i32>} : memref<80x256xf32, #tpu.memory_space<vmem>>, vector<1x16xf32>,
      %parallel_loop3A_200 = vector.shape_cast %parallel_loop3A_199 : vector<1x16xf32> to vector<16xf32>
      %parallel_loop3A_201 = vector.shape_cast %parallel_loop3A_196 : vector<16xf32> to vector<1x16xf32>
      tpu.vector_store %arg18[%parallel_loop3A_197, %parallel_loop3A_198], %parallel_loop3A_201 {strides = array<i32>} : memref<80x256xf32, #tpu.memory_space<vmem>>, vector<1x16xf32>,
      %parallel_loop3A_202 = arith.constant 32 : i32
      %parallel_loop3A_203 = arith.addi %parallel_loop3A_101, %parallel_loop3A_202 : i32
      %parallel_loop3A_204 = arith.index_cast %parallel_loop3A_203 : i32 to index
      %parallel_loop3A_205 = tpu.vector_load %arg13[%parallel_loop3A_204] {strides = array<i32>} : memref<1664xf32, #tpu.memory_space<vmem>>, vector<16xf32>,
      %parallel_loop3A_206 = vector.shape_cast %parallel_loop3A_205 : vector<16xf32> to vector<16xf32>
      %parallel_loop3A_207 = arith.index_cast %parallel_loop3A_87 : i32 to index
      %parallel_loop3A_208 = arith.constant 160 : index
      %parallel_loop3A_209 = tpu.vector_load %arg18[%parallel_loop3A_207, %parallel_loop3A_208] {strides = array<i32>} : memref<80x256xf32, #tpu.memory_space<vmem>>, vector<1x16xf32>,
      %parallel_loop3A_210 = vector.shape_cast %parallel_loop3A_209 : vector<1x16xf32> to vector<16xf32>
      %parallel_loop3A_211 = vector.shape_cast %parallel_loop3A_206 : vector<16xf32> to vector<1x16xf32>
      tpu.vector_store %arg18[%parallel_loop3A_207, %parallel_loop3A_208], %parallel_loop3A_211 {strides = array<i32>} : memref<80x256xf32, #tpu.memory_space<vmem>>, vector<1x16xf32>,
      %parallel_loop3A_212 = arith.constant 48 : i32
      %parallel_loop3A_213 = arith.addi %parallel_loop3A_101, %parallel_loop3A_212 : i32
      %parallel_loop3A_214 = arith.index_cast %parallel_loop3A_213 : i32 to index
      %parallel_loop3A_215 = tpu.vector_load %arg13[%parallel_loop3A_214] {strides = array<i32>} : memref<1664xf32, #tpu.memory_space<vmem>>, vector<16xf32>,
      %parallel_loop3A_216 = vector.shape_cast %parallel_loop3A_215 : vector<16xf32> to vector<16xf32>
      %parallel_loop3A_217 = arith.index_cast %parallel_loop3A_87 : i32 to index
      %parallel_loop3A_218 = arith.constant 176 : index
      %parallel_loop3A_219 = tpu.vector_load %arg18[%parallel_loop3A_217, %parallel_loop3A_218] {strides = array<i32>} : memref<80x256xf32, #tpu.memory_space<vmem>>, vector<1x16xf32>,
      %parallel_loop3A_220 = vector.shape_cast %parallel_loop3A_219 : vector<1x16xf32> to vector<16xf32>
      %parallel_loop3A_221 = vector.shape_cast %parallel_loop3A_216 : vector<16xf32> to vector<1x16xf32>
      tpu.vector_store %arg18[%parallel_loop3A_217, %parallel_loop3A_218], %parallel_loop3A_221 {strides = array<i32>} : memref<80x256xf32, #tpu.memory_space<vmem>>, vector<1x16xf32>,
      %parallel_loop3A_222 = arith.constant 64 : i32
      %parallel_loop3A_223 = arith.addi %parallel_loop3A_101, %parallel_loop3A_222 : i32
      %parallel_loop3A_224 = arith.index_cast %parallel_loop3A_223 : i32 to index
      %parallel_loop3A_225 = tpu.vector_load %arg13[%parallel_loop3A_224] {strides = array<i32>} : memref<1664xf32, #tpu.memory_space<vmem>>, vector<16xf32>,
      %parallel_loop3A_226 = vector.shape_cast %parallel_loop3A_225 : vector<16xf32> to vector<16xf32>
      %parallel_loop3A_227 = arith.index_cast %parallel_loop3A_87 : i32 to index
      %parallel_loop3A_228 = arith.constant 192 : index
      %parallel_loop3A_229 = tpu.vector_load %arg18[%parallel_loop3A_227, %parallel_loop3A_228] {strides = array<i32>} : memref<80x256xf32, #tpu.memory_space<vmem>>, vector<1x16xf32>,
      %parallel_loop3A_230 = vector.shape_cast %parallel_loop3A_229 : vector<1x16xf32> to vector<16xf32>
      %parallel_loop3A_231 = vector.shape_cast %parallel_loop3A_226 : vector<16xf32> to vector<1x16xf32>
      tpu.vector_store %arg18[%parallel_loop3A_227, %parallel_loop3A_228], %parallel_loop3A_231 {strides = array<i32>} : memref<80x256xf32, #tpu.memory_space<vmem>>, vector<1x16xf32>,
      %parallel_loop3A_232 = arith.constant 80 : i32
      %parallel_loop3A_233 = arith.addi %parallel_loop3A_101, %parallel_loop3A_232 : i32
      %parallel_loop3A_234 = arith.index_cast %parallel_loop3A_233 : i32 to index
      %parallel_loop3A_235 = tpu.vector_load %arg13[%parallel_loop3A_234] {strides = array<i32>} : memref<1664xf32, #tpu.memory_space<vmem>>, vector<16xf32>,
      %parallel_loop3A_236 = vector.shape_cast %parallel_loop3A_235 : vector<16xf32> to vector<16xf32>
      %parallel_loop3A_237 = arith.index_cast %parallel_loop3A_87 : i32 to index
      %parallel_loop3A_238 = arith.constant 208 : index
      %parallel_loop3A_239 = tpu.vector_load %arg18[%parallel_loop3A_237, %parallel_loop3A_238] {strides = array<i32>} : memref<80x256xf32, #tpu.memory_space<vmem>>, vector<1x16xf32>,
      %parallel_loop3A_240 = vector.shape_cast %parallel_loop3A_239 : vector<1x16xf32> to vector<16xf32>
      %parallel_loop3A_241 = vector.shape_cast %parallel_loop3A_236 : vector<16xf32> to vector<1x16xf32>
      tpu.vector_store %arg18[%parallel_loop3A_237, %parallel_loop3A_238], %parallel_loop3A_241 {strides = array<i32>} : memref<80x256xf32, #tpu.memory_space<vmem>>, vector<1x16xf32>,
      %parallel_loop3A_242 = arith.constant 96 : i32
      %parallel_loop3A_243 = arith.addi %parallel_loop3A_101, %parallel_loop3A_242 : i32
      %parallel_loop3A_244 = arith.index_cast %parallel_loop3A_243 : i32 to index
      %parallel_loop3A_245 = tpu.vector_load %arg13[%parallel_loop3A_244] {strides = array<i32>} : memref<1664xf32, #tpu.memory_space<vmem>>, vector<16xf32>,
      %parallel_loop3A_246 = vector.shape_cast %parallel_loop3A_245 : vector<16xf32> to vector<16xf32>
      %parallel_loop3A_247 = arith.index_cast %parallel_loop3A_87 : i32 to index
      %parallel_loop3A_248 = arith.constant 224 : index
      %parallel_loop3A_249 = tpu.vector_load %arg18[%parallel_loop3A_247, %parallel_loop3A_248] {strides = array<i32>} : memref<80x256xf32, #tpu.memory_space<vmem>>, vector<1x16xf32>,
      %parallel_loop3A_250 = vector.shape_cast %parallel_loop3A_249 : vector<1x16xf32> to vector<16xf32>
      %parallel_loop3A_251 = vector.shape_cast %parallel_loop3A_246 : vector<16xf32> to vector<1x16xf32>
      tpu.vector_store %arg18[%parallel_loop3A_247, %parallel_loop3A_248], %parallel_loop3A_251 {strides = array<i32>} : memref<80x256xf32, #tpu.memory_space<vmem>>, vector<1x16xf32>,
      %parallel_loop3A_252 = arith.constant 112 : i32
      %parallel_loop3A_253 = arith.addi %parallel_loop3A_101, %parallel_loop3A_252 : i32
      %parallel_loop3A_254 = arith.index_cast %parallel_loop3A_253 : i32 to index
      %parallel_loop3A_255 = tpu.vector_load %arg13[%parallel_loop3A_254] {strides = array<i32>} : memref<1664xf32, #tpu.memory_space<vmem>>, vector<16xf32>,
      %parallel_loop3A_256 = vector.shape_cast %parallel_loop3A_255 : vector<16xf32> to vector<16xf32>
      %parallel_loop3A_257 = arith.index_cast %parallel_loop3A_87 : i32 to index
      %parallel_loop3A_258 = arith.constant 240 : index
      %parallel_loop3A_259 = tpu.vector_load %arg18[%parallel_loop3A_257, %parallel_loop3A_258] {strides = array<i32>} : memref<80x256xf32, #tpu.memory_space<vmem>>, vector<1x16xf32>,
      %parallel_loop3A_260 = vector.shape_cast %parallel_loop3A_259 : vector<1x16xf32> to vector<16xf32>
      %parallel_loop3A_261 = vector.shape_cast %parallel_loop3A_256 : vector<16xf32> to vector<1x16xf32>
      tpu.vector_store %arg18[%parallel_loop3A_257, %parallel_loop3A_258], %parallel_loop3A_261 {strides = array<i32>} : memref<80x256xf32, #tpu.memory_space<vmem>>, vector<1x16xf32>,
    } {sc.loop_unroll_factor = 2 : i64, sc.parallel_access}
    %add3A_47 = arith.constant 80 : i32
    %add3A_48 = arith.addi %mul3A_4, %add3A_47 : i32
    %dma_start3A_49 = arith.constant 0 : i32
    %dma_start3A_50 = tpu.memref_slice %arg9[%add3A_48, %dma_start3A_49] : memref<10240x256xf32, #tpu.memory_space<hbm>> -> memref<80x256xf32, #tpu.memory_space<hbm>>
    %dma_start3A_51 = arith.constant 0 : i32
    %dma_start3A_52 = tpu.memref_slice %arg9[%add3A_48, %dma_start3A_51] : memref<10240x256xf32, #tpu.memory_space<hbm>> -> memref<80x256xf32, #tpu.memory_space<hbm>>
    tpu.enqueue_dma source(%arg18 : memref<80x256xf32, #tpu.memory_space<vmem>>) target(%dma_start3A_52 : memref<80x256xf32, #tpu.memory_space<hbm>>) target_semaphore(%arg20 : memref<!tpu.dma_semaphore, #tpu.memory_space<semaphore_mem>>)
    %dma_wait3A_53 = arith.constant 0 : i32
    %dma_wait3A_54 = tpu.memref_slice %arg9[%mul3A_4, %dma_wait3A_53] : memref<10240x256xf32, #tpu.memory_space<hbm>> -> memref<80x256xf32, #tpu.memory_space<hbm>>
    %dma_wait3A_55 = arith.constant 0 : i32
    %dma_wait3A_56 = tpu.memref_slice %arg9[%mul3A_4, %dma_wait3A_55] : memref<10240x256xf32, #tpu.memory_space<hbm>> -> memref<80x256xf32, #tpu.memory_space<hbm>>
    tpu.wait_dma2 semaphore(%arg19 : memref<!tpu.dma_semaphore, #tpu.memory_space<semaphore_mem>>) src(%arg17 : memref<80x256xf32, #tpu.memory_space<vmem>>) dst(%dma_wait3A_56 : memref<80x256xf32, #tpu.memory_space<hbm>>)
    %parallel_loop3A_57 = arith.constant 0 : i32
    %parallel_loop3A_58 = arith.constant 80 : i32
    %parallel_loop3A_59 = arith.constant 1 : i32
    scf.for %parallel_loop3A_87 = %parallel_loop3A_57 to %parallel_loop3A_58 step %parallel_loop3A_59  : i32 {
      %parallel_loop3A_88 = arith.constant 160 : i32
      %parallel_loop3A_89 = arith.addi %parallel_loop3A_88, %parallel_loop3A_87 : i32
      %parallel_loop3A_90 = arith.index_cast %parallel_loop3A_89 : i32 to index
      %parallel_loop3A_91 = tpu.vector_load %arg16[%parallel_loop3A_90] {strides = array<i32>} : memref<336xi32, #tpu.memory_space<vmem>>, vector<16xi32>,
      %parallel_loop3A_92 = vector.shape_cast %parallel_loop3A_91 : vector<16xi32> to vector<16xi32>
      %parallel_loop3A_93 = vector.extract_strided_slice %parallel_loop3A_92 {offsets = [0], sizes = [1], strides = [1]} : vector<16xi32> to vector<1xi32>
      %parallel_loop3A_94 = vector.extract %parallel_loop3A_93[0] : i32 from vector<1xi32>
      %parallel_loop3A_95 = arith.constant 160 : i32
      %parallel_loop3A_96 = arith.addi %parallel_loop3A_95, %parallel_loop3A_87 : i32
      %parallel_loop3A_97 = arith.index_cast %parallel_loop3A_96 : i32 to index
      %parallel_loop3A_98 = tpu.vector_load %arg15[%parallel_loop3A_97] {strides = array<i32>} : memref<10016xi32, #tpu.memory_space<vmem>>, vector<16xi32>,
      %parallel_loop3A_99 = vector.shape_cast %parallel_loop3A_98 : vector<16xi32> to vector<16xi32>
      %parallel_loop3A_100 = vector.extract_strided_slice %parallel_loop3A_99 {offsets = [0], sizes = [1], strides = [1]} : vector<16xi32> to vector<1xi32>
      %parallel_loop3A_101 = vector.extract %parallel_loop3A_100[0] : i32 from vector<1xi32>
      %parallel_loop3A_102 = arith.constant 0 : i32
      %parallel_loop3A_103 = arith.addi %parallel_loop3A_94, %parallel_loop3A_102 : i32
      %parallel_loop3A_104 = arith.index_cast %parallel_loop3A_103 : i32 to index
      %parallel_loop3A_105 = tpu.vector_load %arg12[%parallel_loop3A_104] {strides = array<i32>} : memref<12800xf32, #tpu.memory_space<vmem>>, vector<16xf32>,
      %parallel_loop3A_106 = vector.shape_cast %parallel_loop3A_105 : vector<16xf32> to vector<16xf32>
      %parallel_loop3A_107 = arith.index_cast %parallel_loop3A_87 : i32 to index
      %parallel_loop3A_108 = arith.constant 0 : index
      %parallel_loop3A_109 = tpu.vector_load %arg17[%parallel_loop3A_107, %parallel_loop3A_108] {strides = array<i32>} : memref<80x256xf32, #tpu.memory_space<vmem>>, vector<1x16xf32>,
      %parallel_loop3A_110 = vector.shape_cast %parallel_loop3A_109 : vector<1x16xf32> to vector<16xf32>
      %parallel_loop3A_111 = vector.shape_cast %parallel_loop3A_106 : vector<16xf32> to vector<1x16xf32>
      tpu.vector_store %arg17[%parallel_loop3A_107, %parallel_loop3A_108], %parallel_loop3A_111 {strides = array<i32>} : memref<80x256xf32, #tpu.memory_space<vmem>>, vector<1x16xf32>,
      %parallel_loop3A_112 = arith.constant 16 : i32
      %parallel_loop3A_113 = arith.addi %parallel_loop3A_94, %parallel_loop3A_112 : i32
      %parallel_loop3A_114 = arith.index_cast %parallel_loop3A_113 : i32 to index
      %parallel_loop3A_115 = tpu.vector_load %arg12[%parallel_loop3A_114] {strides = array<i32>} : memref<12800xf32, #tpu.memory_space<vmem>>, vector<16xf32>,
      %parallel_loop3A_116 = vector.shape_cast %parallel_loop3A_115 : vector<16xf32> to vector<16xf32>
      %parallel_loop3A_117 = arith.index_cast %parallel_loop3A_87 : i32 to index
      %parallel_loop3A_118 = arith.constant 16 : index
      %parallel_loop3A_119 = tpu.vector_load %arg17[%parallel_loop3A_117, %parallel_loop3A_118] {strides = array<i32>} : memref<80x256xf32, #tpu.memory_space<vmem>>, vector<1x16xf32>,
      %parallel_loop3A_120 = vector.shape_cast %parallel_loop3A_119 : vector<1x16xf32> to vector<16xf32>
      %parallel_loop3A_121 = vector.shape_cast %parallel_loop3A_116 : vector<16xf32> to vector<1x16xf32>
      tpu.vector_store %arg17[%parallel_loop3A_117, %parallel_loop3A_118], %parallel_loop3A_121 {strides = array<i32>} : memref<80x256xf32, #tpu.memory_space<vmem>>, vector<1x16xf32>,
      %parallel_loop3A_122 = arith.constant 32 : i32
      %parallel_loop3A_123 = arith.addi %parallel_loop3A_94, %parallel_loop3A_122 : i32
      %parallel_loop3A_124 = arith.index_cast %parallel_loop3A_123 : i32 to index
      %parallel_loop3A_125 = tpu.vector_load %arg12[%parallel_loop3A_124] {strides = array<i32>} : memref<12800xf32, #tpu.memory_space<vmem>>, vector<16xf32>,
      %parallel_loop3A_126 = vector.shape_cast %parallel_loop3A_125 : vector<16xf32> to vector<16xf32>
      %parallel_loop3A_127 = arith.index_cast %parallel_loop3A_87 : i32 to index
      %parallel_loop3A_128 = arith.constant 32 : index
      %parallel_loop3A_129 = tpu.vector_load %arg17[%parallel_loop3A_127, %parallel_loop3A_128] {strides = array<i32>} : memref<80x256xf32, #tpu.memory_space<vmem>>, vector<1x16xf32>,
      %parallel_loop3A_130 = vector.shape_cast %parallel_loop3A_129 : vector<1x16xf32> to vector<16xf32>
      %parallel_loop3A_131 = vector.shape_cast %parallel_loop3A_126 : vector<16xf32> to vector<1x16xf32>
      tpu.vector_store %arg17[%parallel_loop3A_127, %parallel_loop3A_128], %parallel_loop3A_131 {strides = array<i32>} : memref<80x256xf32, #tpu.memory_space<vmem>>, vector<1x16xf32>,
      %parallel_loop3A_132 = arith.constant 48 : i32
      %parallel_loop3A_133 = arith.addi %parallel_loop3A_94, %parallel_loop3A_132 : i32
      %parallel_loop3A_134 = arith.index_cast %parallel_loop3A_133 : i32 to index
      %parallel_loop3A_135 = tpu.vector_load %arg12[%parallel_loop3A_134] {strides = array<i32>} : memref<12800xf32, #tpu.memory_space<vmem>>, vector<16xf32>,
      %parallel_loop3A_136 = vector.shape_cast %parallel_loop3A_135 : vector<16xf32> to vector<16xf32>
      %parallel_loop3A_137 = arith.index_cast %parallel_loop3A_87 : i32 to index
      %parallel_loop3A_138 = arith.constant 48 : index
      %parallel_loop3A_139 = tpu.vector_load %arg17[%parallel_loop3A_137, %parallel_loop3A_138] {strides = array<i32>} : memref<80x256xf32, #tpu.memory_space<vmem>>, vector<1x16xf32>,
      %parallel_loop3A_140 = vector.shape_cast %parallel_loop3A_139 : vector<1x16xf32> to vector<16xf32>
      %parallel_loop3A_141 = vector.shape_cast %parallel_loop3A_136 : vector<16xf32> to vector<1x16xf32>
      tpu.vector_store %arg17[%parallel_loop3A_137, %parallel_loop3A_138], %parallel_loop3A_141 {strides = array<i32>} : memref<80x256xf32, #tpu.memory_space<vmem>>, vector<1x16xf32>,
      %parallel_loop3A_142 = arith.constant 64 : i32
      %parallel_loop3A_143 = arith.addi %parallel_loop3A_94, %parallel_loop3A_142 : i32
      %parallel_loop3A_144 = arith.index_cast %parallel_loop3A_143 : i32 to index
      %parallel_loop3A_145 = tpu.vector_load %arg12[%parallel_loop3A_144] {strides = array<i32>} : memref<12800xf32, #tpu.memory_space<vmem>>, vector<16xf32>,
      %parallel_loop3A_146 = vector.shape_cast %parallel_loop3A_145 : vector<16xf32> to vector<16xf32>
      %parallel_loop3A_147 = arith.index_cast %parallel_loop3A_87 : i32 to index
      %parallel_loop3A_148 = arith.constant 64 : index
      %parallel_loop3A_149 = tpu.vector_load %arg17[%parallel_loop3A_147, %parallel_loop3A_148] {strides = array<i32>} : memref<80x256xf32, #tpu.memory_space<vmem>>, vector<1x16xf32>,
      %parallel_loop3A_150 = vector.shape_cast %parallel_loop3A_149 : vector<1x16xf32> to vector<16xf32>
      %parallel_loop3A_151 = vector.shape_cast %parallel_loop3A_146 : vector<16xf32> to vector<1x16xf32>
      tpu.vector_store %arg17[%parallel_loop3A_147, %parallel_loop3A_148], %parallel_loop3A_151 {strides = array<i32>} : memref<80x256xf32, #tpu.memory_space<vmem>>, vector<1x16xf32>,
      %parallel_loop3A_152 = arith.constant 80 : i32
      %parallel_loop3A_153 = arith.addi %parallel_loop3A_94, %parallel_loop3A_152 : i32
      %parallel_loop3A_154 = arith.index_cast %parallel_loop3A_153 : i32 to index
      %parallel_loop3A_155 = tpu.vector_load %arg12[%parallel_loop3A_154] {strides = array<i32>} : memref<12800xf32, #tpu.memory_space<vmem>>, vector<16xf32>,
      %parallel_loop3A_156 = vector.shape_cast %parallel_loop3A_155 : vector<16xf32> to vector<16xf32>
      %parallel_loop3A_157 = arith.index_cast %parallel_loop3A_87 : i32 to index
      %parallel_loop3A_158 = arith.constant 80 : index
      %parallel_loop3A_159 = tpu.vector_load %arg17[%parallel_loop3A_157, %parallel_loop3A_158] {strides = array<i32>} : memref<80x256xf32, #tpu.memory_space<vmem>>, vector<1x16xf32>,
      %parallel_loop3A_160 = vector.shape_cast %parallel_loop3A_159 : vector<1x16xf32> to vector<16xf32>
      %parallel_loop3A_161 = vector.shape_cast %parallel_loop3A_156 : vector<16xf32> to vector<1x16xf32>
      tpu.vector_store %arg17[%parallel_loop3A_157, %parallel_loop3A_158], %parallel_loop3A_161 {strides = array<i32>} : memref<80x256xf32, #tpu.memory_space<vmem>>, vector<1x16xf32>,
      %parallel_loop3A_162 = arith.constant 96 : i32
      %parallel_loop3A_163 = arith.addi %parallel_loop3A_94, %parallel_loop3A_162 : i32
      %parallel_loop3A_164 = arith.index_cast %parallel_loop3A_163 : i32 to index
      %parallel_loop3A_165 = tpu.vector_load %arg12[%parallel_loop3A_164] {strides = array<i32>} : memref<12800xf32, #tpu.memory_space<vmem>>, vector<16xf32>,
      %parallel_loop3A_166 = vector.shape_cast %parallel_loop3A_165 : vector<16xf32> to vector<16xf32>
      %parallel_loop3A_167 = arith.index_cast %parallel_loop3A_87 : i32 to index
      %parallel_loop3A_168 = arith.constant 96 : index
      %parallel_loop3A_169 = tpu.vector_load %arg17[%parallel_loop3A_167, %parallel_loop3A_168] {strides = array<i32>} : memref<80x256xf32, #tpu.memory_space<vmem>>, vector<1x16xf32>,
      %parallel_loop3A_170 = vector.shape_cast %parallel_loop3A_169 : vector<1x16xf32> to vector<16xf32>
      %parallel_loop3A_171 = vector.shape_cast %parallel_loop3A_166 : vector<16xf32> to vector<1x16xf32>
      tpu.vector_store %arg17[%parallel_loop3A_167, %parallel_loop3A_168], %parallel_loop3A_171 {strides = array<i32>} : memref<80x256xf32, #tpu.memory_space<vmem>>, vector<1x16xf32>,
      %parallel_loop3A_172 = arith.constant 112 : i32
      %parallel_loop3A_173 = arith.addi %parallel_loop3A_94, %parallel_loop3A_172 : i32
      %parallel_loop3A_174 = arith.index_cast %parallel_loop3A_173 : i32 to index
      %parallel_loop3A_175 = tpu.vector_load %arg12[%parallel_loop3A_174] {strides = array<i32>} : memref<12800xf32, #tpu.memory_space<vmem>>, vector<16xf32>,
      %parallel_loop3A_176 = vector.shape_cast %parallel_loop3A_175 : vector<16xf32> to vector<16xf32>
      %parallel_loop3A_177 = arith.index_cast %parallel_loop3A_87 : i32 to index
      %parallel_loop3A_178 = arith.constant 112 : index
      %parallel_loop3A_179 = tpu.vector_load %arg17[%parallel_loop3A_177, %parallel_loop3A_178] {strides = array<i32>} : memref<80x256xf32, #tpu.memory_space<vmem>>, vector<1x16xf32>,
      %parallel_loop3A_180 = vector.shape_cast %parallel_loop3A_179 : vector<1x16xf32> to vector<16xf32>
      %parallel_loop3A_181 = vector.shape_cast %parallel_loop3A_176 : vector<16xf32> to vector<1x16xf32>
      tpu.vector_store %arg17[%parallel_loop3A_177, %parallel_loop3A_178], %parallel_loop3A_181 {strides = array<i32>} : memref<80x256xf32, #tpu.memory_space<vmem>>, vector<1x16xf32>,
      %parallel_loop3A_182 = arith.constant 0 : i32
      %parallel_loop3A_183 = arith.addi %parallel_loop3A_101, %parallel_loop3A_182 : i32
      %parallel_loop3A_184 = arith.index_cast %parallel_loop3A_183 : i32 to index
      %parallel_loop3A_185 = tpu.vector_load %arg13[%parallel_loop3A_184] {strides = array<i32>} : memref<1664xf32, #tpu.memory_space<vmem>>, vector<16xf32>,
      %parallel_loop3A_186 = vector.shape_cast %parallel_loop3A_185 : vector<16xf32> to vector<16xf32>
      %parallel_loop3A_187 = arith.index_cast %parallel_loop3A_87 : i32 to index
      %parallel_loop3A_188 = arith.constant 128 : index
      %parallel_loop3A_189 = tpu.vector_load %arg17[%parallel_loop3A_187, %parallel_loop3A_188] {strides = array<i32>} : memref<80x256xf32, #tpu.memory_space<vmem>>, vector<1x16xf32>,
      %parallel_loop3A_190 = vector.shape_cast %parallel_loop3A_189 : vector<1x16xf32> to vector<16xf32>
      %parallel_loop3A_191 = vector.shape_cast %parallel_loop3A_186 : vector<16xf32> to vector<1x16xf32>
      tpu.vector_store %arg17[%parallel_loop3A_187, %parallel_loop3A_188], %parallel_loop3A_191 {strides = array<i32>} : memref<80x256xf32, #tpu.memory_space<vmem>>, vector<1x16xf32>,
      %parallel_loop3A_192 = arith.constant 16 : i32
      %parallel_loop3A_193 = arith.addi %parallel_loop3A_101, %parallel_loop3A_192 : i32
      %parallel_loop3A_194 = arith.index_cast %parallel_loop3A_193 : i32 to index
      %parallel_loop3A_195 = tpu.vector_load %arg13[%parallel_loop3A_194] {strides = array<i32>} : memref<1664xf32, #tpu.memory_space<vmem>>, vector<16xf32>,
      %parallel_loop3A_196 = vector.shape_cast %parallel_loop3A_195 : vector<16xf32> to vector<16xf32>
      %parallel_loop3A_197 = arith.index_cast %parallel_loop3A_87 : i32 to index
      %parallel_loop3A_198 = arith.constant 144 : index
      %parallel_loop3A_199 = tpu.vector_load %arg17[%parallel_loop3A_197, %parallel_loop3A_198] {strides = array<i32>} : memref<80x256xf32, #tpu.memory_space<vmem>>, vector<1x16xf32>,
      %parallel_loop3A_200 = vector.shape_cast %parallel_loop3A_199 : vector<1x16xf32> to vector<16xf32>
      %parallel_loop3A_201 = vector.shape_cast %parallel_loop3A_196 : vector<16xf32> to vector<1x16xf32>
      tpu.vector_store %arg17[%parallel_loop3A_197, %parallel_loop3A_198], %parallel_loop3A_201 {strides = array<i32>} : memref<80x256xf32, #tpu.memory_space<vmem>>, vector<1x16xf32>,
      %parallel_loop3A_202 = arith.constant 32 : i32
      %parallel_loop3A_203 = arith.addi %parallel_loop3A_101, %parallel_loop3A_202 : i32
      %parallel_loop3A_204 = arith.index_cast %parallel_loop3A_203 : i32 to index
      %parallel_loop3A_205 = tpu.vector_load %arg13[%parallel_loop3A_204] {strides = array<i32>} : memref<1664xf32, #tpu.memory_space<vmem>>, vector<16xf32>,
      %parallel_loop3A_206 = vector.shape_cast %parallel_loop3A_205 : vector<16xf32> to vector<16xf32>
      %parallel_loop3A_207 = arith.index_cast %parallel_loop3A_87 : i32 to index
      %parallel_loop3A_208 = arith.constant 160 : index
      %parallel_loop3A_209 = tpu.vector_load %arg17[%parallel_loop3A_207, %parallel_loop3A_208] {strides = array<i32>} : memref<80x256xf32, #tpu.memory_space<vmem>>, vector<1x16xf32>,
      %parallel_loop3A_210 = vector.shape_cast %parallel_loop3A_209 : vector<1x16xf32> to vector<16xf32>
      %parallel_loop3A_211 = vector.shape_cast %parallel_loop3A_206 : vector<16xf32> to vector<1x16xf32>
      tpu.vector_store %arg17[%parallel_loop3A_207, %parallel_loop3A_208], %parallel_loop3A_211 {strides = array<i32>} : memref<80x256xf32, #tpu.memory_space<vmem>>, vector<1x16xf32>,
      %parallel_loop3A_212 = arith.constant 48 : i32
      %parallel_loop3A_213 = arith.addi %parallel_loop3A_101, %parallel_loop3A_212 : i32
      %parallel_loop3A_214 = arith.index_cast %parallel_loop3A_213 : i32 to index
      %parallel_loop3A_215 = tpu.vector_load %arg13[%parallel_loop3A_214] {strides = array<i32>} : memref<1664xf32, #tpu.memory_space<vmem>>, vector<16xf32>,
      %parallel_loop3A_216 = vector.shape_cast %parallel_loop3A_215 : vector<16xf32> to vector<16xf32>
      %parallel_loop3A_217 = arith.index_cast %parallel_loop3A_87 : i32 to index
      %parallel_loop3A_218 = arith.constant 176 : index
      %parallel_loop3A_219 = tpu.vector_load %arg17[%parallel_loop3A_217, %parallel_loop3A_218] {strides = array<i32>} : memref<80x256xf32, #tpu.memory_space<vmem>>, vector<1x16xf32>,
      %parallel_loop3A_220 = vector.shape_cast %parallel_loop3A_219 : vector<1x16xf32> to vector<16xf32>
      %parallel_loop3A_221 = vector.shape_cast %parallel_loop3A_216 : vector<16xf32> to vector<1x16xf32>
      tpu.vector_store %arg17[%parallel_loop3A_217, %parallel_loop3A_218], %parallel_loop3A_221 {strides = array<i32>} : memref<80x256xf32, #tpu.memory_space<vmem>>, vector<1x16xf32>,
      %parallel_loop3A_222 = arith.constant 64 : i32
      %parallel_loop3A_223 = arith.addi %parallel_loop3A_101, %parallel_loop3A_222 : i32
      %parallel_loop3A_224 = arith.index_cast %parallel_loop3A_223 : i32 to index
      %parallel_loop3A_225 = tpu.vector_load %arg13[%parallel_loop3A_224] {strides = array<i32>} : memref<1664xf32, #tpu.memory_space<vmem>>, vector<16xf32>,
      %parallel_loop3A_226 = vector.shape_cast %parallel_loop3A_225 : vector<16xf32> to vector<16xf32>
      %parallel_loop3A_227 = arith.index_cast %parallel_loop3A_87 : i32 to index
      %parallel_loop3A_228 = arith.constant 192 : index
      %parallel_loop3A_229 = tpu.vector_load %arg17[%parallel_loop3A_227, %parallel_loop3A_228] {strides = array<i32>} : memref<80x256xf32, #tpu.memory_space<vmem>>, vector<1x16xf32>,
      %parallel_loop3A_230 = vector.shape_cast %parallel_loop3A_229 : vector<1x16xf32> to vector<16xf32>
      %parallel_loop3A_231 = vector.shape_cast %parallel_loop3A_226 : vector<16xf32> to vector<1x16xf32>
      tpu.vector_store %arg17[%parallel_loop3A_227, %parallel_loop3A_228], %parallel_loop3A_231 {strides = array<i32>} : memref<80x256xf32, #tpu.memory_space<vmem>>, vector<1x16xf32>,
      %parallel_loop3A_232 = arith.constant 80 : i32
      %parallel_loop3A_233 = arith.addi %parallel_loop3A_101, %parallel_loop3A_232 : i32
      %parallel_loop3A_234 = arith.index_cast %parallel_loop3A_233 : i32 to index
      %parallel_loop3A_235 = tpu.vector_load %arg13[%parallel_loop3A_234] {strides = array<i32>} : memref<1664xf32, #tpu.memory_space<vmem>>, vector<16xf32>,
      %parallel_loop3A_236 = vector.shape_cast %parallel_loop3A_235 : vector<16xf32> to vector<16xf32>
      %parallel_loop3A_237 = arith.index_cast %parallel_loop3A_87 : i32 to index
      %parallel_loop3A_238 = arith.constant 208 : index
      %parallel_loop3A_239 = tpu.vector_load %arg17[%parallel_loop3A_237, %parallel_loop3A_238] {strides = array<i32>} : memref<80x256xf32, #tpu.memory_space<vmem>>, vector<1x16xf32>,
      %parallel_loop3A_240 = vector.shape_cast %parallel_loop3A_239 : vector<1x16xf32> to vector<16xf32>
      %parallel_loop3A_241 = vector.shape_cast %parallel_loop3A_236 : vector<16xf32> to vector<1x16xf32>
      tpu.vector_store %arg17[%parallel_loop3A_237, %parallel_loop3A_238], %parallel_loop3A_241 {strides = array<i32>} : memref<80x256xf32, #tpu.memory_space<vmem>>, vector<1x16xf32>,
      %parallel_loop3A_242 = arith.constant 96 : i32
      %parallel_loop3A_243 = arith.addi %parallel_loop3A_101, %parallel_loop3A_242 : i32
      %parallel_loop3A_244 = arith.index_cast %parallel_loop3A_243 : i32 to index
      %parallel_loop3A_245 = tpu.vector_load %arg13[%parallel_loop3A_244] {strides = array<i32>} : memref<1664xf32, #tpu.memory_space<vmem>>, vector<16xf32>,
      %parallel_loop3A_246 = vector.shape_cast %parallel_loop3A_245 : vector<16xf32> to vector<16xf32>
      %parallel_loop3A_247 = arith.index_cast %parallel_loop3A_87 : i32 to index
      %parallel_loop3A_248 = arith.constant 224 : index
      %parallel_loop3A_249 = tpu.vector_load %arg17[%parallel_loop3A_247, %parallel_loop3A_248] {strides = array<i32>} : memref<80x256xf32, #tpu.memory_space<vmem>>, vector<1x16xf32>,
      %parallel_loop3A_250 = vector.shape_cast %parallel_loop3A_249 : vector<1x16xf32> to vector<16xf32>
      %parallel_loop3A_251 = vector.shape_cast %parallel_loop3A_246 : vector<16xf32> to vector<1x16xf32>
      tpu.vector_store %arg17[%parallel_loop3A_247, %parallel_loop3A_248], %parallel_loop3A_251 {strides = array<i32>} : memref<80x256xf32, #tpu.memory_space<vmem>>, vector<1x16xf32>,
      %parallel_loop3A_252 = arith.constant 112 : i32
      %parallel_loop3A_253 = arith.addi %parallel_loop3A_101, %parallel_loop3A_252 : i32
      %parallel_loop3A_254 = arith.index_cast %parallel_loop3A_253 : i32 to index
      %parallel_loop3A_255 = tpu.vector_load %arg13[%parallel_loop3A_254] {strides = array<i32>} : memref<1664xf32, #tpu.memory_space<vmem>>, vector<16xf32>,
      %parallel_loop3A_256 = vector.shape_cast %parallel_loop3A_255 : vector<16xf32> to vector<16xf32>
      %parallel_loop3A_257 = arith.index_cast %parallel_loop3A_87 : i32 to index
      %parallel_loop3A_258 = arith.constant 240 : index
      %parallel_loop3A_259 = tpu.vector_load %arg17[%parallel_loop3A_257, %parallel_loop3A_258] {strides = array<i32>} : memref<80x256xf32, #tpu.memory_space<vmem>>, vector<1x16xf32>,
      %parallel_loop3A_260 = vector.shape_cast %parallel_loop3A_259 : vector<1x16xf32> to vector<16xf32>
      %parallel_loop3A_261 = vector.shape_cast %parallel_loop3A_256 : vector<16xf32> to vector<1x16xf32>
      tpu.vector_store %arg17[%parallel_loop3A_257, %parallel_loop3A_258], %parallel_loop3A_261 {strides = array<i32>} : memref<80x256xf32, #tpu.memory_space<vmem>>, vector<1x16xf32>,
    } {sc.loop_unroll_factor = 2 : i64, sc.parallel_access}
    %add3A_60 = arith.constant 160 : i32
    %add3A_61 = arith.addi %mul3A_4, %add3A_60 : i32
    %dma_start3A_62 = arith.constant 0 : i32
    %dma_start3A_63 = tpu.memref_slice %arg9[%add3A_61, %dma_start3A_62] : memref<10240x256xf32, #tpu.memory_space<hbm>> -> memref<80x256xf32, #tpu.memory_space<hbm>>
    %dma_start3A_64 = arith.constant 0 : i32
    %dma_start3A_65 = tpu.memref_slice %arg9[%add3A_61, %dma_start3A_64] : memref<10240x256xf32, #tpu.memory_space<hbm>> -> memref<80x256xf32, #tpu.memory_space<hbm>>
    tpu.enqueue_dma source(%arg17 : memref<80x256xf32, #tpu.memory_space<vmem>>) target(%dma_start3A_65 : memref<80x256xf32, #tpu.memory_space<hbm>>) target_semaphore(%arg19 : memref<!tpu.dma_semaphore, #tpu.memory_space<semaphore_mem>>)
    %dma_wait3A_66 = arith.constant 0 : i32
    %dma_wait3A_67 = tpu.memref_slice %arg9[%mul3A_4, %dma_wait3A_66] : memref<10240x256xf32, #tpu.memory_space<hbm>> -> memref<80x256xf32, #tpu.memory_space<hbm>>
    %dma_wait3A_68 = arith.constant 0 : i32
    %dma_wait3A_69 = tpu.memref_slice %arg9[%mul3A_4, %dma_wait3A_68] : memref<10240x256xf32, #tpu.memory_space<hbm>> -> memref<80x256xf32, #tpu.memory_space<hbm>>
    tpu.wait_dma2 semaphore(%arg20 : memref<!tpu.dma_semaphore, #tpu.memory_space<semaphore_mem>>) src(%arg18 : memref<80x256xf32, #tpu.memory_space<vmem>>) dst(%dma_wait3A_69 : memref<80x256xf32, #tpu.memory_space<hbm>>)
    %parallel_loop3A_70 = arith.constant 0 : i32
    %parallel_loop3A_71 = arith.constant 80 : i32
    %parallel_loop3A_72 = arith.constant 1 : i32
    scf.for %parallel_loop3A_87 = %parallel_loop3A_70 to %parallel_loop3A_71 step %parallel_loop3A_72  : i32 {
      %parallel_loop3A_88 = arith.constant 240 : i32
      %parallel_loop3A_89 = arith.addi %parallel_loop3A_88, %parallel_loop3A_87 : i32
      %parallel_loop3A_90 = arith.index_cast %parallel_loop3A_89 : i32 to index
      %parallel_loop3A_91 = tpu.vector_load %arg16[%parallel_loop3A_90] {strides = array<i32>} : memref<336xi32, #tpu.memory_space<vmem>>, vector<16xi32>,
      %parallel_loop3A_92 = vector.shape_cast %parallel_loop3A_91 : vector<16xi32> to vector<16xi32>
      %parallel_loop3A_93 = vector.extract_strided_slice %parallel_loop3A_92 {offsets = [0], sizes = [1], strides = [1]} : vector<16xi32> to vector<1xi32>
      %parallel_loop3A_94 = vector.extract %parallel_loop3A_93[0] : i32 from vector<1xi32>
      %parallel_loop3A_95 = arith.constant 240 : i32
      %parallel_loop3A_96 = arith.addi %parallel_loop3A_95, %parallel_loop3A_87 : i32
      %parallel_loop3A_97 = arith.index_cast %parallel_loop3A_96 : i32 to index
      %parallel_loop3A_98 = tpu.vector_load %arg15[%parallel_loop3A_97] {strides = array<i32>} : memref<10016xi32, #tpu.memory_space<vmem>>, vector<16xi32>,
      %parallel_loop3A_99 = vector.shape_cast %parallel_loop3A_98 : vector<16xi32> to vector<16xi32>
      %parallel_loop3A_100 = vector.extract_strided_slice %parallel_loop3A_99 {offsets = [0], sizes = [1], strides = [1]} : vector<16xi32> to vector<1xi32>
      %parallel_loop3A_101 = vector.extract %parallel_loop3A_100[0] : i32 from vector<1xi32>
      %parallel_loop3A_102 = arith.constant 0 : i32
      %parallel_loop3A_103 = arith.addi %parallel_loop3A_94, %parallel_loop3A_102 : i32
      %parallel_loop3A_104 = arith.index_cast %parallel_loop3A_103 : i32 to index
      %parallel_loop3A_105 = tpu.vector_load %arg12[%parallel_loop3A_104] {strides = array<i32>} : memref<12800xf32, #tpu.memory_space<vmem>>, vector<16xf32>,
      %parallel_loop3A_106 = vector.shape_cast %parallel_loop3A_105 : vector<16xf32> to vector<16xf32>
      %parallel_loop3A_107 = arith.index_cast %parallel_loop3A_87 : i32 to index
      %parallel_loop3A_108 = arith.constant 0 : index
      %parallel_loop3A_109 = tpu.vector_load %arg18[%parallel_loop3A_107, %parallel_loop3A_108] {strides = array<i32>} : memref<80x256xf32, #tpu.memory_space<vmem>>, vector<1x16xf32>,
      %parallel_loop3A_110 = vector.shape_cast %parallel_loop3A_109 : vector<1x16xf32> to vector<16xf32>
      %parallel_loop3A_111 = vector.shape_cast %parallel_loop3A_106 : vector<16xf32> to vector<1x16xf32>
      tpu.vector_store %arg18[%parallel_loop3A_107, %parallel_loop3A_108], %parallel_loop3A_111 {strides = array<i32>} : memref<80x256xf32, #tpu.memory_space<vmem>>, vector<1x16xf32>,
      %parallel_loop3A_112 = arith.constant 16 : i32
      %parallel_loop3A_113 = arith.addi %parallel_loop3A_94, %parallel_loop3A_112 : i32
      %parallel_loop3A_114 = arith.index_cast %parallel_loop3A_113 : i32 to index
      %parallel_loop3A_115 = tpu.vector_load %arg12[%parallel_loop3A_114] {strides = array<i32>} : memref<12800xf32, #tpu.memory_space<vmem>>, vector<16xf32>,
      %parallel_loop3A_116 = vector.shape_cast %parallel_loop3A_115 : vector<16xf32> to vector<16xf32>
      %parallel_loop3A_117 = arith.index_cast %parallel_loop3A_87 : i32 to index
      %parallel_loop3A_118 = arith.constant 16 : index
      %parallel_loop3A_119 = tpu.vector_load %arg18[%parallel_loop3A_117, %parallel_loop3A_118] {strides = array<i32>} : memref<80x256xf32, #tpu.memory_space<vmem>>, vector<1x16xf32>,
      %parallel_loop3A_120 = vector.shape_cast %parallel_loop3A_119 : vector<1x16xf32> to vector<16xf32>
      %parallel_loop3A_121 = vector.shape_cast %parallel_loop3A_116 : vector<16xf32> to vector<1x16xf32>
      tpu.vector_store %arg18[%parallel_loop3A_117, %parallel_loop3A_118], %parallel_loop3A_121 {strides = array<i32>} : memref<80x256xf32, #tpu.memory_space<vmem>>, vector<1x16xf32>,
      %parallel_loop3A_122 = arith.constant 32 : i32
      %parallel_loop3A_123 = arith.addi %parallel_loop3A_94, %parallel_loop3A_122 : i32
      %parallel_loop3A_124 = arith.index_cast %parallel_loop3A_123 : i32 to index
      %parallel_loop3A_125 = tpu.vector_load %arg12[%parallel_loop3A_124] {strides = array<i32>} : memref<12800xf32, #tpu.memory_space<vmem>>, vector<16xf32>,
      %parallel_loop3A_126 = vector.shape_cast %parallel_loop3A_125 : vector<16xf32> to vector<16xf32>
      %parallel_loop3A_127 = arith.index_cast %parallel_loop3A_87 : i32 to index
      %parallel_loop3A_128 = arith.constant 32 : index
      %parallel_loop3A_129 = tpu.vector_load %arg18[%parallel_loop3A_127, %parallel_loop3A_128] {strides = array<i32>} : memref<80x256xf32, #tpu.memory_space<vmem>>, vector<1x16xf32>,
      %parallel_loop3A_130 = vector.shape_cast %parallel_loop3A_129 : vector<1x16xf32> to vector<16xf32>
      %parallel_loop3A_131 = vector.shape_cast %parallel_loop3A_126 : vector<16xf32> to vector<1x16xf32>
      tpu.vector_store %arg18[%parallel_loop3A_127, %parallel_loop3A_128], %parallel_loop3A_131 {strides = array<i32>} : memref<80x256xf32, #tpu.memory_space<vmem>>, vector<1x16xf32>,
      %parallel_loop3A_132 = arith.constant 48 : i32
      %parallel_loop3A_133 = arith.addi %parallel_loop3A_94, %parallel_loop3A_132 : i32
      %parallel_loop3A_134 = arith.index_cast %parallel_loop3A_133 : i32 to index
      %parallel_loop3A_135 = tpu.vector_load %arg12[%parallel_loop3A_134] {strides = array<i32>} : memref<12800xf32, #tpu.memory_space<vmem>>, vector<16xf32>,
      %parallel_loop3A_136 = vector.shape_cast %parallel_loop3A_135 : vector<16xf32> to vector<16xf32>
      %parallel_loop3A_137 = arith.index_cast %parallel_loop3A_87 : i32 to index
      %parallel_loop3A_138 = arith.constant 48 : index
      %parallel_loop3A_139 = tpu.vector_load %arg18[%parallel_loop3A_137, %parallel_loop3A_138] {strides = array<i32>} : memref<80x256xf32, #tpu.memory_space<vmem>>, vector<1x16xf32>,
      %parallel_loop3A_140 = vector.shape_cast %parallel_loop3A_139 : vector<1x16xf32> to vector<16xf32>
      %parallel_loop3A_141 = vector.shape_cast %parallel_loop3A_136 : vector<16xf32> to vector<1x16xf32>
      tpu.vector_store %arg18[%parallel_loop3A_137, %parallel_loop3A_138], %parallel_loop3A_141 {strides = array<i32>} : memref<80x256xf32, #tpu.memory_space<vmem>>, vector<1x16xf32>,
      %parallel_loop3A_142 = arith.constant 64 : i32
      %parallel_loop3A_143 = arith.addi %parallel_loop3A_94, %parallel_loop3A_142 : i32
      %parallel_loop3A_144 = arith.index_cast %parallel_loop3A_143 : i32 to index
      %parallel_loop3A_145 = tpu.vector_load %arg12[%parallel_loop3A_144] {strides = array<i32>} : memref<12800xf32, #tpu.memory_space<vmem>>, vector<16xf32>,
      %parallel_loop3A_146 = vector.shape_cast %parallel_loop3A_145 : vector<16xf32> to vector<16xf32>
      %parallel_loop3A_147 = arith.index_cast %parallel_loop3A_87 : i32 to index
      %parallel_loop3A_148 = arith.constant 64 : index
      %parallel_loop3A_149 = tpu.vector_load %arg18[%parallel_loop3A_147, %parallel_loop3A_148] {strides = array<i32>} : memref<80x256xf32, #tpu.memory_space<vmem>>, vector<1x16xf32>,
      %parallel_loop3A_150 = vector.shape_cast %parallel_loop3A_149 : vector<1x16xf32> to vector<16xf32>
      %parallel_loop3A_151 = vector.shape_cast %parallel_loop3A_146 : vector<16xf32> to vector<1x16xf32>
      tpu.vector_store %arg18[%parallel_loop3A_147, %parallel_loop3A_148], %parallel_loop3A_151 {strides = array<i32>} : memref<80x256xf32, #tpu.memory_space<vmem>>, vector<1x16xf32>,
      %parallel_loop3A_152 = arith.constant 80 : i32
      %parallel_loop3A_153 = arith.addi %parallel_loop3A_94, %parallel_loop3A_152 : i32
      %parallel_loop3A_154 = arith.index_cast %parallel_loop3A_153 : i32 to index
      %parallel_loop3A_155 = tpu.vector_load %arg12[%parallel_loop3A_154] {strides = array<i32>} : memref<12800xf32, #tpu.memory_space<vmem>>, vector<16xf32>,
      %parallel_loop3A_156 = vector.shape_cast %parallel_loop3A_155 : vector<16xf32> to vector<16xf32>
      %parallel_loop3A_157 = arith.index_cast %parallel_loop3A_87 : i32 to index
      %parallel_loop3A_158 = arith.constant 80 : index
      %parallel_loop3A_159 = tpu.vector_load %arg18[%parallel_loop3A_157, %parallel_loop3A_158] {strides = array<i32>} : memref<80x256xf32, #tpu.memory_space<vmem>>, vector<1x16xf32>,
      %parallel_loop3A_160 = vector.shape_cast %parallel_loop3A_159 : vector<1x16xf32> to vector<16xf32>
      %parallel_loop3A_161 = vector.shape_cast %parallel_loop3A_156 : vector<16xf32> to vector<1x16xf32>
      tpu.vector_store %arg18[%parallel_loop3A_157, %parallel_loop3A_158], %parallel_loop3A_161 {strides = array<i32>} : memref<80x256xf32, #tpu.memory_space<vmem>>, vector<1x16xf32>,
      %parallel_loop3A_162 = arith.constant 96 : i32
      %parallel_loop3A_163 = arith.addi %parallel_loop3A_94, %parallel_loop3A_162 : i32
      %parallel_loop3A_164 = arith.index_cast %parallel_loop3A_163 : i32 to index
      %parallel_loop3A_165 = tpu.vector_load %arg12[%parallel_loop3A_164] {strides = array<i32>} : memref<12800xf32, #tpu.memory_space<vmem>>, vector<16xf32>,
      %parallel_loop3A_166 = vector.shape_cast %parallel_loop3A_165 : vector<16xf32> to vector<16xf32>
      %parallel_loop3A_167 = arith.index_cast %parallel_loop3A_87 : i32 to index
      %parallel_loop3A_168 = arith.constant 96 : index
      %parallel_loop3A_169 = tpu.vector_load %arg18[%parallel_loop3A_167, %parallel_loop3A_168] {strides = array<i32>} : memref<80x256xf32, #tpu.memory_space<vmem>>, vector<1x16xf32>,
      %parallel_loop3A_170 = vector.shape_cast %parallel_loop3A_169 : vector<1x16xf32> to vector<16xf32>
      %parallel_loop3A_171 = vector.shape_cast %parallel_loop3A_166 : vector<16xf32> to vector<1x16xf32>
      tpu.vector_store %arg18[%parallel_loop3A_167, %parallel_loop3A_168], %parallel_loop3A_171 {strides = array<i32>} : memref<80x256xf32, #tpu.memory_space<vmem>>, vector<1x16xf32>,
      %parallel_loop3A_172 = arith.constant 112 : i32
      %parallel_loop3A_173 = arith.addi %parallel_loop3A_94, %parallel_loop3A_172 : i32
      %parallel_loop3A_174 = arith.index_cast %parallel_loop3A_173 : i32 to index
      %parallel_loop3A_175 = tpu.vector_load %arg12[%parallel_loop3A_174] {strides = array<i32>} : memref<12800xf32, #tpu.memory_space<vmem>>, vector<16xf32>,
      %parallel_loop3A_176 = vector.shape_cast %parallel_loop3A_175 : vector<16xf32> to vector<16xf32>
      %parallel_loop3A_177 = arith.index_cast %parallel_loop3A_87 : i32 to index
      %parallel_loop3A_178 = arith.constant 112 : index
      %parallel_loop3A_179 = tpu.vector_load %arg18[%parallel_loop3A_177, %parallel_loop3A_178] {strides = array<i32>} : memref<80x256xf32, #tpu.memory_space<vmem>>, vector<1x16xf32>,
      %parallel_loop3A_180 = vector.shape_cast %parallel_loop3A_179 : vector<1x16xf32> to vector<16xf32>
      %parallel_loop3A_181 = vector.shape_cast %parallel_loop3A_176 : vector<16xf32> to vector<1x16xf32>
      tpu.vector_store %arg18[%parallel_loop3A_177, %parallel_loop3A_178], %parallel_loop3A_181 {strides = array<i32>} : memref<80x256xf32, #tpu.memory_space<vmem>>, vector<1x16xf32>,
      %parallel_loop3A_182 = arith.constant 0 : i32
      %parallel_loop3A_183 = arith.addi %parallel_loop3A_101, %parallel_loop3A_182 : i32
      %parallel_loop3A_184 = arith.index_cast %parallel_loop3A_183 : i32 to index
      %parallel_loop3A_185 = tpu.vector_load %arg13[%parallel_loop3A_184] {strides = array<i32>} : memref<1664xf32, #tpu.memory_space<vmem>>, vector<16xf32>,
      %parallel_loop3A_186 = vector.shape_cast %parallel_loop3A_185 : vector<16xf32> to vector<16xf32>
      %parallel_loop3A_187 = arith.index_cast %parallel_loop3A_87 : i32 to index
      %parallel_loop3A_188 = arith.constant 128 : index
      %parallel_loop3A_189 = tpu.vector_load %arg18[%parallel_loop3A_187, %parallel_loop3A_188] {strides = array<i32>} : memref<80x256xf32, #tpu.memory_space<vmem>>, vector<1x16xf32>,
      %parallel_loop3A_190 = vector.shape_cast %parallel_loop3A_189 : vector<1x16xf32> to vector<16xf32>
      %parallel_loop3A_191 = vector.shape_cast %parallel_loop3A_186 : vector<16xf32> to vector<1x16xf32>
      tpu.vector_store %arg18[%parallel_loop3A_187, %parallel_loop3A_188], %parallel_loop3A_191 {strides = array<i32>} : memref<80x256xf32, #tpu.memory_space<vmem>>, vector<1x16xf32>,
      %parallel_loop3A_192 = arith.constant 16 : i32
      %parallel_loop3A_193 = arith.addi %parallel_loop3A_101, %parallel_loop3A_192 : i32
      %parallel_loop3A_194 = arith.index_cast %parallel_loop3A_193 : i32 to index
      %parallel_loop3A_195 = tpu.vector_load %arg13[%parallel_loop3A_194] {strides = array<i32>} : memref<1664xf32, #tpu.memory_space<vmem>>, vector<16xf32>,
      %parallel_loop3A_196 = vector.shape_cast %parallel_loop3A_195 : vector<16xf32> to vector<16xf32>
      %parallel_loop3A_197 = arith.index_cast %parallel_loop3A_87 : i32 to index
      %parallel_loop3A_198 = arith.constant 144 : index
      %parallel_loop3A_199 = tpu.vector_load %arg18[%parallel_loop3A_197, %parallel_loop3A_198] {strides = array<i32>} : memref<80x256xf32, #tpu.memory_space<vmem>>, vector<1x16xf32>,
      %parallel_loop3A_200 = vector.shape_cast %parallel_loop3A_199 : vector<1x16xf32> to vector<16xf32>
      %parallel_loop3A_201 = vector.shape_cast %parallel_loop3A_196 : vector<16xf32> to vector<1x16xf32>
      tpu.vector_store %arg18[%parallel_loop3A_197, %parallel_loop3A_198], %parallel_loop3A_201 {strides = array<i32>} : memref<80x256xf32, #tpu.memory_space<vmem>>, vector<1x16xf32>,
      %parallel_loop3A_202 = arith.constant 32 : i32
      %parallel_loop3A_203 = arith.addi %parallel_loop3A_101, %parallel_loop3A_202 : i32
      %parallel_loop3A_204 = arith.index_cast %parallel_loop3A_203 : i32 to index
      %parallel_loop3A_205 = tpu.vector_load %arg13[%parallel_loop3A_204] {strides = array<i32>} : memref<1664xf32, #tpu.memory_space<vmem>>, vector<16xf32>,
      %parallel_loop3A_206 = vector.shape_cast %parallel_loop3A_205 : vector<16xf32> to vector<16xf32>
      %parallel_loop3A_207 = arith.index_cast %parallel_loop3A_87 : i32 to index
      %parallel_loop3A_208 = arith.constant 160 : index
      %parallel_loop3A_209 = tpu.vector_load %arg18[%parallel_loop3A_207, %parallel_loop3A_208] {strides = array<i32>} : memref<80x256xf32, #tpu.memory_space<vmem>>, vector<1x16xf32>,
      %parallel_loop3A_210 = vector.shape_cast %parallel_loop3A_209 : vector<1x16xf32> to vector<16xf32>
      %parallel_loop3A_211 = vector.shape_cast %parallel_loop3A_206 : vector<16xf32> to vector<1x16xf32>
      tpu.vector_store %arg18[%parallel_loop3A_207, %parallel_loop3A_208], %parallel_loop3A_211 {strides = array<i32>} : memref<80x256xf32, #tpu.memory_space<vmem>>, vector<1x16xf32>,
      %parallel_loop3A_212 = arith.constant 48 : i32
      %parallel_loop3A_213 = arith.addi %parallel_loop3A_101, %parallel_loop3A_212 : i32
      %parallel_loop3A_214 = arith.index_cast %parallel_loop3A_213 : i32 to index
      %parallel_loop3A_215 = tpu.vector_load %arg13[%parallel_loop3A_214] {strides = array<i32>} : memref<1664xf32, #tpu.memory_space<vmem>>, vector<16xf32>,
      %parallel_loop3A_216 = vector.shape_cast %parallel_loop3A_215 : vector<16xf32> to vector<16xf32>
      %parallel_loop3A_217 = arith.index_cast %parallel_loop3A_87 : i32 to index
      %parallel_loop3A_218 = arith.constant 176 : index
      %parallel_loop3A_219 = tpu.vector_load %arg18[%parallel_loop3A_217, %parallel_loop3A_218] {strides = array<i32>} : memref<80x256xf32, #tpu.memory_space<vmem>>, vector<1x16xf32>,
      %parallel_loop3A_220 = vector.shape_cast %parallel_loop3A_219 : vector<1x16xf32> to vector<16xf32>
      %parallel_loop3A_221 = vector.shape_cast %parallel_loop3A_216 : vector<16xf32> to vector<1x16xf32>
      tpu.vector_store %arg18[%parallel_loop3A_217, %parallel_loop3A_218], %parallel_loop3A_221 {strides = array<i32>} : memref<80x256xf32, #tpu.memory_space<vmem>>, vector<1x16xf32>,
      %parallel_loop3A_222 = arith.constant 64 : i32
      %parallel_loop3A_223 = arith.addi %parallel_loop3A_101, %parallel_loop3A_222 : i32
      %parallel_loop3A_224 = arith.index_cast %parallel_loop3A_223 : i32 to index
      %parallel_loop3A_225 = tpu.vector_load %arg13[%parallel_loop3A_224] {strides = array<i32>} : memref<1664xf32, #tpu.memory_space<vmem>>, vector<16xf32>,
      %parallel_loop3A_226 = vector.shape_cast %parallel_loop3A_225 : vector<16xf32> to vector<16xf32>
      %parallel_loop3A_227 = arith.index_cast %parallel_loop3A_87 : i32 to index
      %parallel_loop3A_228 = arith.constant 192 : index
      %parallel_loop3A_229 = tpu.vector_load %arg18[%parallel_loop3A_227, %parallel_loop3A_228] {strides = array<i32>} : memref<80x256xf32, #tpu.memory_space<vmem>>, vector<1x16xf32>,
      %parallel_loop3A_230 = vector.shape_cast %parallel_loop3A_229 : vector<1x16xf32> to vector<16xf32>
      %parallel_loop3A_231 = vector.shape_cast %parallel_loop3A_226 : vector<16xf32> to vector<1x16xf32>
      tpu.vector_store %arg18[%parallel_loop3A_227, %parallel_loop3A_228], %parallel_loop3A_231 {strides = array<i32>} : memref<80x256xf32, #tpu.memory_space<vmem>>, vector<1x16xf32>,
      %parallel_loop3A_232 = arith.constant 80 : i32
      %parallel_loop3A_233 = arith.addi %parallel_loop3A_101, %parallel_loop3A_232 : i32
      %parallel_loop3A_234 = arith.index_cast %parallel_loop3A_233 : i32 to index
      %parallel_loop3A_235 = tpu.vector_load %arg13[%parallel_loop3A_234] {strides = array<i32>} : memref<1664xf32, #tpu.memory_space<vmem>>, vector<16xf32>,
      %parallel_loop3A_236 = vector.shape_cast %parallel_loop3A_235 : vector<16xf32> to vector<16xf32>
      %parallel_loop3A_237 = arith.index_cast %parallel_loop3A_87 : i32 to index
      %parallel_loop3A_238 = arith.constant 208 : index
      %parallel_loop3A_239 = tpu.vector_load %arg18[%parallel_loop3A_237, %parallel_loop3A_238] {strides = array<i32>} : memref<80x256xf32, #tpu.memory_space<vmem>>, vector<1x16xf32>,
      %parallel_loop3A_240 = vector.shape_cast %parallel_loop3A_239 : vector<1x16xf32> to vector<16xf32>
      %parallel_loop3A_241 = vector.shape_cast %parallel_loop3A_236 : vector<16xf32> to vector<1x16xf32>
      tpu.vector_store %arg18[%parallel_loop3A_237, %parallel_loop3A_238], %parallel_loop3A_241 {strides = array<i32>} : memref<80x256xf32, #tpu.memory_space<vmem>>, vector<1x16xf32>,
      %parallel_loop3A_242 = arith.constant 96 : i32
      %parallel_loop3A_243 = arith.addi %parallel_loop3A_101, %parallel_loop3A_242 : i32
      %parallel_loop3A_244 = arith.index_cast %parallel_loop3A_243 : i32 to index
      %parallel_loop3A_245 = tpu.vector_load %arg13[%parallel_loop3A_244] {strides = array<i32>} : memref<1664xf32, #tpu.memory_space<vmem>>, vector<16xf32>,
      %parallel_loop3A_246 = vector.shape_cast %parallel_loop3A_245 : vector<16xf32> to vector<16xf32>
      %parallel_loop3A_247 = arith.index_cast %parallel_loop3A_87 : i32 to index
      %parallel_loop3A_248 = arith.constant 224 : index
      %parallel_loop3A_249 = tpu.vector_load %arg18[%parallel_loop3A_247, %parallel_loop3A_248] {strides = array<i32>} : memref<80x256xf32, #tpu.memory_space<vmem>>, vector<1x16xf32>,
      %parallel_loop3A_250 = vector.shape_cast %parallel_loop3A_249 : vector<1x16xf32> to vector<16xf32>
      %parallel_loop3A_251 = vector.shape_cast %parallel_loop3A_246 : vector<16xf32> to vector<1x16xf32>
      tpu.vector_store %arg18[%parallel_loop3A_247, %parallel_loop3A_248], %parallel_loop3A_251 {strides = array<i32>} : memref<80x256xf32, #tpu.memory_space<vmem>>, vector<1x16xf32>,
      %parallel_loop3A_252 = arith.constant 112 : i32
      %parallel_loop3A_253 = arith.addi %parallel_loop3A_101, %parallel_loop3A_252 : i32
      %parallel_loop3A_254 = arith.index_cast %parallel_loop3A_253 : i32 to index
      %parallel_loop3A_255 = tpu.vector_load %arg13[%parallel_loop3A_254] {strides = array<i32>} : memref<1664xf32, #tpu.memory_space<vmem>>, vector<16xf32>,
      %parallel_loop3A_256 = vector.shape_cast %parallel_loop3A_255 : vector<16xf32> to vector<16xf32>
      %parallel_loop3A_257 = arith.index_cast %parallel_loop3A_87 : i32 to index
      %parallel_loop3A_258 = arith.constant 240 : index
      %parallel_loop3A_259 = tpu.vector_load %arg18[%parallel_loop3A_257, %parallel_loop3A_258] {strides = array<i32>} : memref<80x256xf32, #tpu.memory_space<vmem>>, vector<1x16xf32>,
      %parallel_loop3A_260 = vector.shape_cast %parallel_loop3A_259 : vector<1x16xf32> to vector<16xf32>
      %parallel_loop3A_261 = vector.shape_cast %parallel_loop3A_256 : vector<16xf32> to vector<1x16xf32>
      tpu.vector_store %arg18[%parallel_loop3A_257, %parallel_loop3A_258], %parallel_loop3A_261 {strides = array<i32>} : memref<80x256xf32, #tpu.memory_space<vmem>>, vector<1x16xf32>,
    } {sc.loop_unroll_factor = 2 : i64, sc.parallel_access}
    %add3A_73 = arith.constant 240 : i32
    %add3A_74 = arith.addi %mul3A_4, %add3A_73 : i32
    %dma_start3A_75 = arith.constant 0 : i32
    %dma_start3A_76 = tpu.memref_slice %arg9[%add3A_74, %dma_start3A_75] : memref<10240x256xf32, #tpu.memory_space<hbm>> -> memref<80x256xf32, #tpu.memory_space<hbm>>
    %dma_start3A_77 = arith.constant 0 : i32
    %dma_start3A_78 = tpu.memref_slice %arg9[%add3A_74, %dma_start3A_77] : memref<10240x256xf32, #tpu.memory_space<hbm>> -> memref<80x256xf32, #tpu.memory_space<hbm>>
    tpu.enqueue_dma source(%arg18 : memref<80x256xf32, #tpu.memory_space<vmem>>) target(%dma_start3A_78 : memref<80x256xf32, #tpu.memory_space<hbm>>) target_semaphore(%arg20 : memref<!tpu.dma_semaphore, #tpu.memory_space<semaphore_mem>>)
    %dma_wait3A_79 = arith.constant 0 : i32
    %dma_wait3A_80 = tpu.memref_slice %arg9[%mul3A_4, %dma_wait3A_79] : memref<10240x256xf32, #tpu.memory_space<hbm>> -> memref<80x256xf32, #tpu.memory_space<hbm>>
    %dma_wait3A_81 = arith.constant 0 : i32
    %dma_wait3A_82 = tpu.memref_slice %arg9[%mul3A_4, %dma_wait3A_81] : memref<10240x256xf32, #tpu.memory_space<hbm>> -> memref<80x256xf32, #tpu.memory_space<hbm>>
    tpu.wait_dma2 semaphore(%arg19 : memref<!tpu.dma_semaphore, #tpu.memory_space<semaphore_mem>>) src(%arg17 : memref<80x256xf32, #tpu.memory_space<vmem>>) dst(%dma_wait3A_82 : memref<80x256xf32, #tpu.memory_space<hbm>>)
    %dma_wait3A_83 = arith.constant 0 : i32
    %dma_wait3A_84 = tpu.memref_slice %arg9[%mul3A_4, %dma_wait3A_83] : memref<10240x256xf32, #tpu.memory_space<hbm>> -> memref<80x256xf32, #tpu.memory_space<hbm>>
    %dma_wait3A_85 = arith.constant 0 : i32
    %dma_wait3A_86 = tpu.memref_slice %arg9[%mul3A_4, %dma_wait3A_85] : memref<10240x256xf32, #tpu.memory_space<hbm>> -> memref<80x256xf32, #tpu.memory_space<hbm>>
    tpu.wait_dma2 semaphore(%arg20 : memref<!tpu.dma_semaphore, #tpu.memory_space<semaphore_mem>>) src(%arg18 : memref<80x256xf32, #tpu.memory_space<vmem>>) dst(%dma_wait3A_86 : memref<80x256xf32, #tpu.memory_space<hbm>>)
    return
  }
}

</mosaic_0001>

<sc_bundles>
// kernel: kernel.3.cloned.1.call-start
scs
__scs_entry_jumppad:
0x0: {  	(pc) =	sbr.rel $0x88, $3  }
0x1: {  	(tag) =	ssettag $0x0;
	lr =	simm.s32 $0x1  }
0x2: {  	[smem:$0x3F9B] =	sst lr;
	_ =	strace $0xD0000000  }
0x3: {  	_ = 	snop  }
0x4: {  	_ = 	snop  }
0x5: {  	_ = 	snop  }
0x6: {  	_ = 	snop  }
0x7: {  	_ = 	snop  }
__scs_overlays_trampoline_lowered:
0x8: {  	[smem:$0x3FAA] =	sst s0  }
0x9: {  	[smem:$0x3FAB] =	sst s1  }
0xa: {  	[smem:$0x3FAC] =	sst s2  }
0xb: {  	[smem:$0x3FAD] =	sst s3  }
0xc: {  	[smem:$0x3FAE] =	sst s4  }
0xd: {  	[smem:$0x3FAF] =	sst s5  }
0xe: {  	[smem:$0x3FB0] =	sst s6  }
0xf: {  	[smem:$0x3FB1] =	sst s7  }
0x10: {  	[smem:$0x3FB2] =	sst s8  }
0x11: {  	[smem:$0x3FB3] =	sst s9;
	s0 =	simm.s32 @!p0 $0x0  }
0x12: {  	s1 =	sld [smem:$0x3F99];
	s0 =	simm.s32 @p0 $0x1  }
0x13: {  	[smem:$0x3FB4] =	sst s0;
	s0 =	simm.s32 @!p1 $0x0  }
0x14: {  	s2 =	sld [smem:$0x3F98];
	s0 =	simm.s32 @p1 $0x1  }
0x15: {  	[smem:$0x3FB5] =	sst s0;
	s0 =	simm.s32 @!p2 $0x0  }
0x16: {  	s3 =	sld [smem:$0x3FDB];
	s0 =	simm.s32 @p2 $0x1  }
0x17: {  	s4 =	simm.s32 $0x1BF5;
	[smem:$0x3FB7] =	sst s0  }
0x18: {  	s0 =	sld [smem:$0x3F9A];
	_ =	swait.ge [sflag:s4], $0x0  }
0x19: {  	s7 =	sld [smem:$0x3F9B]  }
0x1a: {  	s8 =	sadd.s32 $0xFFFFE003, lr  }
0x1b: {  	s9 =	sadd.s32 $0xFFFFFEF7, lr;
	s5 =	simm.s32 $0xFFFFFFFF;
	p2 =	slt.u32 s8, $0xFFFFF086  }
0x1c: {  	p1 =	slt.u32 s9, $0xF7A;
	s5 =	simm.s32 @!p2 $0x0  }
0x1d: {  	s5 =	simm.s32 @p1 $0x1;
	p0 =	seq.s32 s7, s2  }
0x1e: {  	s7 =	smul.u32 @!p0 $0xF7A, s2;
	p2 =	seq.s32 @!p0 s5, $0x0  }
0x1f: {  	s9 =	smul.u32 $0xF7A, s1;
	s8 =	simm.s32 @!p0 $0x1BF5;
	p2 =	por !p2, p0  }
0x20: {  	[sflag:s8] =	ssyncset.s32 @!p0 $0xFFFFF086;
	s6 =	sadd.s32 @!p0 s3, s7;
	s7 =	simm.s32 @!p0 $0x108  }
0x21: {  	s3 =	sadd.s32 s3, s9;
	s6 =	sadd.s32 @!p0 $0x88, s6;
	s7 =	simm.s32 @p2 $0x1082  }
0x22: {  	[simem:s7], [sflag:s8] =	dma.local @!p0 [hbm:s6], $0xF7A  }
0x23: {  	s9 =	sor.u32 $0xD0000000, s2;
	s6 =	simm.s32 $0x108;
	_ =	swait.ge @!p0 [sflag:s8], $0x0  }
0x24: {  	s3 =	sadd.s32 $0x88, s3;
	s6 =	simm.s32 @!p1 $0x1082;
	[sflag:s4] =	ssyncset.s32 $0xFFFFF086  }
0x25: {  	[simem:s6], [sflag:s4] =	dma.local [hbm:s3], $0xF7A  }
0x26: {  	[smem:$0x3F9B] =	sst s1;
	(tag) =	ssettag s2;
	_ =	strace s9  }
0x27: {  	s1 =	sld [smem:$0x3FAB]  }
0x28: {  	s2 =	sld [smem:$0x3FAC]  }
0x29: {  	s4 =	sld [smem:$0x3FAE]  }
0x2a: {  	p0 =	seq.s32 s5, $0x0;
	s5 =	sld [smem:$0x3FAF]  }
0x2b: {  	s6 =	sld [smem:$0x3FB0]  }
0x2c: {  	s7 =	sld [smem:$0x3FB1]  }
0x2d: {  	s3 =	simm.s32 $0x108;
	s8 =	sld [smem:$0x3FB2]  }
0x2e: {  	s3 =	simm.s32 @!p0 $0x1082;
	s9 =	sld [smem:$0x3FB3]  }
0x2f: {  	lr =	sadd.s32 s0, s3;
	s0 =	sld [smem:$0x3FAA]  }
0x30: {  	s3 =	sld [smem:$0x3FAD]  }
0x31: {  	[smem:$0x3FB6] =	sst s10  }
0x32: {  	s10 =	sld [smem:$0x3FB4];
	_ =	sdelay $0x3  }
0x33: {  	p0 =	seq.s32 s10, $0x1;
	s10 =	sld [smem:$0x3FB6];
	_ =	sdelay $0x3  }
0x34: {  	[smem:$0x3FB6] =	sst s10  }
0x35: {  	s10 =	sld [smem:$0x3FB5];
	_ =	sdelay $0x3  }
0x36: {  	p1 =	seq.s32 s10, $0x1;
	s10 =	sld [smem:$0x3FB6];
	_ =	sdelay $0x3  }
0x37: {  	[smem:$0x3FB6] =	sst s10  }
0x38: {  	s10 =	sld [smem:$0x3FB7]  }
0x39: {  	_ = 	snop;
	(pc) =	sbr.ind lr, $3  }
0x3a: {  	_ = 	snop  }
0x3b: {  	_ = 	snop  }
0x3c: {  	p2 =	seq.s32 s10, $0x1;
	s10 =	sld [smem:$0x3FB6]  }
0x3d: {  	_ =	shalt  }
0x3e: {  	_ =	shalt  }
0x3f: {  	_ =	shalt  }
0x40: {  	_ =	shalt  }
0x41: {  	_ =	shalt  }
0x42: {  	_ =	shalt  }
0x43: {  	_ =	shalt  }
0x44: {  	_ =	shalt  }
0x45: {  	_ =	shalt  }
0x46: {  	_ =	shalt  }
0x47: {  	_ =	shalt  }
0x48: {  	_ =	shalt  }
0x49: {  	_ =	shalt  }
0x4a: {  	_ =	shalt  }
0x4b: {  	_ =	shalt  }
0x4c: {  	_ =	shalt  }
0x4d: {  	_ =	shalt  }
0x4e: {  	_ =	shalt  }
0x4f: {  	_ =	shalt  }
0x50: {  	_ =	shalt  }
0x51: {  	_ =	shalt  }
0x52: {  	_ =	shalt  }
0x53: {  	_ =	shalt  }
0x54: {  	_ =	shalt  }
0x55: {  	_ =	shalt  }
0x56: {  	_ =	shalt  }
0x57: {  	_ =	shalt  }
0x58: {  	_ =	shalt  }
0x59: {  	_ =	shalt  }
0x5a: {  	_ =	shalt  }
0x5b: {  	_ =	shalt  }
0x5c: {  	_ =	shalt  }
0x5d: {  	_ =	shalt  }
0x5e: {  	_ =	shalt  }
0x5f: {  	_ =	shalt  }
0x60: {  	_ =	shalt  }
0x61: {  	_ =	shalt  }
0x62: {  	_ =	shalt  }
0x63: {  	_ =	shalt  }
0x64: {  	_ =	shalt  }
0x65: {  	_ =	shalt  }
0x66: {  	_ =	shalt  }
0x67: {  	_ =	shalt  }
0x68: {  	_ =	shalt  }
0x69: {  	_ =	shalt  }
0x6a: {  	_ =	shalt  }
0x6b: {  	_ =	shalt  }
0x6c: {  	_ =	shalt  }
0x6d: {  	_ =	shalt  }
0x6e: {  	_ =	shalt  }
0x6f: {  	_ =	shalt  }
0x70: {  	_ =	shalt  }
0x71: {  	_ =	shalt  }
0x72: {  	_ =	shalt  }
0x73: {  	_ =	shalt  }
0x74: {  	_ =	shalt  }
0x75: {  	_ =	shalt  }
0x76: {  	_ =	shalt  }
0x77: {  	_ =	shalt  }
0x78: {  	_ =	shalt  }
0x79: {  	_ =	shalt  }
0x7a: {  	_ =	shalt  }
0x7b: {  	_ =	shalt  }
0x7c: {  	_ =	shalt  }
0x7d: {  	_ =	shalt  }
0x7e: {  	_ =	shalt  }
0x7f: {  	_ =	shalt  }
0x80: {  	_ =	shalt  }
0x81: {  	_ =	shalt  }
0x82: {  	_ =	shalt  }
0x83: {  	_ =	shalt  }
0x84: {  	_ =	shalt  }
0x85: {  	_ =	shalt  }
0x86: {  	_ =	shalt  }
0x87: {  	_ =	shalt  }
.Lfunc_end0:
.L_simem_size_0:
called_computation_lowered:
.L_overlay_start_0:
0x88: {  	s2 =	sld [smem:$0x3FD9]  }
0x89: {  	s3 =	sld [smem:$0x3FFE];
	_ =	sdelay $0x1  }
0x8a: {  	s1 =	srdreg.scid  }
0x8b: {  	s0 =	sand.u32 $0x1, s1  }
0x8c: {  	s14 =	sshll.u32 s0, $0xA;
	s2 =	sadd.s32 s3, s2  }
0x8d: {  	s2 =	sadd.s32 s2, s14  }
0x8e: {  	[smem:$0x3FC2] =	sst s2  }
0x8f: {  	_ = 	snop  }
0x90: {  	s2 =	sld [smem:$0x3FD0];
	_ =	sdelay $0x1  }
0x91: {  	s15 =	sld [smem:$0x3FC7]  }
0x92: {  	s5 =	simm.s32 $0xA;
	s6 =	simm.s32 $0x10;
	s4 =	sld [smem:$0x3FC6]  }
0x93: {  	[smem:s6], [sflag:s5] =	dma.local [hbm:s2], $0x1  }
0x94: {  	_ =	swait.eq [sflag:s5], $0x1  }
0x95: {  	[sflag:s5] =	ssyncset.done $0x0  }
0x96: {  	s16 =	sld [smem:$0x10];
	[sflag:s5] =	ssyncadd.s32 $0xFFFFFFFF  }
0x97: {  	s17 =	sld [smem:$0x11];
	(tm) =	ssettm $0x1  }
0x98: {  	s18 =	sld [smem:$0x3FFB];
	_ =	sdelay $0x3  }
0x99: {  	_ =	strace s18  }
0x9a: {  	s6 =	sld [smem:$0x3FFC];
	_ =	sdelay $0x3  }
0x9b: {  	_ =	strace s6  }
0x9c: {  	s6 =	sld [smem:$0x3FFD];
	_ =	sdelay $0x3  }
0x9d: {  	_ =	strace s6  }
0x9e: {  	_ =	strace $0x8FFFFFFF  }
0x9f: {  	s19 =	sld [smem:$0x3FDB];
	_ =	sdelay $0x1  }
0xa0: {  	s7 =	simm.s32 $_scs_section_size  }
0xa1: {  	s8 =	simm.s32 $_size__tile_overlayer_lowered;
	s9 =	simm.s32 $_tile_overlayer_lowered  }
0xa2: {  	s22 =	simm.s32 $0x1BFF;
	s21 =	sshll.u32 s9, $0x1;
	s6 =	sadd.s32 s7, s19  }
0xa3: {  	s10 =	simm.s32 $0x0;
	s20 =	sshll.u32 s8, $0x1;
	s8 =	sadd.s32 s21, s6  }
0xa4: {  	[timem:s10], [sflag:s22] =	dma.local [hbm:s8], s20  }
0xa5: {  	_ =	swait.ge [sflag:s22], s20  }
0xa6: {  	s7 =	ssub.s32 $0x0, s20;
	[sflag:s22] =	ssyncset.done $0x0  }
0xa7: {  	[sflag:s22] =	ssyncadd.s32 s7;
	_ =	sdelay $0x1  }
0xa8: {  	s23 =	simm.s32 $0x1B8B  }
0xa9: {  	_ =	swait.ge [sflag:s23], $0x1  }
0xaa: {  	[sflag:s23] =	ssyncset.done $0x0  }
0xab: {  	s25 =	simm.s32 $0x1B8E;
	s24 =	sld [smem:$0x3FFE];
	[sflag:s23] =	ssyncadd.s32 $0xFFFFFFFF  }
0xac: {  	s26 =	simm.s32 $execute0_lowered;
	[smem:$0x3FD2] =	sst s25  }
0xad: {  	s8 =	sshll.u32 s26, $0x1;
	_ =	strace $0x80000046;
	[dreg:$0x1] =	wrdreg $0xFFFFFFFF  }
0xae: {  	s28 =	simm.s32 $_size_execute0_lowered;
	s6 =	sadd.s32 s6, s8;
	[dreg:$0x0] =	wrdreg $0x0  }
0xaf: {  	s8 =	sshll.u32 s28, $0x1;
	[dreg:$0x2] =	wrdreg s6  }
0xb0: {  	[dreg:$0x3] =	wrdreg s8  }
0xb1: {  	[dreg:$0x4] =	wrdreg $0xC0  }
0xb2: {  	_ =	task [dreg:s10], $0x5FFFF  }
0xb3: {  	[dreg:$0x1] =	wrdreg $0xFFFFFFFF  }
0xb4: {  	[dreg:$0x0] =	wrdreg $0x60  }
0xb5: {  	[dreg:$0x2] =	wrdreg s24  }
0xb6: {  	[dreg:$0x3] =	wrdreg s15  }
0xb7: {  	[dreg:$0x4] =	wrdreg s4  }
0xb8: {  	[dreg:$0x5] =	wrdreg s16  }
0xb9: {  	[dreg:$0x6] =	wrdreg s17  }
0xba: {  	[dreg:$0x7] =	wrdreg $0x9  }
0xbb: {  	_ =	task.clear_ibuf [dreg:s10], $0x8FFFF;
	_ =	strace $0x90000046  }
0xbc: {  	s29 =	simm.s32 $0x9;
	_ =	strace $0x80000048  }
0xbd: {  	_ =	swait.ge [sflag:s29], $0x1  }
0xbe: {  	[sflag:s29] =	ssyncadd.s32 $0xFFFFFFFF  }
0xbf: {  	_ =	strace $0x90000048  }
0xc0: {  	_ =	sfence  }
0xc1: {  	s30 =	sld [smem:$0x0];
	_ =	sdelay $0x2  }
0xc2: {  	s31 =	sshll.u32 s1, $0xD;
	s1 =	sshrl.u32 s1, $0x2  }
0xc3: {  	s3 =	sand.u32 $0x4000, s31;
	s1 =	sadd.s32 s1, s30  }
0xc4: {  	s0 =	sor.u32 s3, s0;
	s1 =	sshll.u32 s1, $0x11  }
0xc5: {  	s0 =	sor.u32 s1, s0  }
0xc6: {  	s0 =	sadd.s32 $0x8F2B, s0  }
0xc7: {  	[sflag:s0] =	ssyncadd.remote.s32 $0x1  }
0xc8: {  	_ =	sfence.sel $0xFFFF  }
0xc9: {  	[dreg:$0x0] =	wrdreg $0xFFFFFFFF;
	(pc) =	sbr.abs _section_cstart, $3  }
0xca: {  	[dreg:$0x1] =	wrdreg $0xFFFFFFFF  }
0xcb: {  	_ =	task.clear_ibuf [dreg:s10], $0x2FFFF;
	_ =	strace $0x9FFFFFFF  }
0xcc: {  	(tm) =	ssettm $0x7FFFFFFF  }
0xcd: {  	_ =	shalt  }
tec
execute0_lowered:
.L_overlay_start_1:
0x0: {  	(tag) =	ssettag $0x1  }
0x1: {  	s0 =	srdreg.scid;
	s2 =	stileid.u32  }
0x2: {  	s0 =	sand.u32 $0x1, s0;
	s2 =	sshll.u32 s2, $0x1  }
0x3: {  	s10 =	rddreg [dreg:$0x0];
	s2 =	sor.u32 s0, s2  }
0x4: {  	s1 =	rddreg [dreg:$0x3];
	s7 =	smul.u32 $0x2710, s2  }
0x5: {  	s5 =	rddreg [dreg:$0x4];
	s3 =	smul.u32 $0x28, s2  }
0x6: {  	s6 =	simm.s32 $0x0;
	s0 =	ssub.s32 $0x2, s0;
	s24 =	smul.u32 $0x271000, s2  }
0x7: {  	[smem:$0x7FF] =	sst s6;
	s9 =	sshrl.u32 s0, $0x1;
	s25 =	smul.u32 $0x14000, s2  }
0x8: {  	_ =	strace $0x80000047;
	s2 =	smul.u32 $0x2800, s2;
	s0 =	ssub.s32 s0, s9  }
0x9: {  	s4 =	sshrl.u32 s7, $0x3;
	s3 =	sadd.s32 s3, s10;
	s0 =	smax.u32 s0, $0x1  }
0xa: {  	s28 =	sshrl.u32 s24, $0x3;
	s1 =	sadd.s32 s1, s4;
	[dreg:$0xf] =	wrdreg s0  }
0xb: {  	s8 =	sadd.s32 s4, s10;
	s26 =	sadd.s32 $0xA00, s3;
	[dreg:$0x7] =	wrdreg s1  }
0xc: {  	s10 =	sadd.s32 $0xAE00, s10;
	s3 =	sadd.s32 $0x400, s3;
	[dreg:$0x8] =	wrdreg s26  }
0xd: {  	s29 =	sadd.s32 s5, s28;
	s8 =	sadd.s32 $0x1000, s8;
	[dreg:$0x9] =	wrdreg s3  }
0xe: {  	s1 =	sshrl.u32 s25, $0x3;
	s3 =	sadd.s32 $0x4D800, s29;
	[dreg:$0x6] =	wrdreg s8  }
0xf: {  	s2 =	sadd.s32 s10, s2;
	[dreg:$0xa] =	wrdreg s3;
	s1 =	sadd.s32 s10, s1  }
0x10: {  	s18 =	simm.s32 $0x3;
	[dreg:$0xb] =	wrdreg s2;
	s30 =	sadd.s32 $0xA00, s1  }
0x11: {  	s24 =	simm.s32 $0x9D00;
	s31 =	sadd.s32 $0x1400, s1;
	[dreg:$0xc] =	wrdreg s30  }
0x12: {  	s4 =	simm.s32 $0x7400;
	s1 =	sadd.s32 $0x1E00, s1;
	[dreg:$0xd] =	wrdreg s31  }
0x13: {  	s25 =	simm.s32 $0xED00;
	[dreg:$0xe] =	wrdreg s1;
	s1 =	simm.s32 $0x0  }
.LBB2_1:
0x14: {  	[dreg:$0x10] =	wrdreg s1  }
0x15: {  	s0 =	rddreg [dreg:$0x0]  }
0x16: {  	[tilespmem:s6], [sflag:$0x3] =	stream.linear.gather [hbm4b:s0+s6], $0x1400, $0x38;
	[tilespmem:$0x13D00] =	vst v63  }
0x17: {  	_ =	swait.ge [sflag:s18], $0x1400  }
0x18: {  	[sflag:s18] =	ssyncset.done $0x0  }
0x19: {  	[sflag:s18] =	ssyncadd.s32 $0xFFFFEC00  }
0x1a: {  	s23 =	simm.s32 $0x1400;
	s22 =	rddreg [dreg:$0x1]  }
0x1b: {  	[tilespmem:s23], [sflag:$0x3] =	stream.linear.gather [hbm4b:s22+s6], $0x3200, $0x38;
	[tilespmem:$0x13D00] =	vst v63  }
0x1c: {  	_ =	swait.ge [sflag:s18], $0x3200  }
0x1d: {  	[sflag:s18] =	ssyncset.done $0x0  }
0x1e: {  	[sflag:s18] =	ssyncadd.s32 $0xFFFFCE00  }
0x1f: {  	s28 =	simm.s32 $0x4600;
	s26 =	rddreg [dreg:$0x2]  }
0x20: {  	[tilespmem:s28], [sflag:$0x3] =	stream.linear.gather [hbm4b:s26+s6], $0x680, $0x38;
	[tilespmem:$0x13D00] =	vst v63  }
0x21: {  	_ =	swait.ge [sflag:s18], $0x680  }
0x22: {  	[sflag:s18] =	ssyncset.done $0x0  }
0x23: {  	s30 =	simm.s32 $0x4C80;
	s29 =	rddreg [dreg:$0x6];
	[sflag:s18] =	ssyncadd.s32 $0xFFFFF980  }
0x24: {  	[tilespmem:s30], [sflag:$0x3] =	stream.linear.gather [hbm4b:s29+s6], $0x2710, $0x38;
	[tilespmem:$0x13D00] =	vst v63  }
0x25: {  	_ =	swait.ge [sflag:s18], $0x2710  }
0x26: {  	[sflag:s18] =	ssyncset.done $0x0  }
0x27: {  	s31 =	rddreg [dreg:$0x7];
	[sflag:s18] =	ssyncadd.s32 $0xFFFFD8F0  }
0x28: {  	[tilespmem:s4], [sflag:$0x3] =	stream.linear.gather [hbm4b:s31+s6], $0x2710, $0x38;
	[tilespmem:$0x13D00] =	vst v63  }
0x29: {  	_ =	swait.ge [sflag:s18], $0x2710  }
0x2a: {  	[sflag:s18] =	ssyncset.done $0x0  }
0x2b: {  	s0 =	simm.s32 $0x4CA0;
	[sflag:s18] =	ssyncadd.s32 $0xFFFFD8F0  }
0x2c: {  	s1 =	simm.s32 $0x7420;
	v2 =	vld [tilespmem:s0+$0x10]  }
0x2d: {  	v5 =	vld [tilespmem:s1+$0x10]  }
0x2e: {  	v6 =	vld [tilespmem:s1+$0xFFFFFFE0]  }
0x2f: {  	v4 =	vld [tilespmem:s0+$0xFFFFFFF0]  }
0x30: {  	v3 =	vld [tilespmem:s1+$0xFFFFFFF0]  }
0x31: {  	v0 =	vld [tilespmem:s0+$0x0]  }
0x32: {  	v1 =	vld [tilespmem:s1+$0x0];
	v7 =	vshll.u32 v2, $0x9;
	v8 =	vshll.u32 v5, $0x8  }
0x33: {  	s2 =	simm.s32 $0x0;
	s3 =	simm.s32 $0x4CE0;
	v5 =	vld [tilespmem:s0+$0xFFFFFFE0];
	v2 =	vshll.u32 v6, $0x8;
	v6 =	vadd.s32 v7, v8  }
.LBB2_2:
0x34: {  	v7 =	vld [tilespmem:s3+$0x10];
	v4 =	vshll.u32 v4, $0x9;
	[tilespmem:s0+$0x10] =	vst v6;
	s1 =	sadd.s32 $0x40, s1  }
0x35: {  	s2 =	sadd.s32 $0x4, s2;
	v6 =	vld [tilespmem:s1+$0x10];
	v3 =	vshll.u32 v3, $0x8  }
0x36: {  	p0 =	slt.u32 s2, $0x26C;
	v8 =	vld [tilespmem:s1+$0xFFFFFFE0];
	v3 =	vadd.s32 v4, v3;
	v0 =	vshll.u32 v0, $0x9  }
.Ltmp0:
0x37: {  	v4 =	vld [tilespmem:s3+$0xFFFFFFF0];
	[tilespmem:s0+$0xFFFFFFF0] =	vst v3;
	v1 =	vshll.u32 v1, $0x8;
	(pc) =	sbr.rel @p0 .LBB2_2-.Ltmp0, $4  }
0x38: {  	v3 =	vld [tilespmem:s1+$0xFFFFFFF0];
	v5 =	vshll.u32 v5, $0x9;
	v1 =	vadd.s32 v0, v1  }
0x39: {  	v0 =	vld [tilespmem:s3+$0x0];
	v2 =	vadd.s32 v5, v2;
	[tilespmem:s0+$0x0] =	vst v1  }
0x3a: {  	v7 =	vshll.u32 v7, $0x9;
	v1 =	vld [tilespmem:s1+$0x0];
	v6 =	vshll.u32 v6, $0x8;
	[tilespmem:s0+$0xFFFFFFE0] =	vst v2;
	s0 =	smov.u32 s3  }
0x3b: {  	s3 =	sadd.s32 $0x40, s3;
	v5 =	vld [tilespmem:s0+$0xFFFFFFE0];
	v2 =	vshll.u32 v8, $0x8;
	v6 =	vadd.s32 v7, v6  }
0x3c: {  	_ =	sdelay $0x1  }
0x3d: {  	v4 =	vshll.u32 v4, $0x9;
	v3 =	vshll.u32 v3, $0x8  }
0x3e: {  	[tilespmem:s0+$0x10] =	vst v6;
	v3 =	vadd.s32 v4, v3;
	v0 =	vshll.u32 v0, $0x9;
	v1 =	vshll.u32 v1, $0x8  }
0x3f: {  	[tilespmem:s0+$0xFFFFFFF0] =	vst v3;
	v3 =	vshll.u32 v5, $0x9;
	v0 =	vadd.s32 v0, v1  }
0x40: {  	v1 =	vadd.s32 v3, v2;
	[tilespmem:s0+$0x0] =	vst v0  }
0x41: {  	[tilespmem:s0+$0xFFFFFFE0] =	vst v1  }
0x42: {  	v0 =	vld [tilespmem:$0x7380]  }
0x43: {  	v1 =	vld [tilespmem:$0x9B00];
	_ =	sdelay $0x4  }
0x44: {  	v0 =	vshll.u32 v0, $0x9;
	v1 =	vshll.u32 v1, $0x8  }
0x45: {  	v0 =	vadd.s32 v0, v1  }
0x46: {  	s1 =	simm.s32 $0x9B80;
	s0 =	rddreg [dreg:$0x8];
	[tilespmem:$0x7380] =	vst v0  }
0x47: {  	[tilespmem:s1], [sflag:$0x3] =	stream.linear.gather [hbm4b:s0+s6], $0x140, $0x38;
	[tilespmem:$0x13D00] =	vst v63  }
0x48: {  	_ =	swait.ge [sflag:s18], $0x140  }
0x49: {  	[sflag:s18] =	ssyncset.done $0x0  }
0x4a: {  	s31 =	rddreg [dreg:$0x9];
	[sflag:s18] =	ssyncadd.s32 $0xFFFFFEC0  }
0x4b: {  	[tilespmem:s4], [sflag:$0x3] =	stream.linear.gather [hbm4b:s31+s6], $0x140, $0x38;
	[tilespmem:$0x13D00] =	vst v63  }
0x4c: {  	_ =	swait.ge [sflag:s18], $0x140  }
0x4d: {  	[sflag:s18] =	ssyncset.done $0x0  }
0x4e: {  	s2 =	simm.s32 $0x9BA0;
	[sflag:s18] =	ssyncadd.s32 $0xFFFFFEC0  }
0x4f: {  	v0 =	vld [tilespmem:s2+$0x10];
	_ =	sdelay $0x2  }
0x50: {  	v1 =	vld [tilespmem:s2+$0xFFFFFFF0]  }
0x51: {  	v2 =	vld [tilespmem:s2+$0xFFFFFFE0]  }
0x52: {  	s1 =	simm.s32 $0x9BE0;
	v3 =	vld [tilespmem:s2+$0x0];
	v0 =	vshll.u32 v0, $0x7  }
0x53: {  	s0 =	simm.s32 $0x7420;
	v5 =	vld [tilespmem:s1+$0x10];
	[tilespmem:s2+$0x10] =	vst v0  }
0x54: {  	v6 =	vld [tilespmem:s0+$0x10]  }
0x55: {  	v7 =	vld [tilespmem:s1+$0xFFFFFFF0]  }
0x56: {  	v2 =	vshll.u32 v2, $0x7;
	v0 =	vld [tilespmem:s1+$0x0]  }
0x57: {  	v4 =	vld [tilespmem:s1+$0xFFFFFFE0];
	v1 =	vshll.u32 v1, $0x7;
	[tilespmem:s2+$0xFFFFFFE0] =	vst v2  }
0x58: {  	v3 =	vshll.u32 v3, $0x7;
	[tilespmem:s2+$0xFFFFFFF0] =	vst v1;
	v2 =	vld [tilespmem:s0+$0xFFFFFFE0]  }
0x59: {  	[tilespmem:s2+$0x0] =	vst v3;
	v3 =	vshll.u32 v5, $0x7;
	v1 =	vld [tilespmem:s0+$0xFFFFFFF0];
	v6 =	vshll.u32 v6, $0x7  }
0x5a: {  	s3 =	simm.s32 $0x9C20;
	s4 =	simm.s32 $0x7420;
	s2 =	simm.s32 $0x4;
	v5 =	vshll.u32 v7, $0x7;
	[tilespmem:s1+$0x10] =	vst v3;
	v3 =	vld [tilespmem:s0+$0x0];
	v6 =	vadd.s32 $0x380, v6  }
.LBB2_4:
0x5b: {  	v7 =	vld [tilespmem:s3+$0x10];
	v8 =	vshll.u32 v0, $0x7;
	[tilespmem:s0+$0x10] =	vst v6;
	s4 =	sadd.s32 $0x40, s4;
	s30 =	simm.s32 $0x4C81  }
0x5c: {  	s2 =	sadd.s32 $0x4, s2;
	v0 =	vshll.u32 v4, $0x7;
	[tilespmem:s1+$0xFFFFFFF0] =	vst v5;
	v5 =	vld [tilespmem:s4+$0x10]  }
0x5d: {  	p0 =	slt.u32 s2, $0x10;
	v6 =	vld [tilespmem:s3+$0xFFFFFFF0];
	[tilespmem:s1+$0xFFFFFFE0] =	vst v0;
	v2 =	vshll.u32 v2, $0x7  }
.Ltmp1:
0x5e: {  	v0 =	vld [tilespmem:s3+$0x0];
	[tilespmem:s1+$0x0] =	vst v8;
	v2 =	vadd.s32 $0x380, v2;
	v1 =	vshll.u32 v1, $0x7;
	s1 =	smov.u32 s3;
	(pc) =	sbr.rel @p0 .LBB2_4-.Ltmp1, $4  }
0x5f: {  	v4 =	vld [tilespmem:s3+$0xFFFFFFE0];
	[tilespmem:s0+$0xFFFFFFE0] =	vst v2;
	v1 =	vadd.s32 $0x380, v1;
	v3 =	vshll.u32 v3, $0x7  }
0x60: {  	v2 =	vld [tilespmem:s4+$0xFFFFFFE0];
	[tilespmem:s0+$0xFFFFFFF0] =	vst v1;
	v3 =	vadd.s32 $0x380, v3  }
0x61: {  	v7 =	vshll.u32 v7, $0x7;
	v1 =	vld [tilespmem:s4+$0xFFFFFFF0];
	v8 =	vshll.u32 v5, $0x7;
	[tilespmem:s0+$0x0] =	vst v3;
	s0 =	smov.u32 s4  }
0x62: {  	s3 =	sadd.s32 $0x40, s3;
	v5 =	vshll.u32 v6, $0x7;
	[tilespmem:s1+$0x10] =	vst v7;
	v3 =	vld [tilespmem:s4+$0x0];
	v6 =	vadd.s32 $0x380, v8  }
0x63: {  	s2 =	sadd.s32 $0x40, s4  }
0x64: {  	v0 =	vshll.u32 v0, $0x7;
	[tilespmem:s1+$0xFFFFFFF0] =	vst v5;
	v52 =	vld [tilespmem:s2+$0x10]  }
0x65: {  	v4 =	vshll.u32 v4, $0x7;
	[tilespmem:s1+$0x0] =	vst v0;
	v54 =	vld [tilespmem:s2+$0xFFFFFFF0]  }
0x66: {  	[tilespmem:s1+$0xFFFFFFE0] =	vst v4;
	v2 =	vshll.u32 v2, $0x7;
	v55 =	vld [tilespmem:s2+$0x0]  }
0x67: {  	[tilespmem:s0+$0x10] =	vst v6;
	v53 =	vld [tilespmem:s2+$0xFFFFFFE0];
	v2 =	vadd.s32 $0x380, v2;
	v1 =	vshll.u32 v1, $0x7  }
0x68: {  	[tilespmem:s0+$0xFFFFFFE0] =	vst v2;
	v1 =	vadd.s32 $0x380, v1;
	v56 =	vshll.u32 v3, $0x7  }
0x69: {  	[tilespmem:s0+$0xFFFFFFF0] =	vst v1;
	v57 =	vadd.s32 $0x380, v56;
	v58 =	vshll.u32 v52, $0x7  }
0x6a: {  	[tilespmem:s0+$0x0] =	vst v57;
	v0 =	vshll.u32 v54, $0x7;
	v59 =	vadd.s32 $0x380, v58  }
0x6b: {  	v0 =	vadd.s32 $0x380, v0;
	v62 =	vshll.u32 v55, $0x7;
	[tilespmem:s2+$0x10] =	vst v59  }
0x6c: {  	v60 =	vshll.u32 v53, $0x7;
	[tilespmem:s2+$0xFFFFFFF0] =	vst v0;
	v63 =	vadd.s32 $0x380, v62  }
0x6d: {  	v61 =	vadd.s32 $0x380, v60;
	[tilespmem:s2+$0x0] =	vst v63  }
0x6e: {  	s31 =	simm.s32 $0x4CD1;
	s4 =	simm.s32 $0x0;
	s0 =	simm.s32 $0x0;
	[tilespmem:s2+$0xFFFFFFE0] =	vst v61  }
.LBB2_6:
0x6f: {  	p0 =	seq.s32 s0, $0x0  }
0x70: {  	s1 =	simm.s32 @!p0 $0x1  }
0x71: {  	_ =	swait.ge @!p0 [sflag:s1], $0x5000  }
0x72: {  	[sflag:s1] =	ssyncset.done @!p0 $0x0  }
0x73: {  	[sflag:s1] =	ssyncadd.s32 @!p0 $0xFFFFB000  }
0x74: {  	v0 =	vld [tilespmem:s30+$0x0];
	_ =	sdelay $0x4  }
0x75: {  	(v2sf) =	vpush v0, $0x0;
	v0 =	vld [tilespmem:s30+$0xFFFFFFFF];
	_ =	sdelay $0x4  }
0x76: {  	(v2sf) =	vpush v0, $0x0;
	_ =	sdelay $0x9  }
0x77: {  	s11 =	spop (v2sf)  }
0x78: {  	v0 =	vld [tilespmem:s11+$0x0];
	_ =	sdelay $0x1  }
0x79: {  	s10 =	simm.s32 $0x80;
	s2 =	sand.u32 $0x7800, s4  }
0x7a: {  	s12 =	sadd.s32 $0x2, s30;
	s2 =	sadd.s32 $0x9D00, s2;
	s1 =	sand.u32 $0x380, s10  }
0x7b: {  	s10 =	sadd.s32 s1, s2;
	v1 =	vld [tilespmem:s12+$0x0];
	s3 =	spop (v2sf)  }
0x7c: {  	[tilespmem:s10+$0x0] =	vst v0;
	v2 =	vld [tilespmem:s3+$0x0]  }
0x7d: {  	v0 =	vld [tilespmem:s11+$0x10]  }
0x7e: {  	s8 =	simm.s32 $0x0  }
0x7f: {  	s8 =	sand.u32 $0x300, s8  }
0x80: {  	s2 =	sadd.s32 s8, s2  }
0x81: {  	[tilespmem:s2+$0x0] =	vst v2  }
0x82: {  	(v2sf) =	vpush v1, $0x0;
	[tilespmem:s10+$0x10] =	vst v0;
	v1 =	vld [tilespmem:s3+$0x10]  }
0x83: {  	v0 =	vld [tilespmem:s11+$0x20];
	_ =	sdelay $0x3  }
0x84: {  	v3 =	vld [tilespmem:s12+$0xFFFFFFFF];
	[tilespmem:s2+$0x10] =	vst v1  }
0x85: {  	[tilespmem:s10+$0x20] =	vst v0;
	v1 =	vld [tilespmem:s3+$0x20]  }
0x86: {  	v0 =	vld [tilespmem:s11+$0x30];
	_ =	sdelay $0x3  }
0x87: {  	(v2sf) =	vpush v3, $0x0;
	[tilespmem:s2+$0x20] =	vst v1  }
0x88: {  	[tilespmem:s10+$0x30] =	vst v0;
	v1 =	vld [tilespmem:s3+$0x30]  }
0x89: {  	v0 =	vld [tilespmem:s11+$0x40];
	_ =	sdelay $0x1  }
0x8a: {  	s21 =	spop (v2sf)  }
0x8b: {  	v2 =	vld [tilespmem:s21+$0x0]  }
0x8c: {  	s13 =	simm.s32 $0x200;
	[tilespmem:s2+$0x30] =	vst v1  }
0x8d: {  	s9 =	simm.s32 $0x180;
	s8 =	sand.u32 $0x7800, s13;
	[tilespmem:s10+$0x40] =	vst v0;
	v1 =	vld [tilespmem:s3+$0x40]  }
0x8e: {  	s9 =	sand.u32 $0x380, s9;
	s8 =	sadd.s32 $0x9D00, s8;
	v0 =	vld [tilespmem:s11+$0x50]  }
0x8f: {  	s23 =	sadd.s32 s9, s8  }
0x90: {  	[tilespmem:s23+$0x0] =	vst v2  }
0x91: {  	v2 =	vld [tilespmem:s21+$0x10]  }
0x92: {  	[tilespmem:s2+$0x40] =	vst v1  }
0x93: {  	[tilespmem:s10+$0x50] =	vst v0;
	v1 =	vld [tilespmem:s3+$0x50]  }
0x94: {  	s12 =	sadd.s32 $0x2, s12;
	v0 =	vld [tilespmem:s11+$0x60]  }
0x95: {  	v4 =	vld [tilespmem:s12+$0x0];
	s20 =	spop (v2sf)  }
0x96: {  	v3 =	vld [tilespmem:s20+$0x0];
	[tilespmem:s23+$0x10] =	vst v2  }
0x97: {  	v2 =	vld [tilespmem:s21+$0x20]  }
0x98: {  	s14 =	simm.s32 $0x100;
	v5 =	vld [tilespmem:s12+$0xFFFFFFFF];
	[tilespmem:s2+$0x50] =	vst v1  }
0x99: {  	s9 =	sand.u32 $0x300, s14;
	[tilespmem:s10+$0x60] =	vst v0;
	v1 =	vld [tilespmem:s3+$0x60]  }
0x9a: {  	s19 =	sadd.s32 s9, s8;
	v0 =	vld [tilespmem:s11+$0x70]  }
0x9b: {  	(v2sf) =	vpush v4, $0x0;
	[tilespmem:s19+$0x0] =	vst v3  }
0x9c: {  	v3 =	vld [tilespmem:s20+$0x10];
	[tilespmem:s23+$0x20] =	vst v2  }
0x9d: {  	(v2sf) =	vpush v5, $0x0;
	v2 =	vld [tilespmem:s21+$0x30]  }
0x9e: {  	[tilespmem:s2+$0x60] =	vst v1  }
0x9f: {  	[tilespmem:s10+$0x70] =	vst v0;
	v1 =	vld [tilespmem:s3+$0x70]  }
0xa0: {  	v0 =	vld [tilespmem:s11+$0x80]  }
0xa1: {  	[tilespmem:s19+$0x10] =	vst v3  }
0xa2: {  	v3 =	vld [tilespmem:s20+$0x20];
	[tilespmem:s23+$0x30] =	vst v2  }
0xa3: {  	v2 =	vld [tilespmem:s21+$0x40]  }
0xa4: {  	[tilespmem:s2+$0x70] =	vst v1  }
0xa5: {  	[tilespmem:s10+$0x400] =	vst v0;
	v1 =	vld [tilespmem:s3+$0x80]  }
0xa6: {  	s15 =	simm.s32 $0x400;
	v0 =	vld [tilespmem:s11+$0x90]  }
0xa7: {  	s16 =	simm.s32 $0x280;
	s8 =	sand.u32 $0x7800, s15;
	[tilespmem:s19+$0x20] =	vst v3  }
0xa8: {  	s17 =	sand.u32 $0x380, s16;
	s13 =	sadd.s32 $0x9D00, s8;
	v3 =	vld [tilespmem:s20+$0x30];
	[tilespmem:s23+$0x40] =	vst v2  }
0xa9: {  	s8 =	sadd.s32 s17, s13;
	s17 =	sadd.s32 $0x2, s12;
	v2 =	vld [tilespmem:s21+$0x50]  }
0xaa: {  	v6 =	vld [tilespmem:s17+$0x0];
	s1 =	spop (v2sf);
	[tilespmem:s2+$0x400] =	vst v1  }
0xab: {  	v1 =	vld [tilespmem:s1+$0x0];
	[tilespmem:s10+$0x410] =	vst v0  }
0xac: {  	s22 =	spop (v2sf);
	v0 =	vld [tilespmem:s11+$0xA0]  }
0xad: {  	v5 =	vld [tilespmem:s22+$0x0];
	[tilespmem:s19+$0x30] =	vst v3  }
0xae: {  	v3 =	vld [tilespmem:s20+$0x40];
	[tilespmem:s23+$0x50] =	vst v2  }
0xaf: {  	s26 =	simm.s32 $0x200;
	v2 =	vld [tilespmem:s21+$0x60]  }
0xb0: {  	s9 =	sand.u32 $0x300, s26;
	v4 =	vld [tilespmem:s3+$0x90];
	[tilespmem:s8+$0x0] =	vst v1  }
0xb1: {  	s9 =	sadd.s32 s9, s13;
	v1 =	vld [tilespmem:s1+$0x10];
	[tilespmem:s10+$0x420] =	vst v0  }
0xb2: {  	[tilespmem:s9+$0x0] =	vst v5;
	v0 =	vld [tilespmem:s11+$0xB0]  }
0xb3: {  	v5 =	vld [tilespmem:s22+$0x10];
	[tilespmem:s19+$0x40] =	vst v3  }
0xb4: {  	v3 =	vld [tilespmem:s20+$0x50];
	[tilespmem:s23+$0x60] =	vst v2  }
0xb5: {  	v2 =	vld [tilespmem:s21+$0x70];
	[tilespmem:s2+$0x410] =	vst v4  }
0xb6: {  	v4 =	vld [tilespmem:s3+$0xA0];
	[tilespmem:s8+$0x10] =	vst v1  }
0xb7: {  	v1 =	vld [tilespmem:s1+$0x20];
	[tilespmem:s10+$0x430] =	vst v0  }
0xb8: {  	[tilespmem:s9+$0x10] =	vst v5;
	v0 =	vld [tilespmem:s11+$0xC0]  }
0xb9: {  	v5 =	vld [tilespmem:s17+$0xFFFFFFFF];
	[tilespmem:s19+$0x50] =	vst v3  }
0xba: {  	v3 =	vld [tilespmem:s20+$0x60];
	[tilespmem:s23+$0x70] =	vst v2  }
0xbb: {  	v2 =	vld [tilespmem:s21+$0x80];
	[tilespmem:s2+$0x420] =	vst v4  }
0xbc: {  	v4 =	vld [tilespmem:s3+$0xB0];
	[tilespmem:s8+$0x20] =	vst v1  }
0xbd: {  	v1 =	vld [tilespmem:s22+$0x20];
	[tilespmem:s10+$0x440] =	vst v0  }
0xbe: {  	v0 =	vld [tilespmem:s11+$0xD0]  }
0xbf: {  	[tilespmem:s19+$0x60] =	vst v3  }
0xc0: {  	(v2sf) =	vpush v6, $0x0;
	[tilespmem:s23+$0x400] =	vst v2;
	v3 =	vld [tilespmem:s1+$0x30]  }
0xc1: {  	v2 =	vld [tilespmem:s20+$0x70];
	[tilespmem:s2+$0x430] =	vst v4  }
0xc2: {  	v4 =	vld [tilespmem:s21+$0x90];
	[tilespmem:s9+$0x20] =	vst v1  }
0xc3: {  	(v2sf) =	vpush v5, $0x0;
	[tilespmem:s10+$0x450] =	vst v0;
	v0 =	vld [tilespmem:s3+$0xC0]  }
0xc4: {  	v1 =	vld [tilespmem:s22+$0x30]  }
0xc5: {  	[tilespmem:s8+$0x30] =	vst v3;
	v5 =	vld [tilespmem:s11+$0xE0]  }
0xc6: {  	[tilespmem:s19+$0x70] =	vst v2;
	v3 =	vld [tilespmem:s1+$0x40]  }
0xc7: {  	v2 =	vld [tilespmem:s20+$0x80];
	[tilespmem:s23+$0x410] =	vst v4  }
0xc8: {  	v4 =	vld [tilespmem:s21+$0xA0];
	[tilespmem:s2+$0x440] =	vst v0  }
0xc9: {  	[tilespmem:s9+$0x30] =	vst v1;
	v0 =	vld [tilespmem:s3+$0xD0]  }
0xca: {  	v1 =	vld [tilespmem:s22+$0x40];
	[tilespmem:s10+$0x460] =	vst v5  }
0xcb: {  	[tilespmem:s8+$0x40] =	vst v3;
	v5 =	vld [tilespmem:s11+$0xF0]  }
0xcc: {  	[tilespmem:s19+$0x400] =	vst v2;
	v3 =	vld [tilespmem:s1+$0x50]  }
0xcd: {  	v2 =	vld [tilespmem:s20+$0x90];
	[tilespmem:s23+$0x420] =	vst v4  }
0xce: {  	v4 =	vld [tilespmem:s21+$0xB0];
	[tilespmem:s2+$0x450] =	vst v0  }
0xcf: {  	s12 =	spop (v2sf);
	[tilespmem:s9+$0x40] =	vst v1;
	v0 =	vld [tilespmem:s3+$0xE0]  }
0xd0: {  	[tilespmem:s10+$0x470] =	vst v5;
	v5 =	vld [tilespmem:s12+$0x0]  }
0xd1: {  	s14 =	simm.s32 $0x600;
	v1 =	vld [tilespmem:s22+$0x50];
	[tilespmem:s8+$0x50] =	vst v3  }
0xd2: {  	s28 =	sand.u32 $0x7800, s14;
	s15 =	simm.s32 $0x380;
	[tilespmem:s19+$0x410] =	vst v2;
	v3 =	vld [tilespmem:s1+$0x60];
	s10 =	spop (v2sf)  }
0xd3: {  	s29 =	sand.u32 $0x380, s15;
	s11 =	sadd.s32 $0x9D00, s28;
	[tilespmem:s23+$0x430] =	vst v4;
	v2 =	vld [tilespmem:s10+$0x0]  }
0xd4: {  	s13 =	sadd.s32 s29, s11;
	v4 =	vld [tilespmem:s21+$0xC0];
	[tilespmem:s2+$0x460] =	vst v0  }
0xd5: {  	s16 =	simm.s32 $0x300;
	[tilespmem:s13+$0x0] =	vst v5;
	v0 =	vld [tilespmem:s20+$0xA0]  }
0xd6: {  	s16 =	sand.u32 $0x300, s16;
	[tilespmem:s9+$0x50] =	vst v1;
	v5 =	vld [tilespmem:s12+$0x10]  }
0xd7: {  	s11 =	sadd.s32 s16, s11;
	v6 =	vld [tilespmem:s22+$0x60];
	[tilespmem:s8+$0x60] =	vst v3  }
0xd8: {  	[tilespmem:s11+$0x0] =	vst v2;
	v2 =	vld [tilespmem:s1+$0x70]  }
0xd9: {  	[tilespmem:s23+$0x440] =	vst v4;
	v3 =	vld [tilespmem:s10+$0x10]  }
0xda: {  	[tilespmem:s19+$0x420] =	vst v0;
	v0 =	vld [tilespmem:s21+$0xD0]  }
0xdb: {  	[tilespmem:s13+$0x10] =	vst v5;
	v1 =	vld [tilespmem:s20+$0xB0]  }
0xdc: {  	s17 =	sadd.s32 $0x2, s17;
	s16 =	simm.s32 $0x6;
	[tilespmem:s9+$0x60] =	vst v6;
	v4 =	vld [tilespmem:s12+$0x20]  }
.LBB2_7:
0xdd: {  	v5 =	vld [tilespmem:s17+$0x0];
	s16 =	sadd.s32 $0x2, s16;
	[tilespmem:s8+$0x70] =	vst v2  }
0xde: {  	p1 =	slt.u32 s16, $0x4E;
	[tilespmem:s11+$0x10] =	vst v3;
	v2 =	vld [tilespmem:s1+$0x80]  }
0xdf: {  	v3 =	vld [tilespmem:s17+$0xFFFFFFFF];
	[tilespmem:s23+$0x450] =	vst v0  }
0xe0: {  	[tilespmem:s19+$0x430] =	vst v1;
	v0 =	vld [tilespmem:s21+$0xE0]  }
0xe1: {  	v1 =	vld [tilespmem:s10+$0x20];
	[tilespmem:s13+$0x20] =	vst v4  }
0xe2: {  	(v2sf) =	vpush v5, $0x0;
	v4 =	vld [tilespmem:s12+$0x30]  }
0xe3: {  	v5 =	vld [tilespmem:s22+$0x70];
	[tilespmem:s8+$0x400] =	vst v2  }
0xe4: {  	(v2sf) =	vpush v3, $0x0;
	v2 =	vld [tilespmem:s1+$0x90]  }
0xe5: {  	v3 =	vld [tilespmem:s20+$0xC0];
	[tilespmem:s23+$0x460] =	vst v0  }
0xe6: {  	[tilespmem:s11+$0x20] =	vst v1;
	v0 =	vld [tilespmem:s21+$0xF0];
	s21 =	smov.u32 s1;
	s1 =	smov.u32 s12  }
0xe7: {  	v1 =	vld [tilespmem:s10+$0x30];
	[tilespmem:s13+$0x30] =	vst v4  }
0xe8: {  	v4 =	vld [tilespmem:s1+$0x40];
	[tilespmem:s9+$0x70] =	vst v5  }
0xe9: {  	v5 =	vld [tilespmem:s22+$0x80];
	[tilespmem:s8+$0x410] =	vst v2  }
0xea: {  	v2 =	vld [tilespmem:s21+$0xA0];
	[tilespmem:s19+$0x440] =	vst v3  }
0xeb: {  	v3 =	vld [tilespmem:s20+$0xD0];
	[tilespmem:s23+$0x470] =	vst v0;
	s23 =	smov.u32 s8;
	s8 =	smov.u32 s13  }
0xec: {  	[tilespmem:s11+$0x30] =	vst v1;
	v0 =	vld [tilespmem:s3+$0xF0];
	s3 =	smov.u32 s20;
	s20 =	smov.u32 s22;
	s22 =	smov.u32 s10  }
0xed: {  	v1 =	vld [tilespmem:s22+$0x40];
	[tilespmem:s8+$0x40] =	vst v4  }
0xee: {  	v4 =	vld [tilespmem:s1+$0x50];
	[tilespmem:s9+$0x400] =	vst v5  }
0xef: {  	v5 =	vld [tilespmem:s20+$0x90];
	[tilespmem:s23+$0x420] =	vst v2  }
0xf0: {  	v2 =	vld [tilespmem:s21+$0xB0];
	[tilespmem:s19+$0x450] =	vst v3  }
0xf1: {  	s12 =	spop (v2sf);
	v3 =	vld [tilespmem:s3+$0xE0];
	[tilespmem:s2+$0x470] =	vst v0;
	s2 =	smov.u32 s19;
	s19 =	smov.u32 s9  }
0xf2: {  	s9 =	smov.u32 s11;
	v0 =	vld [tilespmem:s12+$0x0];
	[tilespmem:s11+$0x40] =	vst v1  }
0xf3: {  	s14 =	sadd.s32 $0x200, s14;
	s10 =	spop (v2sf);
	v1 =	vld [tilespmem:s22+$0x50];
	[tilespmem:s8+$0x50] =	vst v4  }
0xf4: {  	s15 =	sadd.s32 $0x100, s15;
	s11 =	sand.u32 $0x7800, s14;
	v4 =	vld [tilespmem:s1+$0x60];
	[tilespmem:s19+$0x410] =	vst v5  }
0xf5: {  	s28 =	sand.u32 $0x380, s15;
	s13 =	sadd.s32 $0xFFFFFF80, s15;
	s11 =	sadd.s32 $0x9D00, s11;
	v5 =	vld [tilespmem:s10+$0x0];
	[tilespmem:s23+$0x430] =	vst v2  }
0xf6: {  	s26 =	sand.u32 $0x300, s13;
	s13 =	sadd.s32 s28, s11;
	v6 =	vld [tilespmem:s21+$0xC0];
	[tilespmem:s2+$0x460] =	vst v3  }
0xf7: {  	s11 =	sadd.s32 s26, s11;
	[tilespmem:s13+$0x0] =	vst v0;
	v0 =	vld [tilespmem:s20+$0xA0]  }
0xf8: {  	v7 =	vld [tilespmem:s12+$0x10];
	[tilespmem:s9+$0x50] =	vst v1  }
0xf9: {  	v8 =	vld [tilespmem:s22+$0x60];
	[tilespmem:s8+$0x60] =	vst v4  }
.Ltmp2:
0xfa: {  	[tilespmem:s11+$0x0] =	vst v5;
	v2 =	vld [tilespmem:s1+$0x70];
	(pc) =	sbr.rel @p1 .LBB2_7-.Ltmp2, $4  }
0xfb: {  	v3 =	vld [tilespmem:s10+$0x10];
	[tilespmem:s23+$0x440] =	vst v6  }
0xfc: {  	[tilespmem:s19+$0x420] =	vst v0;
	v0 =	vld [tilespmem:s21+$0xD0]  }
0xfd: {  	[tilespmem:s13+$0x10] =	vst v7;
	v1 =	vld [tilespmem:s20+$0xB0]  }
0xfe: {  	s17 =	sadd.s32 $0x2, s17;
	v4 =	vld [tilespmem:s12+$0x20];
	[tilespmem:s9+$0x60] =	vst v8  }
0xff: {  	_ = 	snop  }
0x100: {  	[tilespmem:s11+$0x10] =	vst v3  }
0x101: {  	v3 =	vld [tilespmem:s10+$0x20];
	_ =	sdelay $0x3  }
0x102: {  	[tilespmem:s13+$0x20] =	vst v4  }
0x103: {  	v4 =	vld [tilespmem:s12+$0x30];
	[tilespmem:s11+$0x20] =	vst v3  }
0x104: {  	v3 =	vld [tilespmem:s10+$0x30];
	_ =	sdelay $0x3  }
0x105: {  	[tilespmem:s13+$0x30] =	vst v4  }
0x106: {  	v4 =	vld [tilespmem:s12+$0x40];
	[tilespmem:s11+$0x30] =	vst v3  }
0x107: {  	v3 =	vld [tilespmem:s10+$0x40];
	_ =	sdelay $0x3  }
0x108: {  	[tilespmem:s13+$0x40] =	vst v4  }
0x109: {  	v4 =	vld [tilespmem:s12+$0x50];
	[tilespmem:s11+$0x40] =	vst v3  }
0x10a: {  	v3 =	vld [tilespmem:s10+$0x50];
	_ =	sdelay $0x3  }
0x10b: {  	[tilespmem:s13+$0x50] =	vst v4  }
0x10c: {  	v4 =	vld [tilespmem:s12+$0x60];
	[tilespmem:s11+$0x50] =	vst v3  }
0x10d: {  	v3 =	vld [tilespmem:s10+$0x60];
	_ =	sdelay $0x2  }
0x10e: {  	v5 =	vld [tilespmem:s22+$0x70]  }
0x10f: {  	[tilespmem:s13+$0x60] =	vst v4  }
0x110: {  	v4 =	vld [tilespmem:s12+$0x70];
	[tilespmem:s11+$0x60] =	vst v3  }
0x111: {  	v3 =	vld [tilespmem:s10+$0x70]  }
0x112: {  	[tilespmem:s8+$0x70] =	vst v2  }
0x113: {  	v2 =	vld [tilespmem:s1+$0x80];
	[tilespmem:s9+$0x70] =	vst v5  }
0x114: {  	v5 =	vld [tilespmem:s22+$0x80]  }
0x115: {  	[tilespmem:s13+$0x70] =	vst v4  }
0x116: {  	v4 =	vld [tilespmem:s12+$0x80];
	[tilespmem:s11+$0x70] =	vst v3  }
0x117: {  	v3 =	vld [tilespmem:s10+$0x80]  }
0x118: {  	[tilespmem:s8+$0x400] =	vst v2  }
0x119: {  	v2 =	vld [tilespmem:s1+$0x90];
	[tilespmem:s9+$0x400] =	vst v5  }
0x11a: {  	v5 =	vld [tilespmem:s22+$0x90]  }
0x11b: {  	[tilespmem:s13+$0x400] =	vst v4  }
0x11c: {  	v4 =	vld [tilespmem:s12+$0x90];
	[tilespmem:s11+$0x400] =	vst v3  }
0x11d: {  	v3 =	vld [tilespmem:s10+$0x90]  }
0x11e: {  	[tilespmem:s8+$0x410] =	vst v2  }
0x11f: {  	v2 =	vld [tilespmem:s1+$0xA0];
	[tilespmem:s9+$0x410] =	vst v5  }
0x120: {  	v5 =	vld [tilespmem:s22+$0xA0]  }
0x121: {  	[tilespmem:s13+$0x410] =	vst v4  }
0x122: {  	v4 =	vld [tilespmem:s12+$0xA0];
	[tilespmem:s11+$0x410] =	vst v3  }
0x123: {  	v3 =	vld [tilespmem:s10+$0xA0]  }
0x124: {  	[tilespmem:s8+$0x420] =	vst v2  }
0x125: {  	v2 =	vld [tilespmem:s1+$0xB0];
	[tilespmem:s9+$0x420] =	vst v5  }
0x126: {  	v5 =	vld [tilespmem:s22+$0xB0]  }
0x127: {  	[tilespmem:s13+$0x420] =	vst v4  }
0x128: {  	v4 =	vld [tilespmem:s12+$0xB0];
	[tilespmem:s11+$0x420] =	vst v3  }
0x129: {  	[tilespmem:s19+$0x430] =	vst v1;
	v3 =	vld [tilespmem:s10+$0xB0]  }
0x12a: {  	[tilespmem:s8+$0x430] =	vst v2;
	v2 =	vld [tilespmem:s20+$0xC0]  }
0x12b: {  	v1 =	vld [tilespmem:s1+$0xC0];
	[tilespmem:s9+$0x430] =	vst v5  }
0x12c: {  	[tilespmem:s23+$0x450] =	vst v0;
	v5 =	vld [tilespmem:s22+$0xC0]  }
0x12d: {  	[tilespmem:s13+$0x430] =	vst v4  }
0x12e: {  	v4 =	vld [tilespmem:s12+$0xC0];
	[tilespmem:s11+$0x430] =	vst v3  }
0x12f: {  	[tilespmem:s19+$0x440] =	vst v2;
	v0 =	vld [tilespmem:s10+$0xC0]  }
0x130: {  	[tilespmem:s8+$0x440] =	vst v1;
	v2 =	vld [tilespmem:s20+$0xD0]  }
0x131: {  	v1 =	vld [tilespmem:s1+$0xD0];
	[tilespmem:s9+$0x440] =	vst v5  }
0x132: {  	v5 =	vld [tilespmem:s22+$0xD0]  }
0x133: {  	v3 =	vld [tilespmem:s21+$0xE0];
	[tilespmem:s13+$0x440] =	vst v4  }
0x134: {  	v4 =	vld [tilespmem:s12+$0xD0];
	[tilespmem:s11+$0x440] =	vst v0  }
0x135: {  	[tilespmem:s19+$0x450] =	vst v2;
	v0 =	vld [tilespmem:s10+$0xD0]  }
0x136: {  	[tilespmem:s8+$0x450] =	vst v1;
	v2 =	vld [tilespmem:s20+$0xE0]  }
0x137: {  	v1 =	vld [tilespmem:s1+$0xE0];
	[tilespmem:s9+$0x450] =	vst v5  }
0x138: {  	v5 =	vld [tilespmem:s22+$0xE0];
	[tilespmem:s23+$0x460] =	vst v3  }
0x139: {  	v3 =	vld [tilespmem:s21+$0xF0];
	[tilespmem:s13+$0x450] =	vst v4  }
0x13a: {  	v4 =	vld [tilespmem:s12+$0xE0];
	[tilespmem:s11+$0x450] =	vst v0  }
0x13b: {  	[tilespmem:s19+$0x460] =	vst v2;
	v0 =	vld [tilespmem:s10+$0xE0]  }
0x13c: {  	[tilespmem:s8+$0x460] =	vst v1;
	v2 =	vld [tilespmem:s20+$0xF0]  }
0x13d: {  	v1 =	vld [tilespmem:s1+$0xF0];
	[tilespmem:s9+$0x460] =	vst v5  }
0x13e: {  	v5 =	vld [tilespmem:s22+$0xF0];
	[tilespmem:s23+$0x470] =	vst v3  }
0x13f: {  	v3 =	vld [tilespmem:s3+$0xF0];
	[tilespmem:s13+$0x460] =	vst v4  }
0x140: {  	v4 =	vld [tilespmem:s12+$0xF0];
	[tilespmem:s11+$0x460] =	vst v0  }
0x141: {  	[tilespmem:s19+$0x470] =	vst v2;
	v0 =	vld [tilespmem:s10+$0xF0]  }
0x142: {  	s14 =	smul.u32 $0xA0, s0;
	[tilespmem:s8+$0x470] =	vst v1  }
0x143: {  	[tilespmem:s9+$0x470] =	vst v5  }
0x144: {  	s1 =	sadd.s32 s7, s14;
	[tilespmem:s2+$0x470] =	vst v3  }
0x145: {  	s1 =	sshll.u32 s1, $0x5;
	[tilespmem:s13+$0x470] =	vst v4  }
0x146: {  	s1 =	sadd.s32 s5, s1;
	[tilespmem:s11+$0x470] =	vst v0  }
0x147: {  	[hbm4b:s1+s6] =	stream.linear.scatter [tilespmem:s24], [sflag:$0x1], $0x5000, $0x38;
	[tilespmem:$0x13D00] =	vst v63  }
0x148: {  	s1 =	simm.s32 @!p0 $0x2  }
0x149: {  	_ =	swait.ge @!p0 [sflag:s1], $0x5000  }
0x14a: {  	[sflag:s1] =	ssyncset.done @!p0 $0x0  }
0x14b: {  	[sflag:s1] =	ssyncadd.s32 @!p0 $0xFFFFB000  }
0x14c: {  	v0 =	vld [tilespmem:s31+$0x0];
	_ =	sdelay $0x4  }
0x14d: {  	(v2sf) =	vpush v0, $0x0;
	v0 =	vld [tilespmem:s31+$0xFFFFFFFF];
	_ =	sdelay $0x4  }
0x14e: {  	(v2sf) =	vpush v0, $0x0;
	_ =	sdelay $0x9  }
0x14f: {  	s11 =	spop (v2sf)  }
0x150: {  	v0 =	vld [tilespmem:s11+$0x0]  }
0x151: {  	s15 =	simm.s32 $0x0  }
0x152: {  	s16 =	simm.s32 $0x80;
	s1 =	sand.u32 $0x7800, s15  }
0x153: {  	s17 =	sadd.s32 $0x2, s31;
	s2 =	sand.u32 $0x380, s16;
	s1 =	sadd.s32 $0xED00, s1  }
0x154: {  	v1 =	vld [tilespmem:s17+$0x0];
	s10 =	sadd.s32 s2, s1;
	s3 =	spop (v2sf)  }
0x155: {  	[tilespmem:s10+$0x0] =	vst v0;
	v2 =	vld [tilespmem:s3+$0x0]  }
0x156: {  	v0 =	vld [tilespmem:s11+$0x10]  }
0x157: {  	s21 =	simm.s32 $0x0  }
0x158: {  	s2 =	sand.u32 $0x300, s21  }
0x159: {  	s2 =	sadd.s32 s2, s1  }
0x15a: {  	[tilespmem:s2+$0x0] =	vst v2  }
0x15b: {  	(v2sf) =	vpush v1, $0x0;
	[tilespmem:s10+$0x10] =	vst v0;
	v1 =	vld [tilespmem:s3+$0x10]  }
0x15c: {  	v0 =	vld [tilespmem:s11+$0x20];
	_ =	sdelay $0x3  }
0x15d: {  	v3 =	vld [tilespmem:s17+$0xFFFFFFFF];
	[tilespmem:s2+$0x10] =	vst v1  }
0x15e: {  	[tilespmem:s10+$0x20] =	vst v0;
	v1 =	vld [tilespmem:s3+$0x20]  }
0x15f: {  	v0 =	vld [tilespmem:s11+$0x30];
	_ =	sdelay $0x3  }
0x160: {  	(v2sf) =	vpush v3, $0x0;
	[tilespmem:s2+$0x20] =	vst v1  }
0x161: {  	[tilespmem:s10+$0x30] =	vst v0;
	v1 =	vld [tilespmem:s3+$0x30]  }
0x162: {  	v0 =	vld [tilespmem:s11+$0x40];
	_ =	sdelay $0x1  }
0x163: {  	s21 =	spop (v2sf)  }
0x164: {  	v2 =	vld [tilespmem:s21+$0x0]  }
0x165: {  	s22 =	simm.s32 $0x200;
	[tilespmem:s2+$0x30] =	vst v1  }
0x166: {  	s23 =	simm.s32 $0x180;
	s1 =	sand.u32 $0x7800, s22;
	[tilespmem:s10+$0x40] =	vst v0;
	v1 =	vld [tilespmem:s3+$0x40]  }
0x167: {  	s9 =	sand.u32 $0x380, s23;
	s1 =	sadd.s32 $0xED00, s1;
	v0 =	vld [tilespmem:s11+$0x50]  }
0x168: {  	s23 =	sadd.s32 s9, s1  }
0x169: {  	[tilespmem:s23+$0x0] =	vst v2  }
0x16a: {  	v2 =	vld [tilespmem:s21+$0x10]  }
0x16b: {  	[tilespmem:s2+$0x40] =	vst v1  }
0x16c: {  	[tilespmem:s10+$0x50] =	vst v0;
	v1 =	vld [tilespmem:s3+$0x50]  }
0x16d: {  	s29 =	sadd.s32 $0x2, s17;
	v0 =	vld [tilespmem:s11+$0x60]  }
0x16e: {  	v4 =	vld [tilespmem:s29+$0x0];
	s20 =	spop (v2sf)  }
0x16f: {  	v3 =	vld [tilespmem:s20+$0x0];
	[tilespmem:s23+$0x10] =	vst v2  }
0x170: {  	v2 =	vld [tilespmem:s21+$0x20]  }
0x171: {  	s26 =	simm.s32 $0x100;
	v5 =	vld [tilespmem:s29+$0xFFFFFFFF];
	[tilespmem:s2+$0x50] =	vst v1  }
0x172: {  	s9 =	sand.u32 $0x300, s26;
	[tilespmem:s10+$0x60] =	vst v0;
	v1 =	vld [tilespmem:s3+$0x60]  }
0x173: {  	s19 =	sadd.s32 s9, s1;
	v0 =	vld [tilespmem:s11+$0x70]  }
0x174: {  	(v2sf) =	vpush v4, $0x0;
	[tilespmem:s19+$0x0] =	vst v3  }
0x175: {  	v3 =	vld [tilespmem:s20+$0x10];
	[tilespmem:s23+$0x20] =	vst v2  }
0x176: {  	(v2sf) =	vpush v5, $0x0;
	v2 =	vld [tilespmem:s21+$0x30]  }
0x177: {  	[tilespmem:s2+$0x60] =	vst v1  }
0x178: {  	[tilespmem:s10+$0x70] =	vst v0;
	v1 =	vld [tilespmem:s3+$0x70]  }
0x179: {  	v0 =	vld [tilespmem:s11+$0x80]  }
0x17a: {  	[tilespmem:s19+$0x10] =	vst v3  }
0x17b: {  	v3 =	vld [tilespmem:s20+$0x20];
	[tilespmem:s23+$0x30] =	vst v2  }
0x17c: {  	v2 =	vld [tilespmem:s21+$0x40]  }
0x17d: {  	[tilespmem:s2+$0x70] =	vst v1  }
0x17e: {  	[tilespmem:s10+$0x400] =	vst v0;
	v1 =	vld [tilespmem:s3+$0x80]  }
0x17f: {  	v0 =	vld [tilespmem:s11+$0x90]  }
0x180: {  	[tilespmem:s19+$0x20] =	vst v3  }
0x181: {  	v3 =	vld [tilespmem:s20+$0x30];
	[tilespmem:s23+$0x40] =	vst v2  }
0x182: {  	s28 =	sadd.s32 $0x2, s29;
	v2 =	vld [tilespmem:s21+$0x50]  }
0x183: {  	v6 =	vld [tilespmem:s28+$0x0];
	s1 =	spop (v2sf);
	[tilespmem:s2+$0x400] =	vst v1  }
0x184: {  	v1 =	vld [tilespmem:s1+$0x0];
	[tilespmem:s10+$0x410] =	vst v0  }
0x185: {  	s9 =	simm.s32 $0x400;
	s22 =	spop (v2sf);
	v0 =	vld [tilespmem:s11+$0xA0]  }
0x186: {  	s13 =	simm.s32 $0x280;
	s8 =	sand.u32 $0x7800, s9;
	v5 =	vld [tilespmem:s22+$0x0];
	[tilespmem:s19+$0x30] =	vst v3  }
0x187: {  	s15 =	sand.u32 $0x380, s13;
	s14 =	sadd.s32 $0xED00, s8;
	v3 =	vld [tilespmem:s20+$0x40];
	[tilespmem:s23+$0x50] =	vst v2  }
0x188: {  	s16 =	simm.s32 $0x200;
	s8 =	sadd.s32 s15, s14;
	v2 =	vld [tilespmem:s21+$0x60]  }
0x189: {  	s9 =	sand.u32 $0x300, s16;
	v4 =	vld [tilespmem:s3+$0x90];
	[tilespmem:s8+$0x0] =	vst v1  }
0x18a: {  	s9 =	sadd.s32 s9, s14;
	v1 =	vld [tilespmem:s1+$0x10];
	[tilespmem:s10+$0x420] =	vst v0  }
0x18b: {  	[tilespmem:s9+$0x0] =	vst v5;
	v0 =	vld [tilespmem:s11+$0xB0]  }
0x18c: {  	v5 =	vld [tilespmem:s22+$0x10];
	[tilespmem:s19+$0x40] =	vst v3  }
0x18d: {  	v3 =	vld [tilespmem:s20+$0x50];
	[tilespmem:s23+$0x60] =	vst v2  }
0x18e: {  	v2 =	vld [tilespmem:s21+$0x70];
	[tilespmem:s2+$0x410] =	vst v4  }
0x18f: {  	v4 =	vld [tilespmem:s3+$0xA0];
	[tilespmem:s8+$0x10] =	vst v1  }
0x190: {  	v1 =	vld [tilespmem:s1+$0x20];
	[tilespmem:s10+$0x430] =	vst v0  }
0x191: {  	[tilespmem:s9+$0x10] =	vst v5;
	v0 =	vld [tilespmem:s11+$0xC0]  }
0x192: {  	v5 =	vld [tilespmem:s28+$0xFFFFFFFF];
	[tilespmem:s19+$0x50] =	vst v3  }
0x193: {  	v3 =	vld [tilespmem:s20+$0x60];
	[tilespmem:s23+$0x70] =	vst v2  }
0x194: {  	v2 =	vld [tilespmem:s21+$0x80];
	[tilespmem:s2+$0x420] =	vst v4  }
0x195: {  	v4 =	vld [tilespmem:s3+$0xB0];
	[tilespmem:s8+$0x20] =	vst v1  }
0x196: {  	v1 =	vld [tilespmem:s22+$0x20];
	[tilespmem:s10+$0x440] =	vst v0  }
0x197: {  	v0 =	vld [tilespmem:s11+$0xD0]  }
0x198: {  	[tilespmem:s19+$0x60] =	vst v3  }
0x199: {  	(v2sf) =	vpush v6, $0x0;
	[tilespmem:s23+$0x400] =	vst v2;
	v3 =	vld [tilespmem:s1+$0x30]  }
0x19a: {  	v2 =	vld [tilespmem:s20+$0x70];
	[tilespmem:s2+$0x430] =	vst v4  }
0x19b: {  	v4 =	vld [tilespmem:s21+$0x90];
	[tilespmem:s9+$0x20] =	vst v1  }
0x19c: {  	(v2sf) =	vpush v5, $0x0;
	[tilespmem:s10+$0x450] =	vst v0;
	v0 =	vld [tilespmem:s3+$0xC0]  }
0x19d: {  	v1 =	vld [tilespmem:s22+$0x30]  }
0x19e: {  	[tilespmem:s8+$0x30] =	vst v3;
	v5 =	vld [tilespmem:s11+$0xE0]  }
0x19f: {  	[tilespmem:s19+$0x70] =	vst v2;
	v3 =	vld [tilespmem:s1+$0x40]  }
0x1a0: {  	v2 =	vld [tilespmem:s20+$0x80];
	[tilespmem:s23+$0x410] =	vst v4  }
0x1a1: {  	v4 =	vld [tilespmem:s21+$0xA0];
	[tilespmem:s2+$0x440] =	vst v0  }
0x1a2: {  	[tilespmem:s9+$0x30] =	vst v1;
	v0 =	vld [tilespmem:s3+$0xD0]  }
0x1a3: {  	v1 =	vld [tilespmem:s22+$0x40];
	[tilespmem:s10+$0x460] =	vst v5  }
0x1a4: {  	[tilespmem:s8+$0x40] =	vst v3;
	v5 =	vld [tilespmem:s11+$0xF0]  }
0x1a5: {  	[tilespmem:s19+$0x400] =	vst v2;
	v3 =	vld [tilespmem:s1+$0x50]  }
0x1a6: {  	v2 =	vld [tilespmem:s20+$0x90];
	[tilespmem:s23+$0x420] =	vst v4  }
0x1a7: {  	v4 =	vld [tilespmem:s21+$0xB0];
	[tilespmem:s2+$0x450] =	vst v0  }
0x1a8: {  	s13 =	spop (v2sf);
	[tilespmem:s9+$0x40] =	vst v1;
	v0 =	vld [tilespmem:s3+$0xE0]  }
0x1a9: {  	[tilespmem:s10+$0x470] =	vst v5;
	v5 =	vld [tilespmem:s13+$0x0]  }
0x1aa: {  	s15 =	simm.s32 $0x600;
	v1 =	vld [tilespmem:s22+$0x50];
	[tilespmem:s8+$0x50] =	vst v3  }
0x1ab: {  	s16 =	simm.s32 $0x380;
	s17 =	sand.u32 $0x7800, s15;
	[tilespmem:s19+$0x410] =	vst v2;
	v3 =	vld [tilespmem:s1+$0x60];
	s10 =	spop (v2sf)  }
0x1ac: {  	s26 =	sand.u32 $0x380, s16;
	s11 =	sadd.s32 $0xED00, s17;
	[tilespmem:s23+$0x430] =	vst v4;
	v2 =	vld [tilespmem:s10+$0x0]  }
0x1ad: {  	s14 =	sadd.s32 s26, s11;
	v4 =	vld [tilespmem:s21+$0xC0];
	[tilespmem:s2+$0x460] =	vst v0  }
0x1ae: {  	s29 =	simm.s32 $0x300;
	[tilespmem:s14+$0x0] =	vst v5;
	v0 =	vld [tilespmem:s20+$0xA0]  }
0x1af: {  	s12 =	sand.u32 $0x300, s29;
	[tilespmem:s9+$0x50] =	vst v1;
	v5 =	vld [tilespmem:s13+$0x10]  }
0x1b0: {  	s12 =	sadd.s32 s12, s11;
	v6 =	vld [tilespmem:s22+$0x60];
	[tilespmem:s8+$0x60] =	vst v3  }
0x1b1: {  	[tilespmem:s12+$0x0] =	vst v2;
	v2 =	vld [tilespmem:s1+$0x70]  }
0x1b2: {  	[tilespmem:s23+$0x440] =	vst v4;
	v3 =	vld [tilespmem:s10+$0x10]  }
0x1b3: {  	[tilespmem:s19+$0x420] =	vst v0;
	v0 =	vld [tilespmem:s21+$0xD0]  }
0x1b4: {  	[tilespmem:s14+$0x10] =	vst v5;
	v1 =	vld [tilespmem:s20+$0xB0]  }
0x1b5: {  	s28 =	sadd.s32 $0x2, s28;
	s17 =	simm.s32 $0x6;
	s11 =	sshllo.u32 s0, $0x1;
	[tilespmem:s9+$0x60] =	vst v6;
	v4 =	vld [tilespmem:s13+$0x20]  }
.LBB2_9:
0x1b6: {  	v5 =	vld [tilespmem:s28+$0x0];
	s17 =	sadd.s32 $0x2, s17;
	[tilespmem:s8+$0x70] =	vst v2  }
0x1b7: {  	p0 =	slt.u32 s17, $0x4E;
	[tilespmem:s12+$0x10] =	vst v3;
	v2 =	vld [tilespmem:s1+$0x80]  }
0x1b8: {  	v3 =	vld [tilespmem:s28+$0xFFFFFFFF];
	[tilespmem:s23+$0x450] =	vst v0  }
0x1b9: {  	[tilespmem:s19+$0x430] =	vst v1;
	v0 =	vld [tilespmem:s21+$0xE0]  }
0x1ba: {  	v1 =	vld [tilespmem:s10+$0x20];
	[tilespmem:s14+$0x20] =	vst v4  }
0x1bb: {  	(v2sf) =	vpush v5, $0x0;
	v4 =	vld [tilespmem:s13+$0x30]  }
0x1bc: {  	v5 =	vld [tilespmem:s22+$0x70];
	[tilespmem:s8+$0x400] =	vst v2  }
0x1bd: {  	(v2sf) =	vpush v3, $0x0;
	v2 =	vld [tilespmem:s1+$0x90]  }
0x1be: {  	v3 =	vld [tilespmem:s20+$0xC0];
	[tilespmem:s23+$0x460] =	vst v0  }
0x1bf: {  	[tilespmem:s12+$0x20] =	vst v1;
	v0 =	vld [tilespmem:s21+$0xF0];
	s21 =	smov.u32 s1;
	s1 =	smov.u32 s13  }
0x1c0: {  	v1 =	vld [tilespmem:s10+$0x30];
	[tilespmem:s14+$0x30] =	vst v4  }
0x1c1: {  	v4 =	vld [tilespmem:s1+$0x40];
	[tilespmem:s9+$0x70] =	vst v5  }
0x1c2: {  	v5 =	vld [tilespmem:s22+$0x80];
	[tilespmem:s8+$0x410] =	vst v2  }
0x1c3: {  	v2 =	vld [tilespmem:s21+$0xA0];
	[tilespmem:s19+$0x440] =	vst v3  }
0x1c4: {  	v3 =	vld [tilespmem:s20+$0xD0];
	[tilespmem:s23+$0x470] =	vst v0;
	s23 =	smov.u32 s8;
	s8 =	smov.u32 s14  }
0x1c5: {  	[tilespmem:s12+$0x30] =	vst v1;
	v0 =	vld [tilespmem:s3+$0xF0];
	s3 =	smov.u32 s20;
	s20 =	smov.u32 s22;
	s22 =	smov.u32 s10  }
0x1c6: {  	v1 =	vld [tilespmem:s22+$0x40];
	[tilespmem:s8+$0x40] =	vst v4  }
0x1c7: {  	v4 =	vld [tilespmem:s1+$0x50];
	[tilespmem:s9+$0x400] =	vst v5  }
0x1c8: {  	v5 =	vld [tilespmem:s20+$0x90];
	[tilespmem:s23+$0x420] =	vst v2  }
0x1c9: {  	v2 =	vld [tilespmem:s21+$0xB0];
	[tilespmem:s19+$0x450] =	vst v3  }
0x1ca: {  	s13 =	spop (v2sf);
	v3 =	vld [tilespmem:s3+$0xE0];
	[tilespmem:s2+$0x470] =	vst v0;
	s2 =	smov.u32 s19;
	s19 =	smov.u32 s9  }
0x1cb: {  	s9 =	smov.u32 s12;
	v0 =	vld [tilespmem:s13+$0x0];
	[tilespmem:s12+$0x40] =	vst v1  }
0x1cc: {  	s15 =	sadd.s32 $0x200, s15;
	s10 =	spop (v2sf);
	v1 =	vld [tilespmem:s22+$0x50];
	[tilespmem:s8+$0x50] =	vst v4  }
0x1cd: {  	s16 =	sadd.s32 $0x100, s16;
	s12 =	sand.u32 $0x7800, s15;
	v4 =	vld [tilespmem:s1+$0x60];
	[tilespmem:s19+$0x410] =	vst v5  }
0x1ce: {  	s26 =	sand.u32 $0x380, s16;
	s14 =	sadd.s32 $0xFFFFFF80, s16;
	s12 =	sadd.s32 $0xED00, s12;
	v5 =	vld [tilespmem:s10+$0x0];
	[tilespmem:s23+$0x430] =	vst v2  }
0x1cf: {  	s29 =	sand.u32 $0x300, s14;
	s14 =	sadd.s32 s26, s12;
	v6 =	vld [tilespmem:s21+$0xC0];
	[tilespmem:s2+$0x460] =	vst v3  }
0x1d0: {  	s12 =	sadd.s32 s29, s12;
	[tilespmem:s14+$0x0] =	vst v0;
	v0 =	vld [tilespmem:s20+$0xA0]  }
0x1d1: {  	v7 =	vld [tilespmem:s13+$0x10];
	[tilespmem:s9+$0x50] =	vst v1  }
0x1d2: {  	v8 =	vld [tilespmem:s22+$0x60];
	[tilespmem:s8+$0x60] =	vst v4  }
.Ltmp3:
0x1d3: {  	[tilespmem:s12+$0x0] =	vst v5;
	v2 =	vld [tilespmem:s1+$0x70];
	(pc) =	sbr.rel @p0 .LBB2_9-.Ltmp3, $4  }
0x1d4: {  	v3 =	vld [tilespmem:s10+$0x10];
	[tilespmem:s23+$0x440] =	vst v6  }
0x1d5: {  	[tilespmem:s19+$0x420] =	vst v0;
	v0 =	vld [tilespmem:s21+$0xD0]  }
0x1d6: {  	[tilespmem:s14+$0x10] =	vst v7;
	v1 =	vld [tilespmem:s20+$0xB0]  }
0x1d7: {  	s28 =	sadd.s32 $0x2, s28;
	v4 =	vld [tilespmem:s13+$0x20];
	[tilespmem:s9+$0x60] =	vst v8  }
0x1d8: {  	_ = 	snop  }
0x1d9: {  	[tilespmem:s12+$0x10] =	vst v3  }
0x1da: {  	v3 =	vld [tilespmem:s10+$0x20];
	_ =	sdelay $0x3  }
0x1db: {  	[tilespmem:s14+$0x20] =	vst v4  }
0x1dc: {  	v4 =	vld [tilespmem:s13+$0x30];
	[tilespmem:s12+$0x20] =	vst v3  }
0x1dd: {  	v3 =	vld [tilespmem:s10+$0x30];
	_ =	sdelay $0x3  }
0x1de: {  	[tilespmem:s14+$0x30] =	vst v4  }
0x1df: {  	v4 =	vld [tilespmem:s13+$0x40];
	[tilespmem:s12+$0x30] =	vst v3  }
0x1e0: {  	v3 =	vld [tilespmem:s10+$0x40];
	_ =	sdelay $0x3  }
0x1e1: {  	[tilespmem:s14+$0x40] =	vst v4  }
0x1e2: {  	v4 =	vld [tilespmem:s13+$0x50];
	[tilespmem:s12+$0x40] =	vst v3  }
0x1e3: {  	v3 =	vld [tilespmem:s10+$0x50];
	_ =	sdelay $0x3  }
0x1e4: {  	[tilespmem:s14+$0x50] =	vst v4  }
0x1e5: {  	v4 =	vld [tilespmem:s13+$0x60];
	[tilespmem:s12+$0x50] =	vst v3  }
0x1e6: {  	v3 =	vld [tilespmem:s10+$0x60];
	_ =	sdelay $0x2  }
0x1e7: {  	v5 =	vld [tilespmem:s22+$0x70]  }
0x1e8: {  	[tilespmem:s14+$0x60] =	vst v4  }
0x1e9: {  	v4 =	vld [tilespmem:s13+$0x70];
	[tilespmem:s12+$0x60] =	vst v3  }
0x1ea: {  	v3 =	vld [tilespmem:s10+$0x70]  }
0x1eb: {  	[tilespmem:s8+$0x70] =	vst v2  }
0x1ec: {  	v2 =	vld [tilespmem:s1+$0x80];
	[tilespmem:s9+$0x70] =	vst v5  }
0x1ed: {  	v5 =	vld [tilespmem:s22+$0x80]  }
0x1ee: {  	[tilespmem:s14+$0x70] =	vst v4  }
0x1ef: {  	v4 =	vld [tilespmem:s13+$0x80];
	[tilespmem:s12+$0x70] =	vst v3  }
0x1f0: {  	v3 =	vld [tilespmem:s10+$0x80]  }
0x1f1: {  	[tilespmem:s8+$0x400] =	vst v2  }
0x1f2: {  	v2 =	vld [tilespmem:s1+$0x90];
	[tilespmem:s9+$0x400] =	vst v5  }
0x1f3: {  	v5 =	vld [tilespmem:s22+$0x90]  }
0x1f4: {  	[tilespmem:s14+$0x400] =	vst v4  }
0x1f5: {  	v4 =	vld [tilespmem:s13+$0x90];
	[tilespmem:s12+$0x400] =	vst v3  }
0x1f6: {  	v3 =	vld [tilespmem:s10+$0x90]  }
0x1f7: {  	[tilespmem:s8+$0x410] =	vst v2  }
0x1f8: {  	v2 =	vld [tilespmem:s1+$0xA0];
	[tilespmem:s9+$0x410] =	vst v5  }
0x1f9: {  	v5 =	vld [tilespmem:s22+$0xA0]  }
0x1fa: {  	[tilespmem:s14+$0x410] =	vst v4  }
0x1fb: {  	v4 =	vld [tilespmem:s13+$0xA0];
	[tilespmem:s12+$0x410] =	vst v3  }
0x1fc: {  	v3 =	vld [tilespmem:s10+$0xA0]  }
0x1fd: {  	[tilespmem:s8+$0x420] =	vst v2  }
0x1fe: {  	v2 =	vld [tilespmem:s1+$0xB0];
	[tilespmem:s9+$0x420] =	vst v5  }
0x1ff: {  	v5 =	vld [tilespmem:s22+$0xB0]  }
0x200: {  	[tilespmem:s14+$0x420] =	vst v4  }
0x201: {  	v4 =	vld [tilespmem:s13+$0xB0];
	[tilespmem:s12+$0x420] =	vst v3  }
0x202: {  	[tilespmem:s19+$0x430] =	vst v1;
	v3 =	vld [tilespmem:s10+$0xB0]  }
0x203: {  	v60 =	vld [tilespmem:s20+$0xC0];
	[tilespmem:s8+$0x430] =	vst v2  }
0x204: {  	v59 =	vld [tilespmem:s1+$0xC0];
	[tilespmem:s9+$0x430] =	vst v5  }
0x205: {  	v5 =	vld [tilespmem:s22+$0xC0]  }
0x206: {  	[tilespmem:s14+$0x430] =	vst v4  }
0x207: {  	v4 =	vld [tilespmem:s13+$0xC0];
	[tilespmem:s12+$0x430] =	vst v3  }
0x208: {  	[tilespmem:s19+$0x440] =	vst v60;
	v61 =	vld [tilespmem:s10+$0xC0]  }
0x209: {  	v2 =	vld [tilespmem:s20+$0xD0];
	[tilespmem:s8+$0x440] =	vst v59  }
0x20a: {  	v1 =	vld [tilespmem:s1+$0xD0];
	[tilespmem:s9+$0x440] =	vst v5  }
0x20b: {  	[tilespmem:s23+$0x450] =	vst v0;
	v5 =	vld [tilespmem:s22+$0xD0]  }
0x20c: {  	v63 =	vld [tilespmem:s3+$0xF0];
	[tilespmem:s14+$0x440] =	vst v4  }
0x20d: {  	v4 =	vld [tilespmem:s13+$0xD0];
	[tilespmem:s12+$0x440] =	vst v61  }
0x20e: {  	[tilespmem:s19+$0x450] =	vst v2;
	v0 =	vld [tilespmem:s10+$0xD0]  }
0x20f: {  	v2 =	vld [tilespmem:s20+$0xE0];
	[tilespmem:s8+$0x450] =	vst v1  }
0x210: {  	v1 =	vld [tilespmem:s1+$0xE0];
	[tilespmem:s9+$0x450] =	vst v5  }
0x211: {  	[tilespmem:s2+$0x470] =	vst v63;
	v5 =	vld [tilespmem:s22+$0xE0]  }
0x212: {  	v62 =	vld [tilespmem:s21+$0xE0];
	[tilespmem:s14+$0x450] =	vst v4  }
0x213: {  	v4 =	vld [tilespmem:s13+$0xE0];
	[tilespmem:s12+$0x450] =	vst v0  }
0x214: {  	[tilespmem:s19+$0x460] =	vst v2;
	v0 =	vld [tilespmem:s10+$0xE0]  }
0x215: {  	v2 =	vld [tilespmem:s20+$0xF0];
	[tilespmem:s8+$0x460] =	vst v1  }
0x216: {  	v1 =	vld [tilespmem:s1+$0xF0];
	[tilespmem:s9+$0x460] =	vst v5  }
0x217: {  	[tilespmem:s23+$0x460] =	vst v62;
	v5 =	vld [tilespmem:s22+$0xF0]  }
0x218: {  	v3 =	vld [tilespmem:s21+$0xF0];
	[tilespmem:s14+$0x460] =	vst v4  }
0x219: {  	v4 =	vld [tilespmem:s13+$0xF0];
	[tilespmem:s12+$0x460] =	vst v0  }
0x21a: {  	s0 =	sadd.s32 $0x1, s0;
	[tilespmem:s19+$0x470] =	vst v2;
	v0 =	vld [tilespmem:s10+$0xF0]  }
0x21b: {  	s29 =	smul.u32 $0x50, s11;
	p0 =	sne.s32 s0, $0x3E;
	[tilespmem:s8+$0x470] =	vst v1  }
.Ltmp4:
0x21c: {  	[tilespmem:s9+$0x470] =	vst v5;
	(pc) =	sbr.rel @p0 .LBB2_6-.Ltmp4, $4  }
0x21d: {  	s1 =	sadd.s32 s7, s29;
	[tilespmem:s23+$0x470] =	vst v3  }
0x21e: {  	s1 =	sshll.u32 s1, $0x5;
	[tilespmem:s14+$0x470] =	vst v4  }
0x21f: {  	s30 =	sadd.s32 $0xA0, s30;
	s31 =	sadd.s32 $0xA0, s31;
	s1 =	sadd.s32 s5, s1;
	[tilespmem:s12+$0x470] =	vst v0  }
0x220: {  	[hbm4b:s1+s6] =	stream.linear.scatter [tilespmem:s25], [sflag:$0x2], $0x5000, $0x38;
	[tilespmem:$0x13D00] =	vst v63  }
0x221: {  	s22 =	simm.s32 $0x1  }
0x222: {  	_ =	swait.ge [sflag:s22], $0x5000  }
0x223: {  	[sflag:s22] =	ssyncset.done $0x0  }
0x224: {  	s0 =	simm.s32 $0x7341;
	[sflag:s22] =	ssyncadd.s32 $0xFFFFB000  }
0x225: {  	v0 =	vld [tilespmem:s0+$0x0];
	_ =	sdelay $0x4  }
0x226: {  	(v2sf) =	vpush v0, $0x0;
	v0 =	vld [tilespmem:s0+$0xFFFFFFFF];
	_ =	sdelay $0x4  }
0x227: {  	(v2sf) =	vpush v0, $0x0;
	_ =	sdelay $0x9  }
0x228: {  	s10 =	spop (v2sf)  }
0x229: {  	v0 =	vld [tilespmem:s10+$0x0];
	_ =	sdelay $0x1  }
0x22a: {  	s23 =	simm.s32 $0x0  }
0x22b: {  	s26 =	simm.s32 $0x7343;
	s1 =	sand.u32 $0x7800, s23;
	s0 =	sand.u32 $0x300, s23  }
0x22c: {  	v1 =	vld [tilespmem:s26+$0x0];
	s0 =	sor.u32 s0, s1;
	s2 =	spop (v2sf)  }
0x22d: {  	[tilespmem:s0+$0x9D80] =	vst v0;
	v2 =	vld [tilespmem:s2+$0x0]  }
0x22e: {  	v0 =	vld [tilespmem:s10+$0x10];
	_ =	sdelay $0x3  }
0x22f: {  	[tilespmem:s0+$0x9D00] =	vst v2  }
0x230: {  	(v2sf) =	vpush v1, $0x0;
	[tilespmem:s0+$0x9D90] =	vst v0;
	v1 =	vld [tilespmem:s2+$0x10]  }
0x231: {  	v0 =	vld [tilespmem:s10+$0x20];
	_ =	sdelay $0x3  }
0x232: {  	v3 =	vld [tilespmem:s26+$0xFFFFFFFF];
	[tilespmem:s0+$0x9D10] =	vst v1  }
0x233: {  	[tilespmem:s0+$0x9DA0] =	vst v0;
	v1 =	vld [tilespmem:s2+$0x20]  }
0x234: {  	v0 =	vld [tilespmem:s10+$0x30];
	_ =	sdelay $0x3  }
0x235: {  	(v2sf) =	vpush v3, $0x0;
	[tilespmem:s0+$0x9D20] =	vst v1  }
0x236: {  	[tilespmem:s0+$0x9DB0] =	vst v0;
	v1 =	vld [tilespmem:s2+$0x30]  }
0x237: {  	v0 =	vld [tilespmem:s10+$0x40];
	_ =	sdelay $0x1  }
0x238: {  	s19 =	spop (v2sf)  }
0x239: {  	v2 =	vld [tilespmem:s19+$0x0]  }
0x23a: {  	[tilespmem:s0+$0x9D30] =	vst v1  }
0x23b: {  	s28 =	simm.s32 $0x100;
	s3 =	simm.s32 $0x200;
	[tilespmem:s0+$0x9DC0] =	vst v0;
	v1 =	vld [tilespmem:s2+$0x40]  }
0x23c: {  	s3 =	sand.u32 $0x7800, s3;
	s1 =	sand.u32 $0x300, s28;
	v0 =	vld [tilespmem:s10+$0x50]  }
0x23d: {  	s3 =	sor.u32 s1, s3  }
0x23e: {  	[tilespmem:s3+$0x9D80] =	vst v2  }
0x23f: {  	v2 =	vld [tilespmem:s19+$0x10]  }
0x240: {  	[tilespmem:s0+$0x9D40] =	vst v1  }
0x241: {  	[tilespmem:s0+$0x9DD0] =	vst v0;
	v1 =	vld [tilespmem:s2+$0x50]  }
0x242: {  	s29 =	simm.s32 $0x7345;
	v0 =	vld [tilespmem:s10+$0x60]  }
0x243: {  	v4 =	vld [tilespmem:s29+$0x0];
	s4 =	spop (v2sf)  }
0x244: {  	v3 =	vld [tilespmem:s4+$0x0];
	[tilespmem:s3+$0x9D90] =	vst v2  }
0x245: {  	v2 =	vld [tilespmem:s19+$0x20]  }
0x246: {  	v5 =	vld [tilespmem:s29+$0xFFFFFFFF];
	[tilespmem:s0+$0x9D50] =	vst v1  }
0x247: {  	[tilespmem:s0+$0x9DE0] =	vst v0;
	v1 =	vld [tilespmem:s2+$0x60]  }
0x248: {  	v0 =	vld [tilespmem:s10+$0x70]  }
0x249: {  	(v2sf) =	vpush v4, $0x0;
	[tilespmem:s3+$0x9D00] =	vst v3  }
0x24a: {  	v3 =	vld [tilespmem:s4+$0x10];
	[tilespmem:s3+$0x9DA0] =	vst v2  }
0x24b: {  	(v2sf) =	vpush v5, $0x0;
	v2 =	vld [tilespmem:s19+$0x30]  }
0x24c: {  	[tilespmem:s0+$0x9D60] =	vst v1  }
0x24d: {  	[tilespmem:s0+$0x9DF0] =	vst v0;
	v1 =	vld [tilespmem:s2+$0x70]  }
0x24e: {  	v0 =	vld [tilespmem:s10+$0x80]  }
0x24f: {  	[tilespmem:s3+$0x9D10] =	vst v3  }
0x250: {  	v3 =	vld [tilespmem:s4+$0x20];
	[tilespmem:s3+$0x9DB0] =	vst v2  }
0x251: {  	v2 =	vld [tilespmem:s19+$0x40]  }
0x252: {  	[tilespmem:s0+$0x9D70] =	vst v1  }
0x253: {  	[tilespmem:s0+$0xA180] =	vst v0;
	v1 =	vld [tilespmem:s2+$0x80]  }
0x254: {  	v0 =	vld [tilespmem:s10+$0x90]  }
0x255: {  	[tilespmem:s3+$0x9D20] =	vst v3  }
0x256: {  	v3 =	vld [tilespmem:s4+$0x30];
	[tilespmem:s3+$0x9DC0] =	vst v2  }
0x257: {  	s30 =	simm.s32 $0x7347;
	v2 =	vld [tilespmem:s19+$0x50]  }
0x258: {  	v6 =	vld [tilespmem:s30+$0x0];
	s1 =	spop (v2sf);
	[tilespmem:s0+$0xA100] =	vst v1  }
0x259: {  	v1 =	vld [tilespmem:s1+$0x0];
	[tilespmem:s0+$0xA190] =	vst v0  }
0x25a: {  	s8 =	spop (v2sf);
	v0 =	vld [tilespmem:s10+$0xA0]  }
0x25b: {  	s9 =	simm.s32 $0x200;
	s11 =	simm.s32 $0x400;
	v5 =	vld [tilespmem:s8+$0x0];
	[tilespmem:s3+$0x9D30] =	vst v3  }
0x25c: {  	s11 =	sand.u32 $0x7800, s11;
	s9 =	sand.u32 $0x300, s9;
	v3 =	vld [tilespmem:s4+$0x40];
	[tilespmem:s3+$0x9DD0] =	vst v2  }
0x25d: {  	s9 =	sor.u32 s9, s11;
	v2 =	vld [tilespmem:s19+$0x60]  }
0x25e: {  	v4 =	vld [tilespmem:s2+$0x90];
	[tilespmem:s9+$0x9D80] =	vst v1  }
0x25f: {  	v1 =	vld [tilespmem:s1+$0x10];
	[tilespmem:s0+$0xA1A0] =	vst v0  }
0x260: {  	[tilespmem:s9+$0x9D00] =	vst v5;
	v0 =	vld [tilespmem:s10+$0xB0]  }
0x261: {  	v5 =	vld [tilespmem:s8+$0x10];
	[tilespmem:s3+$0x9D40] =	vst v3  }
0x262: {  	v3 =	vld [tilespmem:s4+$0x50];
	[tilespmem:s3+$0x9DE0] =	vst v2  }
0x263: {  	v2 =	vld [tilespmem:s19+$0x70];
	[tilespmem:s0+$0xA110] =	vst v4  }
0x264: {  	v4 =	vld [tilespmem:s2+$0xA0];
	[tilespmem:s9+$0x9D90] =	vst v1  }
0x265: {  	v1 =	vld [tilespmem:s1+$0x20];
	[tilespmem:s0+$0xA1B0] =	vst v0  }
0x266: {  	[tilespmem:s9+$0x9D10] =	vst v5;
	v0 =	vld [tilespmem:s10+$0xC0]  }
0x267: {  	v5 =	vld [tilespmem:s30+$0xFFFFFFFF];
	[tilespmem:s3+$0x9D50] =	vst v3  }
0x268: {  	v3 =	vld [tilespmem:s4+$0x60];
	[tilespmem:s3+$0x9DF0] =	vst v2  }
0x269: {  	v2 =	vld [tilespmem:s19+$0x80];
	[tilespmem:s0+$0xA120] =	vst v4  }
0x26a: {  	v4 =	vld [tilespmem:s2+$0xB0];
	[tilespmem:s9+$0x9DA0] =	vst v1  }
0x26b: {  	v1 =	vld [tilespmem:s8+$0x20];
	[tilespmem:s0+$0xA1C0] =	vst v0  }
0x26c: {  	v0 =	vld [tilespmem:s10+$0xD0]  }
0x26d: {  	[tilespmem:s3+$0x9D60] =	vst v3  }
0x26e: {  	(v2sf) =	vpush v6, $0x0;
	[tilespmem:s3+$0xA180] =	vst v2;
	v3 =	vld [tilespmem:s1+$0x30]  }
0x26f: {  	v2 =	vld [tilespmem:s4+$0x70];
	[tilespmem:s0+$0xA130] =	vst v4  }
0x270: {  	v4 =	vld [tilespmem:s19+$0x90];
	[tilespmem:s9+$0x9D20] =	vst v1  }
0x271: {  	(v2sf) =	vpush v5, $0x0;
	[tilespmem:s0+$0xA1D0] =	vst v0;
	v0 =	vld [tilespmem:s2+$0xC0]  }
0x272: {  	v1 =	vld [tilespmem:s8+$0x30]  }
0x273: {  	[tilespmem:s9+$0x9DB0] =	vst v3;
	v5 =	vld [tilespmem:s10+$0xE0]  }
0x274: {  	[tilespmem:s3+$0x9D70] =	vst v2;
	v3 =	vld [tilespmem:s1+$0x40]  }
0x275: {  	v2 =	vld [tilespmem:s4+$0x80];
	[tilespmem:s3+$0xA190] =	vst v4  }
0x276: {  	v4 =	vld [tilespmem:s19+$0xA0];
	[tilespmem:s0+$0xA140] =	vst v0  }
0x277: {  	[tilespmem:s9+$0x9D30] =	vst v1;
	v0 =	vld [tilespmem:s2+$0xD0]  }
0x278: {  	v1 =	vld [tilespmem:s8+$0x40];
	[tilespmem:s0+$0xA1E0] =	vst v5  }
0x279: {  	[tilespmem:s9+$0x9DC0] =	vst v3;
	v5 =	vld [tilespmem:s10+$0xF0]  }
0x27a: {  	[tilespmem:s3+$0xA100] =	vst v2;
	v3 =	vld [tilespmem:s1+$0x50]  }
0x27b: {  	v2 =	vld [tilespmem:s4+$0x90];
	[tilespmem:s3+$0xA1A0] =	vst v4  }
0x27c: {  	v4 =	vld [tilespmem:s19+$0xB0];
	[tilespmem:s0+$0xA150] =	vst v0  }
0x27d: {  	s12 =	spop (v2sf);
	[tilespmem:s9+$0x9D40] =	vst v1;
	v0 =	vld [tilespmem:s2+$0xE0]  }
0x27e: {  	[tilespmem:s0+$0xA1F0] =	vst v5;
	v5 =	vld [tilespmem:s12+$0x0]  }
0x27f: {  	v1 =	vld [tilespmem:s8+$0x50];
	[tilespmem:s9+$0x9DD0] =	vst v3  }
0x280: {  	s13 =	simm.s32 $0x300;
	s14 =	simm.s32 $0x600;
	s11 =	spop (v2sf);
	[tilespmem:s3+$0xA110] =	vst v2;
	v3 =	vld [tilespmem:s1+$0x60]  }
0x281: {  	s31 =	sand.u32 $0x7800, s14;
	s15 =	sand.u32 $0x300, s13;
	v2 =	vld [tilespmem:s11+$0x0];
	[tilespmem:s3+$0xA1B0] =	vst v4  }
0x282: {  	s10 =	sor.u32 s15, s31;
	v4 =	vld [tilespmem:s19+$0xC0];
	[tilespmem:s0+$0xA160] =	vst v0  }
0x283: {  	[tilespmem:s10+$0x9D80] =	vst v5;
	v0 =	vld [tilespmem:s4+$0xA0]  }
0x284: {  	[tilespmem:s9+$0x9D50] =	vst v1;
	v5 =	vld [tilespmem:s12+$0x10]  }
0x285: {  	v6 =	vld [tilespmem:s8+$0x60];
	[tilespmem:s9+$0x9DE0] =	vst v3  }
0x286: {  	[tilespmem:s10+$0x9D00] =	vst v2;
	v2 =	vld [tilespmem:s1+$0x70]  }
0x287: {  	v3 =	vld [tilespmem:s11+$0x10];
	[tilespmem:s3+$0xA1C0] =	vst v4  }
0x288: {  	[tilespmem:s3+$0xA120] =	vst v0;
	v0 =	vld [tilespmem:s19+$0xD0]  }
0x289: {  	[tilespmem:s10+$0x9D90] =	vst v5;
	v1 =	vld [tilespmem:s4+$0xB0]  }
0x28a: {  	s16 =	simm.s32 $0x7349;
	s15 =	simm.s32 $0x6;
	[tilespmem:s9+$0x9D60] =	vst v6;
	v4 =	vld [tilespmem:s12+$0x20]  }
.LBB2_12:
0x28b: {  	v5 =	vld [tilespmem:s16+$0x0];
	s15 =	sadd.s32 $0x2, s15;
	[tilespmem:s9+$0x9DF0] =	vst v2  }
0x28c: {  	p0 =	slt.u32 s15, $0x4E;
	[tilespmem:s10+$0x9D10] =	vst v3;
	v2 =	vld [tilespmem:s1+$0x80]  }
0x28d: {  	v3 =	vld [tilespmem:s16+$0xFFFFFFFF];
	[tilespmem:s3+$0xA1D0] =	vst v0  }
0x28e: {  	[tilespmem:s3+$0xA130] =	vst v1;
	v0 =	vld [tilespmem:s19+$0xE0]  }
0x28f: {  	v1 =	vld [tilespmem:s11+$0x20];
	[tilespmem:s10+$0x9DA0] =	vst v4  }
0x290: {  	(v2sf) =	vpush v5, $0x0;
	v4 =	vld [tilespmem:s12+$0x30]  }
0x291: {  	v5 =	vld [tilespmem:s8+$0x70];
	[tilespmem:s9+$0xA180] =	vst v2  }
0x292: {  	(v2sf) =	vpush v3, $0x0;
	v2 =	vld [tilespmem:s1+$0x90]  }
0x293: {  	v3 =	vld [tilespmem:s4+$0xC0];
	[tilespmem:s3+$0xA1E0] =	vst v0  }
0x294: {  	[tilespmem:s10+$0x9D20] =	vst v1;
	v0 =	vld [tilespmem:s19+$0xF0];
	s19 =	smov.u32 s1;
	s1 =	smov.u32 s12  }
0x295: {  	v1 =	vld [tilespmem:s11+$0x30];
	[tilespmem:s10+$0x9DB0] =	vst v4  }
0x296: {  	v4 =	vld [tilespmem:s1+$0x40];
	[tilespmem:s9+$0x9D70] =	vst v5  }
0x297: {  	v5 =	vld [tilespmem:s8+$0x80];
	[tilespmem:s9+$0xA190] =	vst v2  }
0x298: {  	v2 =	vld [tilespmem:s19+$0xA0];
	[tilespmem:s3+$0xA140] =	vst v3  }
0x299: {  	v3 =	vld [tilespmem:s4+$0xD0];
	[tilespmem:s3+$0xA1F0] =	vst v0  }
0x29a: {  	[tilespmem:s10+$0x9D30] =	vst v1;
	v0 =	vld [tilespmem:s2+$0xF0];
	s2 =	smov.u32 s4;
	s4 =	smov.u32 s8;
	s8 =	smov.u32 s11  }
0x29b: {  	v1 =	vld [tilespmem:s8+$0x40];
	[tilespmem:s10+$0x9DC0] =	vst v4  }
0x29c: {  	v4 =	vld [tilespmem:s1+$0x50];
	[tilespmem:s9+$0xA100] =	vst v5  }
0x29d: {  	v5 =	vld [tilespmem:s4+$0x90];
	[tilespmem:s9+$0xA1A0] =	vst v2  }
0x29e: {  	v2 =	vld [tilespmem:s19+$0xB0];
	[tilespmem:s3+$0xA150] =	vst v3  }
0x29f: {  	s12 =	spop (v2sf);
	v3 =	vld [tilespmem:s2+$0xE0];
	[tilespmem:s0+$0xA170] =	vst v0;
	s0 =	smov.u32 s3;
	s3 =	smov.u32 s9  }
0x2a0: {  	s9 =	smov.u32 s10;
	v0 =	vld [tilespmem:s12+$0x0];
	[tilespmem:s10+$0x9D40] =	vst v1  }
0x2a1: {  	s11 =	spop (v2sf);
	v1 =	vld [tilespmem:s8+$0x50];
	[tilespmem:s9+$0x9DD0] =	vst v4  }
0x2a2: {  	s13 =	sadd.s32 $0x100, s13;
	s14 =	sadd.s32 $0x200, s14;
	v4 =	vld [tilespmem:s1+$0x60];
	[tilespmem:s3+$0xA110] =	vst v5  }
0x2a3: {  	s17 =	sand.u32 $0x300, s13;
	s10 =	sand.u32 $0x7800, s14;
	v5 =	vld [tilespmem:s11+$0x0];
	[tilespmem:s3+$0xA1B0] =	vst v2  }
0x2a4: {  	s10 =	sor.u32 s17, s10;
	v6 =	vld [tilespmem:s19+$0xC0];
	[tilespmem:s0+$0xA160] =	vst v3  }
0x2a5: {  	[tilespmem:s10+$0x9D80] =	vst v0;
	v0 =	vld [tilespmem:s4+$0xA0]  }
0x2a6: {  	v7 =	vld [tilespmem:s12+$0x10];
	[tilespmem:s9+$0x9D50] =	vst v1  }
0x2a7: {  	v8 =	vld [tilespmem:s8+$0x60];
	[tilespmem:s9+$0x9DE0] =	vst v4  }
.Ltmp5:
0x2a8: {  	[tilespmem:s10+$0x9D00] =	vst v5;
	v2 =	vld [tilespmem:s1+$0x70];
	(pc) =	sbr.rel @p0 .LBB2_12-.Ltmp5, $4  }
0x2a9: {  	v3 =	vld [tilespmem:s11+$0x10];
	[tilespmem:s3+$0xA1C0] =	vst v6  }
0x2aa: {  	[tilespmem:s3+$0xA120] =	vst v0;
	v0 =	vld [tilespmem:s19+$0xD0]  }
0x2ab: {  	[tilespmem:s10+$0x9D90] =	vst v7;
	v1 =	vld [tilespmem:s4+$0xB0]  }
0x2ac: {  	s16 =	sadd.s32 $0x2, s16;
	v4 =	vld [tilespmem:s12+$0x20];
	[tilespmem:s9+$0x9D60] =	vst v8  }
0x2ad: {  	_ = 	snop  }
0x2ae: {  	[tilespmem:s10+$0x9D10] =	vst v3  }
0x2af: {  	v3 =	vld [tilespmem:s11+$0x20];
	_ =	sdelay $0x3  }
0x2b0: {  	[tilespmem:s10+$0x9DA0] =	vst v4  }
0x2b1: {  	v4 =	vld [tilespmem:s12+$0x30];
	[tilespmem:s10+$0x9D20] =	vst v3  }
0x2b2: {  	v3 =	vld [tilespmem:s11+$0x30];
	_ =	sdelay $0x3  }
0x2b3: {  	[tilespmem:s10+$0x9DB0] =	vst v4  }
0x2b4: {  	v4 =	vld [tilespmem:s12+$0x40];
	[tilespmem:s10+$0x9D30] =	vst v3  }
0x2b5: {  	v3 =	vld [tilespmem:s11+$0x40];
	_ =	sdelay $0x3  }
0x2b6: {  	[tilespmem:s10+$0x9DC0] =	vst v4  }
0x2b7: {  	v4 =	vld [tilespmem:s12+$0x50];
	[tilespmem:s10+$0x9D40] =	vst v3  }
0x2b8: {  	v3 =	vld [tilespmem:s11+$0x50];
	_ =	sdelay $0x3  }
0x2b9: {  	[tilespmem:s10+$0x9DD0] =	vst v4  }
0x2ba: {  	v4 =	vld [tilespmem:s12+$0x60];
	[tilespmem:s10+$0x9D50] =	vst v3  }
0x2bb: {  	v3 =	vld [tilespmem:s11+$0x60];
	_ =	sdelay $0x2  }
0x2bc: {  	v5 =	vld [tilespmem:s8+$0x70]  }
0x2bd: {  	[tilespmem:s10+$0x9DE0] =	vst v4  }
0x2be: {  	v4 =	vld [tilespmem:s12+$0x70];
	[tilespmem:s10+$0x9D60] =	vst v3  }
0x2bf: {  	v3 =	vld [tilespmem:s11+$0x70]  }
0x2c0: {  	[tilespmem:s9+$0x9DF0] =	vst v2  }
0x2c1: {  	v2 =	vld [tilespmem:s1+$0x80];
	[tilespmem:s9+$0x9D70] =	vst v5  }
0x2c2: {  	v5 =	vld [tilespmem:s8+$0x80]  }
0x2c3: {  	[tilespmem:s10+$0x9DF0] =	vst v4  }
0x2c4: {  	v4 =	vld [tilespmem:s12+$0x80];
	[tilespmem:s10+$0x9D70] =	vst v3  }
0x2c5: {  	v3 =	vld [tilespmem:s11+$0x80]  }
0x2c6: {  	[tilespmem:s9+$0xA180] =	vst v2  }
0x2c7: {  	v2 =	vld [tilespmem:s1+$0x90];
	[tilespmem:s9+$0xA100] =	vst v5  }
0x2c8: {  	v5 =	vld [tilespmem:s8+$0x90]  }
0x2c9: {  	[tilespmem:s10+$0xA180] =	vst v4  }
0x2ca: {  	v4 =	vld [tilespmem:s12+$0x90];
	[tilespmem:s10+$0xA100] =	vst v3  }
0x2cb: {  	v3 =	vld [tilespmem:s11+$0x90]  }
0x2cc: {  	[tilespmem:s9+$0xA190] =	vst v2  }
0x2cd: {  	v2 =	vld [tilespmem:s1+$0xA0];
	[tilespmem:s9+$0xA110] =	vst v5  }
0x2ce: {  	v5 =	vld [tilespmem:s8+$0xA0]  }
0x2cf: {  	[tilespmem:s10+$0xA190] =	vst v4  }
0x2d0: {  	v4 =	vld [tilespmem:s12+$0xA0];
	[tilespmem:s10+$0xA110] =	vst v3  }
0x2d1: {  	v3 =	vld [tilespmem:s11+$0xA0]  }
0x2d2: {  	[tilespmem:s9+$0xA1A0] =	vst v2  }
0x2d3: {  	v2 =	vld [tilespmem:s1+$0xB0];
	[tilespmem:s9+$0xA120] =	vst v5  }
0x2d4: {  	v5 =	vld [tilespmem:s8+$0xB0]  }
0x2d5: {  	[tilespmem:s10+$0xA1A0] =	vst v4  }
0x2d6: {  	v4 =	vld [tilespmem:s12+$0xB0];
	[tilespmem:s10+$0xA120] =	vst v3  }
0x2d7: {  	[tilespmem:s3+$0xA130] =	vst v1;
	v3 =	vld [tilespmem:s11+$0xB0]  }
0x2d8: {  	[tilespmem:s9+$0xA1B0] =	vst v2;
	v2 =	vld [tilespmem:s4+$0xC0]  }
0x2d9: {  	v1 =	vld [tilespmem:s1+$0xC0];
	[tilespmem:s9+$0xA130] =	vst v5  }
0x2da: {  	[tilespmem:s3+$0xA1D0] =	vst v0;
	v5 =	vld [tilespmem:s8+$0xC0]  }
0x2db: {  	[tilespmem:s10+$0xA1B0] =	vst v4  }
0x2dc: {  	v4 =	vld [tilespmem:s12+$0xC0];
	[tilespmem:s10+$0xA130] =	vst v3  }
0x2dd: {  	[tilespmem:s3+$0xA140] =	vst v2;
	v0 =	vld [tilespmem:s11+$0xC0]  }
0x2de: {  	[tilespmem:s9+$0xA1C0] =	vst v1;
	v2 =	vld [tilespmem:s4+$0xD0]  }
0x2df: {  	v1 =	vld [tilespmem:s1+$0xD0];
	[tilespmem:s9+$0xA140] =	vst v5  }
0x2e0: {  	v5 =	vld [tilespmem:s8+$0xD0]  }
0x2e1: {  	v3 =	vld [tilespmem:s19+$0xE0];
	[tilespmem:s10+$0xA1C0] =	vst v4  }
0x2e2: {  	v4 =	vld [tilespmem:s12+$0xD0];
	[tilespmem:s10+$0xA140] =	vst v0  }
0x2e3: {  	[tilespmem:s3+$0xA150] =	vst v2;
	v0 =	vld [tilespmem:s11+$0xD0]  }
0x2e4: {  	[tilespmem:s9+$0xA1D0] =	vst v1;
	v2 =	vld [tilespmem:s4+$0xE0]  }
0x2e5: {  	v1 =	vld [tilespmem:s1+$0xE0];
	[tilespmem:s9+$0xA150] =	vst v5  }
0x2e6: {  	v5 =	vld [tilespmem:s8+$0xE0];
	[tilespmem:s3+$0xA1E0] =	vst v3  }
0x2e7: {  	v3 =	vld [tilespmem:s19+$0xF0];
	[tilespmem:s10+$0xA1D0] =	vst v4  }
0x2e8: {  	v4 =	vld [tilespmem:s12+$0xE0];
	[tilespmem:s10+$0xA150] =	vst v0  }
0x2e9: {  	[tilespmem:s3+$0xA160] =	vst v2;
	v0 =	vld [tilespmem:s11+$0xE0]  }
0x2ea: {  	[tilespmem:s9+$0xA1E0] =	vst v1;
	v2 =	vld [tilespmem:s4+$0xF0]  }
0x2eb: {  	v1 =	vld [tilespmem:s1+$0xF0];
	[tilespmem:s9+$0xA160] =	vst v5  }
0x2ec: {  	v5 =	vld [tilespmem:s8+$0xF0];
	[tilespmem:s3+$0xA1F0] =	vst v3  }
0x2ed: {  	v3 =	vld [tilespmem:s2+$0xF0];
	[tilespmem:s10+$0xA1E0] =	vst v4  }
0x2ee: {  	v4 =	vld [tilespmem:s12+$0xF0];
	[tilespmem:s10+$0xA160] =	vst v0  }
0x2ef: {  	[tilespmem:s3+$0xA170] =	vst v2;
	v0 =	vld [tilespmem:s11+$0xF0]  }
0x2f0: {  	[tilespmem:s9+$0xA1F0] =	vst v1  }
0x2f1: {  	[tilespmem:s9+$0xA170] =	vst v5  }
0x2f2: {  	[tilespmem:s0+$0xA170] =	vst v3  }
0x2f3: {  	[tilespmem:s10+$0xA1F0] =	vst v4  }
0x2f4: {  	[tilespmem:s10+$0xA170] =	vst v0  }
0x2f5: {  	s4 =	simm.s32 $0x0;
	s8 =	rddreg [dreg:$0xa]  }
0x2f6: {  	[hbm4b:s8+s4] =	stream.linear.scatter [tilespmem:s24], [sflag:$0x1], $0x5000, $0x38;
	[tilespmem:$0x13D00] =	vst v63  }
0x2f7: {  	_ =	swait.ge [sflag:s22], $0x5000  }
0x2f8: {  	[sflag:s22] =	ssyncset.done $0x0  }
0x2f9: {  	s23 =	simm.s32 $0x2;
	[sflag:s22] =	ssyncadd.s32 $0xFFFFB000  }
0x2fa: {  	_ =	swait.ge [sflag:s23], $0x5000  }
0x2fb: {  	[sflag:s23] =	ssyncset.done $0x0  }
0x2fc: {  	s9 =	simm.s32 $0x9B81;
	[sflag:s23] =	ssyncadd.s32 $0xFFFFB000  }
0x2fd: {  	v0 =	vld [tilespmem:s9+$0x0];
	_ =	sdelay $0x4  }
0x2fe: {  	(v2sf) =	vpush v0, $0x0;
	_ =	sdelay $0x3  }
0x2ff: {  	v0 =	vld [tilespmem:s9+$0xFFFFFFFF];
	_ =	sdelay $0x4  }
0x300: {  	(v2sf) =	vpush v0, $0x0;
	_ =	sdelay $0x5  }
0x301: {  	s10 =	spop (v2sf)  }
0x302: {  	v0 =	vld [tilespmem:s10+$0x1400];
	_ =	sdelay $0x2  }
0x303: {  	s12 =	sand.u32 $0x7800, s4;
	s0 =	sand.u32 $0x300, s4;
	s11 =	simm.s32 $0x7401  }
0x304: {  	s0 =	sor.u32 s0, s12;
	v1 =	vld [tilespmem:s11+$0x0]  }
0x305: {  	v3 =	vld [tilespmem:s11+$0xFFFFFFFF];
	[tilespmem:s0+$0x9D80] =	vst v0  }
0x306: {  	v0 =	vld [tilespmem:s10+$0x1410]  }
0x307: {  	s14 =	simm.s32 $0x9B83  }
0x308: {  	v4 =	vld [tilespmem:s14+$0x0];
	s13 =	spop (v2sf)  }
0x309: {  	v2 =	vld [tilespmem:s13+$0x1400];
	_ =	sdelay $0x1  }
0x30a: {  	(v2sf) =	vpush v3, $0x0;
	v3 =	vld [tilespmem:s14+$0xFFFFFFFF];
	[tilespmem:s0+$0x9D90] =	vst v0  }
0x30b: {  	v0 =	vld [tilespmem:s10+$0x1420]  }
0x30c: {  	(v2sf) =	vpush v4, $0x0  }
0x30d: {  	[tilespmem:s0+$0x9D00] =	vst v2  }
0x30e: {  	v2 =	vld [tilespmem:s13+$0x1410]  }
0x30f: {  	(v2sf) =	vpush v3, $0x0  }
0x310: {  	[tilespmem:s0+$0x9DA0] =	vst v0  }
0x311: {  	v0 =	vld [tilespmem:s10+$0x1430];
	_ =	sdelay $0x1  }
0x312: {  	[tilespmem:s0+$0x9D10] =	vst v2  }
0x313: {  	v2 =	vld [tilespmem:s13+$0x1420];
	_ =	sdelay $0x1  }
0x314: {  	[tilespmem:s0+$0x9DB0] =	vst v0  }
0x315: {  	v0 =	vld [tilespmem:s10+$0x1440];
	_ =	sdelay $0x1  }
0x316: {  	[tilespmem:s0+$0x9D20] =	vst v2  }
0x317: {  	s19 =	simm.s32 $0x7403;
	s3 =	spop (v2sf);
	v2 =	vld [tilespmem:s13+$0x1430]  }
0x318: {  	v5 =	vld [tilespmem:s19+$0xFFFFFFFF];
	s15 =	spop (v2sf)  }
0x319: {  	(v2sf) =	vpush v1, $0x0;
	v1 =	vld [tilespmem:s15+$0x1400];
	[tilespmem:s0+$0x9DC0] =	vst v0  }
0x31a: {  	s21 =	simm.s32 $0x9B85;
	v0 =	vld [tilespmem:s10+$0x1450]  }
0x31b: {  	s16 =	simm.s32 $0x100;
	s17 =	simm.s32 $0x200;
	v6 =	vld [tilespmem:s21+$0x0];
	s20 =	spop (v2sf)  }
0x31c: {  	s2 =	sand.u32 $0x300, s16;
	s9 =	sand.u32 $0x7800, s17;
	v4 =	vld [tilespmem:s20+$0x1400];
	[tilespmem:s0+$0x9D30] =	vst v2  }
0x31d: {  	s2 =	sor.u32 s2, s9;
	v2 =	vld [tilespmem:s13+$0x1440]  }
0x31e: {  	v3 =	vld [tilespmem:s19+$0x0];
	[tilespmem:s2+$0x9D80] =	vst v1  }
0x31f: {  	v1 =	vld [tilespmem:s15+$0x1410];
	[tilespmem:s0+$0x9DD0] =	vst v0  }
0x320: {  	v0 =	vld [tilespmem:s10+$0x1460]  }
0x321: {  	[tilespmem:s2+$0x9D00] =	vst v4  }
0x322: {  	(v2sf) =	vpush v5, $0x0;
	v4 =	vld [tilespmem:s20+$0x1410];
	[tilespmem:s0+$0x9D40] =	vst v2  }
0x323: {  	(v2sf) =	vpush v6, $0x0;
	v2 =	vld [tilespmem:s13+$0x1450]  }
0x324: {  	[tilespmem:s2+$0x9D90] =	vst v1  }
0x325: {  	v1 =	vld [tilespmem:s15+$0x1420];
	[tilespmem:s0+$0x9DE0] =	vst v0  }
0x326: {  	v0 =	vld [tilespmem:s10+$0x1470]  }
0x327: {  	[tilespmem:s2+$0x9D10] =	vst v4  }
0x328: {  	v4 =	vld [tilespmem:s21+$0xFFFFFFFF];
	[tilespmem:s0+$0x9D50] =	vst v2  }
0x329: {  	v2 =	vld [tilespmem:s13+$0x1460]  }
0x32a: {  	v5 =	vld [tilespmem:s20+$0x1420];
	[tilespmem:s2+$0x9DA0] =	vst v1  }
0x32b: {  	s26 =	spop (v2sf);
	v1 =	vld [tilespmem:s15+$0x1430];
	[tilespmem:s0+$0x9DF0] =	vst v0  }
0x32c: {  	v0 =	vld [tilespmem:s26+$0x4600];
	_ =	sdelay $0x1  }
0x32d: {  	[tilespmem:s0+$0x9D60] =	vst v2  }
0x32e: {  	[tilespmem:s2+$0x9D20] =	vst v5;
	v2 =	vld [tilespmem:s13+$0x1470]  }
0x32f: {  	(v2sf) =	vpush v4, $0x0;
	v4 =	vld [tilespmem:s20+$0x1430];
	[tilespmem:s2+$0x9DB0] =	vst v1  }
0x330: {  	s4 =	spop (v2sf);
	v1 =	vld [tilespmem:s15+$0x1440];
	[tilespmem:s0+$0xA180] =	vst v0  }
0x331: {  	s14 =	spop (v2sf);
	v0 =	vld [tilespmem:s26+$0x4610]  }
0x332: {  	(v2sf) =	vpush v3, $0x0;
	v3 =	vld [tilespmem:s14+$0x1400];
	s13 =	simm.s32 $0x7405  }
0x333: {  	v5 =	vld [tilespmem:s13+$0x0];
	[tilespmem:s0+$0x9D70] =	vst v2  }
0x334: {  	s28 =	simm.s32 $0x200;
	s29 =	simm.s32 $0x400;
	[tilespmem:s2+$0x9D30] =	vst v4;
	v2 =	vld [tilespmem:s3+$0x4600]  }
0x335: {  	s30 =	sand.u32 $0x300, s28;
	s11 =	sand.u32 $0x7800, s29;
	v4 =	vld [tilespmem:s20+$0x1440];
	[tilespmem:s2+$0x9DC0] =	vst v1  }
0x336: {  	s19 =	sor.u32 s30, s11;
	v1 =	vld [tilespmem:s15+$0x1450];
	[tilespmem:s0+$0xA190] =	vst v0  }
0x337: {  	[tilespmem:s19+$0x9D80] =	vst v3;
	v0 =	vld [tilespmem:s26+$0x4620]  }
0x338: {  	v3 =	vld [tilespmem:s14+$0x1410]  }
0x339: {  	[tilespmem:s0+$0xA100] =	vst v2  }
0x33a: {  	[tilespmem:s2+$0x9D40] =	vst v4;
	v2 =	vld [tilespmem:s3+$0x4610]  }
0x33b: {  	v4 =	vld [tilespmem:s20+$0x1450];
	[tilespmem:s2+$0x9DD0] =	vst v1  }
0x33c: {  	v1 =	vld [tilespmem:s15+$0x1460];
	[tilespmem:s0+$0xA1A0] =	vst v0  }
0x33d: {  	[tilespmem:s19+$0x9D90] =	vst v3;
	v0 =	vld [tilespmem:s26+$0x4630]  }
0x33e: {  	v3 =	vld [tilespmem:s14+$0x1420]  }
0x33f: {  	s31 =	simm.s32 $0x9B87;
	[tilespmem:s0+$0xA110] =	vst v2;
	v2 =	vld [tilespmem:s13+$0xFFFFFFFF]  }
0x340: {  	s9 =	spop (v2sf);
	[tilespmem:s2+$0x9D50] =	vst v4;
	v4 =	vld [tilespmem:s31+$0x0]  }
0x341: {  	v6 =	vld [tilespmem:s9+$0x1400];
	[tilespmem:s2+$0x9DE0] =	vst v1  }
0x342: {  	[tilespmem:s0+$0xA1B0] =	vst v0;
	v0 =	vld [tilespmem:s15+$0x1470];
	_ =	sdelay $0x1  }
0x343: {  	(v2sf) =	vpush v2, $0x0  }
0x344: {  	[tilespmem:s19+$0x9DA0] =	vst v3;
	(v2sf) =	vpush v4, $0x0;
	v1 =	vld [tilespmem:s26+$0x4640]  }
0x345: {  	v3 =	vld [tilespmem:s31+$0xFFFFFFFF];
	[tilespmem:s19+$0x9D00] =	vst v6  }
0x346: {  	s1 =	spop (v2sf);
	v6 =	vld [tilespmem:s9+$0x1410];
	[tilespmem:s2+$0x9DF0] =	vst v0  }
0x347: {  	v0 =	vld [tilespmem:s1+$0x4600]  }
0x348: {  	v7 =	vld [tilespmem:s3+$0x4620]  }
0x349: {  	s13 =	simm.s32 $0x7407;
	[tilespmem:s0+$0xA1C0] =	vst v1;
	v1 =	vld [tilespmem:s20+$0x1460]  }
0x34a: {  	v63 =	vld [tilespmem:s13+$0xFFFFFFFF]  }
0x34b: {  	[tilespmem:s19+$0x9D10] =	vst v6;
	v8 =	vld [tilespmem:s26+$0x4650]  }
0x34c: {  	[tilespmem:s2+$0xA180] =	vst v0;
	v0 =	vld [tilespmem:s14+$0x1430]  }
0x34d: {  	[tilespmem:s0+$0xA120] =	vst v7;
	v2 =	vld [tilespmem:s1+$0x4610]  }
0x34e: {  	[tilespmem:s2+$0x9D60] =	vst v1;
	v1 =	vld [tilespmem:s9+$0x1420]  }
0x34f: {  	v6 =	vld [tilespmem:s3+$0x4630]  }
0x350: {  	v4 =	vld [tilespmem:s20+$0x1470];
	[tilespmem:s0+$0xA1D0] =	vst v8  }
0x351: {  	(v2sf) =	vpush v3, $0x0;
	[tilespmem:s19+$0x9DB0] =	vst v0;
	v0 =	vld [tilespmem:s26+$0x4660]  }
0x352: {  	s8 =	spop (v2sf);
	[tilespmem:s2+$0xA190] =	vst v2;
	v2 =	vld [tilespmem:s14+$0x1440]  }
0x353: {  	s10 =	spop (v2sf);
	[tilespmem:s19+$0x9D20] =	vst v1;
	v1 =	vld [tilespmem:s1+$0x4620]  }
0x354: {  	[tilespmem:s0+$0xA130] =	vst v6;
	v7 =	vld [tilespmem:s10+$0x1400]  }
0x355: {  	v3 =	vld [tilespmem:s9+$0x1430];
	[tilespmem:s2+$0x9D70] =	vst v4  }
0x356: {  	v4 =	vld [tilespmem:s4+$0x4600];
	[tilespmem:s0+$0xA1E0] =	vst v0  }
0x357: {  	v0 =	vld [tilespmem:s3+$0x4640];
	[tilespmem:s19+$0x9DC0] =	vst v2  }
0x358: {  	v2 =	vld [tilespmem:s14+$0x1450];
	[tilespmem:s2+$0xA1A0] =	vst v1  }
0x359: {  	v1 =	vld [tilespmem:s1+$0x4630]  }
0x35a: {  	(v2sf) =	vpush v5, $0x0;
	v6 =	vld [tilespmem:s26+$0x4670];
	[tilespmem:s19+$0x9D30] =	vst v3  }
0x35b: {  	v3 =	vld [tilespmem:s9+$0x1440];
	[tilespmem:s2+$0xA100] =	vst v4  }
0x35c: {  	s12 =	simm.s32 $0x600;
	s11 =	simm.s32 $0x300;
	v4 =	vld [tilespmem:s4+$0x4610];
	[tilespmem:s0+$0xA140] =	vst v0  }
0x35d: {  	s16 =	sand.u32 $0x300, s11;
	s15 =	sand.u32 $0x7800, s12;
	v0 =	vld [tilespmem:s13+$0x0];
	[tilespmem:s19+$0x9DD0] =	vst v2  }
0x35e: {  	s20 =	sor.u32 s16, s15;
	v2 =	vld [tilespmem:s14+$0x1460];
	[tilespmem:s2+$0xA1B0] =	vst v1  }
0x35f: {  	[tilespmem:s20+$0x9D80] =	vst v7;
	v1 =	vld [tilespmem:s1+$0x4640]  }
0x360: {  	s21 =	spop (v2sf);
	v5 =	vld [tilespmem:s3+$0x4650];
	[tilespmem:s0+$0xA1F0] =	vst v6  }
0x361: {  	v6 =	vld [tilespmem:s21+$0x1400];
	[tilespmem:s19+$0x9D40] =	vst v3  }
0x362: {  	v3 =	vld [tilespmem:s9+$0x1450];
	[tilespmem:s2+$0xA110] =	vst v4  }
0x363: {  	[tilespmem:s19+$0x9DE0] =	vst v2;
	v2 =	vld [tilespmem:s10+$0x1410]  }
0x364: {  	[tilespmem:s2+$0xA1C0] =	vst v1;
	v1 =	vld [tilespmem:s14+$0x1470]  }
0x365: {  	[tilespmem:s0+$0xA150] =	vst v5;
	v7 =	vld [tilespmem:s1+$0x4650]  }
0x366: {  	[tilespmem:s20+$0x9D00] =	vst v6;
	v6 =	vld [tilespmem:s4+$0x4620]  }
0x367: {  	v4 =	vld [tilespmem:s21+$0x1410];
	[tilespmem:s19+$0x9D50] =	vst v3  }
0x368: {  	v3 =	vld [tilespmem:s9+$0x1460];
	[tilespmem:s20+$0x9D90] =	vst v2  }
0x369: {  	s16 =	spop (v2sf);
	[tilespmem:s19+$0x9DF0] =	vst v1;
	v5 =	vld [tilespmem:s10+$0x1420]  }
0x36a: {  	[tilespmem:s2+$0xA1D0] =	vst v7;
	v2 =	vld [tilespmem:s16+$0x4600]  }
0x36b: {  	s15 =	simm.s32 $0x9B89;
	(v2sf) =	vpush v63, $0x0;
	s14 =	simm.s32 $0x6;
	[tilespmem:s2+$0xA120] =	vst v6;
	v1 =	vld [tilespmem:s1+$0x4660]  }
.LBB2_14:
0x36c: {  	v6 =	vld [tilespmem:s15+$0x0];
	[tilespmem:s20+$0x9D10] =	vst v4  }
0x36d: {  	v4 =	vld [tilespmem:s15+$0xFFFFFFFF];
	[tilespmem:s19+$0x9D60] =	vst v3  }
0x36e: {  	s14 =	sadd.s32 $0x2, s14;
	v3 =	vld [tilespmem:s21+$0x1420];
	[tilespmem:s20+$0x9DA0] =	vst v5  }
0x36f: {  	p0 =	slt.u32 s14, $0x4E;
	v5 =	vld [tilespmem:s10+$0x1430];
	[tilespmem:s19+$0xA180] =	vst v2  }
0x370: {  	v2 =	vld [tilespmem:s16+$0x4610];
	[tilespmem:s2+$0xA1E0] =	vst v1  }
0x371: {  	(v2sf) =	vpush v6, $0x0;
	v1 =	vld [tilespmem:s1+$0x4670];
	s1 =	smov.u32 s16  }
0x372: {  	(v2sf) =	vpush v4, $0x0;
	v4 =	vld [tilespmem:s9+$0x1470];
	s9 =	smov.u32 s21  }
0x373: {  	[tilespmem:s20+$0x9D20] =	vst v3;
	v3 =	vld [tilespmem:s4+$0x4630]  }
0x374: {  	v6 =	vld [tilespmem:s9+$0x1430];
	[tilespmem:s20+$0x9DB0] =	vst v5  }
0x375: {  	[tilespmem:s19+$0xA190] =	vst v2;
	v2 =	vld [tilespmem:s3+$0x4660]  }
0x376: {  	v5 =	vld [tilespmem:s10+$0x1440];
	[tilespmem:s2+$0xA1F0] =	vst v1  }
0x377: {  	[tilespmem:s19+$0x9D70] =	vst v4;
	v1 =	vld [tilespmem:s1+$0x4620]  }
0x378: {  	v4 =	vld [tilespmem:s8+$0x4600];
	[tilespmem:s2+$0xA130] =	vst v3  }
0x379: {  	[tilespmem:s20+$0x9D30] =	vst v6;
	v3 =	vld [tilespmem:s4+$0x4640]  }
0x37a: {  	v6 =	vld [tilespmem:s9+$0x1440];
	s16 =	spop (v2sf);
	[tilespmem:s0+$0xA160] =	vst v2  }
0x37b: {  	[tilespmem:s20+$0x9DC0] =	vst v5;
	v2 =	vld [tilespmem:s3+$0x4670];
	s3 =	smov.u32 s4;
	s4 =	smov.u32 s8;
	s8 =	smov.u32 s16  }
0x37c: {  	v5 =	vld [tilespmem:s10+$0x1450];
	[tilespmem:s19+$0xA1A0] =	vst v1  }
0x37d: {  	[tilespmem:s19+$0xA100] =	vst v4;
	v1 =	vld [tilespmem:s1+$0x4630]  }
0x37e: {  	(v2sf) =	vpush v0, $0x0;
	v0 =	vld [tilespmem:s4+$0x4610];
	[tilespmem:s2+$0xA140] =	vst v3  }
0x37f: {  	[tilespmem:s20+$0x9D40] =	vst v6;
	v3 =	vld [tilespmem:s3+$0x4650]  }
0x380: {  	s16 =	spop (v2sf);
	v4 =	vld [tilespmem:s9+$0x1450];
	[tilespmem:s0+$0xA170] =	vst v2;
	s0 =	smov.u32 s2;
	s2 =	smov.u32 s19  }
0x381: {  	s19 =	smov.u32 s20;
	v2 =	vld [tilespmem:s16+$0x1400];
	s21 =	spop (v2sf);
	[tilespmem:s20+$0x9DD0] =	vst v5  }
0x382: {  	v5 =	vld [tilespmem:s10+$0x1460];
	[tilespmem:s2+$0xA1B0] =	vst v1  }
0x383: {  	s11 =	sadd.s32 $0x100, s11;
	s12 =	sadd.s32 $0x200, s12;
	[tilespmem:s2+$0xA110] =	vst v0;
	v1 =	vld [tilespmem:s1+$0x4640]  }
0x384: {  	s17 =	sand.u32 $0x7800, s12;
	s20 =	sand.u32 $0x300, s11;
	v6 =	vld [tilespmem:s21+$0x1400];
	[tilespmem:s0+$0xA150] =	vst v3  }
0x385: {  	s13 =	sadd.s32 $0x2, s13;
	s20 =	sor.u32 s20, s17;
	[tilespmem:s19+$0x9D50] =	vst v4;
	v3 =	vld [tilespmem:s4+$0x4620]  }
0x386: {  	v0 =	vld [tilespmem:s13+$0x0];
	[tilespmem:s20+$0x9D80] =	vst v2  }
0x387: {  	v2 =	vld [tilespmem:s16+$0x1410];
	[tilespmem:s19+$0x9DE0] =	vst v5  }
0x388: {  	v7 =	vld [tilespmem:s10+$0x1470];
	[tilespmem:s2+$0xA1C0] =	vst v1;
	s10 =	smov.u32 s16  }
0x389: {  	v1 =	vld [tilespmem:s1+$0x4650]  }
0x38a: {  	v8 =	vld [tilespmem:s13+$0xFFFFFFFF];
	[tilespmem:s20+$0x9D00] =	vst v6  }
.Ltmp6:
0x38b: {  	v4 =	vld [tilespmem:s21+$0x1410];
	[tilespmem:s2+$0xA120] =	vst v3;
	(pc) =	sbr.rel @p0 .LBB2_14-.Ltmp6, $4  }
0x38c: {  	[tilespmem:s20+$0x9D90] =	vst v2;
	v3 =	vld [tilespmem:s9+$0x1460]  }
0x38d: {  	v5 =	vld [tilespmem:s10+$0x1420];
	[tilespmem:s19+$0x9DF0] =	vst v7;
	s16 =	spop (v2sf)  }
0x38e: {  	v2 =	vld [tilespmem:s16+$0x4600];
	[tilespmem:s2+$0xA1D0] =	vst v1  }
0x38f: {  	s15 =	sadd.s32 $0x2, s15;
	(v2sf) =	vpush v8, $0x0;
	v1 =	vld [tilespmem:s1+$0x4660]  }
0x390: {  	[tilespmem:s20+$0x9D10] =	vst v4  }
0x391: {  	v4 =	vld [tilespmem:s21+$0x1420];
	_ =	sdelay $0x3  }
0x392: {  	[tilespmem:s20+$0x9DA0] =	vst v5  }
0x393: {  	v5 =	vld [tilespmem:s10+$0x1430];
	[tilespmem:s20+$0x9D20] =	vst v4  }
0x394: {  	v4 =	vld [tilespmem:s21+$0x1430];
	_ =	sdelay $0x3  }
0x395: {  	[tilespmem:s20+$0x9DB0] =	vst v5  }
0x396: {  	v5 =	vld [tilespmem:s10+$0x1440];
	[tilespmem:s20+$0x9D30] =	vst v4  }
0x397: {  	v4 =	vld [tilespmem:s21+$0x1440];
	_ =	sdelay $0x3  }
0x398: {  	[tilespmem:s20+$0x9DC0] =	vst v5  }
0x399: {  	v5 =	vld [tilespmem:s10+$0x1450];
	[tilespmem:s20+$0x9D40] =	vst v4  }
0x39a: {  	(v2sf) =	vpush v0, $0x0;
	v0 =	vld [tilespmem:s21+$0x1450];
	_ =	sdelay $0x3  }
0x39b: {  	[tilespmem:s20+$0x9DD0] =	vst v5  }
0x39c: {  	v4 =	vld [tilespmem:s10+$0x1460];
	[tilespmem:s20+$0x9D50] =	vst v0  }
0x39d: {  	v0 =	vld [tilespmem:s21+$0x1460];
	_ =	sdelay $0x2  }
0x39e: {  	[tilespmem:s19+$0x9D60] =	vst v3  }
0x39f: {  	[tilespmem:s20+$0x9DE0] =	vst v4;
	v4 =	vld [tilespmem:s9+$0x1470]  }
0x3a0: {  	v3 =	vld [tilespmem:s10+$0x1470];
	[tilespmem:s20+$0x9D60] =	vst v0  }
0x3a1: {  	v0 =	vld [tilespmem:s21+$0x1470];
	_ =	sdelay $0x2  }
0x3a2: {  	s30 =	spop (v2sf);
	[tilespmem:s19+$0x9D70] =	vst v4  }
0x3a3: {  	s31 =	spop (v2sf);
	[tilespmem:s20+$0x9DF0] =	vst v3;
	v4 =	vld [tilespmem:s8+$0x4600]  }
0x3a4: {  	v3 =	vld [tilespmem:s31+$0x4600];
	[tilespmem:s20+$0x9D70] =	vst v0  }
0x3a5: {  	v0 =	vld [tilespmem:s30+$0x4600]  }
0x3a6: {  	[tilespmem:s19+$0xA180] =	vst v2  }
0x3a7: {  	v2 =	vld [tilespmem:s16+$0x4610]  }
0x3a8: {  	[tilespmem:s19+$0xA100] =	vst v4  }
0x3a9: {  	[tilespmem:s20+$0xA180] =	vst v3;
	v4 =	vld [tilespmem:s8+$0x4610]  }
0x3aa: {  	v3 =	vld [tilespmem:s31+$0x4610];
	[tilespmem:s20+$0xA100] =	vst v0  }
0x3ab: {  	v0 =	vld [tilespmem:s30+$0x4610]  }
0x3ac: {  	[tilespmem:s19+$0xA190] =	vst v2  }
0x3ad: {  	v2 =	vld [tilespmem:s16+$0x4620]  }
0x3ae: {  	[tilespmem:s19+$0xA110] =	vst v4  }
0x3af: {  	[tilespmem:s20+$0xA190] =	vst v3;
	v4 =	vld [tilespmem:s8+$0x4620]  }
0x3b0: {  	v3 =	vld [tilespmem:s31+$0x4620];
	[tilespmem:s20+$0xA110] =	vst v0  }
0x3b1: {  	v0 =	vld [tilespmem:s30+$0x4620]  }
0x3b2: {  	[tilespmem:s19+$0xA1A0] =	vst v2  }
0x3b3: {  	v2 =	vld [tilespmem:s16+$0x4630]  }
0x3b4: {  	v5 =	vld [tilespmem:s4+$0x4630];
	[tilespmem:s19+$0xA120] =	vst v4  }
0x3b5: {  	[tilespmem:s20+$0xA1A0] =	vst v3;
	v4 =	vld [tilespmem:s8+$0x4630]  }
0x3b6: {  	v3 =	vld [tilespmem:s31+$0x4630];
	[tilespmem:s20+$0xA120] =	vst v0  }
0x3b7: {  	v0 =	vld [tilespmem:s30+$0x4630]  }
0x3b8: {  	[tilespmem:s19+$0xA1B0] =	vst v2  }
0x3b9: {  	v2 =	vld [tilespmem:s16+$0x4640];
	[tilespmem:s2+$0xA130] =	vst v5  }
0x3ba: {  	v5 =	vld [tilespmem:s4+$0x4640];
	[tilespmem:s19+$0xA130] =	vst v4  }
0x3bb: {  	[tilespmem:s20+$0xA1B0] =	vst v3;
	v4 =	vld [tilespmem:s8+$0x4640]  }
0x3bc: {  	v3 =	vld [tilespmem:s31+$0x4640];
	[tilespmem:s20+$0xA130] =	vst v0  }
0x3bd: {  	[tilespmem:s2+$0xA1E0] =	vst v1;
	v0 =	vld [tilespmem:s30+$0x4640]  }
0x3be: {  	v1 =	vld [tilespmem:s1+$0x4670];
	[tilespmem:s19+$0xA1C0] =	vst v2  }
0x3bf: {  	v2 =	vld [tilespmem:s16+$0x4650];
	[tilespmem:s2+$0xA140] =	vst v5  }
0x3c0: {  	v5 =	vld [tilespmem:s4+$0x4650];
	[tilespmem:s19+$0xA140] =	vst v4  }
0x3c1: {  	[tilespmem:s20+$0xA1C0] =	vst v3;
	v4 =	vld [tilespmem:s8+$0x4650]  }
0x3c2: {  	v3 =	vld [tilespmem:s31+$0x4650];
	[tilespmem:s20+$0xA140] =	vst v0  }
0x3c3: {  	[tilespmem:s2+$0xA1F0] =	vst v1;
	v0 =	vld [tilespmem:s30+$0x4650]  }
0x3c4: {  	v1 =	vld [tilespmem:s3+$0x4660];
	[tilespmem:s19+$0xA1D0] =	vst v2  }
0x3c5: {  	v2 =	vld [tilespmem:s16+$0x4660];
	[tilespmem:s2+$0xA150] =	vst v5  }
0x3c6: {  	v5 =	vld [tilespmem:s4+$0x4660];
	[tilespmem:s19+$0xA150] =	vst v4  }
0x3c7: {  	[tilespmem:s20+$0xA1D0] =	vst v3;
	v4 =	vld [tilespmem:s8+$0x4660]  }
0x3c8: {  	v3 =	vld [tilespmem:s31+$0x4660];
	[tilespmem:s20+$0xA150] =	vst v0  }
0x3c9: {  	[tilespmem:s0+$0xA160] =	vst v1;
	v0 =	vld [tilespmem:s30+$0x4660]  }
0x3ca: {  	v1 =	vld [tilespmem:s3+$0x4670];
	[tilespmem:s19+$0xA1E0] =	vst v2  }
0x3cb: {  	v2 =	vld [tilespmem:s16+$0x4670];
	[tilespmem:s2+$0xA160] =	vst v5  }
0x3cc: {  	v5 =	vld [tilespmem:s4+$0x4670];
	[tilespmem:s19+$0xA160] =	vst v4  }
0x3cd: {  	[tilespmem:s20+$0xA1E0] =	vst v3;
	v4 =	vld [tilespmem:s8+$0x4670]  }
0x3ce: {  	v3 =	vld [tilespmem:s31+$0x4670];
	[tilespmem:s20+$0xA160] =	vst v0  }
0x3cf: {  	[tilespmem:s0+$0xA170] =	vst v1;
	v0 =	vld [tilespmem:s30+$0x4670]  }
0x3d0: {  	[tilespmem:s19+$0xA1F0] =	vst v2  }
0x3d1: {  	[tilespmem:s2+$0xA170] =	vst v5  }
0x3d2: {  	[tilespmem:s19+$0xA170] =	vst v4  }
0x3d3: {  	[tilespmem:s20+$0xA1F0] =	vst v3  }
0x3d4: {  	[tilespmem:s20+$0xA170] =	vst v0  }
0x3d5: {  	s9 =	simm.s32 $0x9BD1;
	s4 =	simm.s32 $0x0;
	s8 =	rddreg [dreg:$0xb]  }
0x3d6: {  	[hbm4b:s8+s4] =	stream.linear.scatter [tilespmem:s24], [sflag:$0x1], $0x5000, $0x38;
	[tilespmem:$0x13D00] =	vst v63  }
0x3d7: {  	v0 =	vld [tilespmem:s9+$0x0];
	_ =	sdelay $0x4  }
0x3d8: {  	(v2sf) =	vpush v0, $0x0;
	_ =	sdelay $0x3  }
0x3d9: {  	v0 =	vld [tilespmem:s9+$0xFFFFFFFF];
	_ =	sdelay $0x4  }
0x3da: {  	(v2sf) =	vpush v0, $0x0;
	_ =	sdelay $0x5  }
0x3db: {  	s10 =	spop (v2sf)  }
0x3dc: {  	v0 =	vld [tilespmem:s10+$0x1400];
	_ =	sdelay $0x2  }
0x3dd: {  	s12 =	simm.s32 $0x7451;
	s13 =	sand.u32 $0x7800, s4;
	s0 =	sand.u32 $0x300, s4  }
0x3de: {  	s0 =	sor.u32 s0, s13;
	v1 =	vld [tilespmem:s12+$0x0]  }
0x3df: {  	v3 =	vld [tilespmem:s12+$0xFFFFFFFF];
	[tilespmem:s0+$0xED80] =	vst v0  }
0x3e0: {  	v0 =	vld [tilespmem:s10+$0x1410]  }
0x3e1: {  	s15 =	simm.s32 $0x9BD3  }
0x3e2: {  	v4 =	vld [tilespmem:s15+$0x0];
	s14 =	spop (v2sf)  }
0x3e3: {  	v2 =	vld [tilespmem:s14+$0x1400];
	_ =	sdelay $0x1  }
0x3e4: {  	(v2sf) =	vpush v3, $0x0;
	v3 =	vld [tilespmem:s15+$0xFFFFFFFF];
	[tilespmem:s0+$0xED90] =	vst v0  }
0x3e5: {  	v0 =	vld [tilespmem:s10+$0x1420]  }
0x3e6: {  	(v2sf) =	vpush v4, $0x0  }
0x3e7: {  	[tilespmem:s0+$0xED00] =	vst v2  }
0x3e8: {  	v2 =	vld [tilespmem:s14+$0x1410]  }
0x3e9: {  	(v2sf) =	vpush v3, $0x0  }
0x3ea: {  	[tilespmem:s0+$0xEDA0] =	vst v0  }
0x3eb: {  	v0 =	vld [tilespmem:s10+$0x1430];
	_ =	sdelay $0x1  }
0x3ec: {  	[tilespmem:s0+$0xED10] =	vst v2  }
0x3ed: {  	v2 =	vld [tilespmem:s14+$0x1420];
	_ =	sdelay $0x1  }
0x3ee: {  	[tilespmem:s0+$0xEDB0] =	vst v0  }
0x3ef: {  	v0 =	vld [tilespmem:s10+$0x1440];
	_ =	sdelay $0x1  }
0x3f0: {  	[tilespmem:s0+$0xED20] =	vst v2  }
0x3f1: {  	s3 =	spop (v2sf);
	v2 =	vld [tilespmem:s14+$0x1430]  }
0x3f2: {  	s16 =	spop (v2sf)  }
0x3f3: {  	(v2sf) =	vpush v1, $0x0;
	v1 =	vld [tilespmem:s16+$0x1400];
	[tilespmem:s0+$0xEDC0] =	vst v0  }
0x3f4: {  	v0 =	vld [tilespmem:s10+$0x1450]  }
0x3f5: {  	s17 =	simm.s32 $0x100;
	s19 =	simm.s32 $0x200;
	s20 =	spop (v2sf)  }
0x3f6: {  	s2 =	sand.u32 $0x300, s17;
	s9 =	sand.u32 $0x7800, s19;
	v4 =	vld [tilespmem:s20+$0x1400];
	[tilespmem:s0+$0xED30] =	vst v2  }
0x3f7: {  	s11 =	simm.s32 $0x7453;
	s2 =	sor.u32 s2, s9;
	v2 =	vld [tilespmem:s14+$0x1440]  }
0x3f8: {  	v3 =	vld [tilespmem:s11+$0x0];
	[tilespmem:s2+$0xED80] =	vst v1  }
0x3f9: {  	v1 =	vld [tilespmem:s16+$0x1410];
	[tilespmem:s0+$0xEDD0] =	vst v0  }
0x3fa: {  	v0 =	vld [tilespmem:s10+$0x1460]  }
0x3fb: {  	v5 =	vld [tilespmem:s11+$0xFFFFFFFF];
	[tilespmem:s2+$0xED00] =	vst v4  }
0x3fc: {  	v4 =	vld [tilespmem:s20+$0x1410];
	[tilespmem:s0+$0xED40] =	vst v2  }
0x3fd: {  	s21 =	simm.s32 $0x9BD5;
	v2 =	vld [tilespmem:s14+$0x1450]  }
0x3fe: {  	v6 =	vld [tilespmem:s21+$0x0];
	[tilespmem:s2+$0xED90] =	vst v1  }
0x3ff: {  	v1 =	vld [tilespmem:s16+$0x1420];
	[tilespmem:s0+$0xEDE0] =	vst v0  }
0x400: {  	v0 =	vld [tilespmem:s10+$0x1470]  }
0x401: {  	[tilespmem:s2+$0xED10] =	vst v4  }
0x402: {  	(v2sf) =	vpush v5, $0x0;
	v4 =	vld [tilespmem:s21+$0xFFFFFFFF];
	[tilespmem:s0+$0xED50] =	vst v2  }
0x403: {  	(v2sf) =	vpush v6, $0x0;
	v2 =	vld [tilespmem:s14+$0x1460]  }
0x404: {  	v5 =	vld [tilespmem:s20+$0x1420];
	[tilespmem:s2+$0xEDA0] =	vst v1  }
0x405: {  	s26 =	spop (v2sf);
	v1 =	vld [tilespmem:s16+$0x1430];
	[tilespmem:s0+$0xEDF0] =	vst v0  }
0x406: {  	v0 =	vld [tilespmem:s26+$0x4600];
	_ =	sdelay $0x1  }
0x407: {  	[tilespmem:s0+$0xED60] =	vst v2  }
0x408: {  	[tilespmem:s2+$0xED20] =	vst v5;
	v2 =	vld [tilespmem:s14+$0x1470]  }
0x409: {  	(v2sf) =	vpush v4, $0x0;
	v4 =	vld [tilespmem:s20+$0x1430];
	[tilespmem:s2+$0xEDB0] =	vst v1  }
0x40a: {  	v1 =	vld [tilespmem:s16+$0x1440];
	[tilespmem:s0+$0xF180] =	vst v0  }
0x40b: {  	v0 =	vld [tilespmem:s26+$0x4610];
	_ =	sdelay $0x1  }
0x40c: {  	[tilespmem:s0+$0xED70] =	vst v2  }
0x40d: {  	[tilespmem:s2+$0xED30] =	vst v4;
	v2 =	vld [tilespmem:s3+$0x4600]  }
0x40e: {  	v4 =	vld [tilespmem:s20+$0x1440];
	[tilespmem:s2+$0xEDC0] =	vst v1  }
0x40f: {  	s4 =	spop (v2sf);
	v1 =	vld [tilespmem:s16+$0x1450];
	[tilespmem:s0+$0xF190] =	vst v0  }
0x410: {  	s14 =	spop (v2sf);
	v0 =	vld [tilespmem:s26+$0x4620]  }
0x411: {  	s13 =	simm.s32 $0x7455;
	(v2sf) =	vpush v3, $0x0;
	v3 =	vld [tilespmem:s14+$0x1400]  }
0x412: {  	v5 =	vld [tilespmem:s13+$0x0];
	[tilespmem:s0+$0xF100] =	vst v2  }
0x413: {  	s28 =	simm.s32 $0x200;
	s29 =	simm.s32 $0x400;
	[tilespmem:s2+$0xED40] =	vst v4;
	v2 =	vld [tilespmem:s3+$0x4610]  }
0x414: {  	s12 =	sand.u32 $0x300, s28;
	s11 =	sand.u32 $0x7800, s29;
	v4 =	vld [tilespmem:s20+$0x1450];
	[tilespmem:s2+$0xEDD0] =	vst v1  }
0x415: {  	s19 =	sor.u32 s12, s11;
	v1 =	vld [tilespmem:s16+$0x1460];
	[tilespmem:s0+$0xF1A0] =	vst v0  }
0x416: {  	[tilespmem:s19+$0xED80] =	vst v3;
	v0 =	vld [tilespmem:s26+$0x4630]  }
0x417: {  	v3 =	vld [tilespmem:s14+$0x1410]  }
0x418: {  	s30 =	simm.s32 $0x9BD7;
	[tilespmem:s0+$0xF110] =	vst v2;
	v2 =	vld [tilespmem:s13+$0xFFFFFFFF]  }
0x419: {  	s9 =	spop (v2sf);
	[tilespmem:s2+$0xED50] =	vst v4;
	v4 =	vld [tilespmem:s30+$0x0]  }
0x41a: {  	v6 =	vld [tilespmem:s9+$0x1400];
	[tilespmem:s2+$0xEDE0] =	vst v1  }
0x41b: {  	[tilespmem:s0+$0xF1B0] =	vst v0;
	v0 =	vld [tilespmem:s16+$0x1470]  }
0x41c: {  	[tilespmem:s19+$0xED90] =	vst v3  }
0x41d: {  	v3 =	vld [tilespmem:s14+$0x1420];
	(v2sf) =	vpush v2, $0x0  }
0x41e: {  	(v2sf) =	vpush v4, $0x0;
	v1 =	vld [tilespmem:s26+$0x4640]  }
0x41f: {  	[tilespmem:s19+$0xED00] =	vst v6;
	v7 =	vld [tilespmem:s3+$0x4620]  }
0x420: {  	s1 =	spop (v2sf);
	v6 =	vld [tilespmem:s9+$0x1410];
	[tilespmem:s2+$0xEDF0] =	vst v0  }
0x421: {  	v0 =	vld [tilespmem:s1+$0x4600]  }
0x422: {  	[tilespmem:s19+$0xEDA0] =	vst v3;
	v3 =	vld [tilespmem:s30+$0xFFFFFFFF]  }
0x423: {  	s13 =	simm.s32 $0x7457;
	[tilespmem:s0+$0xF1C0] =	vst v1;
	v1 =	vld [tilespmem:s20+$0x1460]  }
0x424: {  	v63 =	vld [tilespmem:s13+$0xFFFFFFFF]  }
0x425: {  	[tilespmem:s19+$0xED10] =	vst v6;
	v8 =	vld [tilespmem:s26+$0x4650]  }
0x426: {  	[tilespmem:s2+$0xF180] =	vst v0;
	v0 =	vld [tilespmem:s14+$0x1430]  }
0x427: {  	[tilespmem:s0+$0xF120] =	vst v7;
	v2 =	vld [tilespmem:s1+$0x4610]  }
0x428: {  	[tilespmem:s2+$0xED60] =	vst v1;
	v1 =	vld [tilespmem:s9+$0x1420]  }
0x429: {  	v6 =	vld [tilespmem:s3+$0x4630]  }
0x42a: {  	v4 =	vld [tilespmem:s20+$0x1470];
	[tilespmem:s0+$0xF1D0] =	vst v8  }
0x42b: {  	(v2sf) =	vpush v3, $0x0;
	[tilespmem:s19+$0xEDB0] =	vst v0;
	v0 =	vld [tilespmem:s26+$0x4660]  }
0x42c: {  	s8 =	spop (v2sf);
	[tilespmem:s2+$0xF190] =	vst v2;
	v2 =	vld [tilespmem:s14+$0x1440]  }
0x42d: {  	s10 =	spop (v2sf);
	[tilespmem:s19+$0xED20] =	vst v1;
	v1 =	vld [tilespmem:s1+$0x4620]  }
0x42e: {  	[tilespmem:s0+$0xF130] =	vst v6;
	v7 =	vld [tilespmem:s10+$0x1400]  }
0x42f: {  	v3 =	vld [tilespmem:s9+$0x1430];
	[tilespmem:s2+$0xED70] =	vst v4  }
0x430: {  	v4 =	vld [tilespmem:s4+$0x4600];
	[tilespmem:s0+$0xF1E0] =	vst v0  }
0x431: {  	v0 =	vld [tilespmem:s3+$0x4640];
	[tilespmem:s19+$0xEDC0] =	vst v2  }
0x432: {  	v2 =	vld [tilespmem:s14+$0x1450];
	[tilespmem:s2+$0xF1A0] =	vst v1  }
0x433: {  	v1 =	vld [tilespmem:s1+$0x4630]  }
0x434: {  	(v2sf) =	vpush v5, $0x0;
	v6 =	vld [tilespmem:s26+$0x4670];
	[tilespmem:s19+$0xED30] =	vst v3  }
0x435: {  	v3 =	vld [tilespmem:s9+$0x1440];
	[tilespmem:s2+$0xF100] =	vst v4  }
0x436: {  	s11 =	simm.s32 $0x300;
	s12 =	simm.s32 $0x600;
	v4 =	vld [tilespmem:s4+$0x4610];
	[tilespmem:s0+$0xF140] =	vst v0  }
0x437: {  	s15 =	sand.u32 $0x7800, s12;
	s31 =	sand.u32 $0x300, s11;
	v0 =	vld [tilespmem:s13+$0x0];
	[tilespmem:s19+$0xEDD0] =	vst v2  }
0x438: {  	s20 =	sor.u32 s31, s15;
	v2 =	vld [tilespmem:s14+$0x1460];
	[tilespmem:s2+$0xF1B0] =	vst v1  }
0x439: {  	[tilespmem:s20+$0xED80] =	vst v7;
	v1 =	vld [tilespmem:s1+$0x4640]  }
0x43a: {  	s21 =	spop (v2sf);
	v5 =	vld [tilespmem:s3+$0x4650];
	[tilespmem:s0+$0xF1F0] =	vst v6  }
0x43b: {  	v6 =	vld [tilespmem:s21+$0x1400];
	[tilespmem:s19+$0xED40] =	vst v3  }
0x43c: {  	v3 =	vld [tilespmem:s9+$0x1450];
	[tilespmem:s2+$0xF110] =	vst v4  }
0x43d: {  	[tilespmem:s19+$0xEDE0] =	vst v2;
	v2 =	vld [tilespmem:s10+$0x1410]  }
0x43e: {  	[tilespmem:s2+$0xF1C0] =	vst v1;
	v1 =	vld [tilespmem:s14+$0x1470]  }
0x43f: {  	[tilespmem:s0+$0xF150] =	vst v5;
	v7 =	vld [tilespmem:s1+$0x4650]  }
0x440: {  	[tilespmem:s20+$0xED00] =	vst v6;
	v6 =	vld [tilespmem:s4+$0x4620]  }
0x441: {  	v4 =	vld [tilespmem:s21+$0x1410];
	[tilespmem:s19+$0xED50] =	vst v3  }
0x442: {  	v3 =	vld [tilespmem:s9+$0x1460];
	[tilespmem:s20+$0xED90] =	vst v2  }
0x443: {  	s16 =	spop (v2sf);
	[tilespmem:s19+$0xEDF0] =	vst v1;
	v5 =	vld [tilespmem:s10+$0x1420]  }
0x444: {  	[tilespmem:s2+$0xF1D0] =	vst v7;
	v2 =	vld [tilespmem:s16+$0x4600]  }
0x445: {  	s15 =	simm.s32 $0x9BD9;
	(v2sf) =	vpush v63, $0x0;
	s14 =	simm.s32 $0x6;
	[tilespmem:s2+$0xF120] =	vst v6;
	v1 =	vld [tilespmem:s1+$0x4660]  }
.LBB2_16:
0x446: {  	v6 =	vld [tilespmem:s15+$0x0];
	[tilespmem:s20+$0xED10] =	vst v4  }
0x447: {  	v4 =	vld [tilespmem:s15+$0xFFFFFFFF];
	[tilespmem:s19+$0xED60] =	vst v3  }
0x448: {  	s14 =	sadd.s32 $0x2, s14;
	v3 =	vld [tilespmem:s21+$0x1420];
	[tilespmem:s20+$0xEDA0] =	vst v5  }
0x449: {  	p0 =	slt.u32 s14, $0x4E;
	v5 =	vld [tilespmem:s10+$0x1430];
	[tilespmem:s19+$0xF180] =	vst v2  }
0x44a: {  	v2 =	vld [tilespmem:s16+$0x4610];
	[tilespmem:s2+$0xF1E0] =	vst v1  }
0x44b: {  	(v2sf) =	vpush v6, $0x0;
	v1 =	vld [tilespmem:s1+$0x4670];
	s1 =	smov.u32 s16  }
0x44c: {  	(v2sf) =	vpush v4, $0x0;
	v4 =	vld [tilespmem:s9+$0x1470];
	s9 =	smov.u32 s21  }
0x44d: {  	[tilespmem:s20+$0xED20] =	vst v3;
	v3 =	vld [tilespmem:s4+$0x4630]  }
0x44e: {  	v6 =	vld [tilespmem:s9+$0x1430];
	[tilespmem:s20+$0xEDB0] =	vst v5  }
0x44f: {  	[tilespmem:s19+$0xF190] =	vst v2;
	v2 =	vld [tilespmem:s3+$0x4660]  }
0x450: {  	v5 =	vld [tilespmem:s10+$0x1440];
	[tilespmem:s2+$0xF1F0] =	vst v1  }
0x451: {  	[tilespmem:s19+$0xED70] =	vst v4;
	v1 =	vld [tilespmem:s1+$0x4620]  }
0x452: {  	v4 =	vld [tilespmem:s8+$0x4600];
	[tilespmem:s2+$0xF130] =	vst v3  }
0x453: {  	[tilespmem:s20+$0xED30] =	vst v6;
	v3 =	vld [tilespmem:s4+$0x4640]  }
0x454: {  	v6 =	vld [tilespmem:s9+$0x1440];
	s16 =	spop (v2sf);
	[tilespmem:s0+$0xF160] =	vst v2  }
0x455: {  	[tilespmem:s20+$0xEDC0] =	vst v5;
	v2 =	vld [tilespmem:s3+$0x4670];
	s3 =	smov.u32 s4;
	s4 =	smov.u32 s8;
	s8 =	smov.u32 s16  }
0x456: {  	v5 =	vld [tilespmem:s10+$0x1450];
	[tilespmem:s19+$0xF1A0] =	vst v1  }
0x457: {  	[tilespmem:s19+$0xF100] =	vst v4;
	v1 =	vld [tilespmem:s1+$0x4630]  }
0x458: {  	(v2sf) =	vpush v0, $0x0;
	v0 =	vld [tilespmem:s4+$0x4610];
	[tilespmem:s2+$0xF140] =	vst v3  }
0x459: {  	[tilespmem:s20+$0xED40] =	vst v6;
	v3 =	vld [tilespmem:s3+$0x4650]  }
0x45a: {  	s16 =	spop (v2sf);
	v4 =	vld [tilespmem:s9+$0x1450];
	[tilespmem:s0+$0xF170] =	vst v2;
	s0 =	smov.u32 s2;
	s2 =	smov.u32 s19  }
0x45b: {  	s19 =	smov.u32 s20;
	v2 =	vld [tilespmem:s16+$0x1400];
	s21 =	spop (v2sf);
	[tilespmem:s20+$0xEDD0] =	vst v5  }
0x45c: {  	v5 =	vld [tilespmem:s10+$0x1460];
	[tilespmem:s2+$0xF1B0] =	vst v1  }
0x45d: {  	s11 =	sadd.s32 $0x100, s11;
	s12 =	sadd.s32 $0x200, s12;
	[tilespmem:s2+$0xF110] =	vst v0;
	v1 =	vld [tilespmem:s1+$0x4640]  }
0x45e: {  	s17 =	sand.u32 $0x7800, s12;
	s20 =	sand.u32 $0x300, s11;
	v6 =	vld [tilespmem:s21+$0x1400];
	[tilespmem:s0+$0xF150] =	vst v3  }
0x45f: {  	s13 =	sadd.s32 $0x2, s13;
	s20 =	sor.u32 s20, s17;
	[tilespmem:s19+$0xED50] =	vst v4;
	v3 =	vld [tilespmem:s4+$0x4620]  }
0x460: {  	v0 =	vld [tilespmem:s13+$0x0];
	[tilespmem:s20+$0xED80] =	vst v2  }
0x461: {  	v2 =	vld [tilespmem:s16+$0x1410];
	[tilespmem:s19+$0xEDE0] =	vst v5  }
0x462: {  	v7 =	vld [tilespmem:s10+$0x1470];
	[tilespmem:s2+$0xF1C0] =	vst v1;
	s10 =	smov.u32 s16  }
0x463: {  	v1 =	vld [tilespmem:s1+$0x4650]  }
0x464: {  	v8 =	vld [tilespmem:s13+$0xFFFFFFFF];
	[tilespmem:s20+$0xED00] =	vst v6  }
.Ltmp7:
0x465: {  	v4 =	vld [tilespmem:s21+$0x1410];
	[tilespmem:s2+$0xF120] =	vst v3;
	(pc) =	sbr.rel @p0 .LBB2_16-.Ltmp7, $4  }
0x466: {  	[tilespmem:s20+$0xED90] =	vst v2;
	v3 =	vld [tilespmem:s9+$0x1460]  }
0x467: {  	v5 =	vld [tilespmem:s10+$0x1420];
	[tilespmem:s19+$0xEDF0] =	vst v7;
	s16 =	spop (v2sf)  }
0x468: {  	v2 =	vld [tilespmem:s16+$0x4600];
	[tilespmem:s2+$0xF1D0] =	vst v1  }
0x469: {  	s15 =	sadd.s32 $0x2, s15;
	(v2sf) =	vpush v8, $0x0;
	v1 =	vld [tilespmem:s1+$0x4660]  }
0x46a: {  	[tilespmem:s20+$0xED10] =	vst v4  }
0x46b: {  	v4 =	vld [tilespmem:s21+$0x1420];
	_ =	sdelay $0x3  }
0x46c: {  	[tilespmem:s20+$0xEDA0] =	vst v5  }
0x46d: {  	v5 =	vld [tilespmem:s10+$0x1430];
	[tilespmem:s20+$0xED20] =	vst v4  }
0x46e: {  	v4 =	vld [tilespmem:s21+$0x1430];
	_ =	sdelay $0x3  }
0x46f: {  	[tilespmem:s20+$0xEDB0] =	vst v5  }
0x470: {  	v5 =	vld [tilespmem:s10+$0x1440];
	[tilespmem:s20+$0xED30] =	vst v4  }
0x471: {  	v4 =	vld [tilespmem:s21+$0x1440];
	_ =	sdelay $0x3  }
0x472: {  	[tilespmem:s20+$0xEDC0] =	vst v5  }
0x473: {  	v5 =	vld [tilespmem:s10+$0x1450];
	[tilespmem:s20+$0xED40] =	vst v4  }
0x474: {  	(v2sf) =	vpush v0, $0x0;
	v0 =	vld [tilespmem:s21+$0x1450];
	_ =	sdelay $0x3  }
0x475: {  	[tilespmem:s20+$0xEDD0] =	vst v5  }
0x476: {  	v4 =	vld [tilespmem:s10+$0x1460];
	[tilespmem:s20+$0xED50] =	vst v0  }
0x477: {  	v0 =	vld [tilespmem:s21+$0x1460];
	_ =	sdelay $0x2  }
0x478: {  	[tilespmem:s19+$0xED60] =	vst v3  }
0x479: {  	[tilespmem:s20+$0xEDE0] =	vst v4;
	v4 =	vld [tilespmem:s9+$0x1470]  }
0x47a: {  	v3 =	vld [tilespmem:s10+$0x1470];
	[tilespmem:s20+$0xED60] =	vst v0  }
0x47b: {  	v0 =	vld [tilespmem:s21+$0x1470];
	_ =	sdelay $0x2  }
0x47c: {  	s30 =	spop (v2sf);
	[tilespmem:s19+$0xED70] =	vst v4  }
0x47d: {  	s31 =	spop (v2sf);
	[tilespmem:s20+$0xEDF0] =	vst v3;
	v4 =	vld [tilespmem:s8+$0x4600]  }
0x47e: {  	v3 =	vld [tilespmem:s31+$0x4600];
	[tilespmem:s20+$0xED70] =	vst v0  }
0x47f: {  	v0 =	vld [tilespmem:s30+$0x4600]  }
0x480: {  	[tilespmem:s19+$0xF180] =	vst v2  }
0x481: {  	v2 =	vld [tilespmem:s16+$0x4610]  }
0x482: {  	[tilespmem:s19+$0xF100] =	vst v4  }
0x483: {  	[tilespmem:s20+$0xF180] =	vst v3;
	v4 =	vld [tilespmem:s8+$0x4610]  }
0x484: {  	v3 =	vld [tilespmem:s31+$0x4610];
	[tilespmem:s20+$0xF100] =	vst v0  }
0x485: {  	v0 =	vld [tilespmem:s30+$0x4610]  }
0x486: {  	[tilespmem:s19+$0xF190] =	vst v2  }
0x487: {  	v2 =	vld [tilespmem:s16+$0x4620]  }
0x488: {  	[tilespmem:s19+$0xF110] =	vst v4  }
0x489: {  	[tilespmem:s20+$0xF190] =	vst v3;
	v4 =	vld [tilespmem:s8+$0x4620]  }
0x48a: {  	v3 =	vld [tilespmem:s31+$0x4620];
	[tilespmem:s20+$0xF110] =	vst v0  }
0x48b: {  	v0 =	vld [tilespmem:s30+$0x4620]  }
0x48c: {  	[tilespmem:s19+$0xF1A0] =	vst v2  }
0x48d: {  	v2 =	vld [tilespmem:s16+$0x4630]  }
0x48e: {  	v5 =	vld [tilespmem:s4+$0x4630];
	[tilespmem:s19+$0xF120] =	vst v4  }
0x48f: {  	[tilespmem:s20+$0xF1A0] =	vst v3;
	v4 =	vld [tilespmem:s8+$0x4630]  }
0x490: {  	v3 =	vld [tilespmem:s31+$0x4630];
	[tilespmem:s20+$0xF120] =	vst v0  }
0x491: {  	v0 =	vld [tilespmem:s30+$0x4630]  }
0x492: {  	[tilespmem:s19+$0xF1B0] =	vst v2  }
0x493: {  	v2 =	vld [tilespmem:s16+$0x4640];
	[tilespmem:s2+$0xF130] =	vst v5  }
0x494: {  	v5 =	vld [tilespmem:s4+$0x4640];
	[tilespmem:s19+$0xF130] =	vst v4  }
0x495: {  	[tilespmem:s20+$0xF1B0] =	vst v3;
	v4 =	vld [tilespmem:s8+$0x4640]  }
0x496: {  	v3 =	vld [tilespmem:s31+$0x4640];
	[tilespmem:s20+$0xF130] =	vst v0  }
0x497: {  	[tilespmem:s2+$0xF1E0] =	vst v1;
	v0 =	vld [tilespmem:s30+$0x4640]  }
0x498: {  	v1 =	vld [tilespmem:s1+$0x4670];
	[tilespmem:s19+$0xF1C0] =	vst v2  }
0x499: {  	v2 =	vld [tilespmem:s16+$0x4650];
	[tilespmem:s2+$0xF140] =	vst v5  }
0x49a: {  	v5 =	vld [tilespmem:s4+$0x4650];
	[tilespmem:s19+$0xF140] =	vst v4  }
0x49b: {  	[tilespmem:s20+$0xF1C0] =	vst v3;
	v4 =	vld [tilespmem:s8+$0x4650]  }
0x49c: {  	v3 =	vld [tilespmem:s31+$0x4650];
	[tilespmem:s20+$0xF140] =	vst v0  }
0x49d: {  	[tilespmem:s2+$0xF1F0] =	vst v1;
	v0 =	vld [tilespmem:s30+$0x4650]  }
0x49e: {  	v1 =	vld [tilespmem:s3+$0x4660];
	[tilespmem:s19+$0xF1D0] =	vst v2  }
0x49f: {  	v2 =	vld [tilespmem:s16+$0x4660];
	[tilespmem:s2+$0xF150] =	vst v5  }
0x4a0: {  	v5 =	vld [tilespmem:s4+$0x4660];
	[tilespmem:s19+$0xF150] =	vst v4  }
0x4a1: {  	[tilespmem:s20+$0xF1D0] =	vst v3;
	v4 =	vld [tilespmem:s8+$0x4660]  }
0x4a2: {  	v3 =	vld [tilespmem:s31+$0x4660];
	[tilespmem:s20+$0xF150] =	vst v0  }
0x4a3: {  	[tilespmem:s0+$0xF160] =	vst v1;
	v0 =	vld [tilespmem:s30+$0x4660]  }
0x4a4: {  	v1 =	vld [tilespmem:s3+$0x4670];
	[tilespmem:s19+$0xF1E0] =	vst v2  }
0x4a5: {  	v2 =	vld [tilespmem:s16+$0x4670];
	[tilespmem:s2+$0xF160] =	vst v5  }
0x4a6: {  	v5 =	vld [tilespmem:s4+$0x4670];
	[tilespmem:s19+$0xF160] =	vst v4  }
0x4a7: {  	[tilespmem:s20+$0xF1E0] =	vst v3;
	v4 =	vld [tilespmem:s8+$0x4670]  }
0x4a8: {  	v3 =	vld [tilespmem:s31+$0x4670];
	[tilespmem:s20+$0xF160] =	vst v0  }
0x4a9: {  	[tilespmem:s0+$0xF170] =	vst v1;
	v0 =	vld [tilespmem:s30+$0x4670]  }
0x4aa: {  	[tilespmem:s19+$0xF1F0] =	vst v2  }
0x4ab: {  	[tilespmem:s2+$0xF170] =	vst v5  }
0x4ac: {  	[tilespmem:s19+$0xF170] =	vst v4  }
0x4ad: {  	[tilespmem:s20+$0xF1F0] =	vst v3  }
0x4ae: {  	[tilespmem:s20+$0xF170] =	vst v0  }
0x4af: {  	s4 =	simm.s32 $0x0;
	s8 =	rddreg [dreg:$0xc]  }
0x4b0: {  	[hbm4b:s8+s4] =	stream.linear.scatter [tilespmem:s25], [sflag:$0x2], $0x5000, $0x38;
	[tilespmem:$0x13D00] =	vst v63  }
0x4b1: {  	_ =	swait.ge [sflag:s22], $0x5000  }
0x4b2: {  	[sflag:s22] =	ssyncset.done $0x0  }
0x4b3: {  	s9 =	simm.s32 $0x9C21;
	[sflag:s22] =	ssyncadd.s32 $0xFFFFB000  }
0x4b4: {  	v0 =	vld [tilespmem:s9+$0x0];
	_ =	sdelay $0x4  }
0x4b5: {  	(v2sf) =	vpush v0, $0x0;
	_ =	sdelay $0x3  }
0x4b6: {  	v0 =	vld [tilespmem:s9+$0xFFFFFFFF];
	_ =	sdelay $0x4  }
0x4b7: {  	(v2sf) =	vpush v0, $0x0;
	_ =	sdelay $0x5  }
0x4b8: {  	s10 =	spop (v2sf)  }
0x4b9: {  	v0 =	vld [tilespmem:s10+$0x1400];
	_ =	sdelay $0x2  }
0x4ba: {  	s12 =	simm.s32 $0x74A1;
	s13 =	sand.u32 $0x7800, s4;
	s0 =	sand.u32 $0x300, s4  }
0x4bb: {  	s0 =	sor.u32 s0, s13;
	v1 =	vld [tilespmem:s12+$0x0]  }
0x4bc: {  	v3 =	vld [tilespmem:s12+$0xFFFFFFFF];
	[tilespmem:s0+$0x9D80] =	vst v0  }
0x4bd: {  	v0 =	vld [tilespmem:s10+$0x1410]  }
0x4be: {  	s15 =	simm.s32 $0x9C23  }
0x4bf: {  	v4 =	vld [tilespmem:s15+$0x0];
	s14 =	spop (v2sf)  }
0x4c0: {  	v2 =	vld [tilespmem:s14+$0x1400];
	_ =	sdelay $0x1  }
0x4c1: {  	(v2sf) =	vpush v3, $0x0;
	v3 =	vld [tilespmem:s15+$0xFFFFFFFF];
	[tilespmem:s0+$0x9D90] =	vst v0  }
0x4c2: {  	v0 =	vld [tilespmem:s10+$0x1420]  }
0x4c3: {  	(v2sf) =	vpush v4, $0x0  }
0x4c4: {  	[tilespmem:s0+$0x9D00] =	vst v2  }
0x4c5: {  	v2 =	vld [tilespmem:s14+$0x1410]  }
0x4c6: {  	(v2sf) =	vpush v3, $0x0  }
0x4c7: {  	[tilespmem:s0+$0x9DA0] =	vst v0  }
0x4c8: {  	v0 =	vld [tilespmem:s10+$0x1430];
	_ =	sdelay $0x1  }
0x4c9: {  	[tilespmem:s0+$0x9D10] =	vst v2  }
0x4ca: {  	v2 =	vld [tilespmem:s14+$0x1420];
	_ =	sdelay $0x1  }
0x4cb: {  	[tilespmem:s0+$0x9DB0] =	vst v0  }
0x4cc: {  	v0 =	vld [tilespmem:s10+$0x1440];
	_ =	sdelay $0x1  }
0x4cd: {  	[tilespmem:s0+$0x9D20] =	vst v2  }
0x4ce: {  	s3 =	spop (v2sf);
	v2 =	vld [tilespmem:s14+$0x1430]  }
0x4cf: {  	s16 =	spop (v2sf)  }
0x4d0: {  	(v2sf) =	vpush v1, $0x0;
	v1 =	vld [tilespmem:s16+$0x1400];
	[tilespmem:s0+$0x9DC0] =	vst v0  }
0x4d1: {  	v0 =	vld [tilespmem:s10+$0x1450]  }
0x4d2: {  	s17 =	simm.s32 $0x100;
	s19 =	simm.s32 $0x200;
	s20 =	spop (v2sf)  }
0x4d3: {  	s2 =	sand.u32 $0x300, s17;
	s9 =	sand.u32 $0x7800, s19;
	v4 =	vld [tilespmem:s20+$0x1400];
	[tilespmem:s0+$0x9D30] =	vst v2  }
0x4d4: {  	s11 =	simm.s32 $0x74A3;
	s2 =	sor.u32 s2, s9;
	v2 =	vld [tilespmem:s14+$0x1440]  }
0x4d5: {  	v3 =	vld [tilespmem:s11+$0x0];
	[tilespmem:s2+$0x9D80] =	vst v1  }
0x4d6: {  	v1 =	vld [tilespmem:s16+$0x1410];
	[tilespmem:s0+$0x9DD0] =	vst v0  }
0x4d7: {  	v0 =	vld [tilespmem:s10+$0x1460]  }
0x4d8: {  	v5 =	vld [tilespmem:s11+$0xFFFFFFFF];
	[tilespmem:s2+$0x9D00] =	vst v4  }
0x4d9: {  	v4 =	vld [tilespmem:s20+$0x1410];
	[tilespmem:s0+$0x9D40] =	vst v2  }
0x4da: {  	s21 =	simm.s32 $0x9C25;
	v2 =	vld [tilespmem:s14+$0x1450]  }
0x4db: {  	v6 =	vld [tilespmem:s21+$0x0];
	[tilespmem:s2+$0x9D90] =	vst v1  }
0x4dc: {  	v1 =	vld [tilespmem:s16+$0x1420];
	[tilespmem:s0+$0x9DE0] =	vst v0  }
0x4dd: {  	v0 =	vld [tilespmem:s10+$0x1470]  }
0x4de: {  	[tilespmem:s2+$0x9D10] =	vst v4  }
0x4df: {  	(v2sf) =	vpush v5, $0x0;
	v4 =	vld [tilespmem:s21+$0xFFFFFFFF];
	[tilespmem:s0+$0x9D50] =	vst v2  }
0x4e0: {  	(v2sf) =	vpush v6, $0x0;
	v2 =	vld [tilespmem:s14+$0x1460]  }
0x4e1: {  	v5 =	vld [tilespmem:s20+$0x1420];
	[tilespmem:s2+$0x9DA0] =	vst v1  }
0x4e2: {  	s26 =	spop (v2sf);
	v1 =	vld [tilespmem:s16+$0x1430];
	[tilespmem:s0+$0x9DF0] =	vst v0  }
0x4e3: {  	v0 =	vld [tilespmem:s26+$0x4600];
	_ =	sdelay $0x1  }
0x4e4: {  	[tilespmem:s0+$0x9D60] =	vst v2  }
0x4e5: {  	[tilespmem:s2+$0x9D20] =	vst v5;
	v2 =	vld [tilespmem:s14+$0x1470]  }
0x4e6: {  	(v2sf) =	vpush v4, $0x0;
	v4 =	vld [tilespmem:s20+$0x1430];
	[tilespmem:s2+$0x9DB0] =	vst v1  }
0x4e7: {  	v1 =	vld [tilespmem:s16+$0x1440];
	[tilespmem:s0+$0xA180] =	vst v0  }
0x4e8: {  	v0 =	vld [tilespmem:s26+$0x4610];
	_ =	sdelay $0x1  }
0x4e9: {  	[tilespmem:s0+$0x9D70] =	vst v2  }
0x4ea: {  	[tilespmem:s2+$0x9D30] =	vst v4;
	v2 =	vld [tilespmem:s3+$0x4600]  }
0x4eb: {  	v4 =	vld [tilespmem:s20+$0x1440];
	[tilespmem:s2+$0x9DC0] =	vst v1  }
0x4ec: {  	s4 =	spop (v2sf);
	v1 =	vld [tilespmem:s16+$0x1450];
	[tilespmem:s0+$0xA190] =	vst v0  }
0x4ed: {  	s14 =	spop (v2sf);
	v0 =	vld [tilespmem:s26+$0x4620]  }
0x4ee: {  	s13 =	simm.s32 $0x74A5;
	(v2sf) =	vpush v3, $0x0;
	v3 =	vld [tilespmem:s14+$0x1400]  }
0x4ef: {  	v5 =	vld [tilespmem:s13+$0x0];
	[tilespmem:s0+$0xA100] =	vst v2  }
0x4f0: {  	s28 =	simm.s32 $0x200;
	s29 =	simm.s32 $0x400;
	[tilespmem:s2+$0x9D40] =	vst v4;
	v2 =	vld [tilespmem:s3+$0x4610]  }
0x4f1: {  	s12 =	sand.u32 $0x300, s28;
	s11 =	sand.u32 $0x7800, s29;
	v4 =	vld [tilespmem:s20+$0x1450];
	[tilespmem:s2+$0x9DD0] =	vst v1  }
0x4f2: {  	s19 =	sor.u32 s12, s11;
	v1 =	vld [tilespmem:s16+$0x1460];
	[tilespmem:s0+$0xA1A0] =	vst v0  }
0x4f3: {  	[tilespmem:s19+$0x9D80] =	vst v3;
	v0 =	vld [tilespmem:s26+$0x4630]  }
0x4f4: {  	v3 =	vld [tilespmem:s14+$0x1410]  }
0x4f5: {  	s30 =	simm.s32 $0x9C27;
	[tilespmem:s0+$0xA110] =	vst v2;
	v2 =	vld [tilespmem:s13+$0xFFFFFFFF]  }
0x4f6: {  	s9 =	spop (v2sf);
	[tilespmem:s2+$0x9D50] =	vst v4;
	v4 =	vld [tilespmem:s30+$0x0]  }
0x4f7: {  	v6 =	vld [tilespmem:s9+$0x1400];
	[tilespmem:s2+$0x9DE0] =	vst v1  }
0x4f8: {  	[tilespmem:s0+$0xA1B0] =	vst v0;
	v0 =	vld [tilespmem:s16+$0x1470]  }
0x4f9: {  	[tilespmem:s19+$0x9D90] =	vst v3  }
0x4fa: {  	v3 =	vld [tilespmem:s14+$0x1420];
	(v2sf) =	vpush v2, $0x0  }
0x4fb: {  	(v2sf) =	vpush v4, $0x0;
	v1 =	vld [tilespmem:s26+$0x4640]  }
0x4fc: {  	[tilespmem:s19+$0x9D00] =	vst v6;
	v7 =	vld [tilespmem:s3+$0x4620]  }
0x4fd: {  	s1 =	spop (v2sf);
	v6 =	vld [tilespmem:s9+$0x1410];
	[tilespmem:s2+$0x9DF0] =	vst v0  }
0x4fe: {  	v0 =	vld [tilespmem:s1+$0x4600]  }
0x4ff: {  	[tilespmem:s19+$0x9DA0] =	vst v3;
	v3 =	vld [tilespmem:s30+$0xFFFFFFFF]  }
0x500: {  	s13 =	simm.s32 $0x74A7;
	[tilespmem:s0+$0xA1C0] =	vst v1;
	v1 =	vld [tilespmem:s20+$0x1460]  }
0x501: {  	v63 =	vld [tilespmem:s13+$0xFFFFFFFF]  }
0x502: {  	[tilespmem:s19+$0x9D10] =	vst v6;
	v8 =	vld [tilespmem:s26+$0x4650]  }
0x503: {  	[tilespmem:s2+$0xA180] =	vst v0;
	v0 =	vld [tilespmem:s14+$0x1430]  }
0x504: {  	[tilespmem:s0+$0xA120] =	vst v7;
	v2 =	vld [tilespmem:s1+$0x4610]  }
0x505: {  	[tilespmem:s2+$0x9D60] =	vst v1;
	v1 =	vld [tilespmem:s9+$0x1420]  }
0x506: {  	v6 =	vld [tilespmem:s3+$0x4630]  }
0x507: {  	v4 =	vld [tilespmem:s20+$0x1470];
	[tilespmem:s0+$0xA1D0] =	vst v8  }
0x508: {  	(v2sf) =	vpush v3, $0x0;
	[tilespmem:s19+$0x9DB0] =	vst v0;
	v0 =	vld [tilespmem:s26+$0x4660]  }
0x509: {  	s8 =	spop (v2sf);
	[tilespmem:s2+$0xA190] =	vst v2;
	v2 =	vld [tilespmem:s14+$0x1440]  }
0x50a: {  	s10 =	spop (v2sf);
	[tilespmem:s19+$0x9D20] =	vst v1;
	v1 =	vld [tilespmem:s1+$0x4620]  }
0x50b: {  	[tilespmem:s0+$0xA130] =	vst v6;
	v7 =	vld [tilespmem:s10+$0x1400]  }
0x50c: {  	v3 =	vld [tilespmem:s9+$0x1430];
	[tilespmem:s2+$0x9D70] =	vst v4  }
0x50d: {  	v4 =	vld [tilespmem:s4+$0x4600];
	[tilespmem:s0+$0xA1E0] =	vst v0  }
0x50e: {  	v0 =	vld [tilespmem:s3+$0x4640];
	[tilespmem:s19+$0x9DC0] =	vst v2  }
0x50f: {  	v2 =	vld [tilespmem:s14+$0x1450];
	[tilespmem:s2+$0xA1A0] =	vst v1  }
0x510: {  	v1 =	vld [tilespmem:s1+$0x4630]  }
0x511: {  	(v2sf) =	vpush v5, $0x0;
	v6 =	vld [tilespmem:s26+$0x4670];
	[tilespmem:s19+$0x9D30] =	vst v3  }
0x512: {  	v3 =	vld [tilespmem:s9+$0x1440];
	[tilespmem:s2+$0xA100] =	vst v4  }
0x513: {  	s11 =	simm.s32 $0x300;
	s12 =	simm.s32 $0x600;
	v4 =	vld [tilespmem:s4+$0x4610];
	[tilespmem:s0+$0xA140] =	vst v0  }
0x514: {  	s15 =	sand.u32 $0x7800, s12;
	s31 =	sand.u32 $0x300, s11;
	v0 =	vld [tilespmem:s13+$0x0];
	[tilespmem:s19+$0x9DD0] =	vst v2  }
0x515: {  	s20 =	sor.u32 s31, s15;
	v2 =	vld [tilespmem:s14+$0x1460];
	[tilespmem:s2+$0xA1B0] =	vst v1  }
0x516: {  	[tilespmem:s20+$0x9D80] =	vst v7;
	v1 =	vld [tilespmem:s1+$0x4640]  }
0x517: {  	s21 =	spop (v2sf);
	v5 =	vld [tilespmem:s3+$0x4650];
	[tilespmem:s0+$0xA1F0] =	vst v6  }
0x518: {  	v6 =	vld [tilespmem:s21+$0x1400];
	[tilespmem:s19+$0x9D40] =	vst v3  }
0x519: {  	v3 =	vld [tilespmem:s9+$0x1450];
	[tilespmem:s2+$0xA110] =	vst v4  }
0x51a: {  	[tilespmem:s19+$0x9DE0] =	vst v2;
	v2 =	vld [tilespmem:s10+$0x1410]  }
0x51b: {  	[tilespmem:s2+$0xA1C0] =	vst v1;
	v1 =	vld [tilespmem:s14+$0x1470]  }
0x51c: {  	[tilespmem:s0+$0xA150] =	vst v5;
	v7 =	vld [tilespmem:s1+$0x4650]  }
0x51d: {  	[tilespmem:s20+$0x9D00] =	vst v6;
	v6 =	vld [tilespmem:s4+$0x4620]  }
0x51e: {  	v4 =	vld [tilespmem:s21+$0x1410];
	[tilespmem:s19+$0x9D50] =	vst v3  }
0x51f: {  	v3 =	vld [tilespmem:s9+$0x1460];
	[tilespmem:s20+$0x9D90] =	vst v2  }
0x520: {  	s16 =	spop (v2sf);
	[tilespmem:s19+$0x9DF0] =	vst v1;
	v5 =	vld [tilespmem:s10+$0x1420]  }
0x521: {  	[tilespmem:s2+$0xA1D0] =	vst v7;
	v2 =	vld [tilespmem:s16+$0x4600]  }
0x522: {  	s15 =	simm.s32 $0x9C29;
	(v2sf) =	vpush v63, $0x0;
	s14 =	simm.s32 $0x6;
	[tilespmem:s2+$0xA120] =	vst v6;
	v1 =	vld [tilespmem:s1+$0x4660]  }
.LBB2_18:
0x523: {  	v6 =	vld [tilespmem:s15+$0x0];
	[tilespmem:s20+$0x9D10] =	vst v4  }
0x524: {  	v4 =	vld [tilespmem:s15+$0xFFFFFFFF];
	[tilespmem:s19+$0x9D60] =	vst v3  }
0x525: {  	s14 =	sadd.s32 $0x2, s14;
	v3 =	vld [tilespmem:s21+$0x1420];
	[tilespmem:s20+$0x9DA0] =	vst v5  }
0x526: {  	p0 =	slt.u32 s14, $0x4E;
	v5 =	vld [tilespmem:s10+$0x1430];
	[tilespmem:s19+$0xA180] =	vst v2  }
0x527: {  	v2 =	vld [tilespmem:s16+$0x4610];
	[tilespmem:s2+$0xA1E0] =	vst v1  }
0x528: {  	(v2sf) =	vpush v6, $0x0;
	v1 =	vld [tilespmem:s1+$0x4670];
	s1 =	smov.u32 s16  }
0x529: {  	(v2sf) =	vpush v4, $0x0;
	v4 =	vld [tilespmem:s9+$0x1470];
	s9 =	smov.u32 s21  }
0x52a: {  	[tilespmem:s20+$0x9D20] =	vst v3;
	v3 =	vld [tilespmem:s4+$0x4630]  }
0x52b: {  	v6 =	vld [tilespmem:s9+$0x1430];
	[tilespmem:s20+$0x9DB0] =	vst v5  }
0x52c: {  	[tilespmem:s19+$0xA190] =	vst v2;
	v2 =	vld [tilespmem:s3+$0x4660]  }
0x52d: {  	v5 =	vld [tilespmem:s10+$0x1440];
	[tilespmem:s2+$0xA1F0] =	vst v1  }
0x52e: {  	[tilespmem:s19+$0x9D70] =	vst v4;
	v1 =	vld [tilespmem:s1+$0x4620]  }
0x52f: {  	v4 =	vld [tilespmem:s8+$0x4600];
	[tilespmem:s2+$0xA130] =	vst v3  }
0x530: {  	[tilespmem:s20+$0x9D30] =	vst v6;
	v3 =	vld [tilespmem:s4+$0x4640]  }
0x531: {  	v6 =	vld [tilespmem:s9+$0x1440];
	s16 =	spop (v2sf);
	[tilespmem:s0+$0xA160] =	vst v2  }
0x532: {  	[tilespmem:s20+$0x9DC0] =	vst v5;
	v2 =	vld [tilespmem:s3+$0x4670];
	s3 =	smov.u32 s4;
	s4 =	smov.u32 s8;
	s8 =	smov.u32 s16  }
0x533: {  	v5 =	vld [tilespmem:s10+$0x1450];
	[tilespmem:s19+$0xA1A0] =	vst v1  }
0x534: {  	[tilespmem:s19+$0xA100] =	vst v4;
	v1 =	vld [tilespmem:s1+$0x4630]  }
0x535: {  	(v2sf) =	vpush v0, $0x0;
	v0 =	vld [tilespmem:s4+$0x4610];
	[tilespmem:s2+$0xA140] =	vst v3  }
0x536: {  	[tilespmem:s20+$0x9D40] =	vst v6;
	v3 =	vld [tilespmem:s3+$0x4650]  }
0x537: {  	s16 =	spop (v2sf);
	v4 =	vld [tilespmem:s9+$0x1450];
	[tilespmem:s0+$0xA170] =	vst v2;
	s0 =	smov.u32 s2;
	s2 =	smov.u32 s19  }
0x538: {  	s19 =	smov.u32 s20;
	v2 =	vld [tilespmem:s16+$0x1400];
	s21 =	spop (v2sf);
	[tilespmem:s20+$0x9DD0] =	vst v5  }
0x539: {  	v5 =	vld [tilespmem:s10+$0x1460];
	[tilespmem:s2+$0xA1B0] =	vst v1  }
0x53a: {  	s11 =	sadd.s32 $0x100, s11;
	s12 =	sadd.s32 $0x200, s12;
	[tilespmem:s2+$0xA110] =	vst v0;
	v1 =	vld [tilespmem:s1+$0x4640]  }
0x53b: {  	s17 =	sand.u32 $0x7800, s12;
	s20 =	sand.u32 $0x300, s11;
	v6 =	vld [tilespmem:s21+$0x1400];
	[tilespmem:s0+$0xA150] =	vst v3  }
0x53c: {  	s13 =	sadd.s32 $0x2, s13;
	s20 =	sor.u32 s20, s17;
	[tilespmem:s19+$0x9D50] =	vst v4;
	v3 =	vld [tilespmem:s4+$0x4620]  }
0x53d: {  	v0 =	vld [tilespmem:s13+$0x0];
	[tilespmem:s20+$0x9D80] =	vst v2  }
0x53e: {  	v2 =	vld [tilespmem:s16+$0x1410];
	[tilespmem:s19+$0x9DE0] =	vst v5  }
0x53f: {  	v7 =	vld [tilespmem:s10+$0x1470];
	[tilespmem:s2+$0xA1C0] =	vst v1;
	s10 =	smov.u32 s16  }
0x540: {  	v1 =	vld [tilespmem:s1+$0x4650]  }
0x541: {  	v8 =	vld [tilespmem:s13+$0xFFFFFFFF];
	[tilespmem:s20+$0x9D00] =	vst v6  }
.Ltmp8:
0x542: {  	v4 =	vld [tilespmem:s21+$0x1410];
	[tilespmem:s2+$0xA120] =	vst v3;
	(pc) =	sbr.rel @p0 .LBB2_18-.Ltmp8, $4  }
0x543: {  	[tilespmem:s20+$0x9D90] =	vst v2;
	v3 =	vld [tilespmem:s9+$0x1460]  }
0x544: {  	v5 =	vld [tilespmem:s10+$0x1420];
	[tilespmem:s19+$0x9DF0] =	vst v7;
	s16 =	spop (v2sf)  }
0x545: {  	v2 =	vld [tilespmem:s16+$0x4600];
	[tilespmem:s2+$0xA1D0] =	vst v1  }
0x546: {  	s15 =	sadd.s32 $0x2, s15;
	(v2sf) =	vpush v8, $0x0;
	v1 =	vld [tilespmem:s1+$0x4660]  }
0x547: {  	[tilespmem:s20+$0x9D10] =	vst v4  }
0x548: {  	v4 =	vld [tilespmem:s21+$0x1420];
	_ =	sdelay $0x3  }
0x549: {  	[tilespmem:s20+$0x9DA0] =	vst v5  }
0x54a: {  	v5 =	vld [tilespmem:s10+$0x1430];
	[tilespmem:s20+$0x9D20] =	vst v4  }
0x54b: {  	v4 =	vld [tilespmem:s21+$0x1430];
	_ =	sdelay $0x3  }
0x54c: {  	[tilespmem:s20+$0x9DB0] =	vst v5  }
0x54d: {  	v5 =	vld [tilespmem:s10+$0x1440];
	[tilespmem:s20+$0x9D30] =	vst v4  }
0x54e: {  	v4 =	vld [tilespmem:s21+$0x1440];
	_ =	sdelay $0x3  }
0x54f: {  	[tilespmem:s20+$0x9DC0] =	vst v5  }
0x550: {  	v5 =	vld [tilespmem:s10+$0x1450];
	[tilespmem:s20+$0x9D40] =	vst v4  }
0x551: {  	(v2sf) =	vpush v0, $0x0;
	v0 =	vld [tilespmem:s21+$0x1450];
	_ =	sdelay $0x3  }
0x552: {  	[tilespmem:s20+$0x9DD0] =	vst v5  }
0x553: {  	v4 =	vld [tilespmem:s10+$0x1460];
	[tilespmem:s20+$0x9D50] =	vst v0  }
0x554: {  	v0 =	vld [tilespmem:s21+$0x1460];
	_ =	sdelay $0x2  }
0x555: {  	[tilespmem:s19+$0x9D60] =	vst v3  }
0x556: {  	[tilespmem:s20+$0x9DE0] =	vst v4;
	v4 =	vld [tilespmem:s9+$0x1470]  }
0x557: {  	v3 =	vld [tilespmem:s10+$0x1470];
	[tilespmem:s20+$0x9D60] =	vst v0  }
0x558: {  	v0 =	vld [tilespmem:s21+$0x1470];
	_ =	sdelay $0x2  }
0x559: {  	s30 =	spop (v2sf);
	[tilespmem:s19+$0x9D70] =	vst v4  }
0x55a: {  	s31 =	spop (v2sf);
	[tilespmem:s20+$0x9DF0] =	vst v3;
	v4 =	vld [tilespmem:s8+$0x4600]  }
0x55b: {  	v3 =	vld [tilespmem:s31+$0x4600];
	[tilespmem:s20+$0x9D70] =	vst v0  }
0x55c: {  	v0 =	vld [tilespmem:s30+$0x4600]  }
0x55d: {  	[tilespmem:s19+$0xA180] =	vst v2  }
0x55e: {  	v2 =	vld [tilespmem:s16+$0x4610]  }
0x55f: {  	[tilespmem:s19+$0xA100] =	vst v4  }
0x560: {  	[tilespmem:s20+$0xA180] =	vst v3;
	v4 =	vld [tilespmem:s8+$0x4610]  }
0x561: {  	v3 =	vld [tilespmem:s31+$0x4610];
	[tilespmem:s20+$0xA100] =	vst v0  }
0x562: {  	v0 =	vld [tilespmem:s30+$0x4610]  }
0x563: {  	[tilespmem:s19+$0xA190] =	vst v2  }
0x564: {  	v2 =	vld [tilespmem:s16+$0x4620]  }
0x565: {  	[tilespmem:s19+$0xA110] =	vst v4  }
0x566: {  	[tilespmem:s20+$0xA190] =	vst v3;
	v4 =	vld [tilespmem:s8+$0x4620]  }
0x567: {  	v3 =	vld [tilespmem:s31+$0x4620];
	[tilespmem:s20+$0xA110] =	vst v0  }
0x568: {  	v0 =	vld [tilespmem:s30+$0x4620]  }
0x569: {  	[tilespmem:s19+$0xA1A0] =	vst v2  }
0x56a: {  	v2 =	vld [tilespmem:s16+$0x4630]  }
0x56b: {  	v5 =	vld [tilespmem:s4+$0x4630];
	[tilespmem:s19+$0xA120] =	vst v4  }
0x56c: {  	[tilespmem:s20+$0xA1A0] =	vst v3;
	v4 =	vld [tilespmem:s8+$0x4630]  }
0x56d: {  	v3 =	vld [tilespmem:s31+$0x4630];
	[tilespmem:s20+$0xA120] =	vst v0  }
0x56e: {  	v0 =	vld [tilespmem:s30+$0x4630]  }
0x56f: {  	[tilespmem:s19+$0xA1B0] =	vst v2  }
0x570: {  	v2 =	vld [tilespmem:s16+$0x4640];
	[tilespmem:s2+$0xA130] =	vst v5  }
0x571: {  	v5 =	vld [tilespmem:s4+$0x4640];
	[tilespmem:s19+$0xA130] =	vst v4  }
0x572: {  	[tilespmem:s20+$0xA1B0] =	vst v3;
	v4 =	vld [tilespmem:s8+$0x4640]  }
0x573: {  	v3 =	vld [tilespmem:s31+$0x4640];
	[tilespmem:s20+$0xA130] =	vst v0  }
0x574: {  	[tilespmem:s2+$0xA1E0] =	vst v1;
	v0 =	vld [tilespmem:s30+$0x4640]  }
0x575: {  	v1 =	vld [tilespmem:s1+$0x4670];
	[tilespmem:s19+$0xA1C0] =	vst v2  }
0x576: {  	v2 =	vld [tilespmem:s16+$0x4650];
	[tilespmem:s2+$0xA140] =	vst v5  }
0x577: {  	v5 =	vld [tilespmem:s4+$0x4650];
	[tilespmem:s19+$0xA140] =	vst v4  }
0x578: {  	[tilespmem:s20+$0xA1C0] =	vst v3;
	v4 =	vld [tilespmem:s8+$0x4650]  }
0x579: {  	v3 =	vld [tilespmem:s31+$0x4650];
	[tilespmem:s20+$0xA140] =	vst v0  }
0x57a: {  	[tilespmem:s2+$0xA1F0] =	vst v1;
	v0 =	vld [tilespmem:s30+$0x4650]  }
0x57b: {  	v1 =	vld [tilespmem:s3+$0x4660];
	[tilespmem:s19+$0xA1D0] =	vst v2  }
0x57c: {  	v2 =	vld [tilespmem:s16+$0x4660];
	[tilespmem:s2+$0xA150] =	vst v5  }
0x57d: {  	v5 =	vld [tilespmem:s4+$0x4660];
	[tilespmem:s19+$0xA150] =	vst v4  }
0x57e: {  	[tilespmem:s20+$0xA1D0] =	vst v3;
	v4 =	vld [tilespmem:s8+$0x4660]  }
0x57f: {  	v3 =	vld [tilespmem:s31+$0x4660];
	[tilespmem:s20+$0xA150] =	vst v0  }
0x580: {  	[tilespmem:s0+$0xA160] =	vst v1;
	v0 =	vld [tilespmem:s30+$0x4660]  }
0x581: {  	v1 =	vld [tilespmem:s3+$0x4670];
	[tilespmem:s19+$0xA1E0] =	vst v2  }
0x582: {  	v2 =	vld [tilespmem:s16+$0x4670];
	[tilespmem:s2+$0xA160] =	vst v5  }
0x583: {  	v5 =	vld [tilespmem:s4+$0x4670];
	[tilespmem:s19+$0xA160] =	vst v4  }
0x584: {  	[tilespmem:s20+$0xA1E0] =	vst v3;
	v4 =	vld [tilespmem:s8+$0x4670]  }
0x585: {  	v3 =	vld [tilespmem:s31+$0x4670];
	[tilespmem:s20+$0xA160] =	vst v0  }
0x586: {  	[tilespmem:s0+$0xA170] =	vst v1;
	v0 =	vld [tilespmem:s30+$0x4670]  }
0x587: {  	[tilespmem:s19+$0xA1F0] =	vst v2  }
0x588: {  	[tilespmem:s2+$0xA170] =	vst v5  }
0x589: {  	[tilespmem:s19+$0xA170] =	vst v4  }
0x58a: {  	[tilespmem:s20+$0xA1F0] =	vst v3  }
0x58b: {  	[tilespmem:s20+$0xA170] =	vst v0  }
0x58c: {  	s4 =	simm.s32 $0x0;
	s8 =	rddreg [dreg:$0xd]  }
0x58d: {  	[hbm4b:s8+s4] =	stream.linear.scatter [tilespmem:s24], [sflag:$0x1], $0x5000, $0x38;
	[tilespmem:$0x13D00] =	vst v63  }
0x58e: {  	_ =	swait.ge [sflag:s23], $0x5000  }
0x58f: {  	[sflag:s23] =	ssyncset.done $0x0  }
0x590: {  	s9 =	simm.s32 $0x9C71;
	[sflag:s23] =	ssyncadd.s32 $0xFFFFB000  }
0x591: {  	v0 =	vld [tilespmem:s9+$0x0];
	_ =	sdelay $0x4  }
0x592: {  	(v2sf) =	vpush v0, $0x0;
	_ =	sdelay $0x3  }
0x593: {  	v0 =	vld [tilespmem:s9+$0xFFFFFFFF];
	_ =	sdelay $0x4  }
0x594: {  	(v2sf) =	vpush v0, $0x0;
	_ =	sdelay $0x5  }
0x595: {  	s10 =	spop (v2sf)  }
0x596: {  	v0 =	vld [tilespmem:s10+$0x1400];
	_ =	sdelay $0x2  }
0x597: {  	s12 =	simm.s32 $0x74F1;
	s13 =	sand.u32 $0x7800, s4;
	s0 =	sand.u32 $0x300, s4  }
0x598: {  	s0 =	sor.u32 s0, s13;
	v1 =	vld [tilespmem:s12+$0x0]  }
0x599: {  	v3 =	vld [tilespmem:s12+$0xFFFFFFFF];
	[tilespmem:s0+$0xED80] =	vst v0  }
0x59a: {  	v0 =	vld [tilespmem:s10+$0x1410]  }
0x59b: {  	s15 =	simm.s32 $0x9C73  }
0x59c: {  	v4 =	vld [tilespmem:s15+$0x0];
	s14 =	spop (v2sf)  }
0x59d: {  	v2 =	vld [tilespmem:s14+$0x1400];
	_ =	sdelay $0x1  }
0x59e: {  	(v2sf) =	vpush v3, $0x0;
	v3 =	vld [tilespmem:s15+$0xFFFFFFFF];
	[tilespmem:s0+$0xED90] =	vst v0  }
0x59f: {  	v0 =	vld [tilespmem:s10+$0x1420]  }
0x5a0: {  	(v2sf) =	vpush v4, $0x0  }
0x5a1: {  	[tilespmem:s0+$0xED00] =	vst v2  }
0x5a2: {  	v2 =	vld [tilespmem:s14+$0x1410]  }
0x5a3: {  	(v2sf) =	vpush v3, $0x0  }
0x5a4: {  	[tilespmem:s0+$0xEDA0] =	vst v0  }
0x5a5: {  	v0 =	vld [tilespmem:s10+$0x1430];
	_ =	sdelay $0x1  }
0x5a6: {  	[tilespmem:s0+$0xED10] =	vst v2  }
0x5a7: {  	v2 =	vld [tilespmem:s14+$0x1420];
	_ =	sdelay $0x1  }
0x5a8: {  	[tilespmem:s0+$0xEDB0] =	vst v0  }
0x5a9: {  	v0 =	vld [tilespmem:s10+$0x1440];
	_ =	sdelay $0x1  }
0x5aa: {  	[tilespmem:s0+$0xED20] =	vst v2  }
0x5ab: {  	s3 =	spop (v2sf);
	v2 =	vld [tilespmem:s14+$0x1430]  }
0x5ac: {  	s16 =	spop (v2sf)  }
0x5ad: {  	(v2sf) =	vpush v1, $0x0;
	v1 =	vld [tilespmem:s16+$0x1400];
	[tilespmem:s0+$0xEDC0] =	vst v0  }
0x5ae: {  	v0 =	vld [tilespmem:s10+$0x1450]  }
0x5af: {  	s17 =	simm.s32 $0x100;
	s19 =	simm.s32 $0x200;
	s20 =	spop (v2sf)  }
0x5b0: {  	s2 =	sand.u32 $0x300, s17;
	s9 =	sand.u32 $0x7800, s19;
	v4 =	vld [tilespmem:s20+$0x1400];
	[tilespmem:s0+$0xED30] =	vst v2  }
0x5b1: {  	s11 =	simm.s32 $0x74F3;
	s2 =	sor.u32 s2, s9;
	v2 =	vld [tilespmem:s14+$0x1440]  }
0x5b2: {  	v3 =	vld [tilespmem:s11+$0x0];
	[tilespmem:s2+$0xED80] =	vst v1  }
0x5b3: {  	v1 =	vld [tilespmem:s16+$0x1410];
	[tilespmem:s0+$0xEDD0] =	vst v0  }
0x5b4: {  	v0 =	vld [tilespmem:s10+$0x1460]  }
0x5b5: {  	v5 =	vld [tilespmem:s11+$0xFFFFFFFF];
	[tilespmem:s2+$0xED00] =	vst v4  }
0x5b6: {  	v4 =	vld [tilespmem:s20+$0x1410];
	[tilespmem:s0+$0xED40] =	vst v2  }
0x5b7: {  	s21 =	simm.s32 $0x9C75;
	v2 =	vld [tilespmem:s14+$0x1450]  }
0x5b8: {  	v6 =	vld [tilespmem:s21+$0x0];
	[tilespmem:s2+$0xED90] =	vst v1  }
0x5b9: {  	v1 =	vld [tilespmem:s16+$0x1420];
	[tilespmem:s0+$0xEDE0] =	vst v0  }
0x5ba: {  	v0 =	vld [tilespmem:s10+$0x1470]  }
0x5bb: {  	[tilespmem:s2+$0xED10] =	vst v4  }
0x5bc: {  	(v2sf) =	vpush v5, $0x0;
	v4 =	vld [tilespmem:s21+$0xFFFFFFFF];
	[tilespmem:s0+$0xED50] =	vst v2  }
0x5bd: {  	(v2sf) =	vpush v6, $0x0;
	v2 =	vld [tilespmem:s14+$0x1460]  }
0x5be: {  	v5 =	vld [tilespmem:s20+$0x1420];
	[tilespmem:s2+$0xEDA0] =	vst v1  }
0x5bf: {  	s26 =	spop (v2sf);
	v1 =	vld [tilespmem:s16+$0x1430];
	[tilespmem:s0+$0xEDF0] =	vst v0  }
0x5c0: {  	v0 =	vld [tilespmem:s26+$0x4600];
	_ =	sdelay $0x1  }
0x5c1: {  	[tilespmem:s0+$0xED60] =	vst v2  }
0x5c2: {  	[tilespmem:s2+$0xED20] =	vst v5;
	v2 =	vld [tilespmem:s14+$0x1470]  }
0x5c3: {  	(v2sf) =	vpush v4, $0x0;
	v4 =	vld [tilespmem:s20+$0x1430];
	[tilespmem:s2+$0xEDB0] =	vst v1  }
0x5c4: {  	v1 =	vld [tilespmem:s16+$0x1440];
	[tilespmem:s0+$0xF180] =	vst v0  }
0x5c5: {  	v0 =	vld [tilespmem:s26+$0x4610];
	_ =	sdelay $0x1  }
0x5c6: {  	[tilespmem:s0+$0xED70] =	vst v2  }
0x5c7: {  	[tilespmem:s2+$0xED30] =	vst v4;
	v2 =	vld [tilespmem:s3+$0x4600]  }
0x5c8: {  	v4 =	vld [tilespmem:s20+$0x1440];
	[tilespmem:s2+$0xEDC0] =	vst v1  }
0x5c9: {  	s4 =	spop (v2sf);
	v1 =	vld [tilespmem:s16+$0x1450];
	[tilespmem:s0+$0xF190] =	vst v0  }
0x5ca: {  	s14 =	spop (v2sf);
	v0 =	vld [tilespmem:s26+$0x4620]  }
0x5cb: {  	s13 =	simm.s32 $0x74F5;
	(v2sf) =	vpush v3, $0x0;
	v3 =	vld [tilespmem:s14+$0x1400]  }
0x5cc: {  	v5 =	vld [tilespmem:s13+$0x0];
	[tilespmem:s0+$0xF100] =	vst v2  }
0x5cd: {  	s28 =	simm.s32 $0x200;
	s29 =	simm.s32 $0x400;
	[tilespmem:s2+$0xED40] =	vst v4;
	v2 =	vld [tilespmem:s3+$0x4610]  }
0x5ce: {  	s12 =	sand.u32 $0x300, s28;
	s11 =	sand.u32 $0x7800, s29;
	v4 =	vld [tilespmem:s20+$0x1450];
	[tilespmem:s2+$0xEDD0] =	vst v1  }
0x5cf: {  	s19 =	sor.u32 s12, s11;
	v1 =	vld [tilespmem:s16+$0x1460];
	[tilespmem:s0+$0xF1A0] =	vst v0  }
0x5d0: {  	[tilespmem:s19+$0xED80] =	vst v3;
	v0 =	vld [tilespmem:s26+$0x4630]  }
0x5d1: {  	v3 =	vld [tilespmem:s14+$0x1410]  }
0x5d2: {  	s30 =	simm.s32 $0x9C77;
	[tilespmem:s0+$0xF110] =	vst v2;
	v2 =	vld [tilespmem:s13+$0xFFFFFFFF]  }
0x5d3: {  	s9 =	spop (v2sf);
	[tilespmem:s2+$0xED50] =	vst v4;
	v4 =	vld [tilespmem:s30+$0x0]  }
0x5d4: {  	v6 =	vld [tilespmem:s9+$0x1400];
	[tilespmem:s2+$0xEDE0] =	vst v1  }
0x5d5: {  	[tilespmem:s0+$0xF1B0] =	vst v0;
	v0 =	vld [tilespmem:s16+$0x1470]  }
0x5d6: {  	[tilespmem:s19+$0xED90] =	vst v3  }
0x5d7: {  	v3 =	vld [tilespmem:s14+$0x1420];
	(v2sf) =	vpush v2, $0x0  }
0x5d8: {  	(v2sf) =	vpush v4, $0x0;
	v1 =	vld [tilespmem:s26+$0x4640]  }
0x5d9: {  	[tilespmem:s19+$0xED00] =	vst v6;
	v7 =	vld [tilespmem:s3+$0x4620]  }
0x5da: {  	s1 =	spop (v2sf);
	v6 =	vld [tilespmem:s9+$0x1410];
	[tilespmem:s2+$0xEDF0] =	vst v0  }
0x5db: {  	v0 =	vld [tilespmem:s1+$0x4600]  }
0x5dc: {  	[tilespmem:s19+$0xEDA0] =	vst v3;
	v3 =	vld [tilespmem:s30+$0xFFFFFFFF]  }
0x5dd: {  	s13 =	simm.s32 $0x74F7;
	[tilespmem:s0+$0xF1C0] =	vst v1;
	v1 =	vld [tilespmem:s20+$0x1460]  }
0x5de: {  	v63 =	vld [tilespmem:s13+$0xFFFFFFFF]  }
0x5df: {  	[tilespmem:s19+$0xED10] =	vst v6;
	v8 =	vld [tilespmem:s26+$0x4650]  }
0x5e0: {  	[tilespmem:s2+$0xF180] =	vst v0;
	v0 =	vld [tilespmem:s14+$0x1430]  }
0x5e1: {  	[tilespmem:s0+$0xF120] =	vst v7;
	v2 =	vld [tilespmem:s1+$0x4610]  }
0x5e2: {  	[tilespmem:s2+$0xED60] =	vst v1;
	v1 =	vld [tilespmem:s9+$0x1420]  }
0x5e3: {  	v6 =	vld [tilespmem:s3+$0x4630]  }
0x5e4: {  	v4 =	vld [tilespmem:s20+$0x1470];
	[tilespmem:s0+$0xF1D0] =	vst v8  }
0x5e5: {  	(v2sf) =	vpush v3, $0x0;
	[tilespmem:s19+$0xEDB0] =	vst v0;
	v0 =	vld [tilespmem:s26+$0x4660]  }
0x5e6: {  	s8 =	spop (v2sf);
	[tilespmem:s2+$0xF190] =	vst v2;
	v2 =	vld [tilespmem:s14+$0x1440]  }
0x5e7: {  	s10 =	spop (v2sf);
	[tilespmem:s19+$0xED20] =	vst v1;
	v1 =	vld [tilespmem:s1+$0x4620]  }
0x5e8: {  	[tilespmem:s0+$0xF130] =	vst v6;
	v7 =	vld [tilespmem:s10+$0x1400]  }
0x5e9: {  	v3 =	vld [tilespmem:s9+$0x1430];
	[tilespmem:s2+$0xED70] =	vst v4  }
0x5ea: {  	v4 =	vld [tilespmem:s4+$0x4600];
	[tilespmem:s0+$0xF1E0] =	vst v0  }
0x5eb: {  	v0 =	vld [tilespmem:s3+$0x4640];
	[tilespmem:s19+$0xEDC0] =	vst v2  }
0x5ec: {  	v2 =	vld [tilespmem:s14+$0x1450];
	[tilespmem:s2+$0xF1A0] =	vst v1  }
0x5ed: {  	v1 =	vld [tilespmem:s1+$0x4630]  }
0x5ee: {  	(v2sf) =	vpush v5, $0x0;
	v6 =	vld [tilespmem:s26+$0x4670];
	[tilespmem:s19+$0xED30] =	vst v3  }
0x5ef: {  	v3 =	vld [tilespmem:s9+$0x1440];
	[tilespmem:s2+$0xF100] =	vst v4  }
0x5f0: {  	s11 =	simm.s32 $0x300;
	s12 =	simm.s32 $0x600;
	v4 =	vld [tilespmem:s4+$0x4610];
	[tilespmem:s0+$0xF140] =	vst v0  }
0x5f1: {  	s15 =	sand.u32 $0x7800, s12;
	s31 =	sand.u32 $0x300, s11;
	v0 =	vld [tilespmem:s13+$0x0];
	[tilespmem:s19+$0xEDD0] =	vst v2  }
0x5f2: {  	s20 =	sor.u32 s31, s15;
	v2 =	vld [tilespmem:s14+$0x1460];
	[tilespmem:s2+$0xF1B0] =	vst v1  }
0x5f3: {  	[tilespmem:s20+$0xED80] =	vst v7;
	v1 =	vld [tilespmem:s1+$0x4640]  }
0x5f4: {  	s21 =	spop (v2sf);
	v5 =	vld [tilespmem:s3+$0x4650];
	[tilespmem:s0+$0xF1F0] =	vst v6  }
0x5f5: {  	v6 =	vld [tilespmem:s21+$0x1400];
	[tilespmem:s19+$0xED40] =	vst v3  }
0x5f6: {  	v3 =	vld [tilespmem:s9+$0x1450];
	[tilespmem:s2+$0xF110] =	vst v4  }
0x5f7: {  	[tilespmem:s19+$0xEDE0] =	vst v2;
	v2 =	vld [tilespmem:s10+$0x1410]  }
0x5f8: {  	[tilespmem:s2+$0xF1C0] =	vst v1;
	v1 =	vld [tilespmem:s14+$0x1470]  }
0x5f9: {  	[tilespmem:s0+$0xF150] =	vst v5;
	v7 =	vld [tilespmem:s1+$0x4650]  }
0x5fa: {  	[tilespmem:s20+$0xED00] =	vst v6;
	v6 =	vld [tilespmem:s4+$0x4620]  }
0x5fb: {  	v4 =	vld [tilespmem:s21+$0x1410];
	[tilespmem:s19+$0xED50] =	vst v3  }
0x5fc: {  	v3 =	vld [tilespmem:s9+$0x1460];
	[tilespmem:s20+$0xED90] =	vst v2  }
0x5fd: {  	s16 =	spop (v2sf);
	[tilespmem:s19+$0xEDF0] =	vst v1;
	v5 =	vld [tilespmem:s10+$0x1420]  }
0x5fe: {  	[tilespmem:s2+$0xF1D0] =	vst v7;
	v2 =	vld [tilespmem:s16+$0x4600]  }
0x5ff: {  	s15 =	simm.s32 $0x9C79;
	(v2sf) =	vpush v63, $0x0;
	s14 =	simm.s32 $0x6;
	[tilespmem:s2+$0xF120] =	vst v6;
	v1 =	vld [tilespmem:s1+$0x4660]  }
.LBB2_20:
0x600: {  	v6 =	vld [tilespmem:s15+$0x0];
	[tilespmem:s20+$0xED10] =	vst v4  }
0x601: {  	v4 =	vld [tilespmem:s15+$0xFFFFFFFF];
	[tilespmem:s19+$0xED60] =	vst v3  }
0x602: {  	s14 =	sadd.s32 $0x2, s14;
	v3 =	vld [tilespmem:s21+$0x1420];
	[tilespmem:s20+$0xEDA0] =	vst v5  }
0x603: {  	p0 =	slt.u32 s14, $0x4E;
	v5 =	vld [tilespmem:s10+$0x1430];
	[tilespmem:s19+$0xF180] =	vst v2  }
0x604: {  	v2 =	vld [tilespmem:s16+$0x4610];
	[tilespmem:s2+$0xF1E0] =	vst v1  }
0x605: {  	(v2sf) =	vpush v6, $0x0;
	v1 =	vld [tilespmem:s1+$0x4670];
	s1 =	smov.u32 s16  }
0x606: {  	(v2sf) =	vpush v4, $0x0;
	v4 =	vld [tilespmem:s9+$0x1470];
	s9 =	smov.u32 s21  }
0x607: {  	[tilespmem:s20+$0xED20] =	vst v3;
	v3 =	vld [tilespmem:s4+$0x4630]  }
0x608: {  	v6 =	vld [tilespmem:s9+$0x1430];
	[tilespmem:s20+$0xEDB0] =	vst v5  }
0x609: {  	[tilespmem:s19+$0xF190] =	vst v2;
	v2 =	vld [tilespmem:s3+$0x4660]  }
0x60a: {  	v5 =	vld [tilespmem:s10+$0x1440];
	[tilespmem:s2+$0xF1F0] =	vst v1  }
0x60b: {  	[tilespmem:s19+$0xED70] =	vst v4;
	v1 =	vld [tilespmem:s1+$0x4620]  }
0x60c: {  	v4 =	vld [tilespmem:s8+$0x4600];
	[tilespmem:s2+$0xF130] =	vst v3  }
0x60d: {  	[tilespmem:s20+$0xED30] =	vst v6;
	v3 =	vld [tilespmem:s4+$0x4640]  }
0x60e: {  	v6 =	vld [tilespmem:s9+$0x1440];
	s16 =	spop (v2sf);
	[tilespmem:s0+$0xF160] =	vst v2  }
0x60f: {  	[tilespmem:s20+$0xEDC0] =	vst v5;
	v2 =	vld [tilespmem:s3+$0x4670];
	s3 =	smov.u32 s4;
	s4 =	smov.u32 s8;
	s8 =	smov.u32 s16  }
0x610: {  	v5 =	vld [tilespmem:s10+$0x1450];
	[tilespmem:s19+$0xF1A0] =	vst v1  }
0x611: {  	[tilespmem:s19+$0xF100] =	vst v4;
	v1 =	vld [tilespmem:s1+$0x4630]  }
0x612: {  	(v2sf) =	vpush v0, $0x0;
	v0 =	vld [tilespmem:s4+$0x4610];
	[tilespmem:s2+$0xF140] =	vst v3  }
0x613: {  	[tilespmem:s20+$0xED40] =	vst v6;
	v3 =	vld [tilespmem:s3+$0x4650]  }
0x614: {  	s16 =	spop (v2sf);
	v4 =	vld [tilespmem:s9+$0x1450];
	[tilespmem:s0+$0xF170] =	vst v2;
	s0 =	smov.u32 s2;
	s2 =	smov.u32 s19  }
0x615: {  	s19 =	smov.u32 s20;
	v2 =	vld [tilespmem:s16+$0x1400];
	s21 =	spop (v2sf);
	[tilespmem:s20+$0xEDD0] =	vst v5  }
0x616: {  	v5 =	vld [tilespmem:s10+$0x1460];
	[tilespmem:s2+$0xF1B0] =	vst v1  }
0x617: {  	s11 =	sadd.s32 $0x100, s11;
	s12 =	sadd.s32 $0x200, s12;
	[tilespmem:s2+$0xF110] =	vst v0;
	v1 =	vld [tilespmem:s1+$0x4640]  }
0x618: {  	s17 =	sand.u32 $0x7800, s12;
	s20 =	sand.u32 $0x300, s11;
	v6 =	vld [tilespmem:s21+$0x1400];
	[tilespmem:s0+$0xF150] =	vst v3  }
0x619: {  	s13 =	sadd.s32 $0x2, s13;
	s20 =	sor.u32 s20, s17;
	[tilespmem:s19+$0xED50] =	vst v4;
	v3 =	vld [tilespmem:s4+$0x4620]  }
0x61a: {  	v0 =	vld [tilespmem:s13+$0x0];
	[tilespmem:s20+$0xED80] =	vst v2  }
0x61b: {  	v2 =	vld [tilespmem:s16+$0x1410];
	[tilespmem:s19+$0xEDE0] =	vst v5  }
0x61c: {  	v7 =	vld [tilespmem:s10+$0x1470];
	[tilespmem:s2+$0xF1C0] =	vst v1;
	s10 =	smov.u32 s16  }
0x61d: {  	v1 =	vld [tilespmem:s1+$0x4650]  }
0x61e: {  	v8 =	vld [tilespmem:s13+$0xFFFFFFFF];
	[tilespmem:s20+$0xED00] =	vst v6  }
.Ltmp9:
0x61f: {  	v4 =	vld [tilespmem:s21+$0x1410];
	[tilespmem:s2+$0xF120] =	vst v3;
	(pc) =	sbr.rel @p0 .LBB2_20-.Ltmp9, $4  }
0x620: {  	[tilespmem:s20+$0xED90] =	vst v2;
	v3 =	vld [tilespmem:s9+$0x1460]  }
0x621: {  	v5 =	vld [tilespmem:s10+$0x1420];
	[tilespmem:s19+$0xEDF0] =	vst v7;
	s16 =	spop (v2sf)  }
0x622: {  	v2 =	vld [tilespmem:s16+$0x4600];
	[tilespmem:s2+$0xF1D0] =	vst v1  }
0x623: {  	s15 =	sadd.s32 $0x2, s15;
	(v2sf) =	vpush v8, $0x0;
	v1 =	vld [tilespmem:s1+$0x4660]  }
0x624: {  	[tilespmem:s20+$0xED10] =	vst v4  }
0x625: {  	v4 =	vld [tilespmem:s21+$0x1420];
	_ =	sdelay $0x3  }
0x626: {  	[tilespmem:s20+$0xEDA0] =	vst v5  }
0x627: {  	v5 =	vld [tilespmem:s10+$0x1430];
	[tilespmem:s20+$0xED20] =	vst v4  }
0x628: {  	v4 =	vld [tilespmem:s21+$0x1430];
	_ =	sdelay $0x3  }
0x629: {  	[tilespmem:s20+$0xEDB0] =	vst v5  }
0x62a: {  	v5 =	vld [tilespmem:s10+$0x1440];
	[tilespmem:s20+$0xED30] =	vst v4  }
0x62b: {  	v4 =	vld [tilespmem:s21+$0x1440];
	_ =	sdelay $0x3  }
0x62c: {  	[tilespmem:s20+$0xEDC0] =	vst v5  }
0x62d: {  	v5 =	vld [tilespmem:s10+$0x1450];
	[tilespmem:s20+$0xED40] =	vst v4  }
0x62e: {  	v58 =	vld [tilespmem:s21+$0x1450]  }
0x62f: {  	(v2sf) =	vpush v0, $0x0;
	_ =	sdelay $0x2  }
0x630: {  	[tilespmem:s20+$0xEDD0] =	vst v5  }
0x631: {  	v59 =	vld [tilespmem:s10+$0x1460];
	[tilespmem:s20+$0xED50] =	vst v58  }
0x632: {  	v0 =	vld [tilespmem:s21+$0x1460];
	_ =	sdelay $0x2  }
0x633: {  	[tilespmem:s19+$0xED60] =	vst v3  }
0x634: {  	v61 =	vld [tilespmem:s9+$0x1470];
	[tilespmem:s20+$0xEDE0] =	vst v59  }
0x635: {  	v60 =	vld [tilespmem:s10+$0x1470];
	[tilespmem:s20+$0xED60] =	vst v0  }
0x636: {  	v0 =	vld [tilespmem:s21+$0x1470];
	_ =	sdelay $0x2  }
0x637: {  	[tilespmem:s19+$0xED70] =	vst v61;
	s28 =	spop (v2sf)  }
0x638: {  	s29 =	spop (v2sf);
	v4 =	vld [tilespmem:s8+$0x4600];
	[tilespmem:s20+$0xEDF0] =	vst v60  }
0x639: {  	v3 =	vld [tilespmem:s29+$0x4600];
	[tilespmem:s20+$0xED70] =	vst v0  }
0x63a: {  	v0 =	vld [tilespmem:s28+$0x4600];
	_ =	sdelay $0x1  }
0x63b: {  	[tilespmem:s19+$0xF180] =	vst v2  }
0x63c: {  	v2 =	vld [tilespmem:s16+$0x4610];
	[tilespmem:s19+$0xF100] =	vst v4  }
0x63d: {  	v4 =	vld [tilespmem:s8+$0x4610];
	[tilespmem:s20+$0xF180] =	vst v3  }
0x63e: {  	v3 =	vld [tilespmem:s29+$0x4610];
	[tilespmem:s20+$0xF100] =	vst v0  }
0x63f: {  	v0 =	vld [tilespmem:s28+$0x4610];
	_ =	sdelay $0x1  }
0x640: {  	[tilespmem:s19+$0xF190] =	vst v2  }
0x641: {  	v2 =	vld [tilespmem:s16+$0x4620];
	[tilespmem:s19+$0xF110] =	vst v4  }
0x642: {  	v4 =	vld [tilespmem:s8+$0x4620];
	[tilespmem:s20+$0xF190] =	vst v3  }
0x643: {  	v3 =	vld [tilespmem:s29+$0x4620];
	[tilespmem:s20+$0xF110] =	vst v0  }
0x644: {  	v0 =	vld [tilespmem:s28+$0x4620];
	_ =	sdelay $0x1  }
0x645: {  	v62 =	vld [tilespmem:s4+$0x4630];
	[tilespmem:s19+$0xF1A0] =	vst v2  }
0x646: {  	v2 =	vld [tilespmem:s16+$0x4630];
	[tilespmem:s19+$0xF120] =	vst v4  }
0x647: {  	v4 =	vld [tilespmem:s8+$0x4630];
	[tilespmem:s20+$0xF1A0] =	vst v3  }
0x648: {  	v3 =	vld [tilespmem:s29+$0x4630];
	[tilespmem:s20+$0xF120] =	vst v0  }
0x649: {  	v0 =	vld [tilespmem:s28+$0x4630]  }
0x64a: {  	[tilespmem:s2+$0xF130] =	vst v62  }
0x64b: {  	v5 =	vld [tilespmem:s4+$0x4640];
	[tilespmem:s19+$0xF1B0] =	vst v2  }
0x64c: {  	v2 =	vld [tilespmem:s16+$0x4640];
	[tilespmem:s19+$0xF130] =	vst v4  }
0x64d: {  	v4 =	vld [tilespmem:s8+$0x4640];
	[tilespmem:s20+$0xF1B0] =	vst v3  }
0x64e: {  	v3 =	vld [tilespmem:s29+$0x4640];
	[tilespmem:s20+$0xF130] =	vst v0  }
0x64f: {  	[tilespmem:s2+$0xF1E0] =	vst v1;
	v0 =	vld [tilespmem:s28+$0x4640]  }
0x650: {  	v63 =	vld [tilespmem:s3+$0x4660];
	[tilespmem:s2+$0xF140] =	vst v5  }
0x651: {  	v5 =	vld [tilespmem:s4+$0x4650];
	[tilespmem:s19+$0xF1C0] =	vst v2  }
0x652: {  	v2 =	vld [tilespmem:s16+$0x4650];
	[tilespmem:s19+$0xF140] =	vst v4  }
0x653: {  	v4 =	vld [tilespmem:s8+$0x4650];
	[tilespmem:s20+$0xF1C0] =	vst v3  }
0x654: {  	v3 =	vld [tilespmem:s29+$0x4650];
	[tilespmem:s20+$0xF140] =	vst v0  }
0x655: {  	[tilespmem:s0+$0xF160] =	vst v63;
	v0 =	vld [tilespmem:s28+$0x4650]  }
0x656: {  	v1 =	vld [tilespmem:s1+$0x4670];
	[tilespmem:s2+$0xF150] =	vst v5  }
0x657: {  	v5 =	vld [tilespmem:s4+$0x4660];
	[tilespmem:s19+$0xF1D0] =	vst v2  }
0x658: {  	v2 =	vld [tilespmem:s16+$0x4660];
	[tilespmem:s19+$0xF150] =	vst v4  }
0x659: {  	v4 =	vld [tilespmem:s8+$0x4660];
	[tilespmem:s20+$0xF1D0] =	vst v3  }
0x65a: {  	v3 =	vld [tilespmem:s29+$0x4660];
	[tilespmem:s20+$0xF150] =	vst v0  }
0x65b: {  	[tilespmem:s2+$0xF1F0] =	vst v1;
	v0 =	vld [tilespmem:s28+$0x4660]  }
0x65c: {  	v1 =	vld [tilespmem:s3+$0x4670];
	[tilespmem:s2+$0xF160] =	vst v5  }
0x65d: {  	v5 =	vld [tilespmem:s4+$0x4670];
	[tilespmem:s19+$0xF1E0] =	vst v2  }
0x65e: {  	v2 =	vld [tilespmem:s16+$0x4670];
	[tilespmem:s19+$0xF160] =	vst v4  }
0x65f: {  	v4 =	vld [tilespmem:s8+$0x4670];
	[tilespmem:s20+$0xF1E0] =	vst v3  }
0x660: {  	v3 =	vld [tilespmem:s29+$0x4670];
	[tilespmem:s20+$0xF160] =	vst v0  }
0x661: {  	[tilespmem:s0+$0xF170] =	vst v1;
	v0 =	vld [tilespmem:s28+$0x4670]  }
0x662: {  	[tilespmem:s2+$0xF170] =	vst v5  }
0x663: {  	[tilespmem:s19+$0xF1F0] =	vst v2  }
0x664: {  	[tilespmem:s19+$0xF170] =	vst v4  }
0x665: {  	[tilespmem:s20+$0xF1F0] =	vst v3  }
0x666: {  	[tilespmem:s20+$0xF170] =	vst v0  }
0x667: {  	s0 =	rddreg [dreg:$0xe]  }
0x668: {  	[hbm4b:s0+s6] =	stream.linear.scatter [tilespmem:s25], [sflag:$0x2], $0x5000, $0x38;
	[tilespmem:$0x13D00] =	vst v63  }
0x669: {  	_ =	swait.ge [sflag:s22], $0x5000  }
0x66a: {  	[sflag:s22] =	ssyncset.done $0x0  }
0x66b: {  	[sflag:s22] =	ssyncadd.s32 $0xFFFFB000  }
0x66c: {  	_ =	swait.ge [sflag:s23], $0x5000  }
0x66d: {  	s30 =	rddreg [dreg:$0x10]  }
0x66e: {  	s31 =	rddreg [dreg:$0xf];
	s1 =	sadd.s32 $0x1, s30  }
0x66f: {  	p0 =	sne.s32 s1, s31  }
.Ltmp10:
0x670: {  	_ = 	snop;
	(pc) =	sbr.rel @p0 .LBB2_1-.Ltmp10, $3  }
0x671: {  	_ =	sdelay $0x1  }
0x672: {  	[sflag:s23] =	ssyncset.done $0x0  }
0x673: {  	s4 =	simm.s32 $0x7400;
	[sflag:s23] =	ssyncadd.s32 $0xFFFFB000  }
0x674: {  	_ =	sfence.sel $0x180000  }
0x675: {  	[bflag:$0x0] =	sbarrier.arrive $0xFFFF  }
0x676: {  	_ =	strace $0x90000047  }
0x677: {  	s0 =	stileid.u32;
	[bflag:$0x2] =	sbarrier.arrive $0xFFFF  }
0x678: {  	p0 =	sne.s32 s0, $0x0;
	s0 =	rddreg [dreg:$0x5]  }
0x679: {  	s0 =	sadd.s32 @!p0 $0x100000, s0  }
0x67a: {  	[sflag:s0] =	ssyncadd.tile.s32 @!p0 $0x1;
	_ =	shalt  }
.Lfunc_end2:
_tile_overlayer_lowered:
.L_overlay_start_2:
0x67b: {  	(tag) =	ssettag $0x2  }
0x67c: {  	s0 =	rddreg [dreg:$0x0];
	s2 =	stileid.u32  }
0x67d: {  	s1 =	rddreg [dreg:$0x1];
	p0 =	sne.s32 s2, $0x0  }
0x67e: {  	s3 =	rddreg [dreg:$0x2];
	[bflag:$0x3] =	sbarrier.arrive $0xFFFF;
	s2 =	simm.s32 @!p0 $0x1C03  }
0x67f: {  	[timem:s3], [sflag:s2] =	dma.local @!p0 [hbm:s0], s1  }
0x680: {  	s0 =	simm.s32 @!p0 $0x3  }
0x681: {  	_ =	swait.ge @!p0 [sflag:s0], s1  }
0x682: {  	s1 =	ssub.s32 @!p0 $0x0, s1;
	[sflag:s0] =	ssyncset.done @!p0 $0x0  }
0x683: {  	[sflag:s0] =	ssyncadd.s32 @!p0 s1  }
0x684: {  	[bflag:$0x3] =	sbarrier.arrive $0xFFFF  }
0x685: {  	_ =	shalt  }

</sc_bundles>
